<compile_context>
chip_gen: v7x
topology: tpu7x:2x2x1
jax: 0.10.2.dev20260603
libtpu: 0.0.44.dev20260713+nightly
codegen_flags: <defaults>
</compile_context>

<pallas_src>
import functools

import jax
import jax.numpy as jnp
from jax import lax
from jax.experimental import pallas as pl
from jax.experimental.pallas import tpu as pltpu
from jax.experimental.pallas import tpu_sc as plsc

N_NODES = 10000
N_EDGES = 320000
D = 128

NC = 2
NS = 16
NW = NC * NS
N_ACC = 10240
RPT = N_ACC // NS
ZR = 128

L1_PARTS = ((6400, 80), (3600, 120))
L2_PARTS = ((4000, 80), (3200, 80), (2000, 80), (800, 80))


def _sc_segment_body(epw, ch, base0, x_hbm, src_hbm, dst_hbm, a_hbm,
                     out_hbm, acc_sh, src_v, dst_v, a_v, rows_v,
                     zero_v, sem):
    nchunk = epw // ch
    cid = lax.axis_index("c")
    sid = lax.axis_index("s")
    wid = cid * NS + sid

    def _zero_row(i, _):
        for j in range(D // 16):
            zero_v[i, pl.ds(j * 16, 16)] = jnp.zeros((16,), jnp.float32)
        return 0
    lax.fori_loop(0, ZR, _zero_row, 0)
    for r in range(RPT // ZR):
        pltpu.sync_copy(zero_v, acc_sh.at[pl.ds(sid * RPT + r * ZR, ZR)])
    plsc.subcore_barrier()

    def _chunk(ci, _):
        loc = wid * epw + ci * ch
        gbl = base0 + loc
        pltpu.sync_copy(src_hbm.at[pl.ds(gbl, ch)], src_v)
        gat = pltpu.async_copy(x_hbm.at[src_v], rows_v, sem)
        pltpu.sync_copy(a_hbm.at[pl.ds(loc, ch)], a_v)
        pltpu.sync_copy(dst_hbm.at[pl.ds(gbl, ch)], dst_v)
        gat.wait()

        def _edge(i, _):
            for j in range(D // 16):
                sl = pl.ds(j * 16, 16)
                rows_v[i, sl] = rows_v[i, sl] * a_v[i, sl]
            return 0
        lax.fori_loop(0, ch, _edge, 0)

        pltpu.sync_copy(rows_v, acc_sh.at[dst_v], add=True)
        return 0

    lax.fori_loop(0, nchunk, _chunk, 0)
    plsc.subcore_barrier()

    pltpu.sync_copy(acc_sh.at[pl.ds(sid * RPT, RPT)],
                    out_hbm.at[cid, pl.ds(sid * RPT, RPT)])


def _sc_segment(x, src, dst, a, epw, ch, base0):
    mesh = plsc.VectorSubcoreMesh(core_axis_name="c", subcore_axis_name="s",
                                  num_cores=NC, num_subcores=NS)
    body = functools.partial(_sc_segment_body, epw, ch, base0)
    f = pl.kernel(
        body,
        out_type=jax.ShapeDtypeStruct((NC, N_ACC, D), jnp.float32),
        mesh=mesh,
        scratch_types=[
            pltpu.VMEM_SHARED((N_ACC, D), jnp.float32),
            pltpu.VMEM((ch,), jnp.int32),
            pltpu.VMEM((ch,), jnp.int32),
            pltpu.VMEM((ch, D), jnp.float32),
            pltpu.VMEM((ch, D), jnp.float32),
            pltpu.VMEM((ZR, D), jnp.float32),
            pltpu.SemaphoreType.DMA,
        ],
    )
    return f(x, src, dst, a)



_R0 = (13, 15, 26, 6)
_R1 = (17, 29, 16, 24)
_M32 = 0xFFFFFFFF


def _rng_body(k1, k2, row0, bm, scale_ref, o_ref):
    i = pl.program_id(0)
    d = D
    base = jnp.uint32((row0 * d) & _M32) + (i * bm * d).astype(jnp.uint32)
    n = (base
         + lax.broadcasted_iota(jnp.uint32, (bm, d), 0) * jnp.uint32(d)
         + lax.broadcasted_iota(jnp.uint32, (bm, d), 1))
    ks = (k1, k2, k1 ^ k2 ^ 0x1BD11BDA)
    x0 = jnp.full((bm, d), jnp.uint32(ks[0]), jnp.uint32)
    x1 = n + jnp.uint32(ks[1])
    for r, rots in enumerate((_R0, _R1, _R0, _R1, _R0)):
        for rot in rots:
            x0 = x0 + x1
            x1 = (x1 << jnp.uint32(rot)) | (x1 >> jnp.uint32(32 - rot))
            x1 = x0 ^ x1
        x0 = x0 + jnp.uint32(ks[(r + 1) % 3])
        x1 = x1 + jnp.uint32((ks[(r + 2) % 3] + r + 1) & _M32)
    bits = x0 ^ x1
    g = (bits >> jnp.uint32(9)) | jnp.uint32(0x3F800000)
    f = lax.bitcast_convert_type(g, jnp.float32) - 1.0
    lo = jnp.float32(-0.99999994)
    u = jnp.maximum(lo, f * (1.0 - lo) + lo)
    w = -jnp.log1p(-u * u)
    wl = w - 2.5
    p1 = jnp.float32(2.81022636e-08)
    for c in (3.43273939e-07, -3.5233877e-06, -4.39150654e-06, 0.00021858087,
              -0.00125372503, -0.00417768164, 0.246640727, 1.50140941):
        p1 = jnp.float32(c) + p1 * wl
    ws = jnp.sqrt(w) - 3.0
    p2 = jnp.float32(-0.000200214257)
    for c in (0.000100950558, 0.00134934322, -0.00367342844, 0.00573950773,
              -0.0076224613, 0.00943887047, 1.00167406, 2.83297682):
        p2 = jnp.float32(c) + p2 * ws
    eps = jnp.float32(1.4142135381698608) * jnp.where(w < 5.0, p1, p2) * u
    o_ref[...] = scale_ref[0:1, :] + scale_ref[1:2, :] * eps


def _rng_scale(k1, k2, scale, row0, nrows):
    bm = 6400
    body = functools.partial(_rng_body, k1, k2, row0, bm)
    return pl.pallas_call(
        body,
        grid=(nrows // bm,),
        in_specs=[pl.BlockSpec((2, D), lambda i: (0, 0))],
        out_specs=pl.BlockSpec((bm, D), lambda i: (i, 0)),
        out_shape=jax.ShapeDtypeStruct((nrows, D), jnp.float32),
    )(scale)


def _mm_relu_body(*refs):
    o_ref = refs[-1]
    w_ref, b_ref = refs[-3], refs[-2]
    s = refs[0][0] + refs[0][1]
    for p in refs[1:-3]:
        s = s + p[0] + p[1]
    y = jnp.dot(s, w_ref[...], preferred_element_type=jnp.float32)
    o_ref[...] = jnp.maximum(y + b_ref[...], 0.0)


def _mm_softmax_body(n_out, *refs):
    o_ref = refs[-1]
    w_ref, b_ref = refs[-3], refs[-2]
    s = refs[0][0] + refs[0][1]
    for p in refs[1:-3]:
        s = s + p[0] + p[1]
    z = jnp.dot(s, w_ref[...], preferred_element_type=jnp.float32)
    z = z + b_ref[...]
    m = jnp.max(z, axis=-1, keepdims=True)
    e = jnp.exp(z - m)
    p = e / jnp.sum(e, axis=-1, keepdims=True)
    o_ref[...] = p[:, :n_out]


def _tc_dense(body, parts, w, b, n_rows, n_cols, bm):
    grid = (n_rows // bm,)
    in_specs = ([pl.BlockSpec((NC, bm, D), lambda i: (0, i, 0))
                 for _ in parts]
                + [pl.BlockSpec((D, D), lambda i: (0, 0)),
                   pl.BlockSpec((1, D), lambda i: (0, 0))])
    return pl.pallas_call(
        body,
        grid=grid,
        in_specs=in_specs,
        out_specs=pl.BlockSpec((bm, n_cols), lambda i: (i, 0)),
        out_shape=jax.ShapeDtypeStruct((n_rows, n_cols), jnp.float32),
    )(*parts, w, b)


def kernel(x, edge_index, W0, b0, W1, b1, a_mu_0, a_log_sigma_0,
           a_mu_1, a_log_sigma_1):
    src = edge_index[0]
    dst = edge_index[1]

    K0 = (1832780943, 270669613)
    K1 = (64467757, 2916123636)

    scale0 = jnp.stack([a_mu_0, jnp.exp(a_log_sigma_0)])
    scale1 = jnp.stack([a_mu_1, jnp.exp(a_log_sigma_1)])

    parts0 = []
    row = 0
    for epw, ch in L1_PARTS:
        nrows = epw * NW
        a_part = _rng_scale(K0[0], K0[1], scale0, row, nrows)
        parts0.append(_sc_segment(x, src, dst, a_part, epw, ch, row))
        row += nrows

    a1_parts = []
    row = 0
    for epw, ch in L2_PARTS:
        nrows = epw * NW
        a1_parts.append(_rng_scale(K1[0], K1[1], scale1, row, nrows))
        row += nrows

    h = _tc_dense(_mm_relu_body, parts0, W0, b0.reshape(1, D),
                  N_ACC, D, 640)

    parts1 = []
    row = 0
    for (epw, ch), a_part in zip(L2_PARTS, a1_parts):
        parts1.append(_sc_segment(h, src, dst, a_part, epw, ch, row))
        row += epw * NW

    n_out = W1.shape[1]
    W1p = jnp.zeros((D, D), jnp.float32).at[:, :n_out].set(W1)
    b1p = jnp.full((1, D), -1e30, jnp.float32).at[0, :n_out].set(b1)
    body = functools.partial(_mm_softmax_body, n_out)
    return _tc_dense(body, parts1, W1p, b1p, N_NODES, n_out, 400)

# --- scband reference (transcript-rebuilt; emitter-appended) ---
"""Pipeline reference for scband-stag-vi-node-classification-rc-65000035058538 (READ-ONLY COPY).

The authoritative reference and input builder live on the scoring server;
editing this copy changes nothing except your own understanding.
"""

import jax, jax.numpy as jnp
import numpy as np

N_NODES = 10000
N_EDGES = 320000
D_IN = 128
D_HID = 128
D_OUT = 40


def setup_inputs(seed: int = 0) -> dict:
    key = jax.random.key(seed)
    ks = jax.random.split(key, 12)
    x = jax.random.normal(ks[0], (N_NODES, D_IN), dtype=jnp.float32)
    edge_index = jax.random.randint(ks[1], (2, N_EDGES), 0, N_NODES, dtype=jnp.int64 if jax.config.jax_enable_x64 else jnp.int32).astype(jnp.int32)
    # layer gn0: in_features -> hidden_features
    W0 = jax.random.normal(ks[2], (D_IN, D_HID), dtype=jnp.float32) * (1.0 / np.sqrt(D_IN))
    b0 = jnp.zeros((D_HID,), dtype=jnp.float32)
    # layer gn1: hidden_features -> out_features
    W1 = jax.random.normal(ks[3], (D_HID, D_OUT), dtype=jnp.float32) * (1.0 / np.sqrt(D_HID))
    b1 = jnp.zeros((D_OUT,), dtype=jnp.float32)
    # variational edge-weight params (a_mu_init_std=1.0, a_log_sigma_init=1.0)
    a_mu_0 = 1.0 + jax.random.normal(ks[4], (D_IN,), dtype=jnp.float32)
    a_log_sigma_0 = jnp.ones((D_IN,), dtype=jnp.float32)
    a_mu_1 = 1.0 + jax.random.normal(ks[5], (D_HID,), dtype=jnp.float32)
    a_log_sigma_1 = jnp.ones((D_HID,), dtype=jnp.float32)
    return {"x": x, "edge_index": edge_index, "W0": W0, "b0": b0, "W1": W1, "b1": b1,
            "a_mu_0": a_mu_0, "a_log_sigma_0": a_log_sigma_0,
            "a_mu_1": a_mu_1, "a_log_sigma_1": a_log_sigma_1}


def reference(x, edge_index, W0, b0, W1, b1, a_mu_0, a_log_sigma_0, a_mu_1, a_log_sigma_1):
    src = edge_index[0]
    dst = edge_index[1]
    N = x.shape[0]
    E = src.shape[0]
    k = jax.random.key(42)
    k0, k1 = jax.random.split(k)
    # rsample per-edge stochastic weights a0 (E, D_IN), a1 (E, D_HID)
    eps0 = jax.random.normal(k0, (E, a_mu_0.shape[0]), dtype=jnp.float32)
    a0 = a_mu_0 + jnp.exp(a_log_sigma_0) * eps0
    eps1 = jax.random.normal(k1, (E, a_mu_1.shape[0]), dtype=jnp.float32)
    a1 = a_mu_1 + jnp.exp(a_log_sigma_1) * eps1
    # gn0: perturbed message passing (gather src features, scale by a0, scatter-add to dst)
    m0 = x[src] * a0
    h = jax.ops.segment_sum(m0, dst, num_segments=N)
    h = jax.nn.relu(h @ W0 + b0)  # layer activation
    h = jax.nn.relu(h)            # outer activation in _forward (idx != depth-1)
    # gn1 (no activation)
    m1 = h[src] * a1
    h2 = jax.ops.segment_sum(m1, dst, num_segments=N)
    h2 = h2 @ W1 + b1
    # forward(): softmax over classes, mean over n_samples=1
    out = jax.nn.softmax(h2, axis=-1)
    return out

if __name__ == "__main__":
    import jax
    _d = setup_inputs()
    print(jax.jit(kernel)(*tuple(_d.values())))

</pallas_src>

<mosaic_0001>
#map = affine_map<(d0, d1) -> (0, 0)>
#map1 = affine_map<(d0, d1) -> (0)>
#map2 = affine_map<(d0, d1) -> (0, 0, 0)>
module attributes {stable_mosaic.version = 14 : i64} {
  func.func @_sc_segment_body(%arg0: i32, %arg1: i32, %arg2: memref<10000x128xf32, #tpu.memory_space<hbm>>, %arg3: memref<320000xi32, #tpu.memory_space<hbm>>, %arg4: memref<320000xi32, #tpu.memory_space<hbm>>, %arg5: memref<115200x128xf32, #tpu.memory_space<hbm>>, %arg6: memref<2x10240x128xf32, #tpu.memory_space<hbm>>, %arg7: memref<10240x128xf32, #tpu.memory_space<vmem_shared>>, %arg8: memref<120xi32, #tpu.memory_space<vmem>>, %arg9: memref<120xi32, #tpu.memory_space<vmem>>, %arg10: memref<120x128xf32, #tpu.memory_space<vmem>>, %arg11: memref<120x128xf32, #tpu.memory_space<vmem>>, %arg12: memref<128x128xf32, #tpu.memory_space<vmem>>, %arg13: memref<!tpu.dma_semaphore, #tpu.memory_space<semaphore_mem>>) attributes {dimension_semantics = [#tpu.dimension_semantics<core_parallel>, #tpu.dimension_semantics<subcore_parallel>], iteration_bounds = array<i64: 2, 16>, scalar_prefetch = 0 : i64, scratch_operands = 7 : i64, tpu.core_type = #tpu.core_type<sc_vector_subcore>, window_params = [{transform_indices = #map}, {transform_indices = #map1}, {transform_indices = #map1}, {transform_indices = #map}, {transform_indices = #map2}]} {
    %mul3A = arith.constant 16 : i32
    %mul3A_0 = arith.muli %arg0, %mul3A : i32
    %add3A = arith.addi %mul3A_0, %arg1 : i32
    %scan3A = arith.constant 0 : i32
    %scan3A_1 = arith.constant 0 : i32
    %scan3A_2 = arith.constant 128 : i32
    %scan3A_3 = arith.addi %scan3A_1, %scan3A_2 : i32
    %scan3A_4 = arith.constant 1 : i32
    %scan3A_5 = scf.for %scan3A_39 = %scan3A_1 to %scan3A_3 step %scan3A_4 iter_args(%scan3A_40 = %scan3A) -> (i32)  : i32 {
      %broadcast_in_dim3A = arith.constant 0.000000e+00 : f32
      %broadcast_in_dim3A_41 = vector.broadcast %broadcast_in_dim3A : f32 to vector<16xf32>
      %swap3A = arith.index_cast %scan3A_39 : i32 to index
      %swap3A_42 = arith.constant 0 : index
      %swap3A_43 = tpu.vector_load %arg12[%swap3A, %swap3A_42] {strides = array<i32>} : memref<128x128xf32, #tpu.memory_space<vmem>>, vector<1x16xf32>,
      %swap3A_44 = vector.shape_cast %swap3A_43 : vector<1x16xf32> to vector<16xf32>
      %swap3A_45 = vector.shape_cast %broadcast_in_dim3A_41 : vector<16xf32> to vector<1x16xf32>
      tpu.vector_store %arg12[%swap3A, %swap3A_42], %swap3A_45 {strides = array<i32>} : memref<128x128xf32, #tpu.memory_space<vmem>>, vector<1x16xf32>,
      %broadcast_in_dim3A_46 = arith.constant 0.000000e+00 : f32
      %broadcast_in_dim3A_47 = vector.broadcast %broadcast_in_dim3A_46 : f32 to vector<16xf32>
      %swap3A_48 = arith.index_cast %scan3A_39 : i32 to index
      %swap3A_49 = arith.constant 16 : index
      %swap3A_50 = tpu.vector_load %arg12[%swap3A_48, %swap3A_49] {strides = array<i32>} : memref<128x128xf32, #tpu.memory_space<vmem>>, vector<1x16xf32>,
      %swap3A_51 = vector.shape_cast %swap3A_50 : vector<1x16xf32> to vector<16xf32>
      %swap3A_52 = vector.shape_cast %broadcast_in_dim3A_47 : vector<16xf32> to vector<1x16xf32>
      tpu.vector_store %arg12[%swap3A_48, %swap3A_49], %swap3A_52 {strides = array<i32>} : memref<128x128xf32, #tpu.memory_space<vmem>>, vector<1x16xf32>,
      %broadcast_in_dim3A_53 = arith.constant 0.000000e+00 : f32
      %broadcast_in_dim3A_54 = vector.broadcast %broadcast_in_dim3A_53 : f32 to vector<16xf32>
      %swap3A_55 = arith.index_cast %scan3A_39 : i32 to index
      %swap3A_56 = arith.constant 32 : index
      %swap3A_57 = tpu.vector_load %arg12[%swap3A_55, %swap3A_56] {strides = array<i32>} : memref<128x128xf32, #tpu.memory_space<vmem>>, vector<1x16xf32>,
      %swap3A_58 = vector.shape_cast %swap3A_57 : vector<1x16xf32> to vector<16xf32>
      %swap3A_59 = vector.shape_cast %broadcast_in_dim3A_54 : vector<16xf32> to vector<1x16xf32>
      tpu.vector_store %arg12[%swap3A_55, %swap3A_56], %swap3A_59 {strides = array<i32>} : memref<128x128xf32, #tpu.memory_space<vmem>>, vector<1x16xf32>,
      %broadcast_in_dim3A_60 = arith.constant 0.000000e+00 : f32
      %broadcast_in_dim3A_61 = vector.broadcast %broadcast_in_dim3A_60 : f32 to vector<16xf32>
      %swap3A_62 = arith.index_cast %scan3A_39 : i32 to index
      %swap3A_63 = arith.constant 48 : index
      %swap3A_64 = tpu.vector_load %arg12[%swap3A_62, %swap3A_63] {strides = array<i32>} : memref<128x128xf32, #tpu.memory_space<vmem>>, vector<1x16xf32>,
      %swap3A_65 = vector.shape_cast %swap3A_64 : vector<1x16xf32> to vector<16xf32>
      %swap3A_66 = vector.shape_cast %broadcast_in_dim3A_61 : vector<16xf32> to vector<1x16xf32>
      tpu.vector_store %arg12[%swap3A_62, %swap3A_63], %swap3A_66 {strides = array<i32>} : memref<128x128xf32, #tpu.memory_space<vmem>>, vector<1x16xf32>,
      %broadcast_in_dim3A_67 = arith.constant 0.000000e+00 : f32
      %broadcast_in_dim3A_68 = vector.broadcast %broadcast_in_dim3A_67 : f32 to vector<16xf32>
      %swap3A_69 = arith.index_cast %scan3A_39 : i32 to index
      %swap3A_70 = arith.constant 64 : index
      %swap3A_71 = tpu.vector_load %arg12[%swap3A_69, %swap3A_70] {strides = array<i32>} : memref<128x128xf32, #tpu.memory_space<vmem>>, vector<1x16xf32>,
      %swap3A_72 = vector.shape_cast %swap3A_71 : vector<1x16xf32> to vector<16xf32>
      %swap3A_73 = vector.shape_cast %broadcast_in_dim3A_68 : vector<16xf32> to vector<1x16xf32>
      tpu.vector_store %arg12[%swap3A_69, %swap3A_70], %swap3A_73 {strides = array<i32>} : memref<128x128xf32, #tpu.memory_space<vmem>>, vector<1x16xf32>,
      %broadcast_in_dim3A_74 = arith.constant 0.000000e+00 : f32
      %broadcast_in_dim3A_75 = vector.broadcast %broadcast_in_dim3A_74 : f32 to vector<16xf32>
      %swap3A_76 = arith.index_cast %scan3A_39 : i32 to index
      %swap3A_77 = arith.constant 80 : index
      %swap3A_78 = tpu.vector_load %arg12[%swap3A_76, %swap3A_77] {strides = array<i32>} : memref<128x128xf32, #tpu.memory_space<vmem>>, vector<1x16xf32>,
      %swap3A_79 = vector.shape_cast %swap3A_78 : vector<1x16xf32> to vector<16xf32>
      %swap3A_80 = vector.shape_cast %broadcast_in_dim3A_75 : vector<16xf32> to vector<1x16xf32>
      tpu.vector_store %arg12[%swap3A_76, %swap3A_77], %swap3A_80 {strides = array<i32>} : memref<128x128xf32, #tpu.memory_space<vmem>>, vector<1x16xf32>,
      %broadcast_in_dim3A_81 = arith.constant 0.000000e+00 : f32
      %broadcast_in_dim3A_82 = vector.broadcast %broadcast_in_dim3A_81 : f32 to vector<16xf32>
      %swap3A_83 = arith.index_cast %scan3A_39 : i32 to index
      %swap3A_84 = arith.constant 96 : index
      %swap3A_85 = tpu.vector_load %arg12[%swap3A_83, %swap3A_84] {strides = array<i32>} : memref<128x128xf32, #tpu.memory_space<vmem>>, vector<1x16xf32>,
      %swap3A_86 = vector.shape_cast %swap3A_85 : vector<1x16xf32> to vector<16xf32>
      %swap3A_87 = vector.shape_cast %broadcast_in_dim3A_82 : vector<16xf32> to vector<1x16xf32>
      tpu.vector_store %arg12[%swap3A_83, %swap3A_84], %swap3A_87 {strides = array<i32>} : memref<128x128xf32, #tpu.memory_space<vmem>>, vector<1x16xf32>,
      %broadcast_in_dim3A_88 = arith.constant 0.000000e+00 : f32
      %broadcast_in_dim3A_89 = vector.broadcast %broadcast_in_dim3A_88 : f32 to vector<16xf32>
      %swap3A_90 = arith.index_cast %scan3A_39 : i32 to index
      %swap3A_91 = arith.constant 112 : index
      %swap3A_92 = tpu.vector_load %arg12[%swap3A_90, %swap3A_91] {strides = array<i32>} : memref<128x128xf32, #tpu.memory_space<vmem>>, vector<1x16xf32>,
      %swap3A_93 = vector.shape_cast %swap3A_92 : vector<1x16xf32> to vector<16xf32>
      %swap3A_94 = vector.shape_cast %broadcast_in_dim3A_89 : vector<16xf32> to vector<1x16xf32>
      tpu.vector_store %arg12[%swap3A_90, %swap3A_91], %swap3A_94 {strides = array<i32>} : memref<128x128xf32, #tpu.memory_space<vmem>>, vector<1x16xf32>,
      %scan3A_95 = arith.constant 0 : i32
      scf.yield %scan3A_95 : i32
    }
    %scan3A_6 = arith.constant 128 : i32
    %mul3A_7 = arith.constant 640 : i32
    %mul3A_8 = arith.muli %arg1, %mul3A_7 : i32
    %add3A_9 = arith.constant 0 : i32
    %add3A_10 = arith.addi %mul3A_8, %add3A_9 : i32
    "tpu.region"() ({
      %run_scoped3A = tpu.sem_alloc : memref<!tpu.dma_semaphore, #tpu.memory_space<semaphore_mem>>
      %dma_start3A = arith.constant 0 : i32
      %dma_start3A_39 = tpu.memref_slice %arg7[%add3A_10, %dma_start3A] : memref<10240x128xf32, #tpu.memory_space<vmem_shared>> -> memref<128x128xf32, #tpu.memory_space<vmem_shared>>
      %dma_start3A_40 = arith.constant 0 : i32
      %dma_start3A_41 = tpu.memref_slice %arg7[%add3A_10, %dma_start3A_40] : memref<10240x128xf32, #tpu.memory_space<vmem_shared>> -> memref<128x128xf32, #tpu.memory_space<vmem_shared>>
      tpu.enqueue_dma source(%arg12 : memref<128x128xf32, #tpu.memory_space<vmem>>) target(%dma_start3A_41 : memref<128x128xf32, #tpu.memory_space<vmem_shared>>) target_semaphore(%run_scoped3A : memref<!tpu.dma_semaphore, #tpu.memory_space<semaphore_mem>>)
      %dma_wait3A = arith.constant 0 : i32
      %dma_wait3A_42 = tpu.memref_slice %arg7[%add3A_10, %dma_wait3A] : memref<10240x128xf32, #tpu.memory_space<vmem_shared>> -> memref<128x128xf32, #tpu.memory_space<vmem_shared>>
      %dma_wait3A_43 = arith.constant 0 : i32
      %dma_wait3A_44 = tpu.memref_slice %arg7[%add3A_10, %dma_wait3A_43] : memref<10240x128xf32, #tpu.memory_space<vmem_shared>> -> memref<128x128xf32, #tpu.memory_space<vmem_shared>>
      tpu.wait_dma2 semaphore(%run_scoped3A : memref<!tpu.dma_semaphore, #tpu.memory_space<semaphore_mem>>) src(%arg12 : memref<128x128xf32, #tpu.memory_space<vmem>>) dst(%dma_wait3A_44 : memref<128x128xf32, #tpu.memory_space<vmem_shared>>)
      tpu.yield
    }) : () -> ()
    %mul3A_11 = arith.constant 640 : i32
    %mul3A_12 = arith.muli %arg1, %mul3A_11 : i32
    %add3A_13 = arith.constant 128 : i32
    %add3A_14 = arith.addi %mul3A_12, %add3A_13 : i32
    "tpu.region"() ({
      %run_scoped3A = tpu.sem_alloc : memref<!tpu.dma_semaphore, #tpu.memory_space<semaphore_mem>>
      %dma_start3A = arith.constant 0 : i32
      %dma_start3A_39 = tpu.memref_slice %arg7[%add3A_14, %dma_start3A] : memref<10240x128xf32, #tpu.memory_space<vmem_shared>> -> memref<128x128xf32, #tpu.memory_space<vmem_shared>>
      %dma_start3A_40 = arith.constant 0 : i32
      %dma_start3A_41 = tpu.memref_slice %arg7[%add3A_14, %dma_start3A_40] : memref<10240x128xf32, #tpu.memory_space<vmem_shared>> -> memref<128x128xf32, #tpu.memory_space<vmem_shared>>
      tpu.enqueue_dma source(%arg12 : memref<128x128xf32, #tpu.memory_space<vmem>>) target(%dma_start3A_41 : memref<128x128xf32, #tpu.memory_space<vmem_shared>>) target_semaphore(%run_scoped3A : memref<!tpu.dma_semaphore, #tpu.memory_space<semaphore_mem>>)
      %dma_wait3A = arith.constant 0 : i32
      %dma_wait3A_42 = tpu.memref_slice %arg7[%add3A_14, %dma_wait3A] : memref<10240x128xf32, #tpu.memory_space<vmem_shared>> -> memref<128x128xf32, #tpu.memory_space<vmem_shared>>
      %dma_wait3A_43 = arith.constant 0 : i32
      %dma_wait3A_44 = tpu.memref_slice %arg7[%add3A_14, %dma_wait3A_43] : memref<10240x128xf32, #tpu.memory_space<vmem_shared>> -> memref<128x128xf32, #tpu.memory_space<vmem_shared>>
      tpu.wait_dma2 semaphore(%run_scoped3A : memref<!tpu.dma_semaphore, #tpu.memory_space<semaphore_mem>>) src(%arg12 : memref<128x128xf32, #tpu.memory_space<vmem>>) dst(%dma_wait3A_44 : memref<128x128xf32, #tpu.memory_space<vmem_shared>>)
      tpu.yield
    }) : () -> ()
    %mul3A_15 = arith.constant 640 : i32
    %mul3A_16 = arith.muli %arg1, %mul3A_15 : i32
    %add3A_17 = arith.constant 256 : i32
    %add3A_18 = arith.addi %mul3A_16, %add3A_17 : i32
    "tpu.region"() ({
      %run_scoped3A = tpu.sem_alloc : memref<!tpu.dma_semaphore, #tpu.memory_space<semaphore_mem>>
      %dma_start3A = arith.constant 0 : i32
      %dma_start3A_39 = tpu.memref_slice %arg7[%add3A_18, %dma_start3A] : memref<10240x128xf32, #tpu.memory_space<vmem_shared>> -> memref<128x128xf32, #tpu.memory_space<vmem_shared>>
      %dma_start3A_40 = arith.constant 0 : i32
      %dma_start3A_41 = tpu.memref_slice %arg7[%add3A_18, %dma_start3A_40] : memref<10240x128xf32, #tpu.memory_space<vmem_shared>> -> memref<128x128xf32, #tpu.memory_space<vmem_shared>>
      tpu.enqueue_dma source(%arg12 : memref<128x128xf32, #tpu.memory_space<vmem>>) target(%dma_start3A_41 : memref<128x128xf32, #tpu.memory_space<vmem_shared>>) target_semaphore(%run_scoped3A : memref<!tpu.dma_semaphore, #tpu.memory_space<semaphore_mem>>)
      %dma_wait3A = arith.constant 0 : i32
      %dma_wait3A_42 = tpu.memref_slice %arg7[%add3A_18, %dma_wait3A] : memref<10240x128xf32, #tpu.memory_space<vmem_shared>> -> memref<128x128xf32, #tpu.memory_space<vmem_shared>>
      %dma_wait3A_43 = arith.constant 0 : i32
      %dma_wait3A_44 = tpu.memref_slice %arg7[%add3A_18, %dma_wait3A_43] : memref<10240x128xf32, #tpu.memory_space<vmem_shared>> -> memref<128x128xf32, #tpu.memory_space<vmem_shared>>
      tpu.wait_dma2 semaphore(%run_scoped3A : memref<!tpu.dma_semaphore, #tpu.memory_space<semaphore_mem>>) src(%arg12 : memref<128x128xf32, #tpu.memory_space<vmem>>) dst(%dma_wait3A_44 : memref<128x128xf32, #tpu.memory_space<vmem_shared>>)
      tpu.yield
    }) : () -> ()
    %mul3A_19 = arith.constant 640 : i32
    %mul3A_20 = arith.muli %arg1, %mul3A_19 : i32
    %add3A_21 = arith.constant 384 : i32
    %add3A_22 = arith.addi %mul3A_20, %add3A_21 : i32
    "tpu.region"() ({
      %run_scoped3A = tpu.sem_alloc : memref<!tpu.dma_semaphore, #tpu.memory_space<semaphore_mem>>
      %dma_start3A = arith.constant 0 : i32
      %dma_start3A_39 = tpu.memref_slice %arg7[%add3A_22, %dma_start3A] : memref<10240x128xf32, #tpu.memory_space<vmem_shared>> -> memref<128x128xf32, #tpu.memory_space<vmem_shared>>
      %dma_start3A_40 = arith.constant 0 : i32
      %dma_start3A_41 = tpu.memref_slice %arg7[%add3A_22, %dma_start3A_40] : memref<10240x128xf32, #tpu.memory_space<vmem_shared>> -> memref<128x128xf32, #tpu.memory_space<vmem_shared>>
      tpu.enqueue_dma source(%arg12 : memref<128x128xf32, #tpu.memory_space<vmem>>) target(%dma_start3A_41 : memref<128x128xf32, #tpu.memory_space<vmem_shared>>) target_semaphore(%run_scoped3A : memref<!tpu.dma_semaphore, #tpu.memory_space<semaphore_mem>>)
      %dma_wait3A = arith.constant 0 : i32
      %dma_wait3A_42 = tpu.memref_slice %arg7[%add3A_22, %dma_wait3A] : memref<10240x128xf32, #tpu.memory_space<vmem_shared>> -> memref<128x128xf32, #tpu.memory_space<vmem_shared>>
      %dma_wait3A_43 = arith.constant 0 : i32
      %dma_wait3A_44 = tpu.memref_slice %arg7[%add3A_22, %dma_wait3A_43] : memref<10240x128xf32, #tpu.memory_space<vmem_shared>> -> memref<128x128xf32, #tpu.memory_space<vmem_shared>>
      tpu.wait_dma2 semaphore(%run_scoped3A : memref<!tpu.dma_semaphore, #tpu.memory_space<semaphore_mem>>) src(%arg12 : memref<128x128xf32, #tpu.memory_space<vmem>>) dst(%dma_wait3A_44 : memref<128x128xf32, #tpu.memory_space<vmem_shared>>)
      tpu.yield
    }) : () -> ()
    %mul3A_23 = arith.constant 640 : i32
    %mul3A_24 = arith.muli %arg1, %mul3A_23 : i32
    %add3A_25 = arith.constant 512 : i32
    %add3A_26 = arith.addi %mul3A_24, %add3A_25 : i32
    "tpu.region"() ({
      %run_scoped3A = tpu.sem_alloc : memref<!tpu.dma_semaphore, #tpu.memory_space<semaphore_mem>>
      %dma_start3A = arith.constant 0 : i32
      %dma_start3A_39 = tpu.memref_slice %arg7[%add3A_26, %dma_start3A] : memref<10240x128xf32, #tpu.memory_space<vmem_shared>> -> memref<128x128xf32, #tpu.memory_space<vmem_shared>>
      %dma_start3A_40 = arith.constant 0 : i32
      %dma_start3A_41 = tpu.memref_slice %arg7[%add3A_26, %dma_start3A_40] : memref<10240x128xf32, #tpu.memory_space<vmem_shared>> -> memref<128x128xf32, #tpu.memory_space<vmem_shared>>
      tpu.enqueue_dma source(%arg12 : memref<128x128xf32, #tpu.memory_space<vmem>>) target(%dma_start3A_41 : memref<128x128xf32, #tpu.memory_space<vmem_shared>>) target_semaphore(%run_scoped3A : memref<!tpu.dma_semaphore, #tpu.memory_space<semaphore_mem>>)
      %dma_wait3A = arith.constant 0 : i32
      %dma_wait3A_42 = tpu.memref_slice %arg7[%add3A_26, %dma_wait3A] : memref<10240x128xf32, #tpu.memory_space<vmem_shared>> -> memref<128x128xf32, #tpu.memory_space<vmem_shared>>
      %dma_wait3A_43 = arith.constant 0 : i32
      %dma_wait3A_44 = tpu.memref_slice %arg7[%add3A_26, %dma_wait3A_43] : memref<10240x128xf32, #tpu.memory_space<vmem_shared>> -> memref<128x128xf32, #tpu.memory_space<vmem_shared>>
      tpu.wait_dma2 semaphore(%run_scoped3A : memref<!tpu.dma_semaphore, #tpu.memory_space<semaphore_mem>>) src(%arg12 : memref<128x128xf32, #tpu.memory_space<vmem>>) dst(%dma_wait3A_44 : memref<128x128xf32, #tpu.memory_space<vmem_shared>>)
      tpu.yield
    }) : () -> ()
    %barrier3A = arith.constant 0 : index
    tpu.barrier barrier_id(%barrier3A)
    %scan3A_27 = arith.constant 0 : i32
    %scan3A_28 = arith.constant 0 : i32
    %scan3A_29 = arith.constant 30 : i32
    %scan3A_30 = arith.addi %scan3A_28, %scan3A_29 : i32
    %scan3A_31 = arith.constant 1 : i32
    %scan3A_32 = scf.for %scan3A_39 = %scan3A_28 to %scan3A_30 step %scan3A_31 iter_args(%scan3A_40 = %scan3A_27) -> (i32)  : i32 {
      %mul3A_41 = arith.constant 3600 : i32
      %mul3A_42 = arith.muli %add3A, %mul3A_41 : i32
      %mul3A_43 = arith.constant 120 : i32
      %mul3A_44 = arith.muli %scan3A_39, %mul3A_43 : i32
      %add3A_45 = arith.addi %mul3A_42, %mul3A_44 : i32
      %add3A_46 = arith.constant 204800 : i32
      %add3A_47 = arith.addi %add3A_46, %add3A_45 : i32
      "tpu.region"() ({
        %run_scoped3A = tpu.sem_alloc : memref<!tpu.dma_semaphore, #tpu.memory_space<semaphore_mem>>
        %dma_start3A_60 = tpu.memref_slice %arg3[%add3A_47] : memref<320000xi32, #tpu.memory_space<hbm>> -> memref<120xi32, #tpu.memory_space<hbm>>
        %dma_start3A_61 = tpu.memref_slice %arg3[%add3A_47] : memref<320000xi32, #tpu.memory_space<hbm>> -> memref<120xi32, #tpu.memory_space<hbm>>
        tpu.enqueue_dma source(%dma_start3A_61 : memref<120xi32, #tpu.memory_space<hbm>>) target(%arg8 : memref<120xi32, #tpu.memory_space<vmem>>) target_semaphore(%run_scoped3A : memref<!tpu.dma_semaphore, #tpu.memory_space<semaphore_mem>>)
        %dma_wait3A_62 = tpu.memref_slice %arg3[%add3A_47] : memref<320000xi32, #tpu.memory_space<hbm>> -> memref<120xi32, #tpu.memory_space<hbm>>
        %dma_wait3A_63 = tpu.memref_slice %arg3[%add3A_47] : memref<320000xi32, #tpu.memory_space<hbm>> -> memref<120xi32, #tpu.memory_space<hbm>>
        tpu.wait_dma2 semaphore(%run_scoped3A : memref<!tpu.dma_semaphore, #tpu.memory_space<semaphore_mem>>) src(%dma_wait3A_63 : memref<120xi32, #tpu.memory_space<hbm>>) dst(%arg8 : memref<120xi32, #tpu.memory_space<vmem>>)
        tpu.yield
      }) : () -> ()
      %dma_start3A = arith.constant 0 : i32
      %dma_start3A_48 = arith.constant 0 : i32
      %dma_start3A_49 = tpu.memref_slice %arg2[%dma_start3A, %dma_start3A_48] : memref<10000x128xf32, #tpu.memory_space<hbm>> -> memref<10000x128xf32, #tpu.memory_space<hbm>>
      tpu.enqueue_indirect_dma source(%dma_start3A_49 : memref<10000x128xf32, #tpu.memory_space<hbm>>) target(%arg11 : memref<120x128xf32, #tpu.memory_space<vmem>>) offsets(%arg8 : memref<120xi32, #tpu.memory_space<vmem>>) semaphore(%arg13 : memref<!tpu.dma_semaphore, #tpu.memory_space<semaphore_mem>>)
      "tpu.region"() ({
        %run_scoped3A = tpu.sem_alloc : memref<!tpu.dma_semaphore, #tpu.memory_space<semaphore_mem>>
        %dma_start3A_60 = arith.constant 0 : i32
        %dma_start3A_61 = tpu.memref_slice %arg5[%add3A_45, %dma_start3A_60] : memref<115200x128xf32, #tpu.memory_space<hbm>> -> memref<120x128xf32, #tpu.memory_space<hbm>>
        %dma_start3A_62 = arith.constant 0 : i32
        %dma_start3A_63 = tpu.memref_slice %arg5[%add3A_45, %dma_start3A_62] : memref<115200x128xf32, #tpu.memory_space<hbm>> -> memref<120x128xf32, #tpu.memory_space<hbm>>
        tpu.enqueue_dma source(%dma_start3A_63 : memref<120x128xf32, #tpu.memory_space<hbm>>) target(%arg10 : memref<120x128xf32, #tpu.memory_space<vmem>>) target_semaphore(%run_scoped3A : memref<!tpu.dma_semaphore, #tpu.memory_space<semaphore_mem>>)
        %dma_wait3A_64 = arith.constant 0 : i32
        %dma_wait3A_65 = tpu.memref_slice %arg5[%add3A_45, %dma_wait3A_64] : memref<115200x128xf32, #tpu.memory_space<hbm>> -> memref<120x128xf32, #tpu.memory_space<hbm>>
        %dma_wait3A_66 = arith.constant 0 : i32
        %dma_wait3A_67 = tpu.memref_slice %arg5[%add3A_45, %dma_wait3A_66] : memref<115200x128xf32, #tpu.memory_space<hbm>> -> memref<120x128xf32, #tpu.memory_space<hbm>>
        tpu.wait_dma2 semaphore(%run_scoped3A : memref<!tpu.dma_semaphore, #tpu.memory_space<semaphore_mem>>) src(%dma_wait3A_67 : memref<120x128xf32, #tpu.memory_space<hbm>>) dst(%arg10 : memref<120x128xf32, #tpu.memory_space<vmem>>)
        tpu.yield
      }) : () -> ()
      "tpu.region"() ({
        %run_scoped3A = tpu.sem_alloc : memref<!tpu.dma_semaphore, #tpu.memory_space<semaphore_mem>>
        %dma_start3A_60 = tpu.memref_slice %arg4[%add3A_47] : memref<320000xi32, #tpu.memory_space<hbm>> -> memref<120xi32, #tpu.memory_space<hbm>>
        %dma_start3A_61 = tpu.memref_slice %arg4[%add3A_47] : memref<320000xi32, #tpu.memory_space<hbm>> -> memref<120xi32, #tpu.memory_space<hbm>>
        tpu.enqueue_dma source(%dma_start3A_61 : memref<120xi32, #tpu.memory_space<hbm>>) target(%arg9 : memref<120xi32, #tpu.memory_space<vmem>>) target_semaphore(%run_scoped3A : memref<!tpu.dma_semaphore, #tpu.memory_space<semaphore_mem>>)
        %dma_wait3A_62 = tpu.memref_slice %arg4[%add3A_47] : memref<320000xi32, #tpu.memory_space<hbm>> -> memref<120xi32, #tpu.memory_space<hbm>>
        %dma_wait3A_63 = tpu.memref_slice %arg4[%add3A_47] : memref<320000xi32, #tpu.memory_space<hbm>> -> memref<120xi32, #tpu.memory_space<hbm>>
        tpu.wait_dma2 semaphore(%run_scoped3A : memref<!tpu.dma_semaphore, #tpu.memory_space<semaphore_mem>>) src(%dma_wait3A_63 : memref<120xi32, #tpu.memory_space<hbm>>) dst(%arg9 : memref<120xi32, #tpu.memory_space<vmem>>)
        tpu.yield
      }) : () -> ()
      %dma_wait3A = arith.constant 0 : i32
      %dma_wait3A_50 = arith.constant 0 : i32
      %dma_wait3A_51 = tpu.memref_slice %arg2[%dma_wait3A, %dma_wait3A_50] : memref<10000x128xf32, #tpu.memory_space<hbm>> -> memref<10000x128xf32, #tpu.memory_space<hbm>>
      tpu.wait_indirect_dma semaphore(%arg13 : memref<!tpu.dma_semaphore, #tpu.memory_space<semaphore_mem>>) src(%dma_wait3A_51 : memref<10000x128xf32, #tpu.memory_space<hbm>>) dst(%arg11 : memref<120x128xf32, #tpu.memory_space<vmem>>)
      %scan3A_52 = arith.constant 0 : i32
      %scan3A_53 = arith.constant 0 : i32
      %scan3A_54 = arith.constant 120 : i32
      %scan3A_55 = arith.addi %scan3A_53, %scan3A_54 : i32
      %scan3A_56 = arith.constant 1 : i32
      %scan3A_57 = scf.for %scan3A_60 = %scan3A_53 to %scan3A_55 step %scan3A_56 iter_args(%scan3A_61 = %scan3A_52) -> (i32)  : i32 {
        %get3A = arith.index_cast %scan3A_60 : i32 to index
        %get3A_62 = arith.constant 0 : index
        %get3A_63 = tpu.vector_load %arg11[%get3A, %get3A_62] {strides = array<i32>} : memref<120x128xf32, #tpu.memory_space<vmem>>, vector<1x16xf32>,
        %get3A_64 = vector.shape_cast %get3A_63 : vector<1x16xf32> to vector<16xf32>
        %get3A_65 = arith.index_cast %scan3A_60 : i32 to index
        %get3A_66 = arith.constant 0 : index
        %get3A_67 = tpu.vector_load %arg10[%get3A_65, %get3A_66] {strides = array<i32>} : memref<120x128xf32, #tpu.memory_space<vmem>>, vector<1x16xf32>,
        %get3A_68 = vector.shape_cast %get3A_67 : vector<1x16xf32> to vector<16xf32>
        %mul3A_69 = arith.mulf %get3A_64, %get3A_68 : vector<16xf32>
        %swap3A = arith.index_cast %scan3A_60 : i32 to index
        %swap3A_70 = arith.constant 0 : index
        %swap3A_71 = tpu.vector_load %arg11[%swap3A, %swap3A_70] {strides = array<i32>} : memref<120x128xf32, #tpu.memory_space<vmem>>, vector<1x16xf32>,
        %swap3A_72 = vector.shape_cast %swap3A_71 : vector<1x16xf32> to vector<16xf32>
        %swap3A_73 = vector.shape_cast %mul3A_69 : vector<16xf32> to vector<1x16xf32>
        tpu.vector_store %arg11[%swap3A, %swap3A_70], %swap3A_73 {strides = array<i32>} : memref<120x128xf32, #tpu.memory_space<vmem>>, vector<1x16xf32>,
        %get3A_74 = arith.index_cast %scan3A_60 : i32 to index
        %get3A_75 = arith.constant 16 : index
        %get3A_76 = tpu.vector_load %arg11[%get3A_74, %get3A_75] {strides = array<i32>} : memref<120x128xf32, #tpu.memory_space<vmem>>, vector<1x16xf32>,
        %get3A_77 = vector.shape_cast %get3A_76 : vector<1x16xf32> to vector<16xf32>
        %get3A_78 = arith.index_cast %scan3A_60 : i32 to index
        %get3A_79 = arith.constant 16 : index
        %get3A_80 = tpu.vector_load %arg10[%get3A_78, %get3A_79] {strides = array<i32>} : memref<120x128xf32, #tpu.memory_space<vmem>>, vector<1x16xf32>,
        %get3A_81 = vector.shape_cast %get3A_80 : vector<1x16xf32> to vector<16xf32>
        %mul3A_82 = arith.mulf %get3A_77, %get3A_81 : vector<16xf32>
        %swap3A_83 = arith.index_cast %scan3A_60 : i32 to index
        %swap3A_84 = arith.constant 16 : index
        %swap3A_85 = tpu.vector_load %arg11[%swap3A_83, %swap3A_84] {strides = array<i32>} : memref<120x128xf32, #tpu.memory_space<vmem>>, vector<1x16xf32>,
        %swap3A_86 = vector.shape_cast %swap3A_85 : vector<1x16xf32> to vector<16xf32>
        %swap3A_87 = vector.shape_cast %mul3A_82 : vector<16xf32> to vector<1x16xf32>
        tpu.vector_store %arg11[%swap3A_83, %swap3A_84], %swap3A_87 {strides = array<i32>} : memref<120x128xf32, #tpu.memory_space<vmem>>, vector<1x16xf32>,
        %get3A_88 = arith.index_cast %scan3A_60 : i32 to index
        %get3A_89 = arith.constant 32 : index
        %get3A_90 = tpu.vector_load %arg11[%get3A_88, %get3A_89] {strides = array<i32>} : memref<120x128xf32, #tpu.memory_space<vmem>>, vector<1x16xf32>,
        %get3A_91 = vector.shape_cast %get3A_90 : vector<1x16xf32> to vector<16xf32>
        %get3A_92 = arith.index_cast %scan3A_60 : i32 to index
        %get3A_93 = arith.constant 32 : index
        %get3A_94 = tpu.vector_load %arg10[%get3A_92, %get3A_93] {strides = array<i32>} : memref<120x128xf32, #tpu.memory_space<vmem>>, vector<1x16xf32>,
        %get3A_95 = vector.shape_cast %get3A_94 : vector<1x16xf32> to vector<16xf32>
        %mul3A_96 = arith.mulf %get3A_91, %get3A_95 : vector<16xf32>
        %swap3A_97 = arith.index_cast %scan3A_60 : i32 to index
        %swap3A_98 = arith.constant 32 : index
        %swap3A_99 = tpu.vector_load %arg11[%swap3A_97, %swap3A_98] {strides = array<i32>} : memref<120x128xf32, #tpu.memory_space<vmem>>, vector<1x16xf32>,
        %swap3A_100 = vector.shape_cast %swap3A_99 : vector<1x16xf32> to vector<16xf32>
        %swap3A_101 = vector.shape_cast %mul3A_96 : vector<16xf32> to vector<1x16xf32>
        tpu.vector_store %arg11[%swap3A_97, %swap3A_98], %swap3A_101 {strides = array<i32>} : memref<120x128xf32, #tpu.memory_space<vmem>>, vector<1x16xf32>,
        %get3A_102 = arith.index_cast %scan3A_60 : i32 to index
        %get3A_103 = arith.constant 48 : index
        %get3A_104 = tpu.vector_load %arg11[%get3A_102, %get3A_103] {strides = array<i32>} : memref<120x128xf32, #tpu.memory_space<vmem>>, vector<1x16xf32>,
        %get3A_105 = vector.shape_cast %get3A_104 : vector<1x16xf32> to vector<16xf32>
        %get3A_106 = arith.index_cast %scan3A_60 : i32 to index
        %get3A_107 = arith.constant 48 : index
        %get3A_108 = tpu.vector_load %arg10[%get3A_106, %get3A_107] {strides = array<i32>} : memref<120x128xf32, #tpu.memory_space<vmem>>, vector<1x16xf32>,
        %get3A_109 = vector.shape_cast %get3A_108 : vector<1x16xf32> to vector<16xf32>
        %mul3A_110 = arith.mulf %get3A_105, %get3A_109 : vector<16xf32>
        %swap3A_111 = arith.index_cast %scan3A_60 : i32 to index
        %swap3A_112 = arith.constant 48 : index
        %swap3A_113 = tpu.vector_load %arg11[%swap3A_111, %swap3A_112] {strides = array<i32>} : memref<120x128xf32, #tpu.memory_space<vmem>>, vector<1x16xf32>,
        %swap3A_114 = vector.shape_cast %swap3A_113 : vector<1x16xf32> to vector<16xf32>
        %swap3A_115 = vector.shape_cast %mul3A_110 : vector<16xf32> to vector<1x16xf32>
        tpu.vector_store %arg11[%swap3A_111, %swap3A_112], %swap3A_115 {strides = array<i32>} : memref<120x128xf32, #tpu.memory_space<vmem>>, vector<1x16xf32>,
        %get3A_116 = arith.index_cast %scan3A_60 : i32 to index
        %get3A_117 = arith.constant 64 : index
        %get3A_118 = tpu.vector_load %arg11[%get3A_116, %get3A_117] {strides = array<i32>} : memref<120x128xf32, #tpu.memory_space<vmem>>, vector<1x16xf32>,
        %get3A_119 = vector.shape_cast %get3A_118 : vector<1x16xf32> to vector<16xf32>
        %get3A_120 = arith.index_cast %scan3A_60 : i32 to index
        %get3A_121 = arith.constant 64 : index
        %get3A_122 = tpu.vector_load %arg10[%get3A_120, %get3A_121] {strides = array<i32>} : memref<120x128xf32, #tpu.memory_space<vmem>>, vector<1x16xf32>,
        %get3A_123 = vector.shape_cast %get3A_122 : vector<1x16xf32> to vector<16xf32>
        %mul3A_124 = arith.mulf %get3A_119, %get3A_123 : vector<16xf32>
        %swap3A_125 = arith.index_cast %scan3A_60 : i32 to index
        %swap3A_126 = arith.constant 64 : index
        %swap3A_127 = tpu.vector_load %arg11[%swap3A_125, %swap3A_126] {strides = array<i32>} : memref<120x128xf32, #tpu.memory_space<vmem>>, vector<1x16xf32>,
        %swap3A_128 = vector.shape_cast %swap3A_127 : vector<1x16xf32> to vector<16xf32>
        %swap3A_129 = vector.shape_cast %mul3A_124 : vector<16xf32> to vector<1x16xf32>
        tpu.vector_store %arg11[%swap3A_125, %swap3A_126], %swap3A_129 {strides = array<i32>} : memref<120x128xf32, #tpu.memory_space<vmem>>, vector<1x16xf32>,
        %get3A_130 = arith.index_cast %scan3A_60 : i32 to index
        %get3A_131 = arith.constant 80 : index
        %get3A_132 = tpu.vector_load %arg11[%get3A_130, %get3A_131] {strides = array<i32>} : memref<120x128xf32, #tpu.memory_space<vmem>>, vector<1x16xf32>,
        %get3A_133 = vector.shape_cast %get3A_132 : vector<1x16xf32> to vector<16xf32>
        %get3A_134 = arith.index_cast %scan3A_60 : i32 to index
        %get3A_135 = arith.constant 80 : index
        %get3A_136 = tpu.vector_load %arg10[%get3A_134, %get3A_135] {strides = array<i32>} : memref<120x128xf32, #tpu.memory_space<vmem>>, vector<1x16xf32>,
        %get3A_137 = vector.shape_cast %get3A_136 : vector<1x16xf32> to vector<16xf32>
        %mul3A_138 = arith.mulf %get3A_133, %get3A_137 : vector<16xf32>
        %swap3A_139 = arith.index_cast %scan3A_60 : i32 to index
        %swap3A_140 = arith.constant 80 : index
        %swap3A_141 = tpu.vector_load %arg11[%swap3A_139, %swap3A_140] {strides = array<i32>} : memref<120x128xf32, #tpu.memory_space<vmem>>, vector<1x16xf32>,
        %swap3A_142 = vector.shape_cast %swap3A_141 : vector<1x16xf32> to vector<16xf32>
        %swap3A_143 = vector.shape_cast %mul3A_138 : vector<16xf32> to vector<1x16xf32>
        tpu.vector_store %arg11[%swap3A_139, %swap3A_140], %swap3A_143 {strides = array<i32>} : memref<120x128xf32, #tpu.memory_space<vmem>>, vector<1x16xf32>,
        %get3A_144 = arith.index_cast %scan3A_60 : i32 to index
        %get3A_145 = arith.constant 96 : index
        %get3A_146 = tpu.vector_load %arg11[%get3A_144, %get3A_145] {strides = array<i32>} : memref<120x128xf32, #tpu.memory_space<vmem>>, vector<1x16xf32>,
        %get3A_147 = vector.shape_cast %get3A_146 : vector<1x16xf32> to vector<16xf32>
        %get3A_148 = arith.index_cast %scan3A_60 : i32 to index
        %get3A_149 = arith.constant 96 : index
        %get3A_150 = tpu.vector_load %arg10[%get3A_148, %get3A_149] {strides = array<i32>} : memref<120x128xf32, #tpu.memory_space<vmem>>, vector<1x16xf32>,
        %get3A_151 = vector.shape_cast %get3A_150 : vector<1x16xf32> to vector<16xf32>
        %mul3A_152 = arith.mulf %get3A_147, %get3A_151 : vector<16xf32>
        %swap3A_153 = arith.index_cast %scan3A_60 : i32 to index
        %swap3A_154 = arith.constant 96 : index
        %swap3A_155 = tpu.vector_load %arg11[%swap3A_153, %swap3A_154] {strides = array<i32>} : memref<120x128xf32, #tpu.memory_space<vmem>>, vector<1x16xf32>,
        %swap3A_156 = vector.shape_cast %swap3A_155 : vector<1x16xf32> to vector<16xf32>
        %swap3A_157 = vector.shape_cast %mul3A_152 : vector<16xf32> to vector<1x16xf32>
        tpu.vector_store %arg11[%swap3A_153, %swap3A_154], %swap3A_157 {strides = array<i32>} : memref<120x128xf32, #tpu.memory_space<vmem>>, vector<1x16xf32>,
        %get3A_158 = arith.index_cast %scan3A_60 : i32 to index
        %get3A_159 = arith.constant 112 : index
        %get3A_160 = tpu.vector_load %arg11[%get3A_158, %get3A_159] {strides = array<i32>} : memref<120x128xf32, #tpu.memory_space<vmem>>, vector<1x16xf32>,
        %get3A_161 = vector.shape_cast %get3A_160 : vector<1x16xf32> to vector<16xf32>
        %get3A_162 = arith.index_cast %scan3A_60 : i32 to index
        %get3A_163 = arith.constant 112 : index
        %get3A_164 = tpu.vector_load %arg10[%get3A_162, %get3A_163] {strides = array<i32>} : memref<120x128xf32, #tpu.memory_space<vmem>>, vector<1x16xf32>,
        %get3A_165 = vector.shape_cast %get3A_164 : vector<1x16xf32> to vector<16xf32>
        %mul3A_166 = arith.mulf %get3A_161, %get3A_165 : vector<16xf32>
        %swap3A_167 = arith.index_cast %scan3A_60 : i32 to index
        %swap3A_168 = arith.constant 112 : index
        %swap3A_169 = tpu.vector_load %arg11[%swap3A_167, %swap3A_168] {strides = array<i32>} : memref<120x128xf32, #tpu.memory_space<vmem>>, vector<1x16xf32>,
        %swap3A_170 = vector.shape_cast %swap3A_169 : vector<1x16xf32> to vector<16xf32>
        %swap3A_171 = vector.shape_cast %mul3A_166 : vector<16xf32> to vector<1x16xf32>
        tpu.vector_store %arg11[%swap3A_167, %swap3A_168], %swap3A_171 {strides = array<i32>} : memref<120x128xf32, #tpu.memory_space<vmem>>, vector<1x16xf32>,
        %scan3A_172 = arith.constant 0 : i32
        scf.yield %scan3A_172 : i32
      }
      %scan3A_58 = arith.constant 120 : i32
      "tpu.region"() ({
        %run_scoped3A = tpu.sem_alloc : memref<!tpu.dma_semaphore, #tpu.memory_space<semaphore_mem>>
        %dma_start3A_60 = arith.constant 0 : i32
        %dma_start3A_61 = arith.constant 0 : i32
        %dma_start3A_62 = tpu.memref_slice %arg7[%dma_start3A_60, %dma_start3A_61] : memref<10240x128xf32, #tpu.memory_space<vmem_shared>> -> memref<10240x128xf32, #tpu.memory_space<vmem_shared>>
        tpu.enqueue_indirect_dma source(%arg11 : memref<120x128xf32, #tpu.memory_space<vmem>>) target(%dma_start3A_62 : memref<10240x128xf32, #tpu.memory_space<vmem_shared>>) offsets(%arg9 : memref<120xi32, #tpu.memory_space<vmem>>) semaphore(%run_scoped3A : memref<!tpu.dma_semaphore, #tpu.memory_space<semaphore_mem>>) {add = true}
        %dma_wait3A_63 = arith.constant 0 : i32
        %dma_wait3A_64 = arith.constant 0 : i32
        %dma_wait3A_65 = tpu.memref_slice %arg7[%dma_wait3A_63, %dma_wait3A_64] : memref<10240x128xf32, #tpu.memory_space<vmem_shared>> -> memref<10240x128xf32, #tpu.memory_space<vmem_shared>>
        tpu.wait_indirect_dma semaphore(%run_scoped3A : memref<!tpu.dma_semaphore, #tpu.memory_space<semaphore_mem>>) src(%arg11 : memref<120x128xf32, #tpu.memory_space<vmem>>) dst(%dma_wait3A_65 : memref<10240x128xf32, #tpu.memory_space<vmem_shared>>)
        tpu.yield
      }) : () -> ()
      %scan3A_59 = arith.constant 0 : i32
      scf.yield %scan3A_59 : i32
    }
    %scan3A_33 = arith.constant 30 : i32
    %barrier3A_34 = arith.constant 0 : index
    tpu.barrier barrier_id(%barrier3A_34)
    %mul3A_35 = arith.constant 640 : i32
    %mul3A_36 = arith.muli %arg1, %mul3A_35 : i32
    %mul3A_37 = arith.constant 640 : i32
    %mul3A_38 = arith.muli %arg1, %mul3A_37 : i32
    "tpu.region"() ({
      %run_scoped3A = tpu.sem_alloc : memref<!tpu.dma_semaphore, #tpu.memory_space<semaphore_mem>>
      %dma_start3A = arith.constant 0 : i32
      %dma_start3A_39 = tpu.memref_slice %arg6[%arg0, %mul3A_38, %dma_start3A] : memref<2x10240x128xf32, #tpu.memory_space<hbm>> -> memref<1x640x128xf32, #tpu.memory_space<hbm>>
      %dma_start3A_40 = tpu.memref_squeeze %dma_start3A_39 : memref<1x640x128xf32, #tpu.memory_space<hbm>> -> memref<640x128xf32, #tpu.memory_space<hbm>>
      %dma_start3A_41 = arith.constant 0 : i32
      %dma_start3A_42 = tpu.memref_slice %arg7[%mul3A_36, %dma_start3A_41] : memref<10240x128xf32, #tpu.memory_space<vmem_shared>> -> memref<640x128xf32, #tpu.memory_space<vmem_shared>>
      tpu.enqueue_dma source(%dma_start3A_42 : memref<640x128xf32, #tpu.memory_space<vmem_shared>>) target(%dma_start3A_40 : memref<640x128xf32, #tpu.memory_space<hbm>>) target_semaphore(%run_scoped3A : memref<!tpu.dma_semaphore, #tpu.memory_space<semaphore_mem>>)
      %dma_wait3A = arith.constant 0 : i32
      %dma_wait3A_43 = tpu.memref_slice %arg6[%arg0, %mul3A_38, %dma_wait3A] : memref<2x10240x128xf32, #tpu.memory_space<hbm>> -> memref<1x640x128xf32, #tpu.memory_space<hbm>>
      %dma_wait3A_44 = tpu.memref_squeeze %dma_wait3A_43 : memref<1x640x128xf32, #tpu.memory_space<hbm>> -> memref<640x128xf32, #tpu.memory_space<hbm>>
      %dma_wait3A_45 = arith.constant 0 : i32
      %dma_wait3A_46 = tpu.memref_slice %arg7[%mul3A_36, %dma_wait3A_45] : memref<10240x128xf32, #tpu.memory_space<vmem_shared>> -> memref<640x128xf32, #tpu.memory_space<vmem_shared>>
      tpu.wait_dma2 semaphore(%run_scoped3A : memref<!tpu.dma_semaphore, #tpu.memory_space<semaphore_mem>>) src(%dma_wait3A_46 : memref<640x128xf32, #tpu.memory_space<vmem_shared>>) dst(%dma_wait3A_44 : memref<640x128xf32, #tpu.memory_space<hbm>>)
      tpu.yield
    }) : () -> ()
    return
  }
}

#map = affine_map<(d0, d1) -> (0, 0)>
#map1 = affine_map<(d0, d1) -> (0)>
#map2 = affine_map<(d0, d1) -> (0, 0, 0)>
module attributes {stable_mosaic.version = 14 : i64} {
  func.func @_sc_segment_body(%arg0: i32, %arg1: i32, %arg2: memref<10000x128xf32, #tpu.memory_space<hbm>>, %arg3: memref<320000xi32, #tpu.memory_space<hbm>>, %arg4: memref<320000xi32, #tpu.memory_space<hbm>>, %arg5: memref<204800x128xf32, #tpu.memory_space<hbm>>, %arg6: memref<2x10240x128xf32, #tpu.memory_space<hbm>>, %arg7: memref<10240x128xf32, #tpu.memory_space<vmem_shared>>, %arg8: memref<80xi32, #tpu.memory_space<vmem>>, %arg9: memref<80xi32, #tpu.memory_space<vmem>>, %arg10: memref<80x128xf32, #tpu.memory_space<vmem>>, %arg11: memref<80x128xf32, #tpu.memory_space<vmem>>, %arg12: memref<128x128xf32, #tpu.memory_space<vmem>>, %arg13: memref<!tpu.dma_semaphore, #tpu.memory_space<semaphore_mem>>) attributes {dimension_semantics = [#tpu.dimension_semantics<core_parallel>, #tpu.dimension_semantics<subcore_parallel>], iteration_bounds = array<i64: 2, 16>, scalar_prefetch = 0 : i64, scratch_operands = 7 : i64, tpu.core_type = #tpu.core_type<sc_vector_subcore>, window_params = [{transform_indices = #map}, {transform_indices = #map1}, {transform_indices = #map1}, {transform_indices = #map}, {transform_indices = #map2}]} {
    %mul3A = arith.constant 16 : i32
    %mul3A_0 = arith.muli %arg0, %mul3A : i32
    %add3A = arith.addi %mul3A_0, %arg1 : i32
    %scan3A = arith.constant 0 : i32
    %scan3A_1 = arith.constant 0 : i32
    %scan3A_2 = arith.constant 128 : i32
    %scan3A_3 = arith.addi %scan3A_1, %scan3A_2 : i32
    %scan3A_4 = arith.constant 1 : i32
    %scan3A_5 = scf.for %scan3A_39 = %scan3A_1 to %scan3A_3 step %scan3A_4 iter_args(%scan3A_40 = %scan3A) -> (i32)  : i32 {
      %broadcast_in_dim3A = arith.constant 0.000000e+00 : f32
      %broadcast_in_dim3A_41 = vector.broadcast %broadcast_in_dim3A : f32 to vector<16xf32>
      %swap3A = arith.index_cast %scan3A_39 : i32 to index
      %swap3A_42 = arith.constant 0 : index
      %swap3A_43 = tpu.vector_load %arg12[%swap3A, %swap3A_42] {strides = array<i32>} : memref<128x128xf32, #tpu.memory_space<vmem>>, vector<1x16xf32>,
      %swap3A_44 = vector.shape_cast %swap3A_43 : vector<1x16xf32> to vector<16xf32>
      %swap3A_45 = vector.shape_cast %broadcast_in_dim3A_41 : vector<16xf32> to vector<1x16xf32>
      tpu.vector_store %arg12[%swap3A, %swap3A_42], %swap3A_45 {strides = array<i32>} : memref<128x128xf32, #tpu.memory_space<vmem>>, vector<1x16xf32>,
      %broadcast_in_dim3A_46 = arith.constant 0.000000e+00 : f32
      %broadcast_in_dim3A_47 = vector.broadcast %broadcast_in_dim3A_46 : f32 to vector<16xf32>
      %swap3A_48 = arith.index_cast %scan3A_39 : i32 to index
      %swap3A_49 = arith.constant 16 : index
      %swap3A_50 = tpu.vector_load %arg12[%swap3A_48, %swap3A_49] {strides = array<i32>} : memref<128x128xf32, #tpu.memory_space<vmem>>, vector<1x16xf32>,
      %swap3A_51 = vector.shape_cast %swap3A_50 : vector<1x16xf32> to vector<16xf32>
      %swap3A_52 = vector.shape_cast %broadcast_in_dim3A_47 : vector<16xf32> to vector<1x16xf32>
      tpu.vector_store %arg12[%swap3A_48, %swap3A_49], %swap3A_52 {strides = array<i32>} : memref<128x128xf32, #tpu.memory_space<vmem>>, vector<1x16xf32>,
      %broadcast_in_dim3A_53 = arith.constant 0.000000e+00 : f32
      %broadcast_in_dim3A_54 = vector.broadcast %broadcast_in_dim3A_53 : f32 to vector<16xf32>
      %swap3A_55 = arith.index_cast %scan3A_39 : i32 to index
      %swap3A_56 = arith.constant 32 : index
      %swap3A_57 = tpu.vector_load %arg12[%swap3A_55, %swap3A_56] {strides = array<i32>} : memref<128x128xf32, #tpu.memory_space<vmem>>, vector<1x16xf32>,
      %swap3A_58 = vector.shape_cast %swap3A_57 : vector<1x16xf32> to vector<16xf32>
      %swap3A_59 = vector.shape_cast %broadcast_in_dim3A_54 : vector<16xf32> to vector<1x16xf32>
      tpu.vector_store %arg12[%swap3A_55, %swap3A_56], %swap3A_59 {strides = array<i32>} : memref<128x128xf32, #tpu.memory_space<vmem>>, vector<1x16xf32>,
      %broadcast_in_dim3A_60 = arith.constant 0.000000e+00 : f32
      %broadcast_in_dim3A_61 = vector.broadcast %broadcast_in_dim3A_60 : f32 to vector<16xf32>
      %swap3A_62 = arith.index_cast %scan3A_39 : i32 to index
      %swap3A_63 = arith.constant 48 : index
      %swap3A_64 = tpu.vector_load %arg12[%swap3A_62, %swap3A_63] {strides = array<i32>} : memref<128x128xf32, #tpu.memory_space<vmem>>, vector<1x16xf32>,
      %swap3A_65 = vector.shape_cast %swap3A_64 : vector<1x16xf32> to vector<16xf32>
      %swap3A_66 = vector.shape_cast %broadcast_in_dim3A_61 : vector<16xf32> to vector<1x16xf32>
      tpu.vector_store %arg12[%swap3A_62, %swap3A_63], %swap3A_66 {strides = array<i32>} : memref<128x128xf32, #tpu.memory_space<vmem>>, vector<1x16xf32>,
      %broadcast_in_dim3A_67 = arith.constant 0.000000e+00 : f32
      %broadcast_in_dim3A_68 = vector.broadcast %broadcast_in_dim3A_67 : f32 to vector<16xf32>
      %swap3A_69 = arith.index_cast %scan3A_39 : i32 to index
      %swap3A_70 = arith.constant 64 : index
      %swap3A_71 = tpu.vector_load %arg12[%swap3A_69, %swap3A_70] {strides = array<i32>} : memref<128x128xf32, #tpu.memory_space<vmem>>, vector<1x16xf32>,
      %swap3A_72 = vector.shape_cast %swap3A_71 : vector<1x16xf32> to vector<16xf32>
      %swap3A_73 = vector.shape_cast %broadcast_in_dim3A_68 : vector<16xf32> to vector<1x16xf32>
      tpu.vector_store %arg12[%swap3A_69, %swap3A_70], %swap3A_73 {strides = array<i32>} : memref<128x128xf32, #tpu.memory_space<vmem>>, vector<1x16xf32>,
      %broadcast_in_dim3A_74 = arith.constant 0.000000e+00 : f32
      %broadcast_in_dim3A_75 = vector.broadcast %broadcast_in_dim3A_74 : f32 to vector<16xf32>
      %swap3A_76 = arith.index_cast %scan3A_39 : i32 to index
      %swap3A_77 = arith.constant 80 : index
      %swap3A_78 = tpu.vector_load %arg12[%swap3A_76, %swap3A_77] {strides = array<i32>} : memref<128x128xf32, #tpu.memory_space<vmem>>, vector<1x16xf32>,
      %swap3A_79 = vector.shape_cast %swap3A_78 : vector<1x16xf32> to vector<16xf32>
      %swap3A_80 = vector.shape_cast %broadcast_in_dim3A_75 : vector<16xf32> to vector<1x16xf32>
      tpu.vector_store %arg12[%swap3A_76, %swap3A_77], %swap3A_80 {strides = array<i32>} : memref<128x128xf32, #tpu.memory_space<vmem>>, vector<1x16xf32>,
      %broadcast_in_dim3A_81 = arith.constant 0.000000e+00 : f32
      %broadcast_in_dim3A_82 = vector.broadcast %broadcast_in_dim3A_81 : f32 to vector<16xf32>
      %swap3A_83 = arith.index_cast %scan3A_39 : i32 to index
      %swap3A_84 = arith.constant 96 : index
      %swap3A_85 = tpu.vector_load %arg12[%swap3A_83, %swap3A_84] {strides = array<i32>} : memref<128x128xf32, #tpu.memory_space<vmem>>, vector<1x16xf32>,
      %swap3A_86 = vector.shape_cast %swap3A_85 : vector<1x16xf32> to vector<16xf32>
      %swap3A_87 = vector.shape_cast %broadcast_in_dim3A_82 : vector<16xf32> to vector<1x16xf32>
      tpu.vector_store %arg12[%swap3A_83, %swap3A_84], %swap3A_87 {strides = array<i32>} : memref<128x128xf32, #tpu.memory_space<vmem>>, vector<1x16xf32>,
      %broadcast_in_dim3A_88 = arith.constant 0.000000e+00 : f32
      %broadcast_in_dim3A_89 = vector.broadcast %broadcast_in_dim3A_88 : f32 to vector<16xf32>
      %swap3A_90 = arith.index_cast %scan3A_39 : i32 to index
      %swap3A_91 = arith.constant 112 : index
      %swap3A_92 = tpu.vector_load %arg12[%swap3A_90, %swap3A_91] {strides = array<i32>} : memref<128x128xf32, #tpu.memory_space<vmem>>, vector<1x16xf32>,
      %swap3A_93 = vector.shape_cast %swap3A_92 : vector<1x16xf32> to vector<16xf32>
      %swap3A_94 = vector.shape_cast %broadcast_in_dim3A_89 : vector<16xf32> to vector<1x16xf32>
      tpu.vector_store %arg12[%swap3A_90, %swap3A_91], %swap3A_94 {strides = array<i32>} : memref<128x128xf32, #tpu.memory_space<vmem>>, vector<1x16xf32>,
      %scan3A_95 = arith.constant 0 : i32
      scf.yield %scan3A_95 : i32
    }
    %scan3A_6 = arith.constant 128 : i32
    %mul3A_7 = arith.constant 640 : i32
    %mul3A_8 = arith.muli %arg1, %mul3A_7 : i32
    %add3A_9 = arith.constant 0 : i32
    %add3A_10 = arith.addi %mul3A_8, %add3A_9 : i32
    "tpu.region"() ({
      %run_scoped3A = tpu.sem_alloc : memref<!tpu.dma_semaphore, #tpu.memory_space<semaphore_mem>>
      %dma_start3A = arith.constant 0 : i32
      %dma_start3A_39 = tpu.memref_slice %arg7[%add3A_10, %dma_start3A] : memref<10240x128xf32, #tpu.memory_space<vmem_shared>> -> memref<128x128xf32, #tpu.memory_space<vmem_shared>>
      %dma_start3A_40 = arith.constant 0 : i32
      %dma_start3A_41 = tpu.memref_slice %arg7[%add3A_10, %dma_start3A_40] : memref<10240x128xf32, #tpu.memory_space<vmem_shared>> -> memref<128x128xf32, #tpu.memory_space<vmem_shared>>
      tpu.enqueue_dma source(%arg12 : memref<128x128xf32, #tpu.memory_space<vmem>>) target(%dma_start3A_41 : memref<128x128xf32, #tpu.memory_space<vmem_shared>>) target_semaphore(%run_scoped3A : memref<!tpu.dma_semaphore, #tpu.memory_space<semaphore_mem>>)
      %dma_wait3A = arith.constant 0 : i32
      %dma_wait3A_42 = tpu.memref_slice %arg7[%add3A_10, %dma_wait3A] : memref<10240x128xf32, #tpu.memory_space<vmem_shared>> -> memref<128x128xf32, #tpu.memory_space<vmem_shared>>
      %dma_wait3A_43 = arith.constant 0 : i32
      %dma_wait3A_44 = tpu.memref_slice %arg7[%add3A_10, %dma_wait3A_43] : memref<10240x128xf32, #tpu.memory_space<vmem_shared>> -> memref<128x128xf32, #tpu.memory_space<vmem_shared>>
      tpu.wait_dma2 semaphore(%run_scoped3A : memref<!tpu.dma_semaphore, #tpu.memory_space<semaphore_mem>>) src(%arg12 : memref<128x128xf32, #tpu.memory_space<vmem>>) dst(%dma_wait3A_44 : memref<128x128xf32, #tpu.memory_space<vmem_shared>>)
      tpu.yield
    }) : () -> ()
    %mul3A_11 = arith.constant 640 : i32
    %mul3A_12 = arith.muli %arg1, %mul3A_11 : i32
    %add3A_13 = arith.constant 128 : i32
    %add3A_14 = arith.addi %mul3A_12, %add3A_13 : i32
    "tpu.region"() ({
      %run_scoped3A = tpu.sem_alloc : memref<!tpu.dma_semaphore, #tpu.memory_space<semaphore_mem>>
      %dma_start3A = arith.constant 0 : i32
      %dma_start3A_39 = tpu.memref_slice %arg7[%add3A_14, %dma_start3A] : memref<10240x128xf32, #tpu.memory_space<vmem_shared>> -> memref<128x128xf32, #tpu.memory_space<vmem_shared>>
      %dma_start3A_40 = arith.constant 0 : i32
      %dma_start3A_41 = tpu.memref_slice %arg7[%add3A_14, %dma_start3A_40] : memref<10240x128xf32, #tpu.memory_space<vmem_shared>> -> memref<128x128xf32, #tpu.memory_space<vmem_shared>>
      tpu.enqueue_dma source(%arg12 : memref<128x128xf32, #tpu.memory_space<vmem>>) target(%dma_start3A_41 : memref<128x128xf32, #tpu.memory_space<vmem_shared>>) target_semaphore(%run_scoped3A : memref<!tpu.dma_semaphore, #tpu.memory_space<semaphore_mem>>)
      %dma_wait3A = arith.constant 0 : i32
      %dma_wait3A_42 = tpu.memref_slice %arg7[%add3A_14, %dma_wait3A] : memref<10240x128xf32, #tpu.memory_space<vmem_shared>> -> memref<128x128xf32, #tpu.memory_space<vmem_shared>>
      %dma_wait3A_43 = arith.constant 0 : i32
      %dma_wait3A_44 = tpu.memref_slice %arg7[%add3A_14, %dma_wait3A_43] : memref<10240x128xf32, #tpu.memory_space<vmem_shared>> -> memref<128x128xf32, #tpu.memory_space<vmem_shared>>
      tpu.wait_dma2 semaphore(%run_scoped3A : memref<!tpu.dma_semaphore, #tpu.memory_space<semaphore_mem>>) src(%arg12 : memref<128x128xf32, #tpu.memory_space<vmem>>) dst(%dma_wait3A_44 : memref<128x128xf32, #tpu.memory_space<vmem_shared>>)
      tpu.yield
    }) : () -> ()
    %mul3A_15 = arith.constant 640 : i32
    %mul3A_16 = arith.muli %arg1, %mul3A_15 : i32
    %add3A_17 = arith.constant 256 : i32
    %add3A_18 = arith.addi %mul3A_16, %add3A_17 : i32
    "tpu.region"() ({
      %run_scoped3A = tpu.sem_alloc : memref<!tpu.dma_semaphore, #tpu.memory_space<semaphore_mem>>
      %dma_start3A = arith.constant 0 : i32
      %dma_start3A_39 = tpu.memref_slice %arg7[%add3A_18, %dma_start3A] : memref<10240x128xf32, #tpu.memory_space<vmem_shared>> -> memref<128x128xf32, #tpu.memory_space<vmem_shared>>
      %dma_start3A_40 = arith.constant 0 : i32
      %dma_start3A_41 = tpu.memref_slice %arg7[%add3A_18, %dma_start3A_40] : memref<10240x128xf32, #tpu.memory_space<vmem_shared>> -> memref<128x128xf32, #tpu.memory_space<vmem_shared>>
      tpu.enqueue_dma source(%arg12 : memref<128x128xf32, #tpu.memory_space<vmem>>) target(%dma_start3A_41 : memref<128x128xf32, #tpu.memory_space<vmem_shared>>) target_semaphore(%run_scoped3A : memref<!tpu.dma_semaphore, #tpu.memory_space<semaphore_mem>>)
      %dma_wait3A = arith.constant 0 : i32
      %dma_wait3A_42 = tpu.memref_slice %arg7[%add3A_18, %dma_wait3A] : memref<10240x128xf32, #tpu.memory_space<vmem_shared>> -> memref<128x128xf32, #tpu.memory_space<vmem_shared>>
      %dma_wait3A_43 = arith.constant 0 : i32
      %dma_wait3A_44 = tpu.memref_slice %arg7[%add3A_18, %dma_wait3A_43] : memref<10240x128xf32, #tpu.memory_space<vmem_shared>> -> memref<128x128xf32, #tpu.memory_space<vmem_shared>>
      tpu.wait_dma2 semaphore(%run_scoped3A : memref<!tpu.dma_semaphore, #tpu.memory_space<semaphore_mem>>) src(%arg12 : memref<128x128xf32, #tpu.memory_space<vmem>>) dst(%dma_wait3A_44 : memref<128x128xf32, #tpu.memory_space<vmem_shared>>)
      tpu.yield
    }) : () -> ()
    %mul3A_19 = arith.constant 640 : i32
    %mul3A_20 = arith.muli %arg1, %mul3A_19 : i32
    %add3A_21 = arith.constant 384 : i32
    %add3A_22 = arith.addi %mul3A_20, %add3A_21 : i32
    "tpu.region"() ({
      %run_scoped3A = tpu.sem_alloc : memref<!tpu.dma_semaphore, #tpu.memory_space<semaphore_mem>>
      %dma_start3A = arith.constant 0 : i32
      %dma_start3A_39 = tpu.memref_slice %arg7[%add3A_22, %dma_start3A] : memref<10240x128xf32, #tpu.memory_space<vmem_shared>> -> memref<128x128xf32, #tpu.memory_space<vmem_shared>>
      %dma_start3A_40 = arith.constant 0 : i32
      %dma_start3A_41 = tpu.memref_slice %arg7[%add3A_22, %dma_start3A_40] : memref<10240x128xf32, #tpu.memory_space<vmem_shared>> -> memref<128x128xf32, #tpu.memory_space<vmem_shared>>
      tpu.enqueue_dma source(%arg12 : memref<128x128xf32, #tpu.memory_space<vmem>>) target(%dma_start3A_41 : memref<128x128xf32, #tpu.memory_space<vmem_shared>>) target_semaphore(%run_scoped3A : memref<!tpu.dma_semaphore, #tpu.memory_space<semaphore_mem>>)
      %dma_wait3A = arith.constant 0 : i32
      %dma_wait3A_42 = tpu.memref_slice %arg7[%add3A_22, %dma_wait3A] : memref<10240x128xf32, #tpu.memory_space<vmem_shared>> -> memref<128x128xf32, #tpu.memory_space<vmem_shared>>
      %dma_wait3A_43 = arith.constant 0 : i32
      %dma_wait3A_44 = tpu.memref_slice %arg7[%add3A_22, %dma_wait3A_43] : memref<10240x128xf32, #tpu.memory_space<vmem_shared>> -> memref<128x128xf32, #tpu.memory_space<vmem_shared>>
      tpu.wait_dma2 semaphore(%run_scoped3A : memref<!tpu.dma_semaphore, #tpu.memory_space<semaphore_mem>>) src(%arg12 : memref<128x128xf32, #tpu.memory_space<vmem>>) dst(%dma_wait3A_44 : memref<128x128xf32, #tpu.memory_space<vmem_shared>>)
      tpu.yield
    }) : () -> ()
    %mul3A_23 = arith.constant 640 : i32
    %mul3A_24 = arith.muli %arg1, %mul3A_23 : i32
    %add3A_25 = arith.constant 512 : i32
    %add3A_26 = arith.addi %mul3A_24, %add3A_25 : i32
    "tpu.region"() ({
      %run_scoped3A = tpu.sem_alloc : memref<!tpu.dma_semaphore, #tpu.memory_space<semaphore_mem>>
      %dma_start3A = arith.constant 0 : i32
      %dma_start3A_39 = tpu.memref_slice %arg7[%add3A_26, %dma_start3A] : memref<10240x128xf32, #tpu.memory_space<vmem_shared>> -> memref<128x128xf32, #tpu.memory_space<vmem_shared>>
      %dma_start3A_40 = arith.constant 0 : i32
      %dma_start3A_41 = tpu.memref_slice %arg7[%add3A_26, %dma_start3A_40] : memref<10240x128xf32, #tpu.memory_space<vmem_shared>> -> memref<128x128xf32, #tpu.memory_space<vmem_shared>>
      tpu.enqueue_dma source(%arg12 : memref<128x128xf32, #tpu.memory_space<vmem>>) target(%dma_start3A_41 : memref<128x128xf32, #tpu.memory_space<vmem_shared>>) target_semaphore(%run_scoped3A : memref<!tpu.dma_semaphore, #tpu.memory_space<semaphore_mem>>)
      %dma_wait3A = arith.constant 0 : i32
      %dma_wait3A_42 = tpu.memref_slice %arg7[%add3A_26, %dma_wait3A] : memref<10240x128xf32, #tpu.memory_space<vmem_shared>> -> memref<128x128xf32, #tpu.memory_space<vmem_shared>>
      %dma_wait3A_43 = arith.constant 0 : i32
      %dma_wait3A_44 = tpu.memref_slice %arg7[%add3A_26, %dma_wait3A_43] : memref<10240x128xf32, #tpu.memory_space<vmem_shared>> -> memref<128x128xf32, #tpu.memory_space<vmem_shared>>
      tpu.wait_dma2 semaphore(%run_scoped3A : memref<!tpu.dma_semaphore, #tpu.memory_space<semaphore_mem>>) src(%arg12 : memref<128x128xf32, #tpu.memory_space<vmem>>) dst(%dma_wait3A_44 : memref<128x128xf32, #tpu.memory_space<vmem_shared>>)
      tpu.yield
    }) : () -> ()
    %barrier3A = arith.constant 0 : index
    tpu.barrier barrier_id(%barrier3A)
    %scan3A_27 = arith.constant 0 : i32
    %scan3A_28 = arith.constant 0 : i32
    %scan3A_29 = arith.constant 80 : i32
    %scan3A_30 = arith.addi %scan3A_28, %scan3A_29 : i32
    %scan3A_31 = arith.constant 1 : i32
    %scan3A_32 = scf.for %scan3A_39 = %scan3A_28 to %scan3A_30 step %scan3A_31 iter_args(%scan3A_40 = %scan3A_27) -> (i32)  : i32 {
      %mul3A_41 = arith.constant 6400 : i32
      %mul3A_42 = arith.muli %add3A, %mul3A_41 : i32
      %mul3A_43 = arith.constant 80 : i32
      %mul3A_44 = arith.muli %scan3A_39, %mul3A_43 : i32
      %add3A_45 = arith.addi %mul3A_42, %mul3A_44 : i32
      %add3A_46 = arith.constant 0 : i32
      %add3A_47 = arith.addi %add3A_46, %add3A_45 : i32
      "tpu.region"() ({
        %run_scoped3A = tpu.sem_alloc : memref<!tpu.dma_semaphore, #tpu.memory_space<semaphore_mem>>
        %dma_start3A_60 = tpu.memref_slice %arg3[%add3A_47] : memref<320000xi32, #tpu.memory_space<hbm>> -> memref<80xi32, #tpu.memory_space<hbm>>
        %dma_start3A_61 = tpu.memref_slice %arg3[%add3A_47] : memref<320000xi32, #tpu.memory_space<hbm>> -> memref<80xi32, #tpu.memory_space<hbm>>
        tpu.enqueue_dma source(%dma_start3A_61 : memref<80xi32, #tpu.memory_space<hbm>>) target(%arg8 : memref<80xi32, #tpu.memory_space<vmem>>) target_semaphore(%run_scoped3A : memref<!tpu.dma_semaphore, #tpu.memory_space<semaphore_mem>>)
        %dma_wait3A_62 = tpu.memref_slice %arg3[%add3A_47] : memref<320000xi32, #tpu.memory_space<hbm>> -> memref<80xi32, #tpu.memory_space<hbm>>
        %dma_wait3A_63 = tpu.memref_slice %arg3[%add3A_47] : memref<320000xi32, #tpu.memory_space<hbm>> -> memref<80xi32, #tpu.memory_space<hbm>>
        tpu.wait_dma2 semaphore(%run_scoped3A : memref<!tpu.dma_semaphore, #tpu.memory_space<semaphore_mem>>) src(%dma_wait3A_63 : memref<80xi32, #tpu.memory_space<hbm>>) dst(%arg8 : memref<80xi32, #tpu.memory_space<vmem>>)
        tpu.yield
      }) : () -> ()
      %dma_start3A = arith.constant 0 : i32
      %dma_start3A_48 = arith.constant 0 : i32
      %dma_start3A_49 = tpu.memref_slice %arg2[%dma_start3A, %dma_start3A_48] : memref<10000x128xf32, #tpu.memory_space<hbm>> -> memref<10000x128xf32, #tpu.memory_space<hbm>>
      tpu.enqueue_indirect_dma source(%dma_start3A_49 : memref<10000x128xf32, #tpu.memory_space<hbm>>) target(%arg11 : memref<80x128xf32, #tpu.memory_space<vmem>>) offsets(%arg8 : memref<80xi32, #tpu.memory_space<vmem>>) semaphore(%arg13 : memref<!tpu.dma_semaphore, #tpu.memory_space<semaphore_mem>>)
      "tpu.region"() ({
        %run_scoped3A = tpu.sem_alloc : memref<!tpu.dma_semaphore, #tpu.memory_space<semaphore_mem>>
        %dma_start3A_60 = arith.constant 0 : i32
        %dma_start3A_61 = tpu.memref_slice %arg5[%add3A_45, %dma_start3A_60] : memref<204800x128xf32, #tpu.memory_space<hbm>> -> memref<80x128xf32, #tpu.memory_space<hbm>>
        %dma_start3A_62 = arith.constant 0 : i32
        %dma_start3A_63 = tpu.memref_slice %arg5[%add3A_45, %dma_start3A_62] : memref<204800x128xf32, #tpu.memory_space<hbm>> -> memref<80x128xf32, #tpu.memory_space<hbm>>
        tpu.enqueue_dma source(%dma_start3A_63 : memref<80x128xf32, #tpu.memory_space<hbm>>) target(%arg10 : memref<80x128xf32, #tpu.memory_space<vmem>>) target_semaphore(%run_scoped3A : memref<!tpu.dma_semaphore, #tpu.memory_space<semaphore_mem>>)
        %dma_wait3A_64 = arith.constant 0 : i32
        %dma_wait3A_65 = tpu.memref_slice %arg5[%add3A_45, %dma_wait3A_64] : memref<204800x128xf32, #tpu.memory_space<hbm>> -> memref<80x128xf32, #tpu.memory_space<hbm>>
        %dma_wait3A_66 = arith.constant 0 : i32
        %dma_wait3A_67 = tpu.memref_slice %arg5[%add3A_45, %dma_wait3A_66] : memref<204800x128xf32, #tpu.memory_space<hbm>> -> memref<80x128xf32, #tpu.memory_space<hbm>>
        tpu.wait_dma2 semaphore(%run_scoped3A : memref<!tpu.dma_semaphore, #tpu.memory_space<semaphore_mem>>) src(%dma_wait3A_67 : memref<80x128xf32, #tpu.memory_space<hbm>>) dst(%arg10 : memref<80x128xf32, #tpu.memory_space<vmem>>)
        tpu.yield
      }) : () -> ()
      "tpu.region"() ({
        %run_scoped3A = tpu.sem_alloc : memref<!tpu.dma_semaphore, #tpu.memory_space<semaphore_mem>>
        %dma_start3A_60 = tpu.memref_slice %arg4[%add3A_47] : memref<320000xi32, #tpu.memory_space<hbm>> -> memref<80xi32, #tpu.memory_space<hbm>>
        %dma_start3A_61 = tpu.memref_slice %arg4[%add3A_47] : memref<320000xi32, #tpu.memory_space<hbm>> -> memref<80xi32, #tpu.memory_space<hbm>>
        tpu.enqueue_dma source(%dma_start3A_61 : memref<80xi32, #tpu.memory_space<hbm>>) target(%arg9 : memref<80xi32, #tpu.memory_space<vmem>>) target_semaphore(%run_scoped3A : memref<!tpu.dma_semaphore, #tpu.memory_space<semaphore_mem>>)
        %dma_wait3A_62 = tpu.memref_slice %arg4[%add3A_47] : memref<320000xi32, #tpu.memory_space<hbm>> -> memref<80xi32, #tpu.memory_space<hbm>>
        %dma_wait3A_63 = tpu.memref_slice %arg4[%add3A_47] : memref<320000xi32, #tpu.memory_space<hbm>> -> memref<80xi32, #tpu.memory_space<hbm>>
        tpu.wait_dma2 semaphore(%run_scoped3A : memref<!tpu.dma_semaphore, #tpu.memory_space<semaphore_mem>>) src(%dma_wait3A_63 : memref<80xi32, #tpu.memory_space<hbm>>) dst(%arg9 : memref<80xi32, #tpu.memory_space<vmem>>)
        tpu.yield
      }) : () -> ()
      %dma_wait3A = arith.constant 0 : i32
      %dma_wait3A_50 = arith.constant 0 : i32
      %dma_wait3A_51 = tpu.memref_slice %arg2[%dma_wait3A, %dma_wait3A_50] : memref<10000x128xf32, #tpu.memory_space<hbm>> -> memref<10000x128xf32, #tpu.memory_space<hbm>>
      tpu.wait_indirect_dma semaphore(%arg13 : memref<!tpu.dma_semaphore, #tpu.memory_space<semaphore_mem>>) src(%dma_wait3A_51 : memref<10000x128xf32, #tpu.memory_space<hbm>>) dst(%arg11 : memref<80x128xf32, #tpu.memory_space<vmem>>)
      %scan3A_52 = arith.constant 0 : i32
      %scan3A_53 = arith.constant 0 : i32
      %scan3A_54 = arith.constant 80 : i32
      %scan3A_55 = arith.addi %scan3A_53, %scan3A_54 : i32
      %scan3A_56 = arith.constant 1 : i32
      %scan3A_57 = scf.for %scan3A_60 = %scan3A_53 to %scan3A_55 step %scan3A_56 iter_args(%scan3A_61 = %scan3A_52) -> (i32)  : i32 {
        %get3A = arith.index_cast %scan3A_60 : i32 to index
        %get3A_62 = arith.constant 0 : index
        %get3A_63 = tpu.vector_load %arg11[%get3A, %get3A_62] {strides = array<i32>} : memref<80x128xf32, #tpu.memory_space<vmem>>, vector<1x16xf32>,
        %get3A_64 = vector.shape_cast %get3A_63 : vector<1x16xf32> to vector<16xf32>
        %get3A_65 = arith.index_cast %scan3A_60 : i32 to index
        %get3A_66 = arith.constant 0 : index
        %get3A_67 = tpu.vector_load %arg10[%get3A_65, %get3A_66] {strides = array<i32>} : memref<80x128xf32, #tpu.memory_space<vmem>>, vector<1x16xf32>,
        %get3A_68 = vector.shape_cast %get3A_67 : vector<1x16xf32> to vector<16xf32>
        %mul3A_69 = arith.mulf %get3A_64, %get3A_68 : vector<16xf32>
        %swap3A = arith.index_cast %scan3A_60 : i32 to index
        %swap3A_70 = arith.constant 0 : index
        %swap3A_71 = tpu.vector_load %arg11[%swap3A, %swap3A_70] {strides = array<i32>} : memref<80x128xf32, #tpu.memory_space<vmem>>, vector<1x16xf32>,
        %swap3A_72 = vector.shape_cast %swap3A_71 : vector<1x16xf32> to vector<16xf32>
        %swap3A_73 = vector.shape_cast %mul3A_69 : vector<16xf32> to vector<1x16xf32>
        tpu.vector_store %arg11[%swap3A, %swap3A_70], %swap3A_73 {strides = array<i32>} : memref<80x128xf32, #tpu.memory_space<vmem>>, vector<1x16xf32>,
        %get3A_74 = arith.index_cast %scan3A_60 : i32 to index
        %get3A_75 = arith.constant 16 : index
        %get3A_76 = tpu.vector_load %arg11[%get3A_74, %get3A_75] {strides = array<i32>} : memref<80x128xf32, #tpu.memory_space<vmem>>, vector<1x16xf32>,
        %get3A_77 = vector.shape_cast %get3A_76 : vector<1x16xf32> to vector<16xf32>
        %get3A_78 = arith.index_cast %scan3A_60 : i32 to index
        %get3A_79 = arith.constant 16 : index
        %get3A_80 = tpu.vector_load %arg10[%get3A_78, %get3A_79] {strides = array<i32>} : memref<80x128xf32, #tpu.memory_space<vmem>>, vector<1x16xf32>,
        %get3A_81 = vector.shape_cast %get3A_80 : vector<1x16xf32> to vector<16xf32>
        %mul3A_82 = arith.mulf %get3A_77, %get3A_81 : vector<16xf32>
        %swap3A_83 = arith.index_cast %scan3A_60 : i32 to index
        %swap3A_84 = arith.constant 16 : index
        %swap3A_85 = tpu.vector_load %arg11[%swap3A_83, %swap3A_84] {strides = array<i32>} : memref<80x128xf32, #tpu.memory_space<vmem>>, vector<1x16xf32>,
        %swap3A_86 = vector.shape_cast %swap3A_85 : vector<1x16xf32> to vector<16xf32>
        %swap3A_87 = vector.shape_cast %mul3A_82 : vector<16xf32> to vector<1x16xf32>
        tpu.vector_store %arg11[%swap3A_83, %swap3A_84], %swap3A_87 {strides = array<i32>} : memref<80x128xf32, #tpu.memory_space<vmem>>, vector<1x16xf32>,
        %get3A_88 = arith.index_cast %scan3A_60 : i32 to index
        %get3A_89 = arith.constant 32 : index
        %get3A_90 = tpu.vector_load %arg11[%get3A_88, %get3A_89] {strides = array<i32>} : memref<80x128xf32, #tpu.memory_space<vmem>>, vector<1x16xf32>,
        %get3A_91 = vector.shape_cast %get3A_90 : vector<1x16xf32> to vector<16xf32>
        %get3A_92 = arith.index_cast %scan3A_60 : i32 to index
        %get3A_93 = arith.constant 32 : index
        %get3A_94 = tpu.vector_load %arg10[%get3A_92, %get3A_93] {strides = array<i32>} : memref<80x128xf32, #tpu.memory_space<vmem>>, vector<1x16xf32>,
        %get3A_95 = vector.shape_cast %get3A_94 : vector<1x16xf32> to vector<16xf32>
        %mul3A_96 = arith.mulf %get3A_91, %get3A_95 : vector<16xf32>
        %swap3A_97 = arith.index_cast %scan3A_60 : i32 to index
        %swap3A_98 = arith.constant 32 : index
        %swap3A_99 = tpu.vector_load %arg11[%swap3A_97, %swap3A_98] {strides = array<i32>} : memref<80x128xf32, #tpu.memory_space<vmem>>, vector<1x16xf32>,
        %swap3A_100 = vector.shape_cast %swap3A_99 : vector<1x16xf32> to vector<16xf32>
        %swap3A_101 = vector.shape_cast %mul3A_96 : vector<16xf32> to vector<1x16xf32>
        tpu.vector_store %arg11[%swap3A_97, %swap3A_98], %swap3A_101 {strides = array<i32>} : memref<80x128xf32, #tpu.memory_space<vmem>>, vector<1x16xf32>,
        %get3A_102 = arith.index_cast %scan3A_60 : i32 to index
        %get3A_103 = arith.constant 48 : index
        %get3A_104 = tpu.vector_load %arg11[%get3A_102, %get3A_103] {strides = array<i32>} : memref<80x128xf32, #tpu.memory_space<vmem>>, vector<1x16xf32>,
        %get3A_105 = vector.shape_cast %get3A_104 : vector<1x16xf32> to vector<16xf32>
        %get3A_106 = arith.index_cast %scan3A_60 : i32 to index
        %get3A_107 = arith.constant 48 : index
        %get3A_108 = tpu.vector_load %arg10[%get3A_106, %get3A_107] {strides = array<i32>} : memref<80x128xf32, #tpu.memory_space<vmem>>, vector<1x16xf32>,
        %get3A_109 = vector.shape_cast %get3A_108 : vector<1x16xf32> to vector<16xf32>
        %mul3A_110 = arith.mulf %get3A_105, %get3A_109 : vector<16xf32>
        %swap3A_111 = arith.index_cast %scan3A_60 : i32 to index
        %swap3A_112 = arith.constant 48 : index
        %swap3A_113 = tpu.vector_load %arg11[%swap3A_111, %swap3A_112] {strides = array<i32>} : memref<80x128xf32, #tpu.memory_space<vmem>>, vector<1x16xf32>,
        %swap3A_114 = vector.shape_cast %swap3A_113 : vector<1x16xf32> to vector<16xf32>
        %swap3A_115 = vector.shape_cast %mul3A_110 : vector<16xf32> to vector<1x16xf32>
        tpu.vector_store %arg11[%swap3A_111, %swap3A_112], %swap3A_115 {strides = array<i32>} : memref<80x128xf32, #tpu.memory_space<vmem>>, vector<1x16xf32>,
        %get3A_116 = arith.index_cast %scan3A_60 : i32 to index
        %get3A_117 = arith.constant 64 : index
        %get3A_118 = tpu.vector_load %arg11[%get3A_116, %get3A_117] {strides = array<i32>} : memref<80x128xf32, #tpu.memory_space<vmem>>, vector<1x16xf32>,
        %get3A_119 = vector.shape_cast %get3A_118 : vector<1x16xf32> to vector<16xf32>
        %get3A_120 = arith.index_cast %scan3A_60 : i32 to index
        %get3A_121 = arith.constant 64 : index
        %get3A_122 = tpu.vector_load %arg10[%get3A_120, %get3A_121] {strides = array<i32>} : memref<80x128xf32, #tpu.memory_space<vmem>>, vector<1x16xf32>,
        %get3A_123 = vector.shape_cast %get3A_122 : vector<1x16xf32> to vector<16xf32>
        %mul3A_124 = arith.mulf %get3A_119, %get3A_123 : vector<16xf32>
        %swap3A_125 = arith.index_cast %scan3A_60 : i32 to index
        %swap3A_126 = arith.constant 64 : index
        %swap3A_127 = tpu.vector_load %arg11[%swap3A_125, %swap3A_126] {strides = array<i32>} : memref<80x128xf32, #tpu.memory_space<vmem>>, vector<1x16xf32>,
        %swap3A_128 = vector.shape_cast %swap3A_127 : vector<1x16xf32> to vector<16xf32>
        %swap3A_129 = vector.shape_cast %mul3A_124 : vector<16xf32> to vector<1x16xf32>
        tpu.vector_store %arg11[%swap3A_125, %swap3A_126], %swap3A_129 {strides = array<i32>} : memref<80x128xf32, #tpu.memory_space<vmem>>, vector<1x16xf32>,
        %get3A_130 = arith.index_cast %scan3A_60 : i32 to index
        %get3A_131 = arith.constant 80 : index
        %get3A_132 = tpu.vector_load %arg11[%get3A_130, %get3A_131] {strides = array<i32>} : memref<80x128xf32, #tpu.memory_space<vmem>>, vector<1x16xf32>,
        %get3A_133 = vector.shape_cast %get3A_132 : vector<1x16xf32> to vector<16xf32>
        %get3A_134 = arith.index_cast %scan3A_60 : i32 to index
        %get3A_135 = arith.constant 80 : index
        %get3A_136 = tpu.vector_load %arg10[%get3A_134, %get3A_135] {strides = array<i32>} : memref<80x128xf32, #tpu.memory_space<vmem>>, vector<1x16xf32>,
        %get3A_137 = vector.shape_cast %get3A_136 : vector<1x16xf32> to vector<16xf32>
        %mul3A_138 = arith.mulf %get3A_133, %get3A_137 : vector<16xf32>
        %swap3A_139 = arith.index_cast %scan3A_60 : i32 to index
        %swap3A_140 = arith.constant 80 : index
        %swap3A_141 = tpu.vector_load %arg11[%swap3A_139, %swap3A_140] {strides = array<i32>} : memref<80x128xf32, #tpu.memory_space<vmem>>, vector<1x16xf32>,
        %swap3A_142 = vector.shape_cast %swap3A_141 : vector<1x16xf32> to vector<16xf32>
        %swap3A_143 = vector.shape_cast %mul3A_138 : vector<16xf32> to vector<1x16xf32>
        tpu.vector_store %arg11[%swap3A_139, %swap3A_140], %swap3A_143 {strides = array<i32>} : memref<80x128xf32, #tpu.memory_space<vmem>>, vector<1x16xf32>,
        %get3A_144 = arith.index_cast %scan3A_60 : i32 to index
        %get3A_145 = arith.constant 96 : index
        %get3A_146 = tpu.vector_load %arg11[%get3A_144, %get3A_145] {strides = array<i32>} : memref<80x128xf32, #tpu.memory_space<vmem>>, vector<1x16xf32>,
        %get3A_147 = vector.shape_cast %get3A_146 : vector<1x16xf32> to vector<16xf32>
        %get3A_148 = arith.index_cast %scan3A_60 : i32 to index
        %get3A_149 = arith.constant 96 : index
        %get3A_150 = tpu.vector_load %arg10[%get3A_148, %get3A_149] {strides = array<i32>} : memref<80x128xf32, #tpu.memory_space<vmem>>, vector<1x16xf32>,
        %get3A_151 = vector.shape_cast %get3A_150 : vector<1x16xf32> to vector<16xf32>
        %mul3A_152 = arith.mulf %get3A_147, %get3A_151 : vector<16xf32>
        %swap3A_153 = arith.index_cast %scan3A_60 : i32 to index
        %swap3A_154 = arith.constant 96 : index
        %swap3A_155 = tpu.vector_load %arg11[%swap3A_153, %swap3A_154] {strides = array<i32>} : memref<80x128xf32, #tpu.memory_space<vmem>>, vector<1x16xf32>,
        %swap3A_156 = vector.shape_cast %swap3A_155 : vector<1x16xf32> to vector<16xf32>
        %swap3A_157 = vector.shape_cast %mul3A_152 : vector<16xf32> to vector<1x16xf32>
        tpu.vector_store %arg11[%swap3A_153, %swap3A_154], %swap3A_157 {strides = array<i32>} : memref<80x128xf32, #tpu.memory_space<vmem>>, vector<1x16xf32>,
        %get3A_158 = arith.index_cast %scan3A_60 : i32 to index
        %get3A_159 = arith.constant 112 : index
        %get3A_160 = tpu.vector_load %arg11[%get3A_158, %get3A_159] {strides = array<i32>} : memref<80x128xf32, #tpu.memory_space<vmem>>, vector<1x16xf32>,
        %get3A_161 = vector.shape_cast %get3A_160 : vector<1x16xf32> to vector<16xf32>
        %get3A_162 = arith.index_cast %scan3A_60 : i32 to index
        %get3A_163 = arith.constant 112 : index
        %get3A_164 = tpu.vector_load %arg10[%get3A_162, %get3A_163] {strides = array<i32>} : memref<80x128xf32, #tpu.memory_space<vmem>>, vector<1x16xf32>,
        %get3A_165 = vector.shape_cast %get3A_164 : vector<1x16xf32> to vector<16xf32>
        %mul3A_166 = arith.mulf %get3A_161, %get3A_165 : vector<16xf32>
        %swap3A_167 = arith.index_cast %scan3A_60 : i32 to index
        %swap3A_168 = arith.constant 112 : index
        %swap3A_169 = tpu.vector_load %arg11[%swap3A_167, %swap3A_168] {strides = array<i32>} : memref<80x128xf32, #tpu.memory_space<vmem>>, vector<1x16xf32>,
        %swap3A_170 = vector.shape_cast %swap3A_169 : vector<1x16xf32> to vector<16xf32>
        %swap3A_171 = vector.shape_cast %mul3A_166 : vector<16xf32> to vector<1x16xf32>
        tpu.vector_store %arg11[%swap3A_167, %swap3A_168], %swap3A_171 {strides = array<i32>} : memref<80x128xf32, #tpu.memory_space<vmem>>, vector<1x16xf32>,
        %scan3A_172 = arith.constant 0 : i32
        scf.yield %scan3A_172 : i32
      }
      %scan3A_58 = arith.constant 80 : i32
      "tpu.region"() ({
        %run_scoped3A = tpu.sem_alloc : memref<!tpu.dma_semaphore, #tpu.memory_space<semaphore_mem>>
        %dma_start3A_60 = arith.constant 0 : i32
        %dma_start3A_61 = arith.constant 0 : i32
        %dma_start3A_62 = tpu.memref_slice %arg7[%dma_start3A_60, %dma_start3A_61] : memref<10240x128xf32, #tpu.memory_space<vmem_shared>> -> memref<10240x128xf32, #tpu.memory_space<vmem_shared>>
        tpu.enqueue_indirect_dma source(%arg11 : memref<80x128xf32, #tpu.memory_space<vmem>>) target(%dma_start3A_62 : memref<10240x128xf32, #tpu.memory_space<vmem_shared>>) offsets(%arg9 : memref<80xi32, #tpu.memory_space<vmem>>) semaphore(%run_scoped3A : memref<!tpu.dma_semaphore, #tpu.memory_space<semaphore_mem>>) {add = true}
        %dma_wait3A_63 = arith.constant 0 : i32
        %dma_wait3A_64 = arith.constant 0 : i32
        %dma_wait3A_65 = tpu.memref_slice %arg7[%dma_wait3A_63, %dma_wait3A_64] : memref<10240x128xf32, #tpu.memory_space<vmem_shared>> -> memref<10240x128xf32, #tpu.memory_space<vmem_shared>>
        tpu.wait_indirect_dma semaphore(%run_scoped3A : memref<!tpu.dma_semaphore, #tpu.memory_space<semaphore_mem>>) src(%arg11 : memref<80x128xf32, #tpu.memory_space<vmem>>) dst(%dma_wait3A_65 : memref<10240x128xf32, #tpu.memory_space<vmem_shared>>)
        tpu.yield
      }) : () -> ()
      %scan3A_59 = arith.constant 0 : i32
      scf.yield %scan3A_59 : i32
    }
    %scan3A_33 = arith.constant 80 : i32
    %barrier3A_34 = arith.constant 0 : index
    tpu.barrier barrier_id(%barrier3A_34)
    %mul3A_35 = arith.constant 640 : i32
    %mul3A_36 = arith.muli %arg1, %mul3A_35 : i32
    %mul3A_37 = arith.constant 640 : i32
    %mul3A_38 = arith.muli %arg1, %mul3A_37 : i32
    "tpu.region"() ({
      %run_scoped3A = tpu.sem_alloc : memref<!tpu.dma_semaphore, #tpu.memory_space<semaphore_mem>>
      %dma_start3A = arith.constant 0 : i32
      %dma_start3A_39 = tpu.memref_slice %arg6[%arg0, %mul3A_38, %dma_start3A] : memref<2x10240x128xf32, #tpu.memory_space<hbm>> -> memref<1x640x128xf32, #tpu.memory_space<hbm>>
      %dma_start3A_40 = tpu.memref_squeeze %dma_start3A_39 : memref<1x640x128xf32, #tpu.memory_space<hbm>> -> memref<640x128xf32, #tpu.memory_space<hbm>>
      %dma_start3A_41 = arith.constant 0 : i32
      %dma_start3A_42 = tpu.memref_slice %arg7[%mul3A_36, %dma_start3A_41] : memref<10240x128xf32, #tpu.memory_space<vmem_shared>> -> memref<640x128xf32, #tpu.memory_space<vmem_shared>>
      tpu.enqueue_dma source(%dma_start3A_42 : memref<640x128xf32, #tpu.memory_space<vmem_shared>>) target(%dma_start3A_40 : memref<640x128xf32, #tpu.memory_space<hbm>>) target_semaphore(%run_scoped3A : memref<!tpu.dma_semaphore, #tpu.memory_space<semaphore_mem>>)
      %dma_wait3A = arith.constant 0 : i32
      %dma_wait3A_43 = tpu.memref_slice %arg6[%arg0, %mul3A_38, %dma_wait3A] : memref<2x10240x128xf32, #tpu.memory_space<hbm>> -> memref<1x640x128xf32, #tpu.memory_space<hbm>>
      %dma_wait3A_44 = tpu.memref_squeeze %dma_wait3A_43 : memref<1x640x128xf32, #tpu.memory_space<hbm>> -> memref<640x128xf32, #tpu.memory_space<hbm>>
      %dma_wait3A_45 = arith.constant 0 : i32
      %dma_wait3A_46 = tpu.memref_slice %arg7[%mul3A_36, %dma_wait3A_45] : memref<10240x128xf32, #tpu.memory_space<vmem_shared>> -> memref<640x128xf32, #tpu.memory_space<vmem_shared>>
      tpu.wait_dma2 semaphore(%run_scoped3A : memref<!tpu.dma_semaphore, #tpu.memory_space<semaphore_mem>>) src(%dma_wait3A_46 : memref<640x128xf32, #tpu.memory_space<vmem_shared>>) dst(%dma_wait3A_44 : memref<640x128xf32, #tpu.memory_space<hbm>>)
      tpu.yield
    }) : () -> ()
    return
  }
}

#map = affine_map<(d0, d1) -> (0, 0)>
#map1 = affine_map<(d0, d1) -> (0)>
#map2 = affine_map<(d0, d1) -> (0, 0, 0)>
module attributes {stable_mosaic.version = 14 : i64} {
  func.func @_sc_segment_body(%arg0: i32, %arg1: i32, %arg2: memref<10240x128xf32, #tpu.memory_space<hbm>>, %arg3: memref<320000xi32, #tpu.memory_space<hbm>>, %arg4: memref<320000xi32, #tpu.memory_space<hbm>>, %arg5: memref<128000x128xf32, #tpu.memory_space<hbm>>, %arg6: memref<2x10240x128xf32, #tpu.memory_space<hbm>>, %arg7: memref<10240x128xf32, #tpu.memory_space<vmem_shared>>, %arg8: memref<80xi32, #tpu.memory_space<vmem>>, %arg9: memref<80xi32, #tpu.memory_space<vmem>>, %arg10: memref<80x128xf32, #tpu.memory_space<vmem>>, %arg11: memref<80x128xf32, #tpu.memory_space<vmem>>, %arg12: memref<128x128xf32, #tpu.memory_space<vmem>>, %arg13: memref<!tpu.dma_semaphore, #tpu.memory_space<semaphore_mem>>) attributes {dimension_semantics = [#tpu.dimension_semantics<core_parallel>, #tpu.dimension_semantics<subcore_parallel>], iteration_bounds = array<i64: 2, 16>, scalar_prefetch = 0 : i64, scratch_operands = 7 : i64, tpu.core_type = #tpu.core_type<sc_vector_subcore>, window_params = [{transform_indices = #map}, {transform_indices = #map1}, {transform_indices = #map1}, {transform_indices = #map}, {transform_indices = #map2}]} {
    %mul3A = arith.constant 16 : i32
    %mul3A_0 = arith.muli %arg0, %mul3A : i32
    %add3A = arith.addi %mul3A_0, %arg1 : i32
    %scan3A = arith.constant 0 : i32
    %scan3A_1 = arith.constant 0 : i32
    %scan3A_2 = arith.constant 128 : i32
    %scan3A_3 = arith.addi %scan3A_1, %scan3A_2 : i32
    %scan3A_4 = arith.constant 1 : i32
    %scan3A_5 = scf.for %scan3A_39 = %scan3A_1 to %scan3A_3 step %scan3A_4 iter_args(%scan3A_40 = %scan3A) -> (i32)  : i32 {
      %broadcast_in_dim3A = arith.constant 0.000000e+00 : f32
      %broadcast_in_dim3A_41 = vector.broadcast %broadcast_in_dim3A : f32 to vector<16xf32>
      %swap3A = arith.index_cast %scan3A_39 : i32 to index
      %swap3A_42 = arith.constant 0 : index
      %swap3A_43 = tpu.vector_load %arg12[%swap3A, %swap3A_42] {strides = array<i32>} : memref<128x128xf32, #tpu.memory_space<vmem>>, vector<1x16xf32>,
      %swap3A_44 = vector.shape_cast %swap3A_43 : vector<1x16xf32> to vector<16xf32>
      %swap3A_45 = vector.shape_cast %broadcast_in_dim3A_41 : vector<16xf32> to vector<1x16xf32>
      tpu.vector_store %arg12[%swap3A, %swap3A_42], %swap3A_45 {strides = array<i32>} : memref<128x128xf32, #tpu.memory_space<vmem>>, vector<1x16xf32>,
      %broadcast_in_dim3A_46 = arith.constant 0.000000e+00 : f32
      %broadcast_in_dim3A_47 = vector.broadcast %broadcast_in_dim3A_46 : f32 to vector<16xf32>
      %swap3A_48 = arith.index_cast %scan3A_39 : i32 to index
      %swap3A_49 = arith.constant 16 : index
      %swap3A_50 = tpu.vector_load %arg12[%swap3A_48, %swap3A_49] {strides = array<i32>} : memref<128x128xf32, #tpu.memory_space<vmem>>, vector<1x16xf32>,
      %swap3A_51 = vector.shape_cast %swap3A_50 : vector<1x16xf32> to vector<16xf32>
      %swap3A_52 = vector.shape_cast %broadcast_in_dim3A_47 : vector<16xf32> to vector<1x16xf32>
      tpu.vector_store %arg12[%swap3A_48, %swap3A_49], %swap3A_52 {strides = array<i32>} : memref<128x128xf32, #tpu.memory_space<vmem>>, vector<1x16xf32>,
      %broadcast_in_dim3A_53 = arith.constant 0.000000e+00 : f32
      %broadcast_in_dim3A_54 = vector.broadcast %broadcast_in_dim3A_53 : f32 to vector<16xf32>
      %swap3A_55 = arith.index_cast %scan3A_39 : i32 to index
      %swap3A_56 = arith.constant 32 : index
      %swap3A_57 = tpu.vector_load %arg12[%swap3A_55, %swap3A_56] {strides = array<i32>} : memref<128x128xf32, #tpu.memory_space<vmem>>, vector<1x16xf32>,
      %swap3A_58 = vector.shape_cast %swap3A_57 : vector<1x16xf32> to vector<16xf32>
      %swap3A_59 = vector.shape_cast %broadcast_in_dim3A_54 : vector<16xf32> to vector<1x16xf32>
      tpu.vector_store %arg12[%swap3A_55, %swap3A_56], %swap3A_59 {strides = array<i32>} : memref<128x128xf32, #tpu.memory_space<vmem>>, vector<1x16xf32>,
      %broadcast_in_dim3A_60 = arith.constant 0.000000e+00 : f32
      %broadcast_in_dim3A_61 = vector.broadcast %broadcast_in_dim3A_60 : f32 to vector<16xf32>
      %swap3A_62 = arith.index_cast %scan3A_39 : i32 to index
      %swap3A_63 = arith.constant 48 : index
      %swap3A_64 = tpu.vector_load %arg12[%swap3A_62, %swap3A_63] {strides = array<i32>} : memref<128x128xf32, #tpu.memory_space<vmem>>, vector<1x16xf32>,
      %swap3A_65 = vector.shape_cast %swap3A_64 : vector<1x16xf32> to vector<16xf32>
      %swap3A_66 = vector.shape_cast %broadcast_in_dim3A_61 : vector<16xf32> to vector<1x16xf32>
      tpu.vector_store %arg12[%swap3A_62, %swap3A_63], %swap3A_66 {strides = array<i32>} : memref<128x128xf32, #tpu.memory_space<vmem>>, vector<1x16xf32>,
      %broadcast_in_dim3A_67 = arith.constant 0.000000e+00 : f32
      %broadcast_in_dim3A_68 = vector.broadcast %broadcast_in_dim3A_67 : f32 to vector<16xf32>
      %swap3A_69 = arith.index_cast %scan3A_39 : i32 to index
      %swap3A_70 = arith.constant 64 : index
      %swap3A_71 = tpu.vector_load %arg12[%swap3A_69, %swap3A_70] {strides = array<i32>} : memref<128x128xf32, #tpu.memory_space<vmem>>, vector<1x16xf32>,
      %swap3A_72 = vector.shape_cast %swap3A_71 : vector<1x16xf32> to vector<16xf32>
      %swap3A_73 = vector.shape_cast %broadcast_in_dim3A_68 : vector<16xf32> to vector<1x16xf32>
      tpu.vector_store %arg12[%swap3A_69, %swap3A_70], %swap3A_73 {strides = array<i32>} : memref<128x128xf32, #tpu.memory_space<vmem>>, vector<1x16xf32>,
      %broadcast_in_dim3A_74 = arith.constant 0.000000e+00 : f32
      %broadcast_in_dim3A_75 = vector.broadcast %broadcast_in_dim3A_74 : f32 to vector<16xf32>
      %swap3A_76 = arith.index_cast %scan3A_39 : i32 to index
      %swap3A_77 = arith.constant 80 : index
      %swap3A_78 = tpu.vector_load %arg12[%swap3A_76, %swap3A_77] {strides = array<i32>} : memref<128x128xf32, #tpu.memory_space<vmem>>, vector<1x16xf32>,
      %swap3A_79 = vector.shape_cast %swap3A_78 : vector<1x16xf32> to vector<16xf32>
      %swap3A_80 = vector.shape_cast %broadcast_in_dim3A_75 : vector<16xf32> to vector<1x16xf32>
      tpu.vector_store %arg12[%swap3A_76, %swap3A_77], %swap3A_80 {strides = array<i32>} : memref<128x128xf32, #tpu.memory_space<vmem>>, vector<1x16xf32>,
      %broadcast_in_dim3A_81 = arith.constant 0.000000e+00 : f32
      %broadcast_in_dim3A_82 = vector.broadcast %broadcast_in_dim3A_81 : f32 to vector<16xf32>
      %swap3A_83 = arith.index_cast %scan3A_39 : i32 to index
      %swap3A_84 = arith.constant 96 : index
      %swap3A_85 = tpu.vector_load %arg12[%swap3A_83, %swap3A_84] {strides = array<i32>} : memref<128x128xf32, #tpu.memory_space<vmem>>, vector<1x16xf32>,
      %swap3A_86 = vector.shape_cast %swap3A_85 : vector<1x16xf32> to vector<16xf32>
      %swap3A_87 = vector.shape_cast %broadcast_in_dim3A_82 : vector<16xf32> to vector<1x16xf32>
      tpu.vector_store %arg12[%swap3A_83, %swap3A_84], %swap3A_87 {strides = array<i32>} : memref<128x128xf32, #tpu.memory_space<vmem>>, vector<1x16xf32>,
      %broadcast_in_dim3A_88 = arith.constant 0.000000e+00 : f32
      %broadcast_in_dim3A_89 = vector.broadcast %broadcast_in_dim3A_88 : f32 to vector<16xf32>
      %swap3A_90 = arith.index_cast %scan3A_39 : i32 to index
      %swap3A_91 = arith.constant 112 : index
      %swap3A_92 = tpu.vector_load %arg12[%swap3A_90, %swap3A_91] {strides = array<i32>} : memref<128x128xf32, #tpu.memory_space<vmem>>, vector<1x16xf32>,
      %swap3A_93 = vector.shape_cast %swap3A_92 : vector<1x16xf32> to vector<16xf32>
      %swap3A_94 = vector.shape_cast %broadcast_in_dim3A_89 : vector<16xf32> to vector<1x16xf32>
      tpu.vector_store %arg12[%swap3A_90, %swap3A_91], %swap3A_94 {strides = array<i32>} : memref<128x128xf32, #tpu.memory_space<vmem>>, vector<1x16xf32>,
      %scan3A_95 = arith.constant 0 : i32
      scf.yield %scan3A_95 : i32
    }
    %scan3A_6 = arith.constant 128 : i32
    %mul3A_7 = arith.constant 640 : i32
    %mul3A_8 = arith.muli %arg1, %mul3A_7 : i32
    %add3A_9 = arith.constant 0 : i32
    %add3A_10 = arith.addi %mul3A_8, %add3A_9 : i32
    "tpu.region"() ({
      %run_scoped3A = tpu.sem_alloc : memref<!tpu.dma_semaphore, #tpu.memory_space<semaphore_mem>>
      %dma_start3A = arith.constant 0 : i32
      %dma_start3A_39 = tpu.memref_slice %arg7[%add3A_10, %dma_start3A] : memref<10240x128xf32, #tpu.memory_space<vmem_shared>> -> memref<128x128xf32, #tpu.memory_space<vmem_shared>>
      %dma_start3A_40 = arith.constant 0 : i32
      %dma_start3A_41 = tpu.memref_slice %arg7[%add3A_10, %dma_start3A_40] : memref<10240x128xf32, #tpu.memory_space<vmem_shared>> -> memref<128x128xf32, #tpu.memory_space<vmem_shared>>
      tpu.enqueue_dma source(%arg12 : memref<128x128xf32, #tpu.memory_space<vmem>>) target(%dma_start3A_41 : memref<128x128xf32, #tpu.memory_space<vmem_shared>>) target_semaphore(%run_scoped3A : memref<!tpu.dma_semaphore, #tpu.memory_space<semaphore_mem>>)
      %dma_wait3A = arith.constant 0 : i32
      %dma_wait3A_42 = tpu.memref_slice %arg7[%add3A_10, %dma_wait3A] : memref<10240x128xf32, #tpu.memory_space<vmem_shared>> -> memref<128x128xf32, #tpu.memory_space<vmem_shared>>
      %dma_wait3A_43 = arith.constant 0 : i32
      %dma_wait3A_44 = tpu.memref_slice %arg7[%add3A_10, %dma_wait3A_43] : memref<10240x128xf32, #tpu.memory_space<vmem_shared>> -> memref<128x128xf32, #tpu.memory_space<vmem_shared>>
      tpu.wait_dma2 semaphore(%run_scoped3A : memref<!tpu.dma_semaphore, #tpu.memory_space<semaphore_mem>>) src(%arg12 : memref<128x128xf32, #tpu.memory_space<vmem>>) dst(%dma_wait3A_44 : memref<128x128xf32, #tpu.memory_space<vmem_shared>>)
      tpu.yield
    }) : () -> ()
    %mul3A_11 = arith.constant 640 : i32
    %mul3A_12 = arith.muli %arg1, %mul3A_11 : i32
    %add3A_13 = arith.constant 128 : i32
    %add3A_14 = arith.addi %mul3A_12, %add3A_13 : i32
    "tpu.region"() ({
      %run_scoped3A = tpu.sem_alloc : memref<!tpu.dma_semaphore, #tpu.memory_space<semaphore_mem>>
      %dma_start3A = arith.constant 0 : i32
      %dma_start3A_39 = tpu.memref_slice %arg7[%add3A_14, %dma_start3A] : memref<10240x128xf32, #tpu.memory_space<vmem_shared>> -> memref<128x128xf32, #tpu.memory_space<vmem_shared>>
      %dma_start3A_40 = arith.constant 0 : i32
      %dma_start3A_41 = tpu.memref_slice %arg7[%add3A_14, %dma_start3A_40] : memref<10240x128xf32, #tpu.memory_space<vmem_shared>> -> memref<128x128xf32, #tpu.memory_space<vmem_shared>>
      tpu.enqueue_dma source(%arg12 : memref<128x128xf32, #tpu.memory_space<vmem>>) target(%dma_start3A_41 : memref<128x128xf32, #tpu.memory_space<vmem_shared>>) target_semaphore(%run_scoped3A : memref<!tpu.dma_semaphore, #tpu.memory_space<semaphore_mem>>)
      %dma_wait3A = arith.constant 0 : i32
      %dma_wait3A_42 = tpu.memref_slice %arg7[%add3A_14, %dma_wait3A] : memref<10240x128xf32, #tpu.memory_space<vmem_shared>> -> memref<128x128xf32, #tpu.memory_space<vmem_shared>>
      %dma_wait3A_43 = arith.constant 0 : i32
      %dma_wait3A_44 = tpu.memref_slice %arg7[%add3A_14, %dma_wait3A_43] : memref<10240x128xf32, #tpu.memory_space<vmem_shared>> -> memref<128x128xf32, #tpu.memory_space<vmem_shared>>
      tpu.wait_dma2 semaphore(%run_scoped3A : memref<!tpu.dma_semaphore, #tpu.memory_space<semaphore_mem>>) src(%arg12 : memref<128x128xf32, #tpu.memory_space<vmem>>) dst(%dma_wait3A_44 : memref<128x128xf32, #tpu.memory_space<vmem_shared>>)
      tpu.yield
    }) : () -> ()
    %mul3A_15 = arith.constant 640 : i32
    %mul3A_16 = arith.muli %arg1, %mul3A_15 : i32
    %add3A_17 = arith.constant 256 : i32
    %add3A_18 = arith.addi %mul3A_16, %add3A_17 : i32
    "tpu.region"() ({
      %run_scoped3A = tpu.sem_alloc : memref<!tpu.dma_semaphore, #tpu.memory_space<semaphore_mem>>
      %dma_start3A = arith.constant 0 : i32
      %dma_start3A_39 = tpu.memref_slice %arg7[%add3A_18, %dma_start3A] : memref<10240x128xf32, #tpu.memory_space<vmem_shared>> -> memref<128x128xf32, #tpu.memory_space<vmem_shared>>
      %dma_start3A_40 = arith.constant 0 : i32
      %dma_start3A_41 = tpu.memref_slice %arg7[%add3A_18, %dma_start3A_40] : memref<10240x128xf32, #tpu.memory_space<vmem_shared>> -> memref<128x128xf32, #tpu.memory_space<vmem_shared>>
      tpu.enqueue_dma source(%arg12 : memref<128x128xf32, #tpu.memory_space<vmem>>) target(%dma_start3A_41 : memref<128x128xf32, #tpu.memory_space<vmem_shared>>) target_semaphore(%run_scoped3A : memref<!tpu.dma_semaphore, #tpu.memory_space<semaphore_mem>>)
      %dma_wait3A = arith.constant 0 : i32
      %dma_wait3A_42 = tpu.memref_slice %arg7[%add3A_18, %dma_wait3A] : memref<10240x128xf32, #tpu.memory_space<vmem_shared>> -> memref<128x128xf32, #tpu.memory_space<vmem_shared>>
      %dma_wait3A_43 = arith.constant 0 : i32
      %dma_wait3A_44 = tpu.memref_slice %arg7[%add3A_18, %dma_wait3A_43] : memref<10240x128xf32, #tpu.memory_space<vmem_shared>> -> memref<128x128xf32, #tpu.memory_space<vmem_shared>>
      tpu.wait_dma2 semaphore(%run_scoped3A : memref<!tpu.dma_semaphore, #tpu.memory_space<semaphore_mem>>) src(%arg12 : memref<128x128xf32, #tpu.memory_space<vmem>>) dst(%dma_wait3A_44 : memref<128x128xf32, #tpu.memory_space<vmem_shared>>)
      tpu.yield
    }) : () -> ()
    %mul3A_19 = arith.constant 640 : i32
    %mul3A_20 = arith.muli %arg1, %mul3A_19 : i32
    %add3A_21 = arith.constant 384 : i32
    %add3A_22 = arith.addi %mul3A_20, %add3A_21 : i32
    "tpu.region"() ({
      %run_scoped3A = tpu.sem_alloc : memref<!tpu.dma_semaphore, #tpu.memory_space<semaphore_mem>>
      %dma_start3A = arith.constant 0 : i32
      %dma_start3A_39 = tpu.memref_slice %arg7[%add3A_22, %dma_start3A] : memref<10240x128xf32, #tpu.memory_space<vmem_shared>> -> memref<128x128xf32, #tpu.memory_space<vmem_shared>>
      %dma_start3A_40 = arith.constant 0 : i32
      %dma_start3A_41 = tpu.memref_slice %arg7[%add3A_22, %dma_start3A_40] : memref<10240x128xf32, #tpu.memory_space<vmem_shared>> -> memref<128x128xf32, #tpu.memory_space<vmem_shared>>
      tpu.enqueue_dma source(%arg12 : memref<128x128xf32, #tpu.memory_space<vmem>>) target(%dma_start3A_41 : memref<128x128xf32, #tpu.memory_space<vmem_shared>>) target_semaphore(%run_scoped3A : memref<!tpu.dma_semaphore, #tpu.memory_space<semaphore_mem>>)
      %dma_wait3A = arith.constant 0 : i32
      %dma_wait3A_42 = tpu.memref_slice %arg7[%add3A_22, %dma_wait3A] : memref<10240x128xf32, #tpu.memory_space<vmem_shared>> -> memref<128x128xf32, #tpu.memory_space<vmem_shared>>
      %dma_wait3A_43 = arith.constant 0 : i32
      %dma_wait3A_44 = tpu.memref_slice %arg7[%add3A_22, %dma_wait3A_43] : memref<10240x128xf32, #tpu.memory_space<vmem_shared>> -> memref<128x128xf32, #tpu.memory_space<vmem_shared>>
      tpu.wait_dma2 semaphore(%run_scoped3A : memref<!tpu.dma_semaphore, #tpu.memory_space<semaphore_mem>>) src(%arg12 : memref<128x128xf32, #tpu.memory_space<vmem>>) dst(%dma_wait3A_44 : memref<128x128xf32, #tpu.memory_space<vmem_shared>>)
      tpu.yield
    }) : () -> ()
    %mul3A_23 = arith.constant 640 : i32
    %mul3A_24 = arith.muli %arg1, %mul3A_23 : i32
    %add3A_25 = arith.constant 512 : i32
    %add3A_26 = arith.addi %mul3A_24, %add3A_25 : i32
    "tpu.region"() ({
      %run_scoped3A = tpu.sem_alloc : memref<!tpu.dma_semaphore, #tpu.memory_space<semaphore_mem>>
      %dma_start3A = arith.constant 0 : i32
      %dma_start3A_39 = tpu.memref_slice %arg7[%add3A_26, %dma_start3A] : memref<10240x128xf32, #tpu.memory_space<vmem_shared>> -> memref<128x128xf32, #tpu.memory_space<vmem_shared>>
      %dma_start3A_40 = arith.constant 0 : i32
      %dma_start3A_41 = tpu.memref_slice %arg7[%add3A_26, %dma_start3A_40] : memref<10240x128xf32, #tpu.memory_space<vmem_shared>> -> memref<128x128xf32, #tpu.memory_space<vmem_shared>>
      tpu.enqueue_dma source(%arg12 : memref<128x128xf32, #tpu.memory_space<vmem>>) target(%dma_start3A_41 : memref<128x128xf32, #tpu.memory_space<vmem_shared>>) target_semaphore(%run_scoped3A : memref<!tpu.dma_semaphore, #tpu.memory_space<semaphore_mem>>)
      %dma_wait3A = arith.constant 0 : i32
      %dma_wait3A_42 = tpu.memref_slice %arg7[%add3A_26, %dma_wait3A] : memref<10240x128xf32, #tpu.memory_space<vmem_shared>> -> memref<128x128xf32, #tpu.memory_space<vmem_shared>>
      %dma_wait3A_43 = arith.constant 0 : i32
      %dma_wait3A_44 = tpu.memref_slice %arg7[%add3A_26, %dma_wait3A_43] : memref<10240x128xf32, #tpu.memory_space<vmem_shared>> -> memref<128x128xf32, #tpu.memory_space<vmem_shared>>
      tpu.wait_dma2 semaphore(%run_scoped3A : memref<!tpu.dma_semaphore, #tpu.memory_space<semaphore_mem>>) src(%arg12 : memref<128x128xf32, #tpu.memory_space<vmem>>) dst(%dma_wait3A_44 : memref<128x128xf32, #tpu.memory_space<vmem_shared>>)
      tpu.yield
    }) : () -> ()
    %barrier3A = arith.constant 0 : index
    tpu.barrier barrier_id(%barrier3A)
    %scan3A_27 = arith.constant 0 : i32
    %scan3A_28 = arith.constant 0 : i32
    %scan3A_29 = arith.constant 50 : i32
    %scan3A_30 = arith.addi %scan3A_28, %scan3A_29 : i32
    %scan3A_31 = arith.constant 1 : i32
    %scan3A_32 = scf.for %scan3A_39 = %scan3A_28 to %scan3A_30 step %scan3A_31 iter_args(%scan3A_40 = %scan3A_27) -> (i32)  : i32 {
      %mul3A_41 = arith.constant 4000 : i32
      %mul3A_42 = arith.muli %add3A, %mul3A_41 : i32
      %mul3A_43 = arith.constant 80 : i32
      %mul3A_44 = arith.muli %scan3A_39, %mul3A_43 : i32
      %add3A_45 = arith.addi %mul3A_42, %mul3A_44 : i32
      %add3A_46 = arith.constant 0 : i32
      %add3A_47 = arith.addi %add3A_46, %add3A_45 : i32
      "tpu.region"() ({
        %run_scoped3A = tpu.sem_alloc : memref<!tpu.dma_semaphore, #tpu.memory_space<semaphore_mem>>
        %dma_start3A_60 = tpu.memref_slice %arg3[%add3A_47] : memref<320000xi32, #tpu.memory_space<hbm>> -> memref<80xi32, #tpu.memory_space<hbm>>
        %dma_start3A_61 = tpu.memref_slice %arg3[%add3A_47] : memref<320000xi32, #tpu.memory_space<hbm>> -> memref<80xi32, #tpu.memory_space<hbm>>
        tpu.enqueue_dma source(%dma_start3A_61 : memref<80xi32, #tpu.memory_space<hbm>>) target(%arg8 : memref<80xi32, #tpu.memory_space<vmem>>) target_semaphore(%run_scoped3A : memref<!tpu.dma_semaphore, #tpu.memory_space<semaphore_mem>>)
        %dma_wait3A_62 = tpu.memref_slice %arg3[%add3A_47] : memref<320000xi32, #tpu.memory_space<hbm>> -> memref<80xi32, #tpu.memory_space<hbm>>
        %dma_wait3A_63 = tpu.memref_slice %arg3[%add3A_47] : memref<320000xi32, #tpu.memory_space<hbm>> -> memref<80xi32, #tpu.memory_space<hbm>>
        tpu.wait_dma2 semaphore(%run_scoped3A : memref<!tpu.dma_semaphore, #tpu.memory_space<semaphore_mem>>) src(%dma_wait3A_63 : memref<80xi32, #tpu.memory_space<hbm>>) dst(%arg8 : memref<80xi32, #tpu.memory_space<vmem>>)
        tpu.yield
      }) : () -> ()
      %dma_start3A = arith.constant 0 : i32
      %dma_start3A_48 = arith.constant 0 : i32
      %dma_start3A_49 = tpu.memref_slice %arg2[%dma_start3A, %dma_start3A_48] : memref<10240x128xf32, #tpu.memory_space<hbm>> -> memref<10240x128xf32, #tpu.memory_space<hbm>>
      tpu.enqueue_indirect_dma source(%dma_start3A_49 : memref<10240x128xf32, #tpu.memory_space<hbm>>) target(%arg11 : memref<80x128xf32, #tpu.memory_space<vmem>>) offsets(%arg8 : memref<80xi32, #tpu.memory_space<vmem>>) semaphore(%arg13 : memref<!tpu.dma_semaphore, #tpu.memory_space<semaphore_mem>>)
      "tpu.region"() ({
        %run_scoped3A = tpu.sem_alloc : memref<!tpu.dma_semaphore, #tpu.memory_space<semaphore_mem>>
        %dma_start3A_60 = arith.constant 0 : i32
        %dma_start3A_61 = tpu.memref_slice %arg5[%add3A_45, %dma_start3A_60] : memref<128000x128xf32, #tpu.memory_space<hbm>> -> memref<80x128xf32, #tpu.memory_space<hbm>>
        %dma_start3A_62 = arith.constant 0 : i32
        %dma_start3A_63 = tpu.memref_slice %arg5[%add3A_45, %dma_start3A_62] : memref<128000x128xf32, #tpu.memory_space<hbm>> -> memref<80x128xf32, #tpu.memory_space<hbm>>
        tpu.enqueue_dma source(%dma_start3A_63 : memref<80x128xf32, #tpu.memory_space<hbm>>) target(%arg10 : memref<80x128xf32, #tpu.memory_space<vmem>>) target_semaphore(%run_scoped3A : memref<!tpu.dma_semaphore, #tpu.memory_space<semaphore_mem>>)
        %dma_wait3A_64 = arith.constant 0 : i32
        %dma_wait3A_65 = tpu.memref_slice %arg5[%add3A_45, %dma_wait3A_64] : memref<128000x128xf32, #tpu.memory_space<hbm>> -> memref<80x128xf32, #tpu.memory_space<hbm>>
        %dma_wait3A_66 = arith.constant 0 : i32
        %dma_wait3A_67 = tpu.memref_slice %arg5[%add3A_45, %dma_wait3A_66] : memref<128000x128xf32, #tpu.memory_space<hbm>> -> memref<80x128xf32, #tpu.memory_space<hbm>>
        tpu.wait_dma2 semaphore(%run_scoped3A : memref<!tpu.dma_semaphore, #tpu.memory_space<semaphore_mem>>) src(%dma_wait3A_67 : memref<80x128xf32, #tpu.memory_space<hbm>>) dst(%arg10 : memref<80x128xf32, #tpu.memory_space<vmem>>)
        tpu.yield
      }) : () -> ()
      "tpu.region"() ({
        %run_scoped3A = tpu.sem_alloc : memref<!tpu.dma_semaphore, #tpu.memory_space<semaphore_mem>>
        %dma_start3A_60 = tpu.memref_slice %arg4[%add3A_47] : memref<320000xi32, #tpu.memory_space<hbm>> -> memref<80xi32, #tpu.memory_space<hbm>>
        %dma_start3A_61 = tpu.memref_slice %arg4[%add3A_47] : memref<320000xi32, #tpu.memory_space<hbm>> -> memref<80xi32, #tpu.memory_space<hbm>>
        tpu.enqueue_dma source(%dma_start3A_61 : memref<80xi32, #tpu.memory_space<hbm>>) target(%arg9 : memref<80xi32, #tpu.memory_space<vmem>>) target_semaphore(%run_scoped3A : memref<!tpu.dma_semaphore, #tpu.memory_space<semaphore_mem>>)
        %dma_wait3A_62 = tpu.memref_slice %arg4[%add3A_47] : memref<320000xi32, #tpu.memory_space<hbm>> -> memref<80xi32, #tpu.memory_space<hbm>>
        %dma_wait3A_63 = tpu.memref_slice %arg4[%add3A_47] : memref<320000xi32, #tpu.memory_space<hbm>> -> memref<80xi32, #tpu.memory_space<hbm>>
        tpu.wait_dma2 semaphore(%run_scoped3A : memref<!tpu.dma_semaphore, #tpu.memory_space<semaphore_mem>>) src(%dma_wait3A_63 : memref<80xi32, #tpu.memory_space<hbm>>) dst(%arg9 : memref<80xi32, #tpu.memory_space<vmem>>)
        tpu.yield
      }) : () -> ()
      %dma_wait3A = arith.constant 0 : i32
      %dma_wait3A_50 = arith.constant 0 : i32
      %dma_wait3A_51 = tpu.memref_slice %arg2[%dma_wait3A, %dma_wait3A_50] : memref<10240x128xf32, #tpu.memory_space<hbm>> -> memref<10240x128xf32, #tpu.memory_space<hbm>>
      tpu.wait_indirect_dma semaphore(%arg13 : memref<!tpu.dma_semaphore, #tpu.memory_space<semaphore_mem>>) src(%dma_wait3A_51 : memref<10240x128xf32, #tpu.memory_space<hbm>>) dst(%arg11 : memref<80x128xf32, #tpu.memory_space<vmem>>)
      %scan3A_52 = arith.constant 0 : i32
      %scan3A_53 = arith.constant 0 : i32
      %scan3A_54 = arith.constant 80 : i32
      %scan3A_55 = arith.addi %scan3A_53, %scan3A_54 : i32
      %scan3A_56 = arith.constant 1 : i32
      %scan3A_57 = scf.for %scan3A_60 = %scan3A_53 to %scan3A_55 step %scan3A_56 iter_args(%scan3A_61 = %scan3A_52) -> (i32)  : i32 {
        %get3A = arith.index_cast %scan3A_60 : i32 to index
        %get3A_62 = arith.constant 0 : index
        %get3A_63 = tpu.vector_load %arg11[%get3A, %get3A_62] {strides = array<i32>} : memref<80x128xf32, #tpu.memory_space<vmem>>, vector<1x16xf32>,
        %get3A_64 = vector.shape_cast %get3A_63 : vector<1x16xf32> to vector<16xf32>
        %get3A_65 = arith.index_cast %scan3A_60 : i32 to index
        %get3A_66 = arith.constant 0 : index
        %get3A_67 = tpu.vector_load %arg10[%get3A_65, %get3A_66] {strides = array<i32>} : memref<80x128xf32, #tpu.memory_space<vmem>>, vector<1x16xf32>,
        %get3A_68 = vector.shape_cast %get3A_67 : vector<1x16xf32> to vector<16xf32>
        %mul3A_69 = arith.mulf %get3A_64, %get3A_68 : vector<16xf32>
        %swap3A = arith.index_cast %scan3A_60 : i32 to index
        %swap3A_70 = arith.constant 0 : index
        %swap3A_71 = tpu.vector_load %arg11[%swap3A, %swap3A_70] {strides = array<i32>} : memref<80x128xf32, #tpu.memory_space<vmem>>, vector<1x16xf32>,
        %swap3A_72 = vector.shape_cast %swap3A_71 : vector<1x16xf32> to vector<16xf32>
        %swap3A_73 = vector.shape_cast %mul3A_69 : vector<16xf32> to vector<1x16xf32>
        tpu.vector_store %arg11[%swap3A, %swap3A_70], %swap3A_73 {strides = array<i32>} : memref<80x128xf32, #tpu.memory_space<vmem>>, vector<1x16xf32>,
        %get3A_74 = arith.index_cast %scan3A_60 : i32 to index
        %get3A_75 = arith.constant 16 : index
        %get3A_76 = tpu.vector_load %arg11[%get3A_74, %get3A_75] {strides = array<i32>} : memref<80x128xf32, #tpu.memory_space<vmem>>, vector<1x16xf32>,
        %get3A_77 = vector.shape_cast %get3A_76 : vector<1x16xf32> to vector<16xf32>
        %get3A_78 = arith.index_cast %scan3A_60 : i32 to index
        %get3A_79 = arith.constant 16 : index
        %get3A_80 = tpu.vector_load %arg10[%get3A_78, %get3A_79] {strides = array<i32>} : memref<80x128xf32, #tpu.memory_space<vmem>>, vector<1x16xf32>,
        %get3A_81 = vector.shape_cast %get3A_80 : vector<1x16xf32> to vector<16xf32>
        %mul3A_82 = arith.mulf %get3A_77, %get3A_81 : vector<16xf32>
        %swap3A_83 = arith.index_cast %scan3A_60 : i32 to index
        %swap3A_84 = arith.constant 16 : index
        %swap3A_85 = tpu.vector_load %arg11[%swap3A_83, %swap3A_84] {strides = array<i32>} : memref<80x128xf32, #tpu.memory_space<vmem>>, vector<1x16xf32>,
        %swap3A_86 = vector.shape_cast %swap3A_85 : vector<1x16xf32> to vector<16xf32>
        %swap3A_87 = vector.shape_cast %mul3A_82 : vector<16xf32> to vector<1x16xf32>
        tpu.vector_store %arg11[%swap3A_83, %swap3A_84], %swap3A_87 {strides = array<i32>} : memref<80x128xf32, #tpu.memory_space<vmem>>, vector<1x16xf32>,
        %get3A_88 = arith.index_cast %scan3A_60 : i32 to index
        %get3A_89 = arith.constant 32 : index
        %get3A_90 = tpu.vector_load %arg11[%get3A_88, %get3A_89] {strides = array<i32>} : memref<80x128xf32, #tpu.memory_space<vmem>>, vector<1x16xf32>,
        %get3A_91 = vector.shape_cast %get3A_90 : vector<1x16xf32> to vector<16xf32>
        %get3A_92 = arith.index_cast %scan3A_60 : i32 to index
        %get3A_93 = arith.constant 32 : index
        %get3A_94 = tpu.vector_load %arg10[%get3A_92, %get3A_93] {strides = array<i32>} : memref<80x128xf32, #tpu.memory_space<vmem>>, vector<1x16xf32>,
        %get3A_95 = vector.shape_cast %get3A_94 : vector<1x16xf32> to vector<16xf32>
        %mul3A_96 = arith.mulf %get3A_91, %get3A_95 : vector<16xf32>
        %swap3A_97 = arith.index_cast %scan3A_60 : i32 to index
        %swap3A_98 = arith.constant 32 : index
        %swap3A_99 = tpu.vector_load %arg11[%swap3A_97, %swap3A_98] {strides = array<i32>} : memref<80x128xf32, #tpu.memory_space<vmem>>, vector<1x16xf32>,
        %swap3A_100 = vector.shape_cast %swap3A_99 : vector<1x16xf32> to vector<16xf32>
        %swap3A_101 = vector.shape_cast %mul3A_96 : vector<16xf32> to vector<1x16xf32>
        tpu.vector_store %arg11[%swap3A_97, %swap3A_98], %swap3A_101 {strides = array<i32>} : memref<80x128xf32, #tpu.memory_space<vmem>>, vector<1x16xf32>,
        %get3A_102 = arith.index_cast %scan3A_60 : i32 to index
        %get3A_103 = arith.constant 48 : index
        %get3A_104 = tpu.vector_load %arg11[%get3A_102, %get3A_103] {strides = array<i32>} : memref<80x128xf32, #tpu.memory_space<vmem>>, vector<1x16xf32>,
        %get3A_105 = vector.shape_cast %get3A_104 : vector<1x16xf32> to vector<16xf32>
        %get3A_106 = arith.index_cast %scan3A_60 : i32 to index
        %get3A_107 = arith.constant 48 : index
        %get3A_108 = tpu.vector_load %arg10[%get3A_106, %get3A_107] {strides = array<i32>} : memref<80x128xf32, #tpu.memory_space<vmem>>, vector<1x16xf32>,
        %get3A_109 = vector.shape_cast %get3A_108 : vector<1x16xf32> to vector<16xf32>
        %mul3A_110 = arith.mulf %get3A_105, %get3A_109 : vector<16xf32>
        %swap3A_111 = arith.index_cast %scan3A_60 : i32 to index
        %swap3A_112 = arith.constant 48 : index
        %swap3A_113 = tpu.vector_load %arg11[%swap3A_111, %swap3A_112] {strides = array<i32>} : memref<80x128xf32, #tpu.memory_space<vmem>>, vector<1x16xf32>,
        %swap3A_114 = vector.shape_cast %swap3A_113 : vector<1x16xf32> to vector<16xf32>
        %swap3A_115 = vector.shape_cast %mul3A_110 : vector<16xf32> to vector<1x16xf32>
        tpu.vector_store %arg11[%swap3A_111, %swap3A_112], %swap3A_115 {strides = array<i32>} : memref<80x128xf32, #tpu.memory_space<vmem>>, vector<1x16xf32>,
        %get3A_116 = arith.index_cast %scan3A_60 : i32 to index
        %get3A_117 = arith.constant 64 : index
        %get3A_118 = tpu.vector_load %arg11[%get3A_116, %get3A_117] {strides = array<i32>} : memref<80x128xf32, #tpu.memory_space<vmem>>, vector<1x16xf32>,
        %get3A_119 = vector.shape_cast %get3A_118 : vector<1x16xf32> to vector<16xf32>
        %get3A_120 = arith.index_cast %scan3A_60 : i32 to index
        %get3A_121 = arith.constant 64 : index
        %get3A_122 = tpu.vector_load %arg10[%get3A_120, %get3A_121] {strides = array<i32>} : memref<80x128xf32, #tpu.memory_space<vmem>>, vector<1x16xf32>,
        %get3A_123 = vector.shape_cast %get3A_122 : vector<1x16xf32> to vector<16xf32>
        %mul3A_124 = arith.mulf %get3A_119, %get3A_123 : vector<16xf32>
        %swap3A_125 = arith.index_cast %scan3A_60 : i32 to index
        %swap3A_126 = arith.constant 64 : index
        %swap3A_127 = tpu.vector_load %arg11[%swap3A_125, %swap3A_126] {strides = array<i32>} : memref<80x128xf32, #tpu.memory_space<vmem>>, vector<1x16xf32>,
        %swap3A_128 = vector.shape_cast %swap3A_127 : vector<1x16xf32> to vector<16xf32>
        %swap3A_129 = vector.shape_cast %mul3A_124 : vector<16xf32> to vector<1x16xf32>
        tpu.vector_store %arg11[%swap3A_125, %swap3A_126], %swap3A_129 {strides = array<i32>} : memref<80x128xf32, #tpu.memory_space<vmem>>, vector<1x16xf32>,
        %get3A_130 = arith.index_cast %scan3A_60 : i32 to index
        %get3A_131 = arith.constant 80 : index
        %get3A_132 = tpu.vector_load %arg11[%get3A_130, %get3A_131] {strides = array<i32>} : memref<80x128xf32, #tpu.memory_space<vmem>>, vector<1x16xf32>,
        %get3A_133 = vector.shape_cast %get3A_132 : vector<1x16xf32> to vector<16xf32>
        %get3A_134 = arith.index_cast %scan3A_60 : i32 to index
        %get3A_135 = arith.constant 80 : index
        %get3A_136 = tpu.vector_load %arg10[%get3A_134, %get3A_135] {strides = array<i32>} : memref<80x128xf32, #tpu.memory_space<vmem>>, vector<1x16xf32>,
        %get3A_137 = vector.shape_cast %get3A_136 : vector<1x16xf32> to vector<16xf32>
        %mul3A_138 = arith.mulf %get3A_133, %get3A_137 : vector<16xf32>
        %swap3A_139 = arith.index_cast %scan3A_60 : i32 to index
        %swap3A_140 = arith.constant 80 : index
        %swap3A_141 = tpu.vector_load %arg11[%swap3A_139, %swap3A_140] {strides = array<i32>} : memref<80x128xf32, #tpu.memory_space<vmem>>, vector<1x16xf32>,
        %swap3A_142 = vector.shape_cast %swap3A_141 : vector<1x16xf32> to vector<16xf32>
        %swap3A_143 = vector.shape_cast %mul3A_138 : vector<16xf32> to vector<1x16xf32>
        tpu.vector_store %arg11[%swap3A_139, %swap3A_140], %swap3A_143 {strides = array<i32>} : memref<80x128xf32, #tpu.memory_space<vmem>>, vector<1x16xf32>,
        %get3A_144 = arith.index_cast %scan3A_60 : i32 to index
        %get3A_145 = arith.constant 96 : index
        %get3A_146 = tpu.vector_load %arg11[%get3A_144, %get3A_145] {strides = array<i32>} : memref<80x128xf32, #tpu.memory_space<vmem>>, vector<1x16xf32>,
        %get3A_147 = vector.shape_cast %get3A_146 : vector<1x16xf32> to vector<16xf32>
        %get3A_148 = arith.index_cast %scan3A_60 : i32 to index
        %get3A_149 = arith.constant 96 : index
        %get3A_150 = tpu.vector_load %arg10[%get3A_148, %get3A_149] {strides = array<i32>} : memref<80x128xf32, #tpu.memory_space<vmem>>, vector<1x16xf32>,
        %get3A_151 = vector.shape_cast %get3A_150 : vector<1x16xf32> to vector<16xf32>
        %mul3A_152 = arith.mulf %get3A_147, %get3A_151 : vector<16xf32>
        %swap3A_153 = arith.index_cast %scan3A_60 : i32 to index
        %swap3A_154 = arith.constant 96 : index
        %swap3A_155 = tpu.vector_load %arg11[%swap3A_153, %swap3A_154] {strides = array<i32>} : memref<80x128xf32, #tpu.memory_space<vmem>>, vector<1x16xf32>,
        %swap3A_156 = vector.shape_cast %swap3A_155 : vector<1x16xf32> to vector<16xf32>
        %swap3A_157 = vector.shape_cast %mul3A_152 : vector<16xf32> to vector<1x16xf32>
        tpu.vector_store %arg11[%swap3A_153, %swap3A_154], %swap3A_157 {strides = array<i32>} : memref<80x128xf32, #tpu.memory_space<vmem>>, vector<1x16xf32>,
        %get3A_158 = arith.index_cast %scan3A_60 : i32 to index
        %get3A_159 = arith.constant 112 : index
        %get3A_160 = tpu.vector_load %arg11[%get3A_158, %get3A_159] {strides = array<i32>} : memref<80x128xf32, #tpu.memory_space<vmem>>, vector<1x16xf32>,
        %get3A_161 = vector.shape_cast %get3A_160 : vector<1x16xf32> to vector<16xf32>
        %get3A_162 = arith.index_cast %scan3A_60 : i32 to index
        %get3A_163 = arith.constant 112 : index
        %get3A_164 = tpu.vector_load %arg10[%get3A_162, %get3A_163] {strides = array<i32>} : memref<80x128xf32, #tpu.memory_space<vmem>>, vector<1x16xf32>,
        %get3A_165 = vector.shape_cast %get3A_164 : vector<1x16xf32> to vector<16xf32>
        %mul3A_166 = arith.mulf %get3A_161, %get3A_165 : vector<16xf32>
        %swap3A_167 = arith.index_cast %scan3A_60 : i32 to index
        %swap3A_168 = arith.constant 112 : index
        %swap3A_169 = tpu.vector_load %arg11[%swap3A_167, %swap3A_168] {strides = array<i32>} : memref<80x128xf32, #tpu.memory_space<vmem>>, vector<1x16xf32>,
        %swap3A_170 = vector.shape_cast %swap3A_169 : vector<1x16xf32> to vector<16xf32>
        %swap3A_171 = vector.shape_cast %mul3A_166 : vector<16xf32> to vector<1x16xf32>
        tpu.vector_store %arg11[%swap3A_167, %swap3A_168], %swap3A_171 {strides = array<i32>} : memref<80x128xf32, #tpu.memory_space<vmem>>, vector<1x16xf32>,
        %scan3A_172 = arith.constant 0 : i32
        scf.yield %scan3A_172 : i32
      }
      %scan3A_58 = arith.constant 80 : i32
      "tpu.region"() ({
        %run_scoped3A = tpu.sem_alloc : memref<!tpu.dma_semaphore, #tpu.memory_space<semaphore_mem>>
        %dma_start3A_60 = arith.constant 0 : i32
        %dma_start3A_61 = arith.constant 0 : i32
        %dma_start3A_62 = tpu.memref_slice %arg7[%dma_start3A_60, %dma_start3A_61] : memref<10240x128xf32, #tpu.memory_space<vmem_shared>> -> memref<10240x128xf32, #tpu.memory_space<vmem_shared>>
        tpu.enqueue_indirect_dma source(%arg11 : memref<80x128xf32, #tpu.memory_space<vmem>>) target(%dma_start3A_62 : memref<10240x128xf32, #tpu.memory_space<vmem_shared>>) offsets(%arg9 : memref<80xi32, #tpu.memory_space<vmem>>) semaphore(%run_scoped3A : memref<!tpu.dma_semaphore, #tpu.memory_space<semaphore_mem>>) {add = true}
        %dma_wait3A_63 = arith.constant 0 : i32
        %dma_wait3A_64 = arith.constant 0 : i32
        %dma_wait3A_65 = tpu.memref_slice %arg7[%dma_wait3A_63, %dma_wait3A_64] : memref<10240x128xf32, #tpu.memory_space<vmem_shared>> -> memref<10240x128xf32, #tpu.memory_space<vmem_shared>>
        tpu.wait_indirect_dma semaphore(%run_scoped3A : memref<!tpu.dma_semaphore, #tpu.memory_space<semaphore_mem>>) src(%arg11 : memref<80x128xf32, #tpu.memory_space<vmem>>) dst(%dma_wait3A_65 : memref<10240x128xf32, #tpu.memory_space<vmem_shared>>)
        tpu.yield
      }) : () -> ()
      %scan3A_59 = arith.constant 0 : i32
      scf.yield %scan3A_59 : i32
    }
    %scan3A_33 = arith.constant 50 : i32
    %barrier3A_34 = arith.constant 0 : index
    tpu.barrier barrier_id(%barrier3A_34)
    %mul3A_35 = arith.constant 640 : i32
    %mul3A_36 = arith.muli %arg1, %mul3A_35 : i32
    %mul3A_37 = arith.constant 640 : i32
    %mul3A_38 = arith.muli %arg1, %mul3A_37 : i32
    "tpu.region"() ({
      %run_scoped3A = tpu.sem_alloc : memref<!tpu.dma_semaphore, #tpu.memory_space<semaphore_mem>>
      %dma_start3A = arith.constant 0 : i32
      %dma_start3A_39 = tpu.memref_slice %arg6[%arg0, %mul3A_38, %dma_start3A] : memref<2x10240x128xf32, #tpu.memory_space<hbm>> -> memref<1x640x128xf32, #tpu.memory_space<hbm>>
      %dma_start3A_40 = tpu.memref_squeeze %dma_start3A_39 : memref<1x640x128xf32, #tpu.memory_space<hbm>> -> memref<640x128xf32, #tpu.memory_space<hbm>>
      %dma_start3A_41 = arith.constant 0 : i32
      %dma_start3A_42 = tpu.memref_slice %arg7[%mul3A_36, %dma_start3A_41] : memref<10240x128xf32, #tpu.memory_space<vmem_shared>> -> memref<640x128xf32, #tpu.memory_space<vmem_shared>>
      tpu.enqueue_dma source(%dma_start3A_42 : memref<640x128xf32, #tpu.memory_space<vmem_shared>>) target(%dma_start3A_40 : memref<640x128xf32, #tpu.memory_space<hbm>>) target_semaphore(%run_scoped3A : memref<!tpu.dma_semaphore, #tpu.memory_space<semaphore_mem>>)
      %dma_wait3A = arith.constant 0 : i32
      %dma_wait3A_43 = tpu.memref_slice %arg6[%arg0, %mul3A_38, %dma_wait3A] : memref<2x10240x128xf32, #tpu.memory_space<hbm>> -> memref<1x640x128xf32, #tpu.memory_space<hbm>>
      %dma_wait3A_44 = tpu.memref_squeeze %dma_wait3A_43 : memref<1x640x128xf32, #tpu.memory_space<hbm>> -> memref<640x128xf32, #tpu.memory_space<hbm>>
      %dma_wait3A_45 = arith.constant 0 : i32
      %dma_wait3A_46 = tpu.memref_slice %arg7[%mul3A_36, %dma_wait3A_45] : memref<10240x128xf32, #tpu.memory_space<vmem_shared>> -> memref<640x128xf32, #tpu.memory_space<vmem_shared>>
      tpu.wait_dma2 semaphore(%run_scoped3A : memref<!tpu.dma_semaphore, #tpu.memory_space<semaphore_mem>>) src(%dma_wait3A_46 : memref<640x128xf32, #tpu.memory_space<vmem_shared>>) dst(%dma_wait3A_44 : memref<640x128xf32, #tpu.memory_space<hbm>>)
      tpu.yield
    }) : () -> ()
    return
  }
}

#map = affine_map<(d0, d1) -> (0, 0)>
#map1 = affine_map<(d0, d1) -> (0)>
#map2 = affine_map<(d0, d1) -> (0, 0, 0)>
module attributes {stable_mosaic.version = 14 : i64} {
  func.func @_sc_segment_body(%arg0: i32, %arg1: i32, %arg2: memref<10240x128xf32, #tpu.memory_space<hbm>>, %arg3: memref<320000xi32, #tpu.memory_space<hbm>>, %arg4: memref<320000xi32, #tpu.memory_space<hbm>>, %arg5: memref<102400x128xf32, #tpu.memory_space<hbm>>, %arg6: memref<2x10240x128xf32, #tpu.memory_space<hbm>>, %arg7: memref<10240x128xf32, #tpu.memory_space<vmem_shared>>, %arg8: memref<80xi32, #tpu.memory_space<vmem>>, %arg9: memref<80xi32, #tpu.memory_space<vmem>>, %arg10: memref<80x128xf32, #tpu.memory_space<vmem>>, %arg11: memref<80x128xf32, #tpu.memory_space<vmem>>, %arg12: memref<128x128xf32, #tpu.memory_space<vmem>>, %arg13: memref<!tpu.dma_semaphore, #tpu.memory_space<semaphore_mem>>) attributes {dimension_semantics = [#tpu.dimension_semantics<core_parallel>, #tpu.dimension_semantics<subcore_parallel>], iteration_bounds = array<i64: 2, 16>, scalar_prefetch = 0 : i64, scratch_operands = 7 : i64, tpu.core_type = #tpu.core_type<sc_vector_subcore>, window_params = [{transform_indices = #map}, {transform_indices = #map1}, {transform_indices = #map1}, {transform_indices = #map}, {transform_indices = #map2}]} {
    %mul3A = arith.constant 16 : i32
    %mul3A_0 = arith.muli %arg0, %mul3A : i32
    %add3A = arith.addi %mul3A_0, %arg1 : i32
    %scan3A = arith.constant 0 : i32
    %scan3A_1 = arith.constant 0 : i32
    %scan3A_2 = arith.constant 128 : i32
    %scan3A_3 = arith.addi %scan3A_1, %scan3A_2 : i32
    %scan3A_4 = arith.constant 1 : i32
    %scan3A_5 = scf.for %scan3A_39 = %scan3A_1 to %scan3A_3 step %scan3A_4 iter_args(%scan3A_40 = %scan3A) -> (i32)  : i32 {
      %broadcast_in_dim3A = arith.constant 0.000000e+00 : f32
      %broadcast_in_dim3A_41 = vector.broadcast %broadcast_in_dim3A : f32 to vector<16xf32>
      %swap3A = arith.index_cast %scan3A_39 : i32 to index
      %swap3A_42 = arith.constant 0 : index
      %swap3A_43 = tpu.vector_load %arg12[%swap3A, %swap3A_42] {strides = array<i32>} : memref<128x128xf32, #tpu.memory_space<vmem>>, vector<1x16xf32>,
      %swap3A_44 = vector.shape_cast %swap3A_43 : vector<1x16xf32> to vector<16xf32>
      %swap3A_45 = vector.shape_cast %broadcast_in_dim3A_41 : vector<16xf32> to vector<1x16xf32>
      tpu.vector_store %arg12[%swap3A, %swap3A_42], %swap3A_45 {strides = array<i32>} : memref<128x128xf32, #tpu.memory_space<vmem>>, vector<1x16xf32>,
      %broadcast_in_dim3A_46 = arith.constant 0.000000e+00 : f32
      %broadcast_in_dim3A_47 = vector.broadcast %broadcast_in_dim3A_46 : f32 to vector<16xf32>
      %swap3A_48 = arith.index_cast %scan3A_39 : i32 to index
      %swap3A_49 = arith.constant 16 : index
      %swap3A_50 = tpu.vector_load %arg12[%swap3A_48, %swap3A_49] {strides = array<i32>} : memref<128x128xf32, #tpu.memory_space<vmem>>, vector<1x16xf32>,
      %swap3A_51 = vector.shape_cast %swap3A_50 : vector<1x16xf32> to vector<16xf32>
      %swap3A_52 = vector.shape_cast %broadcast_in_dim3A_47 : vector<16xf32> to vector<1x16xf32>
      tpu.vector_store %arg12[%swap3A_48, %swap3A_49], %swap3A_52 {strides = array<i32>} : memref<128x128xf32, #tpu.memory_space<vmem>>, vector<1x16xf32>,
      %broadcast_in_dim3A_53 = arith.constant 0.000000e+00 : f32
      %broadcast_in_dim3A_54 = vector.broadcast %broadcast_in_dim3A_53 : f32 to vector<16xf32>
      %swap3A_55 = arith.index_cast %scan3A_39 : i32 to index
      %swap3A_56 = arith.constant 32 : index
      %swap3A_57 = tpu.vector_load %arg12[%swap3A_55, %swap3A_56] {strides = array<i32>} : memref<128x128xf32, #tpu.memory_space<vmem>>, vector<1x16xf32>,
      %swap3A_58 = vector.shape_cast %swap3A_57 : vector<1x16xf32> to vector<16xf32>
      %swap3A_59 = vector.shape_cast %broadcast_in_dim3A_54 : vector<16xf32> to vector<1x16xf32>
      tpu.vector_store %arg12[%swap3A_55, %swap3A_56], %swap3A_59 {strides = array<i32>} : memref<128x128xf32, #tpu.memory_space<vmem>>, vector<1x16xf32>,
      %broadcast_in_dim3A_60 = arith.constant 0.000000e+00 : f32
      %broadcast_in_dim3A_61 = vector.broadcast %broadcast_in_dim3A_60 : f32 to vector<16xf32>
      %swap3A_62 = arith.index_cast %scan3A_39 : i32 to index
      %swap3A_63 = arith.constant 48 : index
      %swap3A_64 = tpu.vector_load %arg12[%swap3A_62, %swap3A_63] {strides = array<i32>} : memref<128x128xf32, #tpu.memory_space<vmem>>, vector<1x16xf32>,
      %swap3A_65 = vector.shape_cast %swap3A_64 : vector<1x16xf32> to vector<16xf32>
      %swap3A_66 = vector.shape_cast %broadcast_in_dim3A_61 : vector<16xf32> to vector<1x16xf32>
      tpu.vector_store %arg12[%swap3A_62, %swap3A_63], %swap3A_66 {strides = array<i32>} : memref<128x128xf32, #tpu.memory_space<vmem>>, vector<1x16xf32>,
      %broadcast_in_dim3A_67 = arith.constant 0.000000e+00 : f32
      %broadcast_in_dim3A_68 = vector.broadcast %broadcast_in_dim3A_67 : f32 to vector<16xf32>
      %swap3A_69 = arith.index_cast %scan3A_39 : i32 to index
      %swap3A_70 = arith.constant 64 : index
      %swap3A_71 = tpu.vector_load %arg12[%swap3A_69, %swap3A_70] {strides = array<i32>} : memref<128x128xf32, #tpu.memory_space<vmem>>, vector<1x16xf32>,
      %swap3A_72 = vector.shape_cast %swap3A_71 : vector<1x16xf32> to vector<16xf32>
      %swap3A_73 = vector.shape_cast %broadcast_in_dim3A_68 : vector<16xf32> to vector<1x16xf32>
      tpu.vector_store %arg12[%swap3A_69, %swap3A_70], %swap3A_73 {strides = array<i32>} : memref<128x128xf32, #tpu.memory_space<vmem>>, vector<1x16xf32>,
      %broadcast_in_dim3A_74 = arith.constant 0.000000e+00 : f32
      %broadcast_in_dim3A_75 = vector.broadcast %broadcast_in_dim3A_74 : f32 to vector<16xf32>
      %swap3A_76 = arith.index_cast %scan3A_39 : i32 to index
      %swap3A_77 = arith.constant 80 : index
      %swap3A_78 = tpu.vector_load %arg12[%swap3A_76, %swap3A_77] {strides = array<i32>} : memref<128x128xf32, #tpu.memory_space<vmem>>, vector<1x16xf32>,
      %swap3A_79 = vector.shape_cast %swap3A_78 : vector<1x16xf32> to vector<16xf32>
      %swap3A_80 = vector.shape_cast %broadcast_in_dim3A_75 : vector<16xf32> to vector<1x16xf32>
      tpu.vector_store %arg12[%swap3A_76, %swap3A_77], %swap3A_80 {strides = array<i32>} : memref<128x128xf32, #tpu.memory_space<vmem>>, vector<1x16xf32>,
      %broadcast_in_dim3A_81 = arith.constant 0.000000e+00 : f32
      %broadcast_in_dim3A_82 = vector.broadcast %broadcast_in_dim3A_81 : f32 to vector<16xf32>
      %swap3A_83 = arith.index_cast %scan3A_39 : i32 to index
      %swap3A_84 = arith.constant 96 : index
      %swap3A_85 = tpu.vector_load %arg12[%swap3A_83, %swap3A_84] {strides = array<i32>} : memref<128x128xf32, #tpu.memory_space<vmem>>, vector<1x16xf32>,
      %swap3A_86 = vector.shape_cast %swap3A_85 : vector<1x16xf32> to vector<16xf32>
      %swap3A_87 = vector.shape_cast %broadcast_in_dim3A_82 : vector<16xf32> to vector<1x16xf32>
      tpu.vector_store %arg12[%swap3A_83, %swap3A_84], %swap3A_87 {strides = array<i32>} : memref<128x128xf32, #tpu.memory_space<vmem>>, vector<1x16xf32>,
      %broadcast_in_dim3A_88 = arith.constant 0.000000e+00 : f32
      %broadcast_in_dim3A_89 = vector.broadcast %broadcast_in_dim3A_88 : f32 to vector<16xf32>
      %swap3A_90 = arith.index_cast %scan3A_39 : i32 to index
      %swap3A_91 = arith.constant 112 : index
      %swap3A_92 = tpu.vector_load %arg12[%swap3A_90, %swap3A_91] {strides = array<i32>} : memref<128x128xf32, #tpu.memory_space<vmem>>, vector<1x16xf32>,
      %swap3A_93 = vector.shape_cast %swap3A_92 : vector<1x16xf32> to vector<16xf32>
      %swap3A_94 = vector.shape_cast %broadcast_in_dim3A_89 : vector<16xf32> to vector<1x16xf32>
      tpu.vector_store %arg12[%swap3A_90, %swap3A_91], %swap3A_94 {strides = array<i32>} : memref<128x128xf32, #tpu.memory_space<vmem>>, vector<1x16xf32>,
      %scan3A_95 = arith.constant 0 : i32
      scf.yield %scan3A_95 : i32
    }
    %scan3A_6 = arith.constant 128 : i32
    %mul3A_7 = arith.constant 640 : i32
    %mul3A_8 = arith.muli %arg1, %mul3A_7 : i32
    %add3A_9 = arith.constant 0 : i32
    %add3A_10 = arith.addi %mul3A_8, %add3A_9 : i32
    "tpu.region"() ({
      %run_scoped3A = tpu.sem_alloc : memref<!tpu.dma_semaphore, #tpu.memory_space<semaphore_mem>>
      %dma_start3A = arith.constant 0 : i32
      %dma_start3A_39 = tpu.memref_slice %arg7[%add3A_10, %dma_start3A] : memref<10240x128xf32, #tpu.memory_space<vmem_shared>> -> memref<128x128xf32, #tpu.memory_space<vmem_shared>>
      %dma_start3A_40 = arith.constant 0 : i32
      %dma_start3A_41 = tpu.memref_slice %arg7[%add3A_10, %dma_start3A_40] : memref<10240x128xf32, #tpu.memory_space<vmem_shared>> -> memref<128x128xf32, #tpu.memory_space<vmem_shared>>
      tpu.enqueue_dma source(%arg12 : memref<128x128xf32, #tpu.memory_space<vmem>>) target(%dma_start3A_41 : memref<128x128xf32, #tpu.memory_space<vmem_shared>>) target_semaphore(%run_scoped3A : memref<!tpu.dma_semaphore, #tpu.memory_space<semaphore_mem>>)
      %dma_wait3A = arith.constant 0 : i32
      %dma_wait3A_42 = tpu.memref_slice %arg7[%add3A_10, %dma_wait3A] : memref<10240x128xf32, #tpu.memory_space<vmem_shared>> -> memref<128x128xf32, #tpu.memory_space<vmem_shared>>
      %dma_wait3A_43 = arith.constant 0 : i32
      %dma_wait3A_44 = tpu.memref_slice %arg7[%add3A_10, %dma_wait3A_43] : memref<10240x128xf32, #tpu.memory_space<vmem_shared>> -> memref<128x128xf32, #tpu.memory_space<vmem_shared>>
      tpu.wait_dma2 semaphore(%run_scoped3A : memref<!tpu.dma_semaphore, #tpu.memory_space<semaphore_mem>>) src(%arg12 : memref<128x128xf32, #tpu.memory_space<vmem>>) dst(%dma_wait3A_44 : memref<128x128xf32, #tpu.memory_space<vmem_shared>>)
      tpu.yield
    }) : () -> ()
    %mul3A_11 = arith.constant 640 : i32
    %mul3A_12 = arith.muli %arg1, %mul3A_11 : i32
    %add3A_13 = arith.constant 128 : i32
    %add3A_14 = arith.addi %mul3A_12, %add3A_13 : i32
    "tpu.region"() ({
      %run_scoped3A = tpu.sem_alloc : memref<!tpu.dma_semaphore, #tpu.memory_space<semaphore_mem>>
      %dma_start3A = arith.constant 0 : i32
      %dma_start3A_39 = tpu.memref_slice %arg7[%add3A_14, %dma_start3A] : memref<10240x128xf32, #tpu.memory_space<vmem_shared>> -> memref<128x128xf32, #tpu.memory_space<vmem_shared>>
      %dma_start3A_40 = arith.constant 0 : i32
      %dma_start3A_41 = tpu.memref_slice %arg7[%add3A_14, %dma_start3A_40] : memref<10240x128xf32, #tpu.memory_space<vmem_shared>> -> memref<128x128xf32, #tpu.memory_space<vmem_shared>>
      tpu.enqueue_dma source(%arg12 : memref<128x128xf32, #tpu.memory_space<vmem>>) target(%dma_start3A_41 : memref<128x128xf32, #tpu.memory_space<vmem_shared>>) target_semaphore(%run_scoped3A : memref<!tpu.dma_semaphore, #tpu.memory_space<semaphore_mem>>)
      %dma_wait3A = arith.constant 0 : i32
      %dma_wait3A_42 = tpu.memref_slice %arg7[%add3A_14, %dma_wait3A] : memref<10240x128xf32, #tpu.memory_space<vmem_shared>> -> memref<128x128xf32, #tpu.memory_space<vmem_shared>>
      %dma_wait3A_43 = arith.constant 0 : i32
      %dma_wait3A_44 = tpu.memref_slice %arg7[%add3A_14, %dma_wait3A_43] : memref<10240x128xf32, #tpu.memory_space<vmem_shared>> -> memref<128x128xf32, #tpu.memory_space<vmem_shared>>
      tpu.wait_dma2 semaphore(%run_scoped3A : memref<!tpu.dma_semaphore, #tpu.memory_space<semaphore_mem>>) src(%arg12 : memref<128x128xf32, #tpu.memory_space<vmem>>) dst(%dma_wait3A_44 : memref<128x128xf32, #tpu.memory_space<vmem_shared>>)
      tpu.yield
    }) : () -> ()
    %mul3A_15 = arith.constant 640 : i32
    %mul3A_16 = arith.muli %arg1, %mul3A_15 : i32
    %add3A_17 = arith.constant 256 : i32
    %add3A_18 = arith.addi %mul3A_16, %add3A_17 : i32
    "tpu.region"() ({
      %run_scoped3A = tpu.sem_alloc : memref<!tpu.dma_semaphore, #tpu.memory_space<semaphore_mem>>
      %dma_start3A = arith.constant 0 : i32
      %dma_start3A_39 = tpu.memref_slice %arg7[%add3A_18, %dma_start3A] : memref<10240x128xf32, #tpu.memory_space<vmem_shared>> -> memref<128x128xf32, #tpu.memory_space<vmem_shared>>
      %dma_start3A_40 = arith.constant 0 : i32
      %dma_start3A_41 = tpu.memref_slice %arg7[%add3A_18, %dma_start3A_40] : memref<10240x128xf32, #tpu.memory_space<vmem_shared>> -> memref<128x128xf32, #tpu.memory_space<vmem_shared>>
      tpu.enqueue_dma source(%arg12 : memref<128x128xf32, #tpu.memory_space<vmem>>) target(%dma_start3A_41 : memref<128x128xf32, #tpu.memory_space<vmem_shared>>) target_semaphore(%run_scoped3A : memref<!tpu.dma_semaphore, #tpu.memory_space<semaphore_mem>>)
      %dma_wait3A = arith.constant 0 : i32
      %dma_wait3A_42 = tpu.memref_slice %arg7[%add3A_18, %dma_wait3A] : memref<10240x128xf32, #tpu.memory_space<vmem_shared>> -> memref<128x128xf32, #tpu.memory_space<vmem_shared>>
      %dma_wait3A_43 = arith.constant 0 : i32
      %dma_wait3A_44 = tpu.memref_slice %arg7[%add3A_18, %dma_wait3A_43] : memref<10240x128xf32, #tpu.memory_space<vmem_shared>> -> memref<128x128xf32, #tpu.memory_space<vmem_shared>>
      tpu.wait_dma2 semaphore(%run_scoped3A : memref<!tpu.dma_semaphore, #tpu.memory_space<semaphore_mem>>) src(%arg12 : memref<128x128xf32, #tpu.memory_space<vmem>>) dst(%dma_wait3A_44 : memref<128x128xf32, #tpu.memory_space<vmem_shared>>)
      tpu.yield
    }) : () -> ()
    %mul3A_19 = arith.constant 640 : i32
    %mul3A_20 = arith.muli %arg1, %mul3A_19 : i32
    %add3A_21 = arith.constant 384 : i32
    %add3A_22 = arith.addi %mul3A_20, %add3A_21 : i32
    "tpu.region"() ({
      %run_scoped3A = tpu.sem_alloc : memref<!tpu.dma_semaphore, #tpu.memory_space<semaphore_mem>>
      %dma_start3A = arith.constant 0 : i32
      %dma_start3A_39 = tpu.memref_slice %arg7[%add3A_22, %dma_start3A] : memref<10240x128xf32, #tpu.memory_space<vmem_shared>> -> memref<128x128xf32, #tpu.memory_space<vmem_shared>>
      %dma_start3A_40 = arith.constant 0 : i32
      %dma_start3A_41 = tpu.memref_slice %arg7[%add3A_22, %dma_start3A_40] : memref<10240x128xf32, #tpu.memory_space<vmem_shared>> -> memref<128x128xf32, #tpu.memory_space<vmem_shared>>
      tpu.enqueue_dma source(%arg12 : memref<128x128xf32, #tpu.memory_space<vmem>>) target(%dma_start3A_41 : memref<128x128xf32, #tpu.memory_space<vmem_shared>>) target_semaphore(%run_scoped3A : memref<!tpu.dma_semaphore, #tpu.memory_space<semaphore_mem>>)
      %dma_wait3A = arith.constant 0 : i32
      %dma_wait3A_42 = tpu.memref_slice %arg7[%add3A_22, %dma_wait3A] : memref<10240x128xf32, #tpu.memory_space<vmem_shared>> -> memref<128x128xf32, #tpu.memory_space<vmem_shared>>
      %dma_wait3A_43 = arith.constant 0 : i32
      %dma_wait3A_44 = tpu.memref_slice %arg7[%add3A_22, %dma_wait3A_43] : memref<10240x128xf32, #tpu.memory_space<vmem_shared>> -> memref<128x128xf32, #tpu.memory_space<vmem_shared>>
      tpu.wait_dma2 semaphore(%run_scoped3A : memref<!tpu.dma_semaphore, #tpu.memory_space<semaphore_mem>>) src(%arg12 : memref<128x128xf32, #tpu.memory_space<vmem>>) dst(%dma_wait3A_44 : memref<128x128xf32, #tpu.memory_space<vmem_shared>>)
      tpu.yield
    }) : () -> ()
    %mul3A_23 = arith.constant 640 : i32
    %mul3A_24 = arith.muli %arg1, %mul3A_23 : i32
    %add3A_25 = arith.constant 512 : i32
    %add3A_26 = arith.addi %mul3A_24, %add3A_25 : i32
    "tpu.region"() ({
      %run_scoped3A = tpu.sem_alloc : memref<!tpu.dma_semaphore, #tpu.memory_space<semaphore_mem>>
      %dma_start3A = arith.constant 0 : i32
      %dma_start3A_39 = tpu.memref_slice %arg7[%add3A_26, %dma_start3A] : memref<10240x128xf32, #tpu.memory_space<vmem_shared>> -> memref<128x128xf32, #tpu.memory_space<vmem_shared>>
      %dma_start3A_40 = arith.constant 0 : i32
      %dma_start3A_41 = tpu.memref_slice %arg7[%add3A_26, %dma_start3A_40] : memref<10240x128xf32, #tpu.memory_space<vmem_shared>> -> memref<128x128xf32, #tpu.memory_space<vmem_shared>>
      tpu.enqueue_dma source(%arg12 : memref<128x128xf32, #tpu.memory_space<vmem>>) target(%dma_start3A_41 : memref<128x128xf32, #tpu.memory_space<vmem_shared>>) target_semaphore(%run_scoped3A : memref<!tpu.dma_semaphore, #tpu.memory_space<semaphore_mem>>)
      %dma_wait3A = arith.constant 0 : i32
      %dma_wait3A_42 = tpu.memref_slice %arg7[%add3A_26, %dma_wait3A] : memref<10240x128xf32, #tpu.memory_space<vmem_shared>> -> memref<128x128xf32, #tpu.memory_space<vmem_shared>>
      %dma_wait3A_43 = arith.constant 0 : i32
      %dma_wait3A_44 = tpu.memref_slice %arg7[%add3A_26, %dma_wait3A_43] : memref<10240x128xf32, #tpu.memory_space<vmem_shared>> -> memref<128x128xf32, #tpu.memory_space<vmem_shared>>
      tpu.wait_dma2 semaphore(%run_scoped3A : memref<!tpu.dma_semaphore, #tpu.memory_space<semaphore_mem>>) src(%arg12 : memref<128x128xf32, #tpu.memory_space<vmem>>) dst(%dma_wait3A_44 : memref<128x128xf32, #tpu.memory_space<vmem_shared>>)
      tpu.yield
    }) : () -> ()
    %barrier3A = arith.constant 0 : index
    tpu.barrier barrier_id(%barrier3A)
    %scan3A_27 = arith.constant 0 : i32
    %scan3A_28 = arith.constant 0 : i32
    %scan3A_29 = arith.constant 40 : i32
    %scan3A_30 = arith.addi %scan3A_28, %scan3A_29 : i32
    %scan3A_31 = arith.constant 1 : i32
    %scan3A_32 = scf.for %scan3A_39 = %scan3A_28 to %scan3A_30 step %scan3A_31 iter_args(%scan3A_40 = %scan3A_27) -> (i32)  : i32 {
      %mul3A_41 = arith.constant 3200 : i32
      %mul3A_42 = arith.muli %add3A, %mul3A_41 : i32
      %mul3A_43 = arith.constant 80 : i32
      %mul3A_44 = arith.muli %scan3A_39, %mul3A_43 : i32
      %add3A_45 = arith.addi %mul3A_42, %mul3A_44 : i32
      %add3A_46 = arith.constant 128000 : i32
      %add3A_47 = arith.addi %add3A_46, %add3A_45 : i32
      "tpu.region"() ({
        %run_scoped3A = tpu.sem_alloc : memref<!tpu.dma_semaphore, #tpu.memory_space<semaphore_mem>>
        %dma_start3A_60 = tpu.memref_slice %arg3[%add3A_47] : memref<320000xi32, #tpu.memory_space<hbm>> -> memref<80xi32, #tpu.memory_space<hbm>>
        %dma_start3A_61 = tpu.memref_slice %arg3[%add3A_47] : memref<320000xi32, #tpu.memory_space<hbm>> -> memref<80xi32, #tpu.memory_space<hbm>>
        tpu.enqueue_dma source(%dma_start3A_61 : memref<80xi32, #tpu.memory_space<hbm>>) target(%arg8 : memref<80xi32, #tpu.memory_space<vmem>>) target_semaphore(%run_scoped3A : memref<!tpu.dma_semaphore, #tpu.memory_space<semaphore_mem>>)
        %dma_wait3A_62 = tpu.memref_slice %arg3[%add3A_47] : memref<320000xi32, #tpu.memory_space<hbm>> -> memref<80xi32, #tpu.memory_space<hbm>>
        %dma_wait3A_63 = tpu.memref_slice %arg3[%add3A_47] : memref<320000xi32, #tpu.memory_space<hbm>> -> memref<80xi32, #tpu.memory_space<hbm>>
        tpu.wait_dma2 semaphore(%run_scoped3A : memref<!tpu.dma_semaphore, #tpu.memory_space<semaphore_mem>>) src(%dma_wait3A_63 : memref<80xi32, #tpu.memory_space<hbm>>) dst(%arg8 : memref<80xi32, #tpu.memory_space<vmem>>)
        tpu.yield
      }) : () -> ()
      %dma_start3A = arith.constant 0 : i32
      %dma_start3A_48 = arith.constant 0 : i32
      %dma_start3A_49 = tpu.memref_slice %arg2[%dma_start3A, %dma_start3A_48] : memref<10240x128xf32, #tpu.memory_space<hbm>> -> memref<10240x128xf32, #tpu.memory_space<hbm>>
      tpu.enqueue_indirect_dma source(%dma_start3A_49 : memref<10240x128xf32, #tpu.memory_space<hbm>>) target(%arg11 : memref<80x128xf32, #tpu.memory_space<vmem>>) offsets(%arg8 : memref<80xi32, #tpu.memory_space<vmem>>) semaphore(%arg13 : memref<!tpu.dma_semaphore, #tpu.memory_space<semaphore_mem>>)
      "tpu.region"() ({
        %run_scoped3A = tpu.sem_alloc : memref<!tpu.dma_semaphore, #tpu.memory_space<semaphore_mem>>
        %dma_start3A_60 = arith.constant 0 : i32
        %dma_start3A_61 = tpu.memref_slice %arg5[%add3A_45, %dma_start3A_60] : memref<102400x128xf32, #tpu.memory_space<hbm>> -> memref<80x128xf32, #tpu.memory_space<hbm>>
        %dma_start3A_62 = arith.constant 0 : i32
        %dma_start3A_63 = tpu.memref_slice %arg5[%add3A_45, %dma_start3A_62] : memref<102400x128xf32, #tpu.memory_space<hbm>> -> memref<80x128xf32, #tpu.memory_space<hbm>>
        tpu.enqueue_dma source(%dma_start3A_63 : memref<80x128xf32, #tpu.memory_space<hbm>>) target(%arg10 : memref<80x128xf32, #tpu.memory_space<vmem>>) target_semaphore(%run_scoped3A : memref<!tpu.dma_semaphore, #tpu.memory_space<semaphore_mem>>)
        %dma_wait3A_64 = arith.constant 0 : i32
        %dma_wait3A_65 = tpu.memref_slice %arg5[%add3A_45, %dma_wait3A_64] : memref<102400x128xf32, #tpu.memory_space<hbm>> -> memref<80x128xf32, #tpu.memory_space<hbm>>
        %dma_wait3A_66 = arith.constant 0 : i32
        %dma_wait3A_67 = tpu.memref_slice %arg5[%add3A_45, %dma_wait3A_66] : memref<102400x128xf32, #tpu.memory_space<hbm>> -> memref<80x128xf32, #tpu.memory_space<hbm>>
        tpu.wait_dma2 semaphore(%run_scoped3A : memref<!tpu.dma_semaphore, #tpu.memory_space<semaphore_mem>>) src(%dma_wait3A_67 : memref<80x128xf32, #tpu.memory_space<hbm>>) dst(%arg10 : memref<80x128xf32, #tpu.memory_space<vmem>>)
        tpu.yield
      }) : () -> ()
      "tpu.region"() ({
        %run_scoped3A = tpu.sem_alloc : memref<!tpu.dma_semaphore, #tpu.memory_space<semaphore_mem>>
        %dma_start3A_60 = tpu.memref_slice %arg4[%add3A_47] : memref<320000xi32, #tpu.memory_space<hbm>> -> memref<80xi32, #tpu.memory_space<hbm>>
        %dma_start3A_61 = tpu.memref_slice %arg4[%add3A_47] : memref<320000xi32, #tpu.memory_space<hbm>> -> memref<80xi32, #tpu.memory_space<hbm>>
        tpu.enqueue_dma source(%dma_start3A_61 : memref<80xi32, #tpu.memory_space<hbm>>) target(%arg9 : memref<80xi32, #tpu.memory_space<vmem>>) target_semaphore(%run_scoped3A : memref<!tpu.dma_semaphore, #tpu.memory_space<semaphore_mem>>)
        %dma_wait3A_62 = tpu.memref_slice %arg4[%add3A_47] : memref<320000xi32, #tpu.memory_space<hbm>> -> memref<80xi32, #tpu.memory_space<hbm>>
        %dma_wait3A_63 = tpu.memref_slice %arg4[%add3A_47] : memref<320000xi32, #tpu.memory_space<hbm>> -> memref<80xi32, #tpu.memory_space<hbm>>
        tpu.wait_dma2 semaphore(%run_scoped3A : memref<!tpu.dma_semaphore, #tpu.memory_space<semaphore_mem>>) src(%dma_wait3A_63 : memref<80xi32, #tpu.memory_space<hbm>>) dst(%arg9 : memref<80xi32, #tpu.memory_space<vmem>>)
        tpu.yield
      }) : () -> ()
      %dma_wait3A = arith.constant 0 : i32
      %dma_wait3A_50 = arith.constant 0 : i32
      %dma_wait3A_51 = tpu.memref_slice %arg2[%dma_wait3A, %dma_wait3A_50] : memref<10240x128xf32, #tpu.memory_space<hbm>> -> memref<10240x128xf32, #tpu.memory_space<hbm>>
      tpu.wait_indirect_dma semaphore(%arg13 : memref<!tpu.dma_semaphore, #tpu.memory_space<semaphore_mem>>) src(%dma_wait3A_51 : memref<10240x128xf32, #tpu.memory_space<hbm>>) dst(%arg11 : memref<80x128xf32, #tpu.memory_space<vmem>>)
      %scan3A_52 = arith.constant 0 : i32
      %scan3A_53 = arith.constant 0 : i32
      %scan3A_54 = arith.constant 80 : i32
      %scan3A_55 = arith.addi %scan3A_53, %scan3A_54 : i32
      %scan3A_56 = arith.constant 1 : i32
      %scan3A_57 = scf.for %scan3A_60 = %scan3A_53 to %scan3A_55 step %scan3A_56 iter_args(%scan3A_61 = %scan3A_52) -> (i32)  : i32 {
        %get3A = arith.index_cast %scan3A_60 : i32 to index
        %get3A_62 = arith.constant 0 : index
        %get3A_63 = tpu.vector_load %arg11[%get3A, %get3A_62] {strides = array<i32>} : memref<80x128xf32, #tpu.memory_space<vmem>>, vector<1x16xf32>,
        %get3A_64 = vector.shape_cast %get3A_63 : vector<1x16xf32> to vector<16xf32>
        %get3A_65 = arith.index_cast %scan3A_60 : i32 to index
        %get3A_66 = arith.constant 0 : index
        %get3A_67 = tpu.vector_load %arg10[%get3A_65, %get3A_66] {strides = array<i32>} : memref<80x128xf32, #tpu.memory_space<vmem>>, vector<1x16xf32>,
        %get3A_68 = vector.shape_cast %get3A_67 : vector<1x16xf32> to vector<16xf32>
        %mul3A_69 = arith.mulf %get3A_64, %get3A_68 : vector<16xf32>
        %swap3A = arith.index_cast %scan3A_60 : i32 to index
        %swap3A_70 = arith.constant 0 : index
        %swap3A_71 = tpu.vector_load %arg11[%swap3A, %swap3A_70] {strides = array<i32>} : memref<80x128xf32, #tpu.memory_space<vmem>>, vector<1x16xf32>,
        %swap3A_72 = vector.shape_cast %swap3A_71 : vector<1x16xf32> to vector<16xf32>
        %swap3A_73 = vector.shape_cast %mul3A_69 : vector<16xf32> to vector<1x16xf32>
        tpu.vector_store %arg11[%swap3A, %swap3A_70], %swap3A_73 {strides = array<i32>} : memref<80x128xf32, #tpu.memory_space<vmem>>, vector<1x16xf32>,
        %get3A_74 = arith.index_cast %scan3A_60 : i32 to index
        %get3A_75 = arith.constant 16 : index
        %get3A_76 = tpu.vector_load %arg11[%get3A_74, %get3A_75] {strides = array<i32>} : memref<80x128xf32, #tpu.memory_space<vmem>>, vector<1x16xf32>,
        %get3A_77 = vector.shape_cast %get3A_76 : vector<1x16xf32> to vector<16xf32>
        %get3A_78 = arith.index_cast %scan3A_60 : i32 to index
        %get3A_79 = arith.constant 16 : index
        %get3A_80 = tpu.vector_load %arg10[%get3A_78, %get3A_79] {strides = array<i32>} : memref<80x128xf32, #tpu.memory_space<vmem>>, vector<1x16xf32>,
        %get3A_81 = vector.shape_cast %get3A_80 : vector<1x16xf32> to vector<16xf32>
        %mul3A_82 = arith.mulf %get3A_77, %get3A_81 : vector<16xf32>
        %swap3A_83 = arith.index_cast %scan3A_60 : i32 to index
        %swap3A_84 = arith.constant 16 : index
        %swap3A_85 = tpu.vector_load %arg11[%swap3A_83, %swap3A_84] {strides = array<i32>} : memref<80x128xf32, #tpu.memory_space<vmem>>, vector<1x16xf32>,
        %swap3A_86 = vector.shape_cast %swap3A_85 : vector<1x16xf32> to vector<16xf32>
        %swap3A_87 = vector.shape_cast %mul3A_82 : vector<16xf32> to vector<1x16xf32>
        tpu.vector_store %arg11[%swap3A_83, %swap3A_84], %swap3A_87 {strides = array<i32>} : memref<80x128xf32, #tpu.memory_space<vmem>>, vector<1x16xf32>,
        %get3A_88 = arith.index_cast %scan3A_60 : i32 to index
        %get3A_89 = arith.constant 32 : index
        %get3A_90 = tpu.vector_load %arg11[%get3A_88, %get3A_89] {strides = array<i32>} : memref<80x128xf32, #tpu.memory_space<vmem>>, vector<1x16xf32>,
        %get3A_91 = vector.shape_cast %get3A_90 : vector<1x16xf32> to vector<16xf32>
        %get3A_92 = arith.index_cast %scan3A_60 : i32 to index
        %get3A_93 = arith.constant 32 : index
        %get3A_94 = tpu.vector_load %arg10[%get3A_92, %get3A_93] {strides = array<i32>} : memref<80x128xf32, #tpu.memory_space<vmem>>, vector<1x16xf32>,
        %get3A_95 = vector.shape_cast %get3A_94 : vector<1x16xf32> to vector<16xf32>
        %mul3A_96 = arith.mulf %get3A_91, %get3A_95 : vector<16xf32>
        %swap3A_97 = arith.index_cast %scan3A_60 : i32 to index
        %swap3A_98 = arith.constant 32 : index
        %swap3A_99 = tpu.vector_load %arg11[%swap3A_97, %swap3A_98] {strides = array<i32>} : memref<80x128xf32, #tpu.memory_space<vmem>>, vector<1x16xf32>,
        %swap3A_100 = vector.shape_cast %swap3A_99 : vector<1x16xf32> to vector<16xf32>
        %swap3A_101 = vector.shape_cast %mul3A_96 : vector<16xf32> to vector<1x16xf32>
        tpu.vector_store %arg11[%swap3A_97, %swap3A_98], %swap3A_101 {strides = array<i32>} : memref<80x128xf32, #tpu.memory_space<vmem>>, vector<1x16xf32>,
        %get3A_102 = arith.index_cast %scan3A_60 : i32 to index
        %get3A_103 = arith.constant 48 : index
        %get3A_104 = tpu.vector_load %arg11[%get3A_102, %get3A_103] {strides = array<i32>} : memref<80x128xf32, #tpu.memory_space<vmem>>, vector<1x16xf32>,
        %get3A_105 = vector.shape_cast %get3A_104 : vector<1x16xf32> to vector<16xf32>
        %get3A_106 = arith.index_cast %scan3A_60 : i32 to index
        %get3A_107 = arith.constant 48 : index
        %get3A_108 = tpu.vector_load %arg10[%get3A_106, %get3A_107] {strides = array<i32>} : memref<80x128xf32, #tpu.memory_space<vmem>>, vector<1x16xf32>,
        %get3A_109 = vector.shape_cast %get3A_108 : vector<1x16xf32> to vector<16xf32>
        %mul3A_110 = arith.mulf %get3A_105, %get3A_109 : vector<16xf32>
        %swap3A_111 = arith.index_cast %scan3A_60 : i32 to index
        %swap3A_112 = arith.constant 48 : index
        %swap3A_113 = tpu.vector_load %arg11[%swap3A_111, %swap3A_112] {strides = array<i32>} : memref<80x128xf32, #tpu.memory_space<vmem>>, vector<1x16xf32>,
        %swap3A_114 = vector.shape_cast %swap3A_113 : vector<1x16xf32> to vector<16xf32>
        %swap3A_115 = vector.shape_cast %mul3A_110 : vector<16xf32> to vector<1x16xf32>
        tpu.vector_store %arg11[%swap3A_111, %swap3A_112], %swap3A_115 {strides = array<i32>} : memref<80x128xf32, #tpu.memory_space<vmem>>, vector<1x16xf32>,
        %get3A_116 = arith.index_cast %scan3A_60 : i32 to index
        %get3A_117 = arith.constant 64 : index
        %get3A_118 = tpu.vector_load %arg11[%get3A_116, %get3A_117] {strides = array<i32>} : memref<80x128xf32, #tpu.memory_space<vmem>>, vector<1x16xf32>,
        %get3A_119 = vector.shape_cast %get3A_118 : vector<1x16xf32> to vector<16xf32>
        %get3A_120 = arith.index_cast %scan3A_60 : i32 to index
        %get3A_121 = arith.constant 64 : index
        %get3A_122 = tpu.vector_load %arg10[%get3A_120, %get3A_121] {strides = array<i32>} : memref<80x128xf32, #tpu.memory_space<vmem>>, vector<1x16xf32>,
        %get3A_123 = vector.shape_cast %get3A_122 : vector<1x16xf32> to vector<16xf32>
        %mul3A_124 = arith.mulf %get3A_119, %get3A_123 : vector<16xf32>
        %swap3A_125 = arith.index_cast %scan3A_60 : i32 to index
        %swap3A_126 = arith.constant 64 : index
        %swap3A_127 = tpu.vector_load %arg11[%swap3A_125, %swap3A_126] {strides = array<i32>} : memref<80x128xf32, #tpu.memory_space<vmem>>, vector<1x16xf32>,
        %swap3A_128 = vector.shape_cast %swap3A_127 : vector<1x16xf32> to vector<16xf32>
        %swap3A_129 = vector.shape_cast %mul3A_124 : vector<16xf32> to vector<1x16xf32>
        tpu.vector_store %arg11[%swap3A_125, %swap3A_126], %swap3A_129 {strides = array<i32>} : memref<80x128xf32, #tpu.memory_space<vmem>>, vector<1x16xf32>,
        %get3A_130 = arith.index_cast %scan3A_60 : i32 to index
        %get3A_131 = arith.constant 80 : index
        %get3A_132 = tpu.vector_load %arg11[%get3A_130, %get3A_131] {strides = array<i32>} : memref<80x128xf32, #tpu.memory_space<vmem>>, vector<1x16xf32>,
        %get3A_133 = vector.shape_cast %get3A_132 : vector<1x16xf32> to vector<16xf32>
        %get3A_134 = arith.index_cast %scan3A_60 : i32 to index
        %get3A_135 = arith.constant 80 : index
        %get3A_136 = tpu.vector_load %arg10[%get3A_134, %get3A_135] {strides = array<i32>} : memref<80x128xf32, #tpu.memory_space<vmem>>, vector<1x16xf32>,
        %get3A_137 = vector.shape_cast %get3A_136 : vector<1x16xf32> to vector<16xf32>
        %mul3A_138 = arith.mulf %get3A_133, %get3A_137 : vector<16xf32>
        %swap3A_139 = arith.index_cast %scan3A_60 : i32 to index
        %swap3A_140 = arith.constant 80 : index
        %swap3A_141 = tpu.vector_load %arg11[%swap3A_139, %swap3A_140] {strides = array<i32>} : memref<80x128xf32, #tpu.memory_space<vmem>>, vector<1x16xf32>,
        %swap3A_142 = vector.shape_cast %swap3A_141 : vector<1x16xf32> to vector<16xf32>
        %swap3A_143 = vector.shape_cast %mul3A_138 : vector<16xf32> to vector<1x16xf32>
        tpu.vector_store %arg11[%swap3A_139, %swap3A_140], %swap3A_143 {strides = array<i32>} : memref<80x128xf32, #tpu.memory_space<vmem>>, vector<1x16xf32>,
        %get3A_144 = arith.index_cast %scan3A_60 : i32 to index
        %get3A_145 = arith.constant 96 : index
        %get3A_146 = tpu.vector_load %arg11[%get3A_144, %get3A_145] {strides = array<i32>} : memref<80x128xf32, #tpu.memory_space<vmem>>, vector<1x16xf32>,
        %get3A_147 = vector.shape_cast %get3A_146 : vector<1x16xf32> to vector<16xf32>
        %get3A_148 = arith.index_cast %scan3A_60 : i32 to index
        %get3A_149 = arith.constant 96 : index
        %get3A_150 = tpu.vector_load %arg10[%get3A_148, %get3A_149] {strides = array<i32>} : memref<80x128xf32, #tpu.memory_space<vmem>>, vector<1x16xf32>,
        %get3A_151 = vector.shape_cast %get3A_150 : vector<1x16xf32> to vector<16xf32>
        %mul3A_152 = arith.mulf %get3A_147, %get3A_151 : vector<16xf32>
        %swap3A_153 = arith.index_cast %scan3A_60 : i32 to index
        %swap3A_154 = arith.constant 96 : index
        %swap3A_155 = tpu.vector_load %arg11[%swap3A_153, %swap3A_154] {strides = array<i32>} : memref<80x128xf32, #tpu.memory_space<vmem>>, vector<1x16xf32>,
        %swap3A_156 = vector.shape_cast %swap3A_155 : vector<1x16xf32> to vector<16xf32>
        %swap3A_157 = vector.shape_cast %mul3A_152 : vector<16xf32> to vector<1x16xf32>
        tpu.vector_store %arg11[%swap3A_153, %swap3A_154], %swap3A_157 {strides = array<i32>} : memref<80x128xf32, #tpu.memory_space<vmem>>, vector<1x16xf32>,
        %get3A_158 = arith.index_cast %scan3A_60 : i32 to index
        %get3A_159 = arith.constant 112 : index
        %get3A_160 = tpu.vector_load %arg11[%get3A_158, %get3A_159] {strides = array<i32>} : memref<80x128xf32, #tpu.memory_space<vmem>>, vector<1x16xf32>,
        %get3A_161 = vector.shape_cast %get3A_160 : vector<1x16xf32> to vector<16xf32>
        %get3A_162 = arith.index_cast %scan3A_60 : i32 to index
        %get3A_163 = arith.constant 112 : index
        %get3A_164 = tpu.vector_load %arg10[%get3A_162, %get3A_163] {strides = array<i32>} : memref<80x128xf32, #tpu.memory_space<vmem>>, vector<1x16xf32>,
        %get3A_165 = vector.shape_cast %get3A_164 : vector<1x16xf32> to vector<16xf32>
        %mul3A_166 = arith.mulf %get3A_161, %get3A_165 : vector<16xf32>
        %swap3A_167 = arith.index_cast %scan3A_60 : i32 to index
        %swap3A_168 = arith.constant 112 : index
        %swap3A_169 = tpu.vector_load %arg11[%swap3A_167, %swap3A_168] {strides = array<i32>} : memref<80x128xf32, #tpu.memory_space<vmem>>, vector<1x16xf32>,
        %swap3A_170 = vector.shape_cast %swap3A_169 : vector<1x16xf32> to vector<16xf32>
        %swap3A_171 = vector.shape_cast %mul3A_166 : vector<16xf32> to vector<1x16xf32>
        tpu.vector_store %arg11[%swap3A_167, %swap3A_168], %swap3A_171 {strides = array<i32>} : memref<80x128xf32, #tpu.memory_space<vmem>>, vector<1x16xf32>,
        %scan3A_172 = arith.constant 0 : i32
        scf.yield %scan3A_172 : i32
      }
      %scan3A_58 = arith.constant 80 : i32
      "tpu.region"() ({
        %run_scoped3A = tpu.sem_alloc : memref<!tpu.dma_semaphore, #tpu.memory_space<semaphore_mem>>
        %dma_start3A_60 = arith.constant 0 : i32
        %dma_start3A_61 = arith.constant 0 : i32
        %dma_start3A_62 = tpu.memref_slice %arg7[%dma_start3A_60, %dma_start3A_61] : memref<10240x128xf32, #tpu.memory_space<vmem_shared>> -> memref<10240x128xf32, #tpu.memory_space<vmem_shared>>
        tpu.enqueue_indirect_dma source(%arg11 : memref<80x128xf32, #tpu.memory_space<vmem>>) target(%dma_start3A_62 : memref<10240x128xf32, #tpu.memory_space<vmem_shared>>) offsets(%arg9 : memref<80xi32, #tpu.memory_space<vmem>>) semaphore(%run_scoped3A : memref<!tpu.dma_semaphore, #tpu.memory_space<semaphore_mem>>) {add = true}
        %dma_wait3A_63 = arith.constant 0 : i32
        %dma_wait3A_64 = arith.constant 0 : i32
        %dma_wait3A_65 = tpu.memref_slice %arg7[%dma_wait3A_63, %dma_wait3A_64] : memref<10240x128xf32, #tpu.memory_space<vmem_shared>> -> memref<10240x128xf32, #tpu.memory_space<vmem_shared>>
        tpu.wait_indirect_dma semaphore(%run_scoped3A : memref<!tpu.dma_semaphore, #tpu.memory_space<semaphore_mem>>) src(%arg11 : memref<80x128xf32, #tpu.memory_space<vmem>>) dst(%dma_wait3A_65 : memref<10240x128xf32, #tpu.memory_space<vmem_shared>>)
        tpu.yield
      }) : () -> ()
      %scan3A_59 = arith.constant 0 : i32
      scf.yield %scan3A_59 : i32
    }
    %scan3A_33 = arith.constant 40 : i32
    %barrier3A_34 = arith.constant 0 : index
    tpu.barrier barrier_id(%barrier3A_34)
    %mul3A_35 = arith.constant 640 : i32
    %mul3A_36 = arith.muli %arg1, %mul3A_35 : i32
    %mul3A_37 = arith.constant 640 : i32
    %mul3A_38 = arith.muli %arg1, %mul3A_37 : i32
    "tpu.region"() ({
      %run_scoped3A = tpu.sem_alloc : memref<!tpu.dma_semaphore, #tpu.memory_space<semaphore_mem>>
      %dma_start3A = arith.constant 0 : i32
      %dma_start3A_39 = tpu.memref_slice %arg6[%arg0, %mul3A_38, %dma_start3A] : memref<2x10240x128xf32, #tpu.memory_space<hbm>> -> memref<1x640x128xf32, #tpu.memory_space<hbm>>
      %dma_start3A_40 = tpu.memref_squeeze %dma_start3A_39 : memref<1x640x128xf32, #tpu.memory_space<hbm>> -> memref<640x128xf32, #tpu.memory_space<hbm>>
      %dma_start3A_41 = arith.constant 0 : i32
      %dma_start3A_42 = tpu.memref_slice %arg7[%mul3A_36, %dma_start3A_41] : memref<10240x128xf32, #tpu.memory_space<vmem_shared>> -> memref<640x128xf32, #tpu.memory_space<vmem_shared>>
      tpu.enqueue_dma source(%dma_start3A_42 : memref<640x128xf32, #tpu.memory_space<vmem_shared>>) target(%dma_start3A_40 : memref<640x128xf32, #tpu.memory_space<hbm>>) target_semaphore(%run_scoped3A : memref<!tpu.dma_semaphore, #tpu.memory_space<semaphore_mem>>)
      %dma_wait3A = arith.constant 0 : i32
      %dma_wait3A_43 = tpu.memref_slice %arg6[%arg0, %mul3A_38, %dma_wait3A] : memref<2x10240x128xf32, #tpu.memory_space<hbm>> -> memref<1x640x128xf32, #tpu.memory_space<hbm>>
      %dma_wait3A_44 = tpu.memref_squeeze %dma_wait3A_43 : memref<1x640x128xf32, #tpu.memory_space<hbm>> -> memref<640x128xf32, #tpu.memory_space<hbm>>
      %dma_wait3A_45 = arith.constant 0 : i32
      %dma_wait3A_46 = tpu.memref_slice %arg7[%mul3A_36, %dma_wait3A_45] : memref<10240x128xf32, #tpu.memory_space<vmem_shared>> -> memref<640x128xf32, #tpu.memory_space<vmem_shared>>
      tpu.wait_dma2 semaphore(%run_scoped3A : memref<!tpu.dma_semaphore, #tpu.memory_space<semaphore_mem>>) src(%dma_wait3A_46 : memref<640x128xf32, #tpu.memory_space<vmem_shared>>) dst(%dma_wait3A_44 : memref<640x128xf32, #tpu.memory_space<hbm>>)
      tpu.yield
    }) : () -> ()
    return
  }
}

#map = affine_map<(d0, d1) -> (0, 0)>
#map1 = affine_map<(d0, d1) -> (0)>
#map2 = affine_map<(d0, d1) -> (0, 0, 0)>
module attributes {stable_mosaic.version = 14 : i64} {
  func.func @_sc_segment_body(%arg0: i32, %arg1: i32, %arg2: memref<10240x128xf32, #tpu.memory_space<hbm>>, %arg3: memref<320000xi32, #tpu.memory_space<hbm>>, %arg4: memref<320000xi32, #tpu.memory_space<hbm>>, %arg5: memref<64000x128xf32, #tpu.memory_space<hbm>>, %arg6: memref<2x10240x128xf32, #tpu.memory_space<hbm>>, %arg7: memref<10240x128xf32, #tpu.memory_space<vmem_shared>>, %arg8: memref<80xi32, #tpu.memory_space<vmem>>, %arg9: memref<80xi32, #tpu.memory_space<vmem>>, %arg10: memref<80x128xf32, #tpu.memory_space<vmem>>, %arg11: memref<80x128xf32, #tpu.memory_space<vmem>>, %arg12: memref<128x128xf32, #tpu.memory_space<vmem>>, %arg13: memref<!tpu.dma_semaphore, #tpu.memory_space<semaphore_mem>>) attributes {dimension_semantics = [#tpu.dimension_semantics<core_parallel>, #tpu.dimension_semantics<subcore_parallel>], iteration_bounds = array<i64: 2, 16>, scalar_prefetch = 0 : i64, scratch_operands = 7 : i64, tpu.core_type = #tpu.core_type<sc_vector_subcore>, window_params = [{transform_indices = #map}, {transform_indices = #map1}, {transform_indices = #map1}, {transform_indices = #map}, {transform_indices = #map2}]} {
    %mul3A = arith.constant 16 : i32
    %mul3A_0 = arith.muli %arg0, %mul3A : i32
    %add3A = arith.addi %mul3A_0, %arg1 : i32
    %scan3A = arith.constant 0 : i32
    %scan3A_1 = arith.constant 0 : i32
    %scan3A_2 = arith.constant 128 : i32
    %scan3A_3 = arith.addi %scan3A_1, %scan3A_2 : i32
    %scan3A_4 = arith.constant 1 : i32
    %scan3A_5 = scf.for %scan3A_39 = %scan3A_1 to %scan3A_3 step %scan3A_4 iter_args(%scan3A_40 = %scan3A) -> (i32)  : i32 {
      %broadcast_in_dim3A = arith.constant 0.000000e+00 : f32
      %broadcast_in_dim3A_41 = vector.broadcast %broadcast_in_dim3A : f32 to vector<16xf32>
      %swap3A = arith.index_cast %scan3A_39 : i32 to index
      %swap3A_42 = arith.constant 0 : index
      %swap3A_43 = tpu.vector_load %arg12[%swap3A, %swap3A_42] {strides = array<i32>} : memref<128x128xf32, #tpu.memory_space<vmem>>, vector<1x16xf32>,
      %swap3A_44 = vector.shape_cast %swap3A_43 : vector<1x16xf32> to vector<16xf32>
      %swap3A_45 = vector.shape_cast %broadcast_in_dim3A_41 : vector<16xf32> to vector<1x16xf32>
      tpu.vector_store %arg12[%swap3A, %swap3A_42], %swap3A_45 {strides = array<i32>} : memref<128x128xf32, #tpu.memory_space<vmem>>, vector<1x16xf32>,
      %broadcast_in_dim3A_46 = arith.constant 0.000000e+00 : f32
      %broadcast_in_dim3A_47 = vector.broadcast %broadcast_in_dim3A_46 : f32 to vector<16xf32>
      %swap3A_48 = arith.index_cast %scan3A_39 : i32 to index
      %swap3A_49 = arith.constant 16 : index
      %swap3A_50 = tpu.vector_load %arg12[%swap3A_48, %swap3A_49] {strides = array<i32>} : memref<128x128xf32, #tpu.memory_space<vmem>>, vector<1x16xf32>,
      %swap3A_51 = vector.shape_cast %swap3A_50 : vector<1x16xf32> to vector<16xf32>
      %swap3A_52 = vector.shape_cast %broadcast_in_dim3A_47 : vector<16xf32> to vector<1x16xf32>
      tpu.vector_store %arg12[%swap3A_48, %swap3A_49], %swap3A_52 {strides = array<i32>} : memref<128x128xf32, #tpu.memory_space<vmem>>, vector<1x16xf32>,
      %broadcast_in_dim3A_53 = arith.constant 0.000000e+00 : f32
      %broadcast_in_dim3A_54 = vector.broadcast %broadcast_in_dim3A_53 : f32 to vector<16xf32>
      %swap3A_55 = arith.index_cast %scan3A_39 : i32 to index
      %swap3A_56 = arith.constant 32 : index
      %swap3A_57 = tpu.vector_load %arg12[%swap3A_55, %swap3A_56] {strides = array<i32>} : memref<128x128xf32, #tpu.memory_space<vmem>>, vector<1x16xf32>,
      %swap3A_58 = vector.shape_cast %swap3A_57 : vector<1x16xf32> to vector<16xf32>
      %swap3A_59 = vector.shape_cast %broadcast_in_dim3A_54 : vector<16xf32> to vector<1x16xf32>
      tpu.vector_store %arg12[%swap3A_55, %swap3A_56], %swap3A_59 {strides = array<i32>} : memref<128x128xf32, #tpu.memory_space<vmem>>, vector<1x16xf32>,
      %broadcast_in_dim3A_60 = arith.constant 0.000000e+00 : f32
      %broadcast_in_dim3A_61 = vector.broadcast %broadcast_in_dim3A_60 : f32 to vector<16xf32>
      %swap3A_62 = arith.index_cast %scan3A_39 : i32 to index
      %swap3A_63 = arith.constant 48 : index
      %swap3A_64 = tpu.vector_load %arg12[%swap3A_62, %swap3A_63] {strides = array<i32>} : memref<128x128xf32, #tpu.memory_space<vmem>>, vector<1x16xf32>,
      %swap3A_65 = vector.shape_cast %swap3A_64 : vector<1x16xf32> to vector<16xf32>
      %swap3A_66 = vector.shape_cast %broadcast_in_dim3A_61 : vector<16xf32> to vector<1x16xf32>
      tpu.vector_store %arg12[%swap3A_62, %swap3A_63], %swap3A_66 {strides = array<i32>} : memref<128x128xf32, #tpu.memory_space<vmem>>, vector<1x16xf32>,
      %broadcast_in_dim3A_67 = arith.constant 0.000000e+00 : f32
      %broadcast_in_dim3A_68 = vector.broadcast %broadcast_in_dim3A_67 : f32 to vector<16xf32>
      %swap3A_69 = arith.index_cast %scan3A_39 : i32 to index
      %swap3A_70 = arith.constant 64 : index
      %swap3A_71 = tpu.vector_load %arg12[%swap3A_69, %swap3A_70] {strides = array<i32>} : memref<128x128xf32, #tpu.memory_space<vmem>>, vector<1x16xf32>,
      %swap3A_72 = vector.shape_cast %swap3A_71 : vector<1x16xf32> to vector<16xf32>
      %swap3A_73 = vector.shape_cast %broadcast_in_dim3A_68 : vector<16xf32> to vector<1x16xf32>
      tpu.vector_store %arg12[%swap3A_69, %swap3A_70], %swap3A_73 {strides = array<i32>} : memref<128x128xf32, #tpu.memory_space<vmem>>, vector<1x16xf32>,
      %broadcast_in_dim3A_74 = arith.constant 0.000000e+00 : f32
      %broadcast_in_dim3A_75 = vector.broadcast %broadcast_in_dim3A_74 : f32 to vector<16xf32>
      %swap3A_76 = arith.index_cast %scan3A_39 : i32 to index
      %swap3A_77 = arith.constant 80 : index
      %swap3A_78 = tpu.vector_load %arg12[%swap3A_76, %swap3A_77] {strides = array<i32>} : memref<128x128xf32, #tpu.memory_space<vmem>>, vector<1x16xf32>,
      %swap3A_79 = vector.shape_cast %swap3A_78 : vector<1x16xf32> to vector<16xf32>
      %swap3A_80 = vector.shape_cast %broadcast_in_dim3A_75 : vector<16xf32> to vector<1x16xf32>
      tpu.vector_store %arg12[%swap3A_76, %swap3A_77], %swap3A_80 {strides = array<i32>} : memref<128x128xf32, #tpu.memory_space<vmem>>, vector<1x16xf32>,
      %broadcast_in_dim3A_81 = arith.constant 0.000000e+00 : f32
      %broadcast_in_dim3A_82 = vector.broadcast %broadcast_in_dim3A_81 : f32 to vector<16xf32>
      %swap3A_83 = arith.index_cast %scan3A_39 : i32 to index
      %swap3A_84 = arith.constant 96 : index
      %swap3A_85 = tpu.vector_load %arg12[%swap3A_83, %swap3A_84] {strides = array<i32>} : memref<128x128xf32, #tpu.memory_space<vmem>>, vector<1x16xf32>,
      %swap3A_86 = vector.shape_cast %swap3A_85 : vector<1x16xf32> to vector<16xf32>
      %swap3A_87 = vector.shape_cast %broadcast_in_dim3A_82 : vector<16xf32> to vector<1x16xf32>
      tpu.vector_store %arg12[%swap3A_83, %swap3A_84], %swap3A_87 {strides = array<i32>} : memref<128x128xf32, #tpu.memory_space<vmem>>, vector<1x16xf32>,
      %broadcast_in_dim3A_88 = arith.constant 0.000000e+00 : f32
      %broadcast_in_dim3A_89 = vector.broadcast %broadcast_in_dim3A_88 : f32 to vector<16xf32>
      %swap3A_90 = arith.index_cast %scan3A_39 : i32 to index
      %swap3A_91 = arith.constant 112 : index
      %swap3A_92 = tpu.vector_load %arg12[%swap3A_90, %swap3A_91] {strides = array<i32>} : memref<128x128xf32, #tpu.memory_space<vmem>>, vector<1x16xf32>,
      %swap3A_93 = vector.shape_cast %swap3A_92 : vector<1x16xf32> to vector<16xf32>
      %swap3A_94 = vector.shape_cast %broadcast_in_dim3A_89 : vector<16xf32> to vector<1x16xf32>
      tpu.vector_store %arg12[%swap3A_90, %swap3A_91], %swap3A_94 {strides = array<i32>} : memref<128x128xf32, #tpu.memory_space<vmem>>, vector<1x16xf32>,
      %scan3A_95 = arith.constant 0 : i32
      scf.yield %scan3A_95 : i32
    }
    %scan3A_6 = arith.constant 128 : i32
    %mul3A_7 = arith.constant 640 : i32
    %mul3A_8 = arith.muli %arg1, %mul3A_7 : i32
    %add3A_9 = arith.constant 0 : i32
    %add3A_10 = arith.addi %mul3A_8, %add3A_9 : i32
    "tpu.region"() ({
      %run_scoped3A = tpu.sem_alloc : memref<!tpu.dma_semaphore, #tpu.memory_space<semaphore_mem>>
      %dma_start3A = arith.constant 0 : i32
      %dma_start3A_39 = tpu.memref_slice %arg7[%add3A_10, %dma_start3A] : memref<10240x128xf32, #tpu.memory_space<vmem_shared>> -> memref<128x128xf32, #tpu.memory_space<vmem_shared>>
      %dma_start3A_40 = arith.constant 0 : i32
      %dma_start3A_41 = tpu.memref_slice %arg7[%add3A_10, %dma_start3A_40] : memref<10240x128xf32, #tpu.memory_space<vmem_shared>> -> memref<128x128xf32, #tpu.memory_space<vmem_shared>>
      tpu.enqueue_dma source(%arg12 : memref<128x128xf32, #tpu.memory_space<vmem>>) target(%dma_start3A_41 : memref<128x128xf32, #tpu.memory_space<vmem_shared>>) target_semaphore(%run_scoped3A : memref<!tpu.dma_semaphore, #tpu.memory_space<semaphore_mem>>)
      %dma_wait3A = arith.constant 0 : i32
      %dma_wait3A_42 = tpu.memref_slice %arg7[%add3A_10, %dma_wait3A] : memref<10240x128xf32, #tpu.memory_space<vmem_shared>> -> memref<128x128xf32, #tpu.memory_space<vmem_shared>>
      %dma_wait3A_43 = arith.constant 0 : i32
      %dma_wait3A_44 = tpu.memref_slice %arg7[%add3A_10, %dma_wait3A_43] : memref<10240x128xf32, #tpu.memory_space<vmem_shared>> -> memref<128x128xf32, #tpu.memory_space<vmem_shared>>
      tpu.wait_dma2 semaphore(%run_scoped3A : memref<!tpu.dma_semaphore, #tpu.memory_space<semaphore_mem>>) src(%arg12 : memref<128x128xf32, #tpu.memory_space<vmem>>) dst(%dma_wait3A_44 : memref<128x128xf32, #tpu.memory_space<vmem_shared>>)
      tpu.yield
    }) : () -> ()
    %mul3A_11 = arith.constant 640 : i32
    %mul3A_12 = arith.muli %arg1, %mul3A_11 : i32
    %add3A_13 = arith.constant 128 : i32
    %add3A_14 = arith.addi %mul3A_12, %add3A_13 : i32
    "tpu.region"() ({
      %run_scoped3A = tpu.sem_alloc : memref<!tpu.dma_semaphore, #tpu.memory_space<semaphore_mem>>
      %dma_start3A = arith.constant 0 : i32
      %dma_start3A_39 = tpu.memref_slice %arg7[%add3A_14, %dma_start3A] : memref<10240x128xf32, #tpu.memory_space<vmem_shared>> -> memref<128x128xf32, #tpu.memory_space<vmem_shared>>
      %dma_start3A_40 = arith.constant 0 : i32
      %dma_start3A_41 = tpu.memref_slice %arg7[%add3A_14, %dma_start3A_40] : memref<10240x128xf32, #tpu.memory_space<vmem_shared>> -> memref<128x128xf32, #tpu.memory_space<vmem_shared>>
      tpu.enqueue_dma source(%arg12 : memref<128x128xf32, #tpu.memory_space<vmem>>) target(%dma_start3A_41 : memref<128x128xf32, #tpu.memory_space<vmem_shared>>) target_semaphore(%run_scoped3A : memref<!tpu.dma_semaphore, #tpu.memory_space<semaphore_mem>>)
      %dma_wait3A = arith.constant 0 : i32
      %dma_wait3A_42 = tpu.memref_slice %arg7[%add3A_14, %dma_wait3A] : memref<10240x128xf32, #tpu.memory_space<vmem_shared>> -> memref<128x128xf32, #tpu.memory_space<vmem_shared>>
      %dma_wait3A_43 = arith.constant 0 : i32
      %dma_wait3A_44 = tpu.memref_slice %arg7[%add3A_14, %dma_wait3A_43] : memref<10240x128xf32, #tpu.memory_space<vmem_shared>> -> memref<128x128xf32, #tpu.memory_space<vmem_shared>>
      tpu.wait_dma2 semaphore(%run_scoped3A : memref<!tpu.dma_semaphore, #tpu.memory_space<semaphore_mem>>) src(%arg12 : memref<128x128xf32, #tpu.memory_space<vmem>>) dst(%dma_wait3A_44 : memref<128x128xf32, #tpu.memory_space<vmem_shared>>)
      tpu.yield
    }) : () -> ()
    %mul3A_15 = arith.constant 640 : i32
    %mul3A_16 = arith.muli %arg1, %mul3A_15 : i32
    %add3A_17 = arith.constant 256 : i32
    %add3A_18 = arith.addi %mul3A_16, %add3A_17 : i32
    "tpu.region"() ({
      %run_scoped3A = tpu.sem_alloc : memref<!tpu.dma_semaphore, #tpu.memory_space<semaphore_mem>>
      %dma_start3A = arith.constant 0 : i32
      %dma_start3A_39 = tpu.memref_slice %arg7[%add3A_18, %dma_start3A] : memref<10240x128xf32, #tpu.memory_space<vmem_shared>> -> memref<128x128xf32, #tpu.memory_space<vmem_shared>>
      %dma_start3A_40 = arith.constant 0 : i32
      %dma_start3A_41 = tpu.memref_slice %arg7[%add3A_18, %dma_start3A_40] : memref<10240x128xf32, #tpu.memory_space<vmem_shared>> -> memref<128x128xf32, #tpu.memory_space<vmem_shared>>
      tpu.enqueue_dma source(%arg12 : memref<128x128xf32, #tpu.memory_space<vmem>>) target(%dma_start3A_41 : memref<128x128xf32, #tpu.memory_space<vmem_shared>>) target_semaphore(%run_scoped3A : memref<!tpu.dma_semaphore, #tpu.memory_space<semaphore_mem>>)
      %dma_wait3A = arith.constant 0 : i32
      %dma_wait3A_42 = tpu.memref_slice %arg7[%add3A_18, %dma_wait3A] : memref<10240x128xf32, #tpu.memory_space<vmem_shared>> -> memref<128x128xf32, #tpu.memory_space<vmem_shared>>
      %dma_wait3A_43 = arith.constant 0 : i32
      %dma_wait3A_44 = tpu.memref_slice %arg7[%add3A_18, %dma_wait3A_43] : memref<10240x128xf32, #tpu.memory_space<vmem_shared>> -> memref<128x128xf32, #tpu.memory_space<vmem_shared>>
      tpu.wait_dma2 semaphore(%run_scoped3A : memref<!tpu.dma_semaphore, #tpu.memory_space<semaphore_mem>>) src(%arg12 : memref<128x128xf32, #tpu.memory_space<vmem>>) dst(%dma_wait3A_44 : memref<128x128xf32, #tpu.memory_space<vmem_shared>>)
      tpu.yield
    }) : () -> ()
    %mul3A_19 = arith.constant 640 : i32
    %mul3A_20 = arith.muli %arg1, %mul3A_19 : i32
    %add3A_21 = arith.constant 384 : i32
    %add3A_22 = arith.addi %mul3A_20, %add3A_21 : i32
    "tpu.region"() ({
      %run_scoped3A = tpu.sem_alloc : memref<!tpu.dma_semaphore, #tpu.memory_space<semaphore_mem>>
      %dma_start3A = arith.constant 0 : i32
      %dma_start3A_39 = tpu.memref_slice %arg7[%add3A_22, %dma_start3A] : memref<10240x128xf32, #tpu.memory_space<vmem_shared>> -> memref<128x128xf32, #tpu.memory_space<vmem_shared>>
      %dma_start3A_40 = arith.constant 0 : i32
      %dma_start3A_41 = tpu.memref_slice %arg7[%add3A_22, %dma_start3A_40] : memref<10240x128xf32, #tpu.memory_space<vmem_shared>> -> memref<128x128xf32, #tpu.memory_space<vmem_shared>>
      tpu.enqueue_dma source(%arg12 : memref<128x128xf32, #tpu.memory_space<vmem>>) target(%dma_start3A_41 : memref<128x128xf32, #tpu.memory_space<vmem_shared>>) target_semaphore(%run_scoped3A : memref<!tpu.dma_semaphore, #tpu.memory_space<semaphore_mem>>)
      %dma_wait3A = arith.constant 0 : i32
      %dma_wait3A_42 = tpu.memref_slice %arg7[%add3A_22, %dma_wait3A] : memref<10240x128xf32, #tpu.memory_space<vmem_shared>> -> memref<128x128xf32, #tpu.memory_space<vmem_shared>>
      %dma_wait3A_43 = arith.constant 0 : i32
      %dma_wait3A_44 = tpu.memref_slice %arg7[%add3A_22, %dma_wait3A_43] : memref<10240x128xf32, #tpu.memory_space<vmem_shared>> -> memref<128x128xf32, #tpu.memory_space<vmem_shared>>
      tpu.wait_dma2 semaphore(%run_scoped3A : memref<!tpu.dma_semaphore, #tpu.memory_space<semaphore_mem>>) src(%arg12 : memref<128x128xf32, #tpu.memory_space<vmem>>) dst(%dma_wait3A_44 : memref<128x128xf32, #tpu.memory_space<vmem_shared>>)
      tpu.yield
    }) : () -> ()
    %mul3A_23 = arith.constant 640 : i32
    %mul3A_24 = arith.muli %arg1, %mul3A_23 : i32
    %add3A_25 = arith.constant 512 : i32
    %add3A_26 = arith.addi %mul3A_24, %add3A_25 : i32
    "tpu.region"() ({
      %run_scoped3A = tpu.sem_alloc : memref<!tpu.dma_semaphore, #tpu.memory_space<semaphore_mem>>
      %dma_start3A = arith.constant 0 : i32
      %dma_start3A_39 = tpu.memref_slice %arg7[%add3A_26, %dma_start3A] : memref<10240x128xf32, #tpu.memory_space<vmem_shared>> -> memref<128x128xf32, #tpu.memory_space<vmem_shared>>
      %dma_start3A_40 = arith.constant 0 : i32
      %dma_start3A_41 = tpu.memref_slice %arg7[%add3A_26, %dma_start3A_40] : memref<10240x128xf32, #tpu.memory_space<vmem_shared>> -> memref<128x128xf32, #tpu.memory_space<vmem_shared>>
      tpu.enqueue_dma source(%arg12 : memref<128x128xf32, #tpu.memory_space<vmem>>) target(%dma_start3A_41 : memref<128x128xf32, #tpu.memory_space<vmem_shared>>) target_semaphore(%run_scoped3A : memref<!tpu.dma_semaphore, #tpu.memory_space<semaphore_mem>>)
      %dma_wait3A = arith.constant 0 : i32
      %dma_wait3A_42 = tpu.memref_slice %arg7[%add3A_26, %dma_wait3A] : memref<10240x128xf32, #tpu.memory_space<vmem_shared>> -> memref<128x128xf32, #tpu.memory_space<vmem_shared>>
      %dma_wait3A_43 = arith.constant 0 : i32
      %dma_wait3A_44 = tpu.memref_slice %arg7[%add3A_26, %dma_wait3A_43] : memref<10240x128xf32, #tpu.memory_space<vmem_shared>> -> memref<128x128xf32, #tpu.memory_space<vmem_shared>>
      tpu.wait_dma2 semaphore(%run_scoped3A : memref<!tpu.dma_semaphore, #tpu.memory_space<semaphore_mem>>) src(%arg12 : memref<128x128xf32, #tpu.memory_space<vmem>>) dst(%dma_wait3A_44 : memref<128x128xf32, #tpu.memory_space<vmem_shared>>)
      tpu.yield
    }) : () -> ()
    %barrier3A = arith.constant 0 : index
    tpu.barrier barrier_id(%barrier3A)
    %scan3A_27 = arith.constant 0 : i32
    %scan3A_28 = arith.constant 0 : i32
    %scan3A_29 = arith.constant 25 : i32
    %scan3A_30 = arith.addi %scan3A_28, %scan3A_29 : i32
    %scan3A_31 = arith.constant 1 : i32
    %scan3A_32 = scf.for %scan3A_39 = %scan3A_28 to %scan3A_30 step %scan3A_31 iter_args(%scan3A_40 = %scan3A_27) -> (i32)  : i32 {
      %mul3A_41 = arith.constant 2000 : i32
      %mul3A_42 = arith.muli %add3A, %mul3A_41 : i32
      %mul3A_43 = arith.constant 80 : i32
      %mul3A_44 = arith.muli %scan3A_39, %mul3A_43 : i32
      %add3A_45 = arith.addi %mul3A_42, %mul3A_44 : i32
      %add3A_46 = arith.constant 230400 : i32
      %add3A_47 = arith.addi %add3A_46, %add3A_45 : i32
      "tpu.region"() ({
        %run_scoped3A = tpu.sem_alloc : memref<!tpu.dma_semaphore, #tpu.memory_space<semaphore_mem>>
        %dma_start3A_60 = tpu.memref_slice %arg3[%add3A_47] : memref<320000xi32, #tpu.memory_space<hbm>> -> memref<80xi32, #tpu.memory_space<hbm>>
        %dma_start3A_61 = tpu.memref_slice %arg3[%add3A_47] : memref<320000xi32, #tpu.memory_space<hbm>> -> memref<80xi32, #tpu.memory_space<hbm>>
        tpu.enqueue_dma source(%dma_start3A_61 : memref<80xi32, #tpu.memory_space<hbm>>) target(%arg8 : memref<80xi32, #tpu.memory_space<vmem>>) target_semaphore(%run_scoped3A : memref<!tpu.dma_semaphore, #tpu.memory_space<semaphore_mem>>)
        %dma_wait3A_62 = tpu.memref_slice %arg3[%add3A_47] : memref<320000xi32, #tpu.memory_space<hbm>> -> memref<80xi32, #tpu.memory_space<hbm>>
        %dma_wait3A_63 = tpu.memref_slice %arg3[%add3A_47] : memref<320000xi32, #tpu.memory_space<hbm>> -> memref<80xi32, #tpu.memory_space<hbm>>
        tpu.wait_dma2 semaphore(%run_scoped3A : memref<!tpu.dma_semaphore, #tpu.memory_space<semaphore_mem>>) src(%dma_wait3A_63 : memref<80xi32, #tpu.memory_space<hbm>>) dst(%arg8 : memref<80xi32, #tpu.memory_space<vmem>>)
        tpu.yield
      }) : () -> ()
      %dma_start3A = arith.constant 0 : i32
      %dma_start3A_48 = arith.constant 0 : i32
      %dma_start3A_49 = tpu.memref_slice %arg2[%dma_start3A, %dma_start3A_48] : memref<10240x128xf32, #tpu.memory_space<hbm>> -> memref<10240x128xf32, #tpu.memory_space<hbm>>
      tpu.enqueue_indirect_dma source(%dma_start3A_49 : memref<10240x128xf32, #tpu.memory_space<hbm>>) target(%arg11 : memref<80x128xf32, #tpu.memory_space<vmem>>) offsets(%arg8 : memref<80xi32, #tpu.memory_space<vmem>>) semaphore(%arg13 : memref<!tpu.dma_semaphore, #tpu.memory_space<semaphore_mem>>)
      "tpu.region"() ({
        %run_scoped3A = tpu.sem_alloc : memref<!tpu.dma_semaphore, #tpu.memory_space<semaphore_mem>>
        %dma_start3A_60 = arith.constant 0 : i32
        %dma_start3A_61 = tpu.memref_slice %arg5[%add3A_45, %dma_start3A_60] : memref<64000x128xf32, #tpu.memory_space<hbm>> -> memref<80x128xf32, #tpu.memory_space<hbm>>
        %dma_start3A_62 = arith.constant 0 : i32
        %dma_start3A_63 = tpu.memref_slice %arg5[%add3A_45, %dma_start3A_62] : memref<64000x128xf32, #tpu.memory_space<hbm>> -> memref<80x128xf32, #tpu.memory_space<hbm>>
        tpu.enqueue_dma source(%dma_start3A_63 : memref<80x128xf32, #tpu.memory_space<hbm>>) target(%arg10 : memref<80x128xf32, #tpu.memory_space<vmem>>) target_semaphore(%run_scoped3A : memref<!tpu.dma_semaphore, #tpu.memory_space<semaphore_mem>>)
        %dma_wait3A_64 = arith.constant 0 : i32
        %dma_wait3A_65 = tpu.memref_slice %arg5[%add3A_45, %dma_wait3A_64] : memref<64000x128xf32, #tpu.memory_space<hbm>> -> memref<80x128xf32, #tpu.memory_space<hbm>>
        %dma_wait3A_66 = arith.constant 0 : i32
        %dma_wait3A_67 = tpu.memref_slice %arg5[%add3A_45, %dma_wait3A_66] : memref<64000x128xf32, #tpu.memory_space<hbm>> -> memref<80x128xf32, #tpu.memory_space<hbm>>
        tpu.wait_dma2 semaphore(%run_scoped3A : memref<!tpu.dma_semaphore, #tpu.memory_space<semaphore_mem>>) src(%dma_wait3A_67 : memref<80x128xf32, #tpu.memory_space<hbm>>) dst(%arg10 : memref<80x128xf32, #tpu.memory_space<vmem>>)
        tpu.yield
      }) : () -> ()
      "tpu.region"() ({
        %run_scoped3A = tpu.sem_alloc : memref<!tpu.dma_semaphore, #tpu.memory_space<semaphore_mem>>
        %dma_start3A_60 = tpu.memref_slice %arg4[%add3A_47] : memref<320000xi32, #tpu.memory_space<hbm>> -> memref<80xi32, #tpu.memory_space<hbm>>
        %dma_start3A_61 = tpu.memref_slice %arg4[%add3A_47] : memref<320000xi32, #tpu.memory_space<hbm>> -> memref<80xi32, #tpu.memory_space<hbm>>
        tpu.enqueue_dma source(%dma_start3A_61 : memref<80xi32, #tpu.memory_space<hbm>>) target(%arg9 : memref<80xi32, #tpu.memory_space<vmem>>) target_semaphore(%run_scoped3A : memref<!tpu.dma_semaphore, #tpu.memory_space<semaphore_mem>>)
        %dma_wait3A_62 = tpu.memref_slice %arg4[%add3A_47] : memref<320000xi32, #tpu.memory_space<hbm>> -> memref<80xi32, #tpu.memory_space<hbm>>
        %dma_wait3A_63 = tpu.memref_slice %arg4[%add3A_47] : memref<320000xi32, #tpu.memory_space<hbm>> -> memref<80xi32, #tpu.memory_space<hbm>>
        tpu.wait_dma2 semaphore(%run_scoped3A : memref<!tpu.dma_semaphore, #tpu.memory_space<semaphore_mem>>) src(%dma_wait3A_63 : memref<80xi32, #tpu.memory_space<hbm>>) dst(%arg9 : memref<80xi32, #tpu.memory_space<vmem>>)
        tpu.yield
      }) : () -> ()
      %dma_wait3A = arith.constant 0 : i32
      %dma_wait3A_50 = arith.constant 0 : i32
      %dma_wait3A_51 = tpu.memref_slice %arg2[%dma_wait3A, %dma_wait3A_50] : memref<10240x128xf32, #tpu.memory_space<hbm>> -> memref<10240x128xf32, #tpu.memory_space<hbm>>
      tpu.wait_indirect_dma semaphore(%arg13 : memref<!tpu.dma_semaphore, #tpu.memory_space<semaphore_mem>>) src(%dma_wait3A_51 : memref<10240x128xf32, #tpu.memory_space<hbm>>) dst(%arg11 : memref<80x128xf32, #tpu.memory_space<vmem>>)
      %scan3A_52 = arith.constant 0 : i32
      %scan3A_53 = arith.constant 0 : i32
      %scan3A_54 = arith.constant 80 : i32
      %scan3A_55 = arith.addi %scan3A_53, %scan3A_54 : i32
      %scan3A_56 = arith.constant 1 : i32
      %scan3A_57 = scf.for %scan3A_60 = %scan3A_53 to %scan3A_55 step %scan3A_56 iter_args(%scan3A_61 = %scan3A_52) -> (i32)  : i32 {
        %get3A = arith.index_cast %scan3A_60 : i32 to index
        %get3A_62 = arith.constant 0 : index
        %get3A_63 = tpu.vector_load %arg11[%get3A, %get3A_62] {strides = array<i32>} : memref<80x128xf32, #tpu.memory_space<vmem>>, vector<1x16xf32>,
        %get3A_64 = vector.shape_cast %get3A_63 : vector<1x16xf32> to vector<16xf32>
        %get3A_65 = arith.index_cast %scan3A_60 : i32 to index
        %get3A_66 = arith.constant 0 : index
        %get3A_67 = tpu.vector_load %arg10[%get3A_65, %get3A_66] {strides = array<i32>} : memref<80x128xf32, #tpu.memory_space<vmem>>, vector<1x16xf32>,
        %get3A_68 = vector.shape_cast %get3A_67 : vector<1x16xf32> to vector<16xf32>
        %mul3A_69 = arith.mulf %get3A_64, %get3A_68 : vector<16xf32>
        %swap3A = arith.index_cast %scan3A_60 : i32 to index
        %swap3A_70 = arith.constant 0 : index
        %swap3A_71 = tpu.vector_load %arg11[%swap3A, %swap3A_70] {strides = array<i32>} : memref<80x128xf32, #tpu.memory_space<vmem>>, vector<1x16xf32>,
        %swap3A_72 = vector.shape_cast %swap3A_71 : vector<1x16xf32> to vector<16xf32>
        %swap3A_73 = vector.shape_cast %mul3A_69 : vector<16xf32> to vector<1x16xf32>
        tpu.vector_store %arg11[%swap3A, %swap3A_70], %swap3A_73 {strides = array<i32>} : memref<80x128xf32, #tpu.memory_space<vmem>>, vector<1x16xf32>,
        %get3A_74 = arith.index_cast %scan3A_60 : i32 to index
        %get3A_75 = arith.constant 16 : index
        %get3A_76 = tpu.vector_load %arg11[%get3A_74, %get3A_75] {strides = array<i32>} : memref<80x128xf32, #tpu.memory_space<vmem>>, vector<1x16xf32>,
        %get3A_77 = vector.shape_cast %get3A_76 : vector<1x16xf32> to vector<16xf32>
        %get3A_78 = arith.index_cast %scan3A_60 : i32 to index
        %get3A_79 = arith.constant 16 : index
        %get3A_80 = tpu.vector_load %arg10[%get3A_78, %get3A_79] {strides = array<i32>} : memref<80x128xf32, #tpu.memory_space<vmem>>, vector<1x16xf32>,
        %get3A_81 = vector.shape_cast %get3A_80 : vector<1x16xf32> to vector<16xf32>
        %mul3A_82 = arith.mulf %get3A_77, %get3A_81 : vector<16xf32>
        %swap3A_83 = arith.index_cast %scan3A_60 : i32 to index
        %swap3A_84 = arith.constant 16 : index
        %swap3A_85 = tpu.vector_load %arg11[%swap3A_83, %swap3A_84] {strides = array<i32>} : memref<80x128xf32, #tpu.memory_space<vmem>>, vector<1x16xf32>,
        %swap3A_86 = vector.shape_cast %swap3A_85 : vector<1x16xf32> to vector<16xf32>
        %swap3A_87 = vector.shape_cast %mul3A_82 : vector<16xf32> to vector<1x16xf32>
        tpu.vector_store %arg11[%swap3A_83, %swap3A_84], %swap3A_87 {strides = array<i32>} : memref<80x128xf32, #tpu.memory_space<vmem>>, vector<1x16xf32>,
        %get3A_88 = arith.index_cast %scan3A_60 : i32 to index
        %get3A_89 = arith.constant 32 : index
        %get3A_90 = tpu.vector_load %arg11[%get3A_88, %get3A_89] {strides = array<i32>} : memref<80x128xf32, #tpu.memory_space<vmem>>, vector<1x16xf32>,
        %get3A_91 = vector.shape_cast %get3A_90 : vector<1x16xf32> to vector<16xf32>
        %get3A_92 = arith.index_cast %scan3A_60 : i32 to index
        %get3A_93 = arith.constant 32 : index
        %get3A_94 = tpu.vector_load %arg10[%get3A_92, %get3A_93] {strides = array<i32>} : memref<80x128xf32, #tpu.memory_space<vmem>>, vector<1x16xf32>,
        %get3A_95 = vector.shape_cast %get3A_94 : vector<1x16xf32> to vector<16xf32>
        %mul3A_96 = arith.mulf %get3A_91, %get3A_95 : vector<16xf32>
        %swap3A_97 = arith.index_cast %scan3A_60 : i32 to index
        %swap3A_98 = arith.constant 32 : index
        %swap3A_99 = tpu.vector_load %arg11[%swap3A_97, %swap3A_98] {strides = array<i32>} : memref<80x128xf32, #tpu.memory_space<vmem>>, vector<1x16xf32>,
        %swap3A_100 = vector.shape_cast %swap3A_99 : vector<1x16xf32> to vector<16xf32>
        %swap3A_101 = vector.shape_cast %mul3A_96 : vector<16xf32> to vector<1x16xf32>
        tpu.vector_store %arg11[%swap3A_97, %swap3A_98], %swap3A_101 {strides = array<i32>} : memref<80x128xf32, #tpu.memory_space<vmem>>, vector<1x16xf32>,
        %get3A_102 = arith.index_cast %scan3A_60 : i32 to index
        %get3A_103 = arith.constant 48 : index
        %get3A_104 = tpu.vector_load %arg11[%get3A_102, %get3A_103] {strides = array<i32>} : memref<80x128xf32, #tpu.memory_space<vmem>>, vector<1x16xf32>,
        %get3A_105 = vector.shape_cast %get3A_104 : vector<1x16xf32> to vector<16xf32>
        %get3A_106 = arith.index_cast %scan3A_60 : i32 to index
        %get3A_107 = arith.constant 48 : index
        %get3A_108 = tpu.vector_load %arg10[%get3A_106, %get3A_107] {strides = array<i32>} : memref<80x128xf32, #tpu.memory_space<vmem>>, vector<1x16xf32>,
        %get3A_109 = vector.shape_cast %get3A_108 : vector<1x16xf32> to vector<16xf32>
        %mul3A_110 = arith.mulf %get3A_105, %get3A_109 : vector<16xf32>
        %swap3A_111 = arith.index_cast %scan3A_60 : i32 to index
        %swap3A_112 = arith.constant 48 : index
        %swap3A_113 = tpu.vector_load %arg11[%swap3A_111, %swap3A_112] {strides = array<i32>} : memref<80x128xf32, #tpu.memory_space<vmem>>, vector<1x16xf32>,
        %swap3A_114 = vector.shape_cast %swap3A_113 : vector<1x16xf32> to vector<16xf32>
        %swap3A_115 = vector.shape_cast %mul3A_110 : vector<16xf32> to vector<1x16xf32>
        tpu.vector_store %arg11[%swap3A_111, %swap3A_112], %swap3A_115 {strides = array<i32>} : memref<80x128xf32, #tpu.memory_space<vmem>>, vector<1x16xf32>,
        %get3A_116 = arith.index_cast %scan3A_60 : i32 to index
        %get3A_117 = arith.constant 64 : index
        %get3A_118 = tpu.vector_load %arg11[%get3A_116, %get3A_117] {strides = array<i32>} : memref<80x128xf32, #tpu.memory_space<vmem>>, vector<1x16xf32>,
        %get3A_119 = vector.shape_cast %get3A_118 : vector<1x16xf32> to vector<16xf32>
        %get3A_120 = arith.index_cast %scan3A_60 : i32 to index
        %get3A_121 = arith.constant 64 : index
        %get3A_122 = tpu.vector_load %arg10[%get3A_120, %get3A_121] {strides = array<i32>} : memref<80x128xf32, #tpu.memory_space<vmem>>, vector<1x16xf32>,
        %get3A_123 = vector.shape_cast %get3A_122 : vector<1x16xf32> to vector<16xf32>
        %mul3A_124 = arith.mulf %get3A_119, %get3A_123 : vector<16xf32>
        %swap3A_125 = arith.index_cast %scan3A_60 : i32 to index
        %swap3A_126 = arith.constant 64 : index
        %swap3A_127 = tpu.vector_load %arg11[%swap3A_125, %swap3A_126] {strides = array<i32>} : memref<80x128xf32, #tpu.memory_space<vmem>>, vector<1x16xf32>,
        %swap3A_128 = vector.shape_cast %swap3A_127 : vector<1x16xf32> to vector<16xf32>
        %swap3A_129 = vector.shape_cast %mul3A_124 : vector<16xf32> to vector<1x16xf32>
        tpu.vector_store %arg11[%swap3A_125, %swap3A_126], %swap3A_129 {strides = array<i32>} : memref<80x128xf32, #tpu.memory_space<vmem>>, vector<1x16xf32>,
        %get3A_130 = arith.index_cast %scan3A_60 : i32 to index
        %get3A_131 = arith.constant 80 : index
        %get3A_132 = tpu.vector_load %arg11[%get3A_130, %get3A_131] {strides = array<i32>} : memref<80x128xf32, #tpu.memory_space<vmem>>, vector<1x16xf32>,
        %get3A_133 = vector.shape_cast %get3A_132 : vector<1x16xf32> to vector<16xf32>
        %get3A_134 = arith.index_cast %scan3A_60 : i32 to index
        %get3A_135 = arith.constant 80 : index
        %get3A_136 = tpu.vector_load %arg10[%get3A_134, %get3A_135] {strides = array<i32>} : memref<80x128xf32, #tpu.memory_space<vmem>>, vector<1x16xf32>,
        %get3A_137 = vector.shape_cast %get3A_136 : vector<1x16xf32> to vector<16xf32>
        %mul3A_138 = arith.mulf %get3A_133, %get3A_137 : vector<16xf32>
        %swap3A_139 = arith.index_cast %scan3A_60 : i32 to index
        %swap3A_140 = arith.constant 80 : index
        %swap3A_141 = tpu.vector_load %arg11[%swap3A_139, %swap3A_140] {strides = array<i32>} : memref<80x128xf32, #tpu.memory_space<vmem>>, vector<1x16xf32>,
        %swap3A_142 = vector.shape_cast %swap3A_141 : vector<1x16xf32> to vector<16xf32>
        %swap3A_143 = vector.shape_cast %mul3A_138 : vector<16xf32> to vector<1x16xf32>
        tpu.vector_store %arg11[%swap3A_139, %swap3A_140], %swap3A_143 {strides = array<i32>} : memref<80x128xf32, #tpu.memory_space<vmem>>, vector<1x16xf32>,
        %get3A_144 = arith.index_cast %scan3A_60 : i32 to index
        %get3A_145 = arith.constant 96 : index
        %get3A_146 = tpu.vector_load %arg11[%get3A_144, %get3A_145] {strides = array<i32>} : memref<80x128xf32, #tpu.memory_space<vmem>>, vector<1x16xf32>,
        %get3A_147 = vector.shape_cast %get3A_146 : vector<1x16xf32> to vector<16xf32>
        %get3A_148 = arith.index_cast %scan3A_60 : i32 to index
        %get3A_149 = arith.constant 96 : index
        %get3A_150 = tpu.vector_load %arg10[%get3A_148, %get3A_149] {strides = array<i32>} : memref<80x128xf32, #tpu.memory_space<vmem>>, vector<1x16xf32>,
        %get3A_151 = vector.shape_cast %get3A_150 : vector<1x16xf32> to vector<16xf32>
        %mul3A_152 = arith.mulf %get3A_147, %get3A_151 : vector<16xf32>
        %swap3A_153 = arith.index_cast %scan3A_60 : i32 to index
        %swap3A_154 = arith.constant 96 : index
        %swap3A_155 = tpu.vector_load %arg11[%swap3A_153, %swap3A_154] {strides = array<i32>} : memref<80x128xf32, #tpu.memory_space<vmem>>, vector<1x16xf32>,
        %swap3A_156 = vector.shape_cast %swap3A_155 : vector<1x16xf32> to vector<16xf32>
        %swap3A_157 = vector.shape_cast %mul3A_152 : vector<16xf32> to vector<1x16xf32>
        tpu.vector_store %arg11[%swap3A_153, %swap3A_154], %swap3A_157 {strides = array<i32>} : memref<80x128xf32, #tpu.memory_space<vmem>>, vector<1x16xf32>,
        %get3A_158 = arith.index_cast %scan3A_60 : i32 to index
        %get3A_159 = arith.constant 112 : index
        %get3A_160 = tpu.vector_load %arg11[%get3A_158, %get3A_159] {strides = array<i32>} : memref<80x128xf32, #tpu.memory_space<vmem>>, vector<1x16xf32>,
        %get3A_161 = vector.shape_cast %get3A_160 : vector<1x16xf32> to vector<16xf32>
        %get3A_162 = arith.index_cast %scan3A_60 : i32 to index
        %get3A_163 = arith.constant 112 : index
        %get3A_164 = tpu.vector_load %arg10[%get3A_162, %get3A_163] {strides = array<i32>} : memref<80x128xf32, #tpu.memory_space<vmem>>, vector<1x16xf32>,
        %get3A_165 = vector.shape_cast %get3A_164 : vector<1x16xf32> to vector<16xf32>
        %mul3A_166 = arith.mulf %get3A_161, %get3A_165 : vector<16xf32>
        %swap3A_167 = arith.index_cast %scan3A_60 : i32 to index
        %swap3A_168 = arith.constant 112 : index
        %swap3A_169 = tpu.vector_load %arg11[%swap3A_167, %swap3A_168] {strides = array<i32>} : memref<80x128xf32, #tpu.memory_space<vmem>>, vector<1x16xf32>,
        %swap3A_170 = vector.shape_cast %swap3A_169 : vector<1x16xf32> to vector<16xf32>
        %swap3A_171 = vector.shape_cast %mul3A_166 : vector<16xf32> to vector<1x16xf32>
        tpu.vector_store %arg11[%swap3A_167, %swap3A_168], %swap3A_171 {strides = array<i32>} : memref<80x128xf32, #tpu.memory_space<vmem>>, vector<1x16xf32>,
        %scan3A_172 = arith.constant 0 : i32
        scf.yield %scan3A_172 : i32
      }
      %scan3A_58 = arith.constant 80 : i32
      "tpu.region"() ({
        %run_scoped3A = tpu.sem_alloc : memref<!tpu.dma_semaphore, #tpu.memory_space<semaphore_mem>>
        %dma_start3A_60 = arith.constant 0 : i32
        %dma_start3A_61 = arith.constant 0 : i32
        %dma_start3A_62 = tpu.memref_slice %arg7[%dma_start3A_60, %dma_start3A_61] : memref<10240x128xf32, #tpu.memory_space<vmem_shared>> -> memref<10240x128xf32, #tpu.memory_space<vmem_shared>>
        tpu.enqueue_indirect_dma source(%arg11 : memref<80x128xf32, #tpu.memory_space<vmem>>) target(%dma_start3A_62 : memref<10240x128xf32, #tpu.memory_space<vmem_shared>>) offsets(%arg9 : memref<80xi32, #tpu.memory_space<vmem>>) semaphore(%run_scoped3A : memref<!tpu.dma_semaphore, #tpu.memory_space<semaphore_mem>>) {add = true}
        %dma_wait3A_63 = arith.constant 0 : i32
        %dma_wait3A_64 = arith.constant 0 : i32
        %dma_wait3A_65 = tpu.memref_slice %arg7[%dma_wait3A_63, %dma_wait3A_64] : memref<10240x128xf32, #tpu.memory_space<vmem_shared>> -> memref<10240x128xf32, #tpu.memory_space<vmem_shared>>
        tpu.wait_indirect_dma semaphore(%run_scoped3A : memref<!tpu.dma_semaphore, #tpu.memory_space<semaphore_mem>>) src(%arg11 : memref<80x128xf32, #tpu.memory_space<vmem>>) dst(%dma_wait3A_65 : memref<10240x128xf32, #tpu.memory_space<vmem_shared>>)
        tpu.yield
      }) : () -> ()
      %scan3A_59 = arith.constant 0 : i32
      scf.yield %scan3A_59 : i32
    }
    %scan3A_33 = arith.constant 25 : i32
    %barrier3A_34 = arith.constant 0 : index
    tpu.barrier barrier_id(%barrier3A_34)
    %mul3A_35 = arith.constant 640 : i32
    %mul3A_36 = arith.muli %arg1, %mul3A_35 : i32
    %mul3A_37 = arith.constant 640 : i32
    %mul3A_38 = arith.muli %arg1, %mul3A_37 : i32
    "tpu.region"() ({
      %run_scoped3A = tpu.sem_alloc : memref<!tpu.dma_semaphore, #tpu.memory_space<semaphore_mem>>
      %dma_start3A = arith.constant 0 : i32
      %dma_start3A_39 = tpu.memref_slice %arg6[%arg0, %mul3A_38, %dma_start3A] : memref<2x10240x128xf32, #tpu.memory_space<hbm>> -> memref<1x640x128xf32, #tpu.memory_space<hbm>>
      %dma_start3A_40 = tpu.memref_squeeze %dma_start3A_39 : memref<1x640x128xf32, #tpu.memory_space<hbm>> -> memref<640x128xf32, #tpu.memory_space<hbm>>
      %dma_start3A_41 = arith.constant 0 : i32
      %dma_start3A_42 = tpu.memref_slice %arg7[%mul3A_36, %dma_start3A_41] : memref<10240x128xf32, #tpu.memory_space<vmem_shared>> -> memref<640x128xf32, #tpu.memory_space<vmem_shared>>
      tpu.enqueue_dma source(%dma_start3A_42 : memref<640x128xf32, #tpu.memory_space<vmem_shared>>) target(%dma_start3A_40 : memref<640x128xf32, #tpu.memory_space<hbm>>) target_semaphore(%run_scoped3A : memref<!tpu.dma_semaphore, #tpu.memory_space<semaphore_mem>>)
      %dma_wait3A = arith.constant 0 : i32
      %dma_wait3A_43 = tpu.memref_slice %arg6[%arg0, %mul3A_38, %dma_wait3A] : memref<2x10240x128xf32, #tpu.memory_space<hbm>> -> memref<1x640x128xf32, #tpu.memory_space<hbm>>
      %dma_wait3A_44 = tpu.memref_squeeze %dma_wait3A_43 : memref<1x640x128xf32, #tpu.memory_space<hbm>> -> memref<640x128xf32, #tpu.memory_space<hbm>>
      %dma_wait3A_45 = arith.constant 0 : i32
      %dma_wait3A_46 = tpu.memref_slice %arg7[%mul3A_36, %dma_wait3A_45] : memref<10240x128xf32, #tpu.memory_space<vmem_shared>> -> memref<640x128xf32, #tpu.memory_space<vmem_shared>>
      tpu.wait_dma2 semaphore(%run_scoped3A : memref<!tpu.dma_semaphore, #tpu.memory_space<semaphore_mem>>) src(%dma_wait3A_46 : memref<640x128xf32, #tpu.memory_space<vmem_shared>>) dst(%dma_wait3A_44 : memref<640x128xf32, #tpu.memory_space<hbm>>)
      tpu.yield
    }) : () -> ()
    return
  }
}

#map = affine_map<(d0, d1) -> (0, 0)>
#map1 = affine_map<(d0, d1) -> (0)>
#map2 = affine_map<(d0, d1) -> (0, 0, 0)>
module attributes {stable_mosaic.version = 14 : i64} {
  func.func @_sc_segment_body(%arg0: i32, %arg1: i32, %arg2: memref<10240x128xf32, #tpu.memory_space<hbm>>, %arg3: memref<320000xi32, #tpu.memory_space<hbm>>, %arg4: memref<320000xi32, #tpu.memory_space<hbm>>, %arg5: memref<25600x128xf32, #tpu.memory_space<hbm>>, %arg6: memref<2x10240x128xf32, #tpu.memory_space<hbm>>, %arg7: memref<10240x128xf32, #tpu.memory_space<vmem_shared>>, %arg8: memref<80xi32, #tpu.memory_space<vmem>>, %arg9: memref<80xi32, #tpu.memory_space<vmem>>, %arg10: memref<80x128xf32, #tpu.memory_space<vmem>>, %arg11: memref<80x128xf32, #tpu.memory_space<vmem>>, %arg12: memref<128x128xf32, #tpu.memory_space<vmem>>, %arg13: memref<!tpu.dma_semaphore, #tpu.memory_space<semaphore_mem>>) attributes {dimension_semantics = [#tpu.dimension_semantics<core_parallel>, #tpu.dimension_semantics<subcore_parallel>], iteration_bounds = array<i64: 2, 16>, scalar_prefetch = 0 : i64, scratch_operands = 7 : i64, tpu.core_type = #tpu.core_type<sc_vector_subcore>, window_params = [{transform_indices = #map}, {transform_indices = #map1}, {transform_indices = #map1}, {transform_indices = #map}, {transform_indices = #map2}]} {
    %mul3A = arith.constant 16 : i32
    %mul3A_0 = arith.muli %arg0, %mul3A : i32
    %add3A = arith.addi %mul3A_0, %arg1 : i32
    %scan3A = arith.constant 0 : i32
    %scan3A_1 = arith.constant 0 : i32
    %scan3A_2 = arith.constant 128 : i32
    %scan3A_3 = arith.addi %scan3A_1, %scan3A_2 : i32
    %scan3A_4 = arith.constant 1 : i32
    %scan3A_5 = scf.for %scan3A_39 = %scan3A_1 to %scan3A_3 step %scan3A_4 iter_args(%scan3A_40 = %scan3A) -> (i32)  : i32 {
      %broadcast_in_dim3A = arith.constant 0.000000e+00 : f32
      %broadcast_in_dim3A_41 = vector.broadcast %broadcast_in_dim3A : f32 to vector<16xf32>
      %swap3A = arith.index_cast %scan3A_39 : i32 to index
      %swap3A_42 = arith.constant 0 : index
      %swap3A_43 = tpu.vector_load %arg12[%swap3A, %swap3A_42] {strides = array<i32>} : memref<128x128xf32, #tpu.memory_space<vmem>>, vector<1x16xf32>,
      %swap3A_44 = vector.shape_cast %swap3A_43 : vector<1x16xf32> to vector<16xf32>
      %swap3A_45 = vector.shape_cast %broadcast_in_dim3A_41 : vector<16xf32> to vector<1x16xf32>
      tpu.vector_store %arg12[%swap3A, %swap3A_42], %swap3A_45 {strides = array<i32>} : memref<128x128xf32, #tpu.memory_space<vmem>>, vector<1x16xf32>,
      %broadcast_in_dim3A_46 = arith.constant 0.000000e+00 : f32
      %broadcast_in_dim3A_47 = vector.broadcast %broadcast_in_dim3A_46 : f32 to vector<16xf32>
      %swap3A_48 = arith.index_cast %scan3A_39 : i32 to index
      %swap3A_49 = arith.constant 16 : index
      %swap3A_50 = tpu.vector_load %arg12[%swap3A_48, %swap3A_49] {strides = array<i32>} : memref<128x128xf32, #tpu.memory_space<vmem>>, vector<1x16xf32>,
      %swap3A_51 = vector.shape_cast %swap3A_50 : vector<1x16xf32> to vector<16xf32>
      %swap3A_52 = vector.shape_cast %broadcast_in_dim3A_47 : vector<16xf32> to vector<1x16xf32>
      tpu.vector_store %arg12[%swap3A_48, %swap3A_49], %swap3A_52 {strides = array<i32>} : memref<128x128xf32, #tpu.memory_space<vmem>>, vector<1x16xf32>,
      %broadcast_in_dim3A_53 = arith.constant 0.000000e+00 : f32
      %broadcast_in_dim3A_54 = vector.broadcast %broadcast_in_dim3A_53 : f32 to vector<16xf32>
      %swap3A_55 = arith.index_cast %scan3A_39 : i32 to index
      %swap3A_56 = arith.constant 32 : index
      %swap3A_57 = tpu.vector_load %arg12[%swap3A_55, %swap3A_56] {strides = array<i32>} : memref<128x128xf32, #tpu.memory_space<vmem>>, vector<1x16xf32>,
      %swap3A_58 = vector.shape_cast %swap3A_57 : vector<1x16xf32> to vector<16xf32>
      %swap3A_59 = vector.shape_cast %broadcast_in_dim3A_54 : vector<16xf32> to vector<1x16xf32>
      tpu.vector_store %arg12[%swap3A_55, %swap3A_56], %swap3A_59 {strides = array<i32>} : memref<128x128xf32, #tpu.memory_space<vmem>>, vector<1x16xf32>,
      %broadcast_in_dim3A_60 = arith.constant 0.000000e+00 : f32
      %broadcast_in_dim3A_61 = vector.broadcast %broadcast_in_dim3A_60 : f32 to vector<16xf32>
      %swap3A_62 = arith.index_cast %scan3A_39 : i32 to index
      %swap3A_63 = arith.constant 48 : index
      %swap3A_64 = tpu.vector_load %arg12[%swap3A_62, %swap3A_63] {strides = array<i32>} : memref<128x128xf32, #tpu.memory_space<vmem>>, vector<1x16xf32>,
      %swap3A_65 = vector.shape_cast %swap3A_64 : vector<1x16xf32> to vector<16xf32>
      %swap3A_66 = vector.shape_cast %broadcast_in_dim3A_61 : vector<16xf32> to vector<1x16xf32>
      tpu.vector_store %arg12[%swap3A_62, %swap3A_63], %swap3A_66 {strides = array<i32>} : memref<128x128xf32, #tpu.memory_space<vmem>>, vector<1x16xf32>,
      %broadcast_in_dim3A_67 = arith.constant 0.000000e+00 : f32
      %broadcast_in_dim3A_68 = vector.broadcast %broadcast_in_dim3A_67 : f32 to vector<16xf32>
      %swap3A_69 = arith.index_cast %scan3A_39 : i32 to index
      %swap3A_70 = arith.constant 64 : index
      %swap3A_71 = tpu.vector_load %arg12[%swap3A_69, %swap3A_70] {strides = array<i32>} : memref<128x128xf32, #tpu.memory_space<vmem>>, vector<1x16xf32>,
      %swap3A_72 = vector.shape_cast %swap3A_71 : vector<1x16xf32> to vector<16xf32>
      %swap3A_73 = vector.shape_cast %broadcast_in_dim3A_68 : vector<16xf32> to vector<1x16xf32>
      tpu.vector_store %arg12[%swap3A_69, %swap3A_70], %swap3A_73 {strides = array<i32>} : memref<128x128xf32, #tpu.memory_space<vmem>>, vector<1x16xf32>,
      %broadcast_in_dim3A_74 = arith.constant 0.000000e+00 : f32
      %broadcast_in_dim3A_75 = vector.broadcast %broadcast_in_dim3A_74 : f32 to vector<16xf32>
      %swap3A_76 = arith.index_cast %scan3A_39 : i32 to index
      %swap3A_77 = arith.constant 80 : index
      %swap3A_78 = tpu.vector_load %arg12[%swap3A_76, %swap3A_77] {strides = array<i32>} : memref<128x128xf32, #tpu.memory_space<vmem>>, vector<1x16xf32>,
      %swap3A_79 = vector.shape_cast %swap3A_78 : vector<1x16xf32> to vector<16xf32>
      %swap3A_80 = vector.shape_cast %broadcast_in_dim3A_75 : vector<16xf32> to vector<1x16xf32>
      tpu.vector_store %arg12[%swap3A_76, %swap3A_77], %swap3A_80 {strides = array<i32>} : memref<128x128xf32, #tpu.memory_space<vmem>>, vector<1x16xf32>,
      %broadcast_in_dim3A_81 = arith.constant 0.000000e+00 : f32
      %broadcast_in_dim3A_82 = vector.broadcast %broadcast_in_dim3A_81 : f32 to vector<16xf32>
      %swap3A_83 = arith.index_cast %scan3A_39 : i32 to index
      %swap3A_84 = arith.constant 96 : index
      %swap3A_85 = tpu.vector_load %arg12[%swap3A_83, %swap3A_84] {strides = array<i32>} : memref<128x128xf32, #tpu.memory_space<vmem>>, vector<1x16xf32>,
      %swap3A_86 = vector.shape_cast %swap3A_85 : vector<1x16xf32> to vector<16xf32>
      %swap3A_87 = vector.shape_cast %broadcast_in_dim3A_82 : vector<16xf32> to vector<1x16xf32>
      tpu.vector_store %arg12[%swap3A_83, %swap3A_84], %swap3A_87 {strides = array<i32>} : memref<128x128xf32, #tpu.memory_space<vmem>>, vector<1x16xf32>,
      %broadcast_in_dim3A_88 = arith.constant 0.000000e+00 : f32
      %broadcast_in_dim3A_89 = vector.broadcast %broadcast_in_dim3A_88 : f32 to vector<16xf32>
      %swap3A_90 = arith.index_cast %scan3A_39 : i32 to index
      %swap3A_91 = arith.constant 112 : index
      %swap3A_92 = tpu.vector_load %arg12[%swap3A_90, %swap3A_91] {strides = array<i32>} : memref<128x128xf32, #tpu.memory_space<vmem>>, vector<1x16xf32>,
      %swap3A_93 = vector.shape_cast %swap3A_92 : vector<1x16xf32> to vector<16xf32>
      %swap3A_94 = vector.shape_cast %broadcast_in_dim3A_89 : vector<16xf32> to vector<1x16xf32>
      tpu.vector_store %arg12[%swap3A_90, %swap3A_91], %swap3A_94 {strides = array<i32>} : memref<128x128xf32, #tpu.memory_space<vmem>>, vector<1x16xf32>,
      %scan3A_95 = arith.constant 0 : i32
      scf.yield %scan3A_95 : i32
    }
    %scan3A_6 = arith.constant 128 : i32
    %mul3A_7 = arith.constant 640 : i32
    %mul3A_8 = arith.muli %arg1, %mul3A_7 : i32
    %add3A_9 = arith.constant 0 : i32
    %add3A_10 = arith.addi %mul3A_8, %add3A_9 : i32
    "tpu.region"() ({
      %run_scoped3A = tpu.sem_alloc : memref<!tpu.dma_semaphore, #tpu.memory_space<semaphore_mem>>
      %dma_start3A = arith.constant 0 : i32
      %dma_start3A_39 = tpu.memref_slice %arg7[%add3A_10, %dma_start3A] : memref<10240x128xf32, #tpu.memory_space<vmem_shared>> -> memref<128x128xf32, #tpu.memory_space<vmem_shared>>
      %dma_start3A_40 = arith.constant 0 : i32
      %dma_start3A_41 = tpu.memref_slice %arg7[%add3A_10, %dma_start3A_40] : memref<10240x128xf32, #tpu.memory_space<vmem_shared>> -> memref<128x128xf32, #tpu.memory_space<vmem_shared>>
      tpu.enqueue_dma source(%arg12 : memref<128x128xf32, #tpu.memory_space<vmem>>) target(%dma_start3A_41 : memref<128x128xf32, #tpu.memory_space<vmem_shared>>) target_semaphore(%run_scoped3A : memref<!tpu.dma_semaphore, #tpu.memory_space<semaphore_mem>>)
      %dma_wait3A = arith.constant 0 : i32
      %dma_wait3A_42 = tpu.memref_slice %arg7[%add3A_10, %dma_wait3A] : memref<10240x128xf32, #tpu.memory_space<vmem_shared>> -> memref<128x128xf32, #tpu.memory_space<vmem_shared>>
      %dma_wait3A_43 = arith.constant 0 : i32
      %dma_wait3A_44 = tpu.memref_slice %arg7[%add3A_10, %dma_wait3A_43] : memref<10240x128xf32, #tpu.memory_space<vmem_shared>> -> memref<128x128xf32, #tpu.memory_space<vmem_shared>>
      tpu.wait_dma2 semaphore(%run_scoped3A : memref<!tpu.dma_semaphore, #tpu.memory_space<semaphore_mem>>) src(%arg12 : memref<128x128xf32, #tpu.memory_space<vmem>>) dst(%dma_wait3A_44 : memref<128x128xf32, #tpu.memory_space<vmem_shared>>)
      tpu.yield
    }) : () -> ()
    %mul3A_11 = arith.constant 640 : i32
    %mul3A_12 = arith.muli %arg1, %mul3A_11 : i32
    %add3A_13 = arith.constant 128 : i32
    %add3A_14 = arith.addi %mul3A_12, %add3A_13 : i32
    "tpu.region"() ({
      %run_scoped3A = tpu.sem_alloc : memref<!tpu.dma_semaphore, #tpu.memory_space<semaphore_mem>>
      %dma_start3A = arith.constant 0 : i32
      %dma_start3A_39 = tpu.memref_slice %arg7[%add3A_14, %dma_start3A] : memref<10240x128xf32, #tpu.memory_space<vmem_shared>> -> memref<128x128xf32, #tpu.memory_space<vmem_shared>>
      %dma_start3A_40 = arith.constant 0 : i32
      %dma_start3A_41 = tpu.memref_slice %arg7[%add3A_14, %dma_start3A_40] : memref<10240x128xf32, #tpu.memory_space<vmem_shared>> -> memref<128x128xf32, #tpu.memory_space<vmem_shared>>
      tpu.enqueue_dma source(%arg12 : memref<128x128xf32, #tpu.memory_space<vmem>>) target(%dma_start3A_41 : memref<128x128xf32, #tpu.memory_space<vmem_shared>>) target_semaphore(%run_scoped3A : memref<!tpu.dma_semaphore, #tpu.memory_space<semaphore_mem>>)
      %dma_wait3A = arith.constant 0 : i32
      %dma_wait3A_42 = tpu.memref_slice %arg7[%add3A_14, %dma_wait3A] : memref<10240x128xf32, #tpu.memory_space<vmem_shared>> -> memref<128x128xf32, #tpu.memory_space<vmem_shared>>
      %dma_wait3A_43 = arith.constant 0 : i32
      %dma_wait3A_44 = tpu.memref_slice %arg7[%add3A_14, %dma_wait3A_43] : memref<10240x128xf32, #tpu.memory_space<vmem_shared>> -> memref<128x128xf32, #tpu.memory_space<vmem_shared>>
      tpu.wait_dma2 semaphore(%run_scoped3A : memref<!tpu.dma_semaphore, #tpu.memory_space<semaphore_mem>>) src(%arg12 : memref<128x128xf32, #tpu.memory_space<vmem>>) dst(%dma_wait3A_44 : memref<128x128xf32, #tpu.memory_space<vmem_shared>>)
      tpu.yield
    }) : () -> ()
    %mul3A_15 = arith.constant 640 : i32
    %mul3A_16 = arith.muli %arg1, %mul3A_15 : i32
    %add3A_17 = arith.constant 256 : i32
    %add3A_18 = arith.addi %mul3A_16, %add3A_17 : i32
    "tpu.region"() ({
      %run_scoped3A = tpu.sem_alloc : memref<!tpu.dma_semaphore, #tpu.memory_space<semaphore_mem>>
      %dma_start3A = arith.constant 0 : i32
      %dma_start3A_39 = tpu.memref_slice %arg7[%add3A_18, %dma_start3A] : memref<10240x128xf32, #tpu.memory_space<vmem_shared>> -> memref<128x128xf32, #tpu.memory_space<vmem_shared>>
      %dma_start3A_40 = arith.constant 0 : i32
      %dma_start3A_41 = tpu.memref_slice %arg7[%add3A_18, %dma_start3A_40] : memref<10240x128xf32, #tpu.memory_space<vmem_shared>> -> memref<128x128xf32, #tpu.memory_space<vmem_shared>>
      tpu.enqueue_dma source(%arg12 : memref<128x128xf32, #tpu.memory_space<vmem>>) target(%dma_start3A_41 : memref<128x128xf32, #tpu.memory_space<vmem_shared>>) target_semaphore(%run_scoped3A : memref<!tpu.dma_semaphore, #tpu.memory_space<semaphore_mem>>)
      %dma_wait3A = arith.constant 0 : i32
      %dma_wait3A_42 = tpu.memref_slice %arg7[%add3A_18, %dma_wait3A] : memref<10240x128xf32, #tpu.memory_space<vmem_shared>> -> memref<128x128xf32, #tpu.memory_space<vmem_shared>>
      %dma_wait3A_43 = arith.constant 0 : i32
      %dma_wait3A_44 = tpu.memref_slice %arg7[%add3A_18, %dma_wait3A_43] : memref<10240x128xf32, #tpu.memory_space<vmem_shared>> -> memref<128x128xf32, #tpu.memory_space<vmem_shared>>
      tpu.wait_dma2 semaphore(%run_scoped3A : memref<!tpu.dma_semaphore, #tpu.memory_space<semaphore_mem>>) src(%arg12 : memref<128x128xf32, #tpu.memory_space<vmem>>) dst(%dma_wait3A_44 : memref<128x128xf32, #tpu.memory_space<vmem_shared>>)
      tpu.yield
    }) : () -> ()
    %mul3A_19 = arith.constant 640 : i32
    %mul3A_20 = arith.muli %arg1, %mul3A_19 : i32
    %add3A_21 = arith.constant 384 : i32
    %add3A_22 = arith.addi %mul3A_20, %add3A_21 : i32
    "tpu.region"() ({
      %run_scoped3A = tpu.sem_alloc : memref<!tpu.dma_semaphore, #tpu.memory_space<semaphore_mem>>
      %dma_start3A = arith.constant 0 : i32
      %dma_start3A_39 = tpu.memref_slice %arg7[%add3A_22, %dma_start3A] : memref<10240x128xf32, #tpu.memory_space<vmem_shared>> -> memref<128x128xf32, #tpu.memory_space<vmem_shared>>
      %dma_start3A_40 = arith.constant 0 : i32
      %dma_start3A_41 = tpu.memref_slice %arg7[%add3A_22, %dma_start3A_40] : memref<10240x128xf32, #tpu.memory_space<vmem_shared>> -> memref<128x128xf32, #tpu.memory_space<vmem_shared>>
      tpu.enqueue_dma source(%arg12 : memref<128x128xf32, #tpu.memory_space<vmem>>) target(%dma_start3A_41 : memref<128x128xf32, #tpu.memory_space<vmem_shared>>) target_semaphore(%run_scoped3A : memref<!tpu.dma_semaphore, #tpu.memory_space<semaphore_mem>>)
      %dma_wait3A = arith.constant 0 : i32
      %dma_wait3A_42 = tpu.memref_slice %arg7[%add3A_22, %dma_wait3A] : memref<10240x128xf32, #tpu.memory_space<vmem_shared>> -> memref<128x128xf32, #tpu.memory_space<vmem_shared>>
      %dma_wait3A_43 = arith.constant 0 : i32
      %dma_wait3A_44 = tpu.memref_slice %arg7[%add3A_22, %dma_wait3A_43] : memref<10240x128xf32, #tpu.memory_space<vmem_shared>> -> memref<128x128xf32, #tpu.memory_space<vmem_shared>>
      tpu.wait_dma2 semaphore(%run_scoped3A : memref<!tpu.dma_semaphore, #tpu.memory_space<semaphore_mem>>) src(%arg12 : memref<128x128xf32, #tpu.memory_space<vmem>>) dst(%dma_wait3A_44 : memref<128x128xf32, #tpu.memory_space<vmem_shared>>)
      tpu.yield
    }) : () -> ()
    %mul3A_23 = arith.constant 640 : i32
    %mul3A_24 = arith.muli %arg1, %mul3A_23 : i32
    %add3A_25 = arith.constant 512 : i32
    %add3A_26 = arith.addi %mul3A_24, %add3A_25 : i32
    "tpu.region"() ({
      %run_scoped3A = tpu.sem_alloc : memref<!tpu.dma_semaphore, #tpu.memory_space<semaphore_mem>>
      %dma_start3A = arith.constant 0 : i32
      %dma_start3A_39 = tpu.memref_slice %arg7[%add3A_26, %dma_start3A] : memref<10240x128xf32, #tpu.memory_space<vmem_shared>> -> memref<128x128xf32, #tpu.memory_space<vmem_shared>>
      %dma_start3A_40 = arith.constant 0 : i32
      %dma_start3A_41 = tpu.memref_slice %arg7[%add3A_26, %dma_start3A_40] : memref<10240x128xf32, #tpu.memory_space<vmem_shared>> -> memref<128x128xf32, #tpu.memory_space<vmem_shared>>
      tpu.enqueue_dma source(%arg12 : memref<128x128xf32, #tpu.memory_space<vmem>>) target(%dma_start3A_41 : memref<128x128xf32, #tpu.memory_space<vmem_shared>>) target_semaphore(%run_scoped3A : memref<!tpu.dma_semaphore, #tpu.memory_space<semaphore_mem>>)
      %dma_wait3A = arith.constant 0 : i32
      %dma_wait3A_42 = tpu.memref_slice %arg7[%add3A_26, %dma_wait3A] : memref<10240x128xf32, #tpu.memory_space<vmem_shared>> -> memref<128x128xf32, #tpu.memory_space<vmem_shared>>
      %dma_wait3A_43 = arith.constant 0 : i32
      %dma_wait3A_44 = tpu.memref_slice %arg7[%add3A_26, %dma_wait3A_43] : memref<10240x128xf32, #tpu.memory_space<vmem_shared>> -> memref<128x128xf32, #tpu.memory_space<vmem_shared>>
      tpu.wait_dma2 semaphore(%run_scoped3A : memref<!tpu.dma_semaphore, #tpu.memory_space<semaphore_mem>>) src(%arg12 : memref<128x128xf32, #tpu.memory_space<vmem>>) dst(%dma_wait3A_44 : memref<128x128xf32, #tpu.memory_space<vmem_shared>>)
      tpu.yield
    }) : () -> ()
    %barrier3A = arith.constant 0 : index
    tpu.barrier barrier_id(%barrier3A)
    %scan3A_27 = arith.constant 0 : i32
    %scan3A_28 = arith.constant 0 : i32
    %scan3A_29 = arith.constant 10 : i32
    %scan3A_30 = arith.addi %scan3A_28, %scan3A_29 : i32
    %scan3A_31 = arith.constant 1 : i32
    %scan3A_32 = scf.for %scan3A_39 = %scan3A_28 to %scan3A_30 step %scan3A_31 iter_args(%scan3A_40 = %scan3A_27) -> (i32)  : i32 {
      %mul3A_41 = arith.constant 800 : i32
      %mul3A_42 = arith.muli %add3A, %mul3A_41 : i32
      %mul3A_43 = arith.constant 80 : i32
      %mul3A_44 = arith.muli %scan3A_39, %mul3A_43 : i32
      %add3A_45 = arith.addi %mul3A_42, %mul3A_44 : i32
      %add3A_46 = arith.constant 294400 : i32
      %add3A_47 = arith.addi %add3A_46, %add3A_45 : i32
      "tpu.region"() ({
        %run_scoped3A = tpu.sem_alloc : memref<!tpu.dma_semaphore, #tpu.memory_space<semaphore_mem>>
        %dma_start3A_60 = tpu.memref_slice %arg3[%add3A_47] : memref<320000xi32, #tpu.memory_space<hbm>> -> memref<80xi32, #tpu.memory_space<hbm>>
        %dma_start3A_61 = tpu.memref_slice %arg3[%add3A_47] : memref<320000xi32, #tpu.memory_space<hbm>> -> memref<80xi32, #tpu.memory_space<hbm>>
        tpu.enqueue_dma source(%dma_start3A_61 : memref<80xi32, #tpu.memory_space<hbm>>) target(%arg8 : memref<80xi32, #tpu.memory_space<vmem>>) target_semaphore(%run_scoped3A : memref<!tpu.dma_semaphore, #tpu.memory_space<semaphore_mem>>)
        %dma_wait3A_62 = tpu.memref_slice %arg3[%add3A_47] : memref<320000xi32, #tpu.memory_space<hbm>> -> memref<80xi32, #tpu.memory_space<hbm>>
        %dma_wait3A_63 = tpu.memref_slice %arg3[%add3A_47] : memref<320000xi32, #tpu.memory_space<hbm>> -> memref<80xi32, #tpu.memory_space<hbm>>
        tpu.wait_dma2 semaphore(%run_scoped3A : memref<!tpu.dma_semaphore, #tpu.memory_space<semaphore_mem>>) src(%dma_wait3A_63 : memref<80xi32, #tpu.memory_space<hbm>>) dst(%arg8 : memref<80xi32, #tpu.memory_space<vmem>>)
        tpu.yield
      }) : () -> ()
      %dma_start3A = arith.constant 0 : i32
      %dma_start3A_48 = arith.constant 0 : i32
      %dma_start3A_49 = tpu.memref_slice %arg2[%dma_start3A, %dma_start3A_48] : memref<10240x128xf32, #tpu.memory_space<hbm>> -> memref<10240x128xf32, #tpu.memory_space<hbm>>
      tpu.enqueue_indirect_dma source(%dma_start3A_49 : memref<10240x128xf32, #tpu.memory_space<hbm>>) target(%arg11 : memref<80x128xf32, #tpu.memory_space<vmem>>) offsets(%arg8 : memref<80xi32, #tpu.memory_space<vmem>>) semaphore(%arg13 : memref<!tpu.dma_semaphore, #tpu.memory_space<semaphore_mem>>)
      "tpu.region"() ({
        %run_scoped3A = tpu.sem_alloc : memref<!tpu.dma_semaphore, #tpu.memory_space<semaphore_mem>>
        %dma_start3A_60 = arith.constant 0 : i32
        %dma_start3A_61 = tpu.memref_slice %arg5[%add3A_45, %dma_start3A_60] : memref<25600x128xf32, #tpu.memory_space<hbm>> -> memref<80x128xf32, #tpu.memory_space<hbm>>
        %dma_start3A_62 = arith.constant 0 : i32
        %dma_start3A_63 = tpu.memref_slice %arg5[%add3A_45, %dma_start3A_62] : memref<25600x128xf32, #tpu.memory_space<hbm>> -> memref<80x128xf32, #tpu.memory_space<hbm>>
        tpu.enqueue_dma source(%dma_start3A_63 : memref<80x128xf32, #tpu.memory_space<hbm>>) target(%arg10 : memref<80x128xf32, #tpu.memory_space<vmem>>) target_semaphore(%run_scoped3A : memref<!tpu.dma_semaphore, #tpu.memory_space<semaphore_mem>>)
        %dma_wait3A_64 = arith.constant 0 : i32
        %dma_wait3A_65 = tpu.memref_slice %arg5[%add3A_45, %dma_wait3A_64] : memref<25600x128xf32, #tpu.memory_space<hbm>> -> memref<80x128xf32, #tpu.memory_space<hbm>>
        %dma_wait3A_66 = arith.constant 0 : i32
        %dma_wait3A_67 = tpu.memref_slice %arg5[%add3A_45, %dma_wait3A_66] : memref<25600x128xf32, #tpu.memory_space<hbm>> -> memref<80x128xf32, #tpu.memory_space<hbm>>
        tpu.wait_dma2 semaphore(%run_scoped3A : memref<!tpu.dma_semaphore, #tpu.memory_space<semaphore_mem>>) src(%dma_wait3A_67 : memref<80x128xf32, #tpu.memory_space<hbm>>) dst(%arg10 : memref<80x128xf32, #tpu.memory_space<vmem>>)
        tpu.yield
      }) : () -> ()
      "tpu.region"() ({
        %run_scoped3A = tpu.sem_alloc : memref<!tpu.dma_semaphore, #tpu.memory_space<semaphore_mem>>
        %dma_start3A_60 = tpu.memref_slice %arg4[%add3A_47] : memref<320000xi32, #tpu.memory_space<hbm>> -> memref<80xi32, #tpu.memory_space<hbm>>
        %dma_start3A_61 = tpu.memref_slice %arg4[%add3A_47] : memref<320000xi32, #tpu.memory_space<hbm>> -> memref<80xi32, #tpu.memory_space<hbm>>
        tpu.enqueue_dma source(%dma_start3A_61 : memref<80xi32, #tpu.memory_space<hbm>>) target(%arg9 : memref<80xi32, #tpu.memory_space<vmem>>) target_semaphore(%run_scoped3A : memref<!tpu.dma_semaphore, #tpu.memory_space<semaphore_mem>>)
        %dma_wait3A_62 = tpu.memref_slice %arg4[%add3A_47] : memref<320000xi32, #tpu.memory_space<hbm>> -> memref<80xi32, #tpu.memory_space<hbm>>
        %dma_wait3A_63 = tpu.memref_slice %arg4[%add3A_47] : memref<320000xi32, #tpu.memory_space<hbm>> -> memref<80xi32, #tpu.memory_space<hbm>>
        tpu.wait_dma2 semaphore(%run_scoped3A : memref<!tpu.dma_semaphore, #tpu.memory_space<semaphore_mem>>) src(%dma_wait3A_63 : memref<80xi32, #tpu.memory_space<hbm>>) dst(%arg9 : memref<80xi32, #tpu.memory_space<vmem>>)
        tpu.yield
      }) : () -> ()
      %dma_wait3A = arith.constant 0 : i32
      %dma_wait3A_50 = arith.constant 0 : i32
      %dma_wait3A_51 = tpu.memref_slice %arg2[%dma_wait3A, %dma_wait3A_50] : memref<10240x128xf32, #tpu.memory_space<hbm>> -> memref<10240x128xf32, #tpu.memory_space<hbm>>
      tpu.wait_indirect_dma semaphore(%arg13 : memref<!tpu.dma_semaphore, #tpu.memory_space<semaphore_mem>>) src(%dma_wait3A_51 : memref<10240x128xf32, #tpu.memory_space<hbm>>) dst(%arg11 : memref<80x128xf32, #tpu.memory_space<vmem>>)
      %scan3A_52 = arith.constant 0 : i32
      %scan3A_53 = arith.constant 0 : i32
      %scan3A_54 = arith.constant 80 : i32
      %scan3A_55 = arith.addi %scan3A_53, %scan3A_54 : i32
      %scan3A_56 = arith.constant 1 : i32
      %scan3A_57 = scf.for %scan3A_60 = %scan3A_53 to %scan3A_55 step %scan3A_56 iter_args(%scan3A_61 = %scan3A_52) -> (i32)  : i32 {
        %get3A = arith.index_cast %scan3A_60 : i32 to index
        %get3A_62 = arith.constant 0 : index
        %get3A_63 = tpu.vector_load %arg11[%get3A, %get3A_62] {strides = array<i32>} : memref<80x128xf32, #tpu.memory_space<vmem>>, vector<1x16xf32>,
        %get3A_64 = vector.shape_cast %get3A_63 : vector<1x16xf32> to vector<16xf32>
        %get3A_65 = arith.index_cast %scan3A_60 : i32 to index
        %get3A_66 = arith.constant 0 : index
        %get3A_67 = tpu.vector_load %arg10[%get3A_65, %get3A_66] {strides = array<i32>} : memref<80x128xf32, #tpu.memory_space<vmem>>, vector<1x16xf32>,
        %get3A_68 = vector.shape_cast %get3A_67 : vector<1x16xf32> to vector<16xf32>
        %mul3A_69 = arith.mulf %get3A_64, %get3A_68 : vector<16xf32>
        %swap3A = arith.index_cast %scan3A_60 : i32 to index
        %swap3A_70 = arith.constant 0 : index
        %swap3A_71 = tpu.vector_load %arg11[%swap3A, %swap3A_70] {strides = array<i32>} : memref<80x128xf32, #tpu.memory_space<vmem>>, vector<1x16xf32>,
        %swap3A_72 = vector.shape_cast %swap3A_71 : vector<1x16xf32> to vector<16xf32>
        %swap3A_73 = vector.shape_cast %mul3A_69 : vector<16xf32> to vector<1x16xf32>
        tpu.vector_store %arg11[%swap3A, %swap3A_70], %swap3A_73 {strides = array<i32>} : memref<80x128xf32, #tpu.memory_space<vmem>>, vector<1x16xf32>,
        %get3A_74 = arith.index_cast %scan3A_60 : i32 to index
        %get3A_75 = arith.constant 16 : index
        %get3A_76 = tpu.vector_load %arg11[%get3A_74, %get3A_75] {strides = array<i32>} : memref<80x128xf32, #tpu.memory_space<vmem>>, vector<1x16xf32>,
        %get3A_77 = vector.shape_cast %get3A_76 : vector<1x16xf32> to vector<16xf32>
        %get3A_78 = arith.index_cast %scan3A_60 : i32 to index
        %get3A_79 = arith.constant 16 : index
        %get3A_80 = tpu.vector_load %arg10[%get3A_78, %get3A_79] {strides = array<i32>} : memref<80x128xf32, #tpu.memory_space<vmem>>, vector<1x16xf32>,
        %get3A_81 = vector.shape_cast %get3A_80 : vector<1x16xf32> to vector<16xf32>
        %mul3A_82 = arith.mulf %get3A_77, %get3A_81 : vector<16xf32>
        %swap3A_83 = arith.index_cast %scan3A_60 : i32 to index
        %swap3A_84 = arith.constant 16 : index
        %swap3A_85 = tpu.vector_load %arg11[%swap3A_83, %swap3A_84] {strides = array<i32>} : memref<80x128xf32, #tpu.memory_space<vmem>>, vector<1x16xf32>,
        %swap3A_86 = vector.shape_cast %swap3A_85 : vector<1x16xf32> to vector<16xf32>
        %swap3A_87 = vector.shape_cast %mul3A_82 : vector<16xf32> to vector<1x16xf32>
        tpu.vector_store %arg11[%swap3A_83, %swap3A_84], %swap3A_87 {strides = array<i32>} : memref<80x128xf32, #tpu.memory_space<vmem>>, vector<1x16xf32>,
        %get3A_88 = arith.index_cast %scan3A_60 : i32 to index
        %get3A_89 = arith.constant 32 : index
        %get3A_90 = tpu.vector_load %arg11[%get3A_88, %get3A_89] {strides = array<i32>} : memref<80x128xf32, #tpu.memory_space<vmem>>, vector<1x16xf32>,
        %get3A_91 = vector.shape_cast %get3A_90 : vector<1x16xf32> to vector<16xf32>
        %get3A_92 = arith.index_cast %scan3A_60 : i32 to index
        %get3A_93 = arith.constant 32 : index
        %get3A_94 = tpu.vector_load %arg10[%get3A_92, %get3A_93] {strides = array<i32>} : memref<80x128xf32, #tpu.memory_space<vmem>>, vector<1x16xf32>,
        %get3A_95 = vector.shape_cast %get3A_94 : vector<1x16xf32> to vector<16xf32>
        %mul3A_96 = arith.mulf %get3A_91, %get3A_95 : vector<16xf32>
        %swap3A_97 = arith.index_cast %scan3A_60 : i32 to index
        %swap3A_98 = arith.constant 32 : index
        %swap3A_99 = tpu.vector_load %arg11[%swap3A_97, %swap3A_98] {strides = array<i32>} : memref<80x128xf32, #tpu.memory_space<vmem>>, vector<1x16xf32>,
        %swap3A_100 = vector.shape_cast %swap3A_99 : vector<1x16xf32> to vector<16xf32>
        %swap3A_101 = vector.shape_cast %mul3A_96 : vector<16xf32> to vector<1x16xf32>
        tpu.vector_store %arg11[%swap3A_97, %swap3A_98], %swap3A_101 {strides = array<i32>} : memref<80x128xf32, #tpu.memory_space<vmem>>, vector<1x16xf32>,
        %get3A_102 = arith.index_cast %scan3A_60 : i32 to index
        %get3A_103 = arith.constant 48 : index
        %get3A_104 = tpu.vector_load %arg11[%get3A_102, %get3A_103] {strides = array<i32>} : memref<80x128xf32, #tpu.memory_space<vmem>>, vector<1x16xf32>,
        %get3A_105 = vector.shape_cast %get3A_104 : vector<1x16xf32> to vector<16xf32>
        %get3A_106 = arith.index_cast %scan3A_60 : i32 to index
        %get3A_107 = arith.constant 48 : index
        %get3A_108 = tpu.vector_load %arg10[%get3A_106, %get3A_107] {strides = array<i32>} : memref<80x128xf32, #tpu.memory_space<vmem>>, vector<1x16xf32>,
        %get3A_109 = vector.shape_cast %get3A_108 : vector<1x16xf32> to vector<16xf32>
        %mul3A_110 = arith.mulf %get3A_105, %get3A_109 : vector<16xf32>
        %swap3A_111 = arith.index_cast %scan3A_60 : i32 to index
        %swap3A_112 = arith.constant 48 : index
        %swap3A_113 = tpu.vector_load %arg11[%swap3A_111, %swap3A_112] {strides = array<i32>} : memref<80x128xf32, #tpu.memory_space<vmem>>, vector<1x16xf32>,
        %swap3A_114 = vector.shape_cast %swap3A_113 : vector<1x16xf32> to vector<16xf32>
        %swap3A_115 = vector.shape_cast %mul3A_110 : vector<16xf32> to vector<1x16xf32>
        tpu.vector_store %arg11[%swap3A_111, %swap3A_112], %swap3A_115 {strides = array<i32>} : memref<80x128xf32, #tpu.memory_space<vmem>>, vector<1x16xf32>,
        %get3A_116 = arith.index_cast %scan3A_60 : i32 to index
        %get3A_117 = arith.constant 64 : index
        %get3A_118 = tpu.vector_load %arg11[%get3A_116, %get3A_117] {strides = array<i32>} : memref<80x128xf32, #tpu.memory_space<vmem>>, vector<1x16xf32>,
        %get3A_119 = vector.shape_cast %get3A_118 : vector<1x16xf32> to vector<16xf32>
        %get3A_120 = arith.index_cast %scan3A_60 : i32 to index
        %get3A_121 = arith.constant 64 : index
        %get3A_122 = tpu.vector_load %arg10[%get3A_120, %get3A_121] {strides = array<i32>} : memref<80x128xf32, #tpu.memory_space<vmem>>, vector<1x16xf32>,
        %get3A_123 = vector.shape_cast %get3A_122 : vector<1x16xf32> to vector<16xf32>
        %mul3A_124 = arith.mulf %get3A_119, %get3A_123 : vector<16xf32>
        %swap3A_125 = arith.index_cast %scan3A_60 : i32 to index
        %swap3A_126 = arith.constant 64 : index
        %swap3A_127 = tpu.vector_load %arg11[%swap3A_125, %swap3A_126] {strides = array<i32>} : memref<80x128xf32, #tpu.memory_space<vmem>>, vector<1x16xf32>,
        %swap3A_128 = vector.shape_cast %swap3A_127 : vector<1x16xf32> to vector<16xf32>
        %swap3A_129 = vector.shape_cast %mul3A_124 : vector<16xf32> to vector<1x16xf32>
        tpu.vector_store %arg11[%swap3A_125, %swap3A_126], %swap3A_129 {strides = array<i32>} : memref<80x128xf32, #tpu.memory_space<vmem>>, vector<1x16xf32>,
        %get3A_130 = arith.index_cast %scan3A_60 : i32 to index
        %get3A_131 = arith.constant 80 : index
        %get3A_132 = tpu.vector_load %arg11[%get3A_130, %get3A_131] {strides = array<i32>} : memref<80x128xf32, #tpu.memory_space<vmem>>, vector<1x16xf32>,
        %get3A_133 = vector.shape_cast %get3A_132 : vector<1x16xf32> to vector<16xf32>
        %get3A_134 = arith.index_cast %scan3A_60 : i32 to index
        %get3A_135 = arith.constant 80 : index
        %get3A_136 = tpu.vector_load %arg10[%get3A_134, %get3A_135] {strides = array<i32>} : memref<80x128xf32, #tpu.memory_space<vmem>>, vector<1x16xf32>,
        %get3A_137 = vector.shape_cast %get3A_136 : vector<1x16xf32> to vector<16xf32>
        %mul3A_138 = arith.mulf %get3A_133, %get3A_137 : vector<16xf32>
        %swap3A_139 = arith.index_cast %scan3A_60 : i32 to index
        %swap3A_140 = arith.constant 80 : index
        %swap3A_141 = tpu.vector_load %arg11[%swap3A_139, %swap3A_140] {strides = array<i32>} : memref<80x128xf32, #tpu.memory_space<vmem>>, vector<1x16xf32>,
        %swap3A_142 = vector.shape_cast %swap3A_141 : vector<1x16xf32> to vector<16xf32>
        %swap3A_143 = vector.shape_cast %mul3A_138 : vector<16xf32> to vector<1x16xf32>
        tpu.vector_store %arg11[%swap3A_139, %swap3A_140], %swap3A_143 {strides = array<i32>} : memref<80x128xf32, #tpu.memory_space<vmem>>, vector<1x16xf32>,
        %get3A_144 = arith.index_cast %scan3A_60 : i32 to index
        %get3A_145 = arith.constant 96 : index
        %get3A_146 = tpu.vector_load %arg11[%get3A_144, %get3A_145] {strides = array<i32>} : memref<80x128xf32, #tpu.memory_space<vmem>>, vector<1x16xf32>,
        %get3A_147 = vector.shape_cast %get3A_146 : vector<1x16xf32> to vector<16xf32>
        %get3A_148 = arith.index_cast %scan3A_60 : i32 to index
        %get3A_149 = arith.constant 96 : index
        %get3A_150 = tpu.vector_load %arg10[%get3A_148, %get3A_149] {strides = array<i32>} : memref<80x128xf32, #tpu.memory_space<vmem>>, vector<1x16xf32>,
        %get3A_151 = vector.shape_cast %get3A_150 : vector<1x16xf32> to vector<16xf32>
        %mul3A_152 = arith.mulf %get3A_147, %get3A_151 : vector<16xf32>
        %swap3A_153 = arith.index_cast %scan3A_60 : i32 to index
        %swap3A_154 = arith.constant 96 : index
        %swap3A_155 = tpu.vector_load %arg11[%swap3A_153, %swap3A_154] {strides = array<i32>} : memref<80x128xf32, #tpu.memory_space<vmem>>, vector<1x16xf32>,
        %swap3A_156 = vector.shape_cast %swap3A_155 : vector<1x16xf32> to vector<16xf32>
        %swap3A_157 = vector.shape_cast %mul3A_152 : vector<16xf32> to vector<1x16xf32>
        tpu.vector_store %arg11[%swap3A_153, %swap3A_154], %swap3A_157 {strides = array<i32>} : memref<80x128xf32, #tpu.memory_space<vmem>>, vector<1x16xf32>,
        %get3A_158 = arith.index_cast %scan3A_60 : i32 to index
        %get3A_159 = arith.constant 112 : index
        %get3A_160 = tpu.vector_load %arg11[%get3A_158, %get3A_159] {strides = array<i32>} : memref<80x128xf32, #tpu.memory_space<vmem>>, vector<1x16xf32>,
        %get3A_161 = vector.shape_cast %get3A_160 : vector<1x16xf32> to vector<16xf32>
        %get3A_162 = arith.index_cast %scan3A_60 : i32 to index
        %get3A_163 = arith.constant 112 : index
        %get3A_164 = tpu.vector_load %arg10[%get3A_162, %get3A_163] {strides = array<i32>} : memref<80x128xf32, #tpu.memory_space<vmem>>, vector<1x16xf32>,
        %get3A_165 = vector.shape_cast %get3A_164 : vector<1x16xf32> to vector<16xf32>
        %mul3A_166 = arith.mulf %get3A_161, %get3A_165 : vector<16xf32>
        %swap3A_167 = arith.index_cast %scan3A_60 : i32 to index
        %swap3A_168 = arith.constant 112 : index
        %swap3A_169 = tpu.vector_load %arg11[%swap3A_167, %swap3A_168] {strides = array<i32>} : memref<80x128xf32, #tpu.memory_space<vmem>>, vector<1x16xf32>,
        %swap3A_170 = vector.shape_cast %swap3A_169 : vector<1x16xf32> to vector<16xf32>
        %swap3A_171 = vector.shape_cast %mul3A_166 : vector<16xf32> to vector<1x16xf32>
        tpu.vector_store %arg11[%swap3A_167, %swap3A_168], %swap3A_171 {strides = array<i32>} : memref<80x128xf32, #tpu.memory_space<vmem>>, vector<1x16xf32>,
        %scan3A_172 = arith.constant 0 : i32
        scf.yield %scan3A_172 : i32
      }
      %scan3A_58 = arith.constant 80 : i32
      "tpu.region"() ({
        %run_scoped3A = tpu.sem_alloc : memref<!tpu.dma_semaphore, #tpu.memory_space<semaphore_mem>>
        %dma_start3A_60 = arith.constant 0 : i32
        %dma_start3A_61 = arith.constant 0 : i32
        %dma_start3A_62 = tpu.memref_slice %arg7[%dma_start3A_60, %dma_start3A_61] : memref<10240x128xf32, #tpu.memory_space<vmem_shared>> -> memref<10240x128xf32, #tpu.memory_space<vmem_shared>>
        tpu.enqueue_indirect_dma source(%arg11 : memref<80x128xf32, #tpu.memory_space<vmem>>) target(%dma_start3A_62 : memref<10240x128xf32, #tpu.memory_space<vmem_shared>>) offsets(%arg9 : memref<80xi32, #tpu.memory_space<vmem>>) semaphore(%run_scoped3A : memref<!tpu.dma_semaphore, #tpu.memory_space<semaphore_mem>>) {add = true}
        %dma_wait3A_63 = arith.constant 0 : i32
        %dma_wait3A_64 = arith.constant 0 : i32
        %dma_wait3A_65 = tpu.memref_slice %arg7[%dma_wait3A_63, %dma_wait3A_64] : memref<10240x128xf32, #tpu.memory_space<vmem_shared>> -> memref<10240x128xf32, #tpu.memory_space<vmem_shared>>
        tpu.wait_indirect_dma semaphore(%run_scoped3A : memref<!tpu.dma_semaphore, #tpu.memory_space<semaphore_mem>>) src(%arg11 : memref<80x128xf32, #tpu.memory_space<vmem>>) dst(%dma_wait3A_65 : memref<10240x128xf32, #tpu.memory_space<vmem_shared>>)
        tpu.yield
      }) : () -> ()
      %scan3A_59 = arith.constant 0 : i32
      scf.yield %scan3A_59 : i32
    }
    %scan3A_33 = arith.constant 10 : i32
    %barrier3A_34 = arith.constant 0 : index
    tpu.barrier barrier_id(%barrier3A_34)
    %mul3A_35 = arith.constant 640 : i32
    %mul3A_36 = arith.muli %arg1, %mul3A_35 : i32
    %mul3A_37 = arith.constant 640 : i32
    %mul3A_38 = arith.muli %arg1, %mul3A_37 : i32
    "tpu.region"() ({
      %run_scoped3A = tpu.sem_alloc : memref<!tpu.dma_semaphore, #tpu.memory_space<semaphore_mem>>
      %dma_start3A = arith.constant 0 : i32
      %dma_start3A_39 = tpu.memref_slice %arg6[%arg0, %mul3A_38, %dma_start3A] : memref<2x10240x128xf32, #tpu.memory_space<hbm>> -> memref<1x640x128xf32, #tpu.memory_space<hbm>>
      %dma_start3A_40 = tpu.memref_squeeze %dma_start3A_39 : memref<1x640x128xf32, #tpu.memory_space<hbm>> -> memref<640x128xf32, #tpu.memory_space<hbm>>
      %dma_start3A_41 = arith.constant 0 : i32
      %dma_start3A_42 = tpu.memref_slice %arg7[%mul3A_36, %dma_start3A_41] : memref<10240x128xf32, #tpu.memory_space<vmem_shared>> -> memref<640x128xf32, #tpu.memory_space<vmem_shared>>
      tpu.enqueue_dma source(%dma_start3A_42 : memref<640x128xf32, #tpu.memory_space<vmem_shared>>) target(%dma_start3A_40 : memref<640x128xf32, #tpu.memory_space<hbm>>) target_semaphore(%run_scoped3A : memref<!tpu.dma_semaphore, #tpu.memory_space<semaphore_mem>>)
      %dma_wait3A = arith.constant 0 : i32
      %dma_wait3A_43 = tpu.memref_slice %arg6[%arg0, %mul3A_38, %dma_wait3A] : memref<2x10240x128xf32, #tpu.memory_space<hbm>> -> memref<1x640x128xf32, #tpu.memory_space<hbm>>
      %dma_wait3A_44 = tpu.memref_squeeze %dma_wait3A_43 : memref<1x640x128xf32, #tpu.memory_space<hbm>> -> memref<640x128xf32, #tpu.memory_space<hbm>>
      %dma_wait3A_45 = arith.constant 0 : i32
      %dma_wait3A_46 = tpu.memref_slice %arg7[%mul3A_36, %dma_wait3A_45] : memref<10240x128xf32, #tpu.memory_space<vmem_shared>> -> memref<640x128xf32, #tpu.memory_space<vmem_shared>>
      tpu.wait_dma2 semaphore(%run_scoped3A : memref<!tpu.dma_semaphore, #tpu.memory_space<semaphore_mem>>) src(%dma_wait3A_46 : memref<640x128xf32, #tpu.memory_space<vmem_shared>>) dst(%dma_wait3A_44 : memref<640x128xf32, #tpu.memory_space<hbm>>)
      tpu.yield
    }) : () -> ()
    return
  }
}

module attributes {stable_mosaic.version = 14 : i64} {
  func.func @_rng_body(%arg0: i32, %arg1: memref<2x128xf32, #tpu.memory_space<vmem>>, %arg2: memref<6400x128xf32, #tpu.memory_space<vmem>>) attributes {dimension_semantics = [#tpu.dimension_semantics<arbitrary>], iteration_bounds = array<i64: 32>, scalar_prefetch = 0 : i64, scratch_operands = 0 : i64, tpu.core_type = #tpu.core_type<tc>, window_params = [{pipeline_mode = #tpu.pipeline_mode<synchronous>, transform_indices = @transform_0, window_bounds = array<i64: 2, 128>}, {transform_indices = @transform_1, window_bounds = array<i64: 6400, 128>}]} {
    %mul3A = arith.constant 6400 : i32
    %mul3A_0 = arith.muli %arg0, %mul3A : i32
    %mul3A_1 = arith.constant 128 : i32
    %mul3A_2 = arith.muli %mul3A_0, %mul3A_1 : i32
    %add3A = arith.constant 0 : i32
    %add3A_3 = arith.addi %add3A, %mul3A_2 : i32
    %iota3A = tpu.iota {dimensions = array<i32: 0>} : vector<6400x128xi32>
    %mul3A_4 = arith.constant 128 : i32
    %mul3A_5 = vector.broadcast %mul3A_4 : i32 to vector<6400x128xi32>
    %mul3A_6 = arith.muli %iota3A, %mul3A_5 : vector<6400x128xi32>
    %add3A_7 = vector.broadcast %add3A_3 : i32 to vector<6400x128xi32>
    %add3A_8 = arith.addi %add3A_7, %mul3A_6 : vector<6400x128xi32>
    %iota3A_9 = tpu.iota {dimensions = array<i32: 1>} : vector<6400x128xi32>
    %add3A_10 = arith.addi %add3A_8, %iota3A_9 : vector<6400x128xi32>
    %broadcast_in_dim3A = arith.constant 1832780943 : i32
    %broadcast_in_dim3A_11 = vector.broadcast %broadcast_in_dim3A : i32 to vector<6400x128xi32>
    %add3A_12 = arith.constant 270669613 : i32
    %add3A_13 = vector.broadcast %add3A_12 : i32 to vector<6400x128xi32>
    %add3A_14 = arith.addi %add3A_10, %add3A_13 : vector<6400x128xi32>
    %add3A_15 = arith.addi %broadcast_in_dim3A_11, %add3A_14 : vector<6400x128xi32>
    %shift_left3A = arith.constant 13 : i32
    %shift_left3A_16 = vector.broadcast %shift_left3A : i32 to vector<6400x128xi32>
    %shift_left3A_17 = arith.shli %add3A_14, %shift_left3A_16 : vector<6400x128xi32>
    %shift_right_logical3A = arith.constant 19 : i32
    %shift_right_logical3A_18 = vector.broadcast %shift_right_logical3A : i32 to vector<6400x128xi32>
    %shift_right_logical3A_19 = arith.shrui %add3A_14, %shift_right_logical3A_18 : vector<6400x128xi32>
    %or3A = arith.ori %shift_left3A_17, %shift_right_logical3A_19 : vector<6400x128xi32>
    %xor3A = arith.xori %add3A_15, %or3A : vector<6400x128xi32>
    %add3A_20 = arith.addi %add3A_15, %xor3A : vector<6400x128xi32>
    %shift_left3A_21 = arith.constant 15 : i32
    %shift_left3A_22 = vector.broadcast %shift_left3A_21 : i32 to vector<6400x128xi32>
    %shift_left3A_23 = arith.shli %xor3A, %shift_left3A_22 : vector<6400x128xi32>
    %shift_right_logical3A_24 = arith.constant 17 : i32
    %shift_right_logical3A_25 = vector.broadcast %shift_right_logical3A_24 : i32 to vector<6400x128xi32>
    %shift_right_logical3A_26 = arith.shrui %xor3A, %shift_right_logical3A_25 : vector<6400x128xi32>
    %or3A_27 = arith.ori %shift_left3A_23, %shift_right_logical3A_26 : vector<6400x128xi32>
    %xor3A_28 = arith.xori %add3A_20, %or3A_27 : vector<6400x128xi32>
    %add3A_29 = arith.addi %add3A_20, %xor3A_28 : vector<6400x128xi32>
    %shift_left3A_30 = arith.constant 26 : i32
    %shift_left3A_31 = vector.broadcast %shift_left3A_30 : i32 to vector<6400x128xi32>
    %shift_left3A_32 = arith.shli %xor3A_28, %shift_left3A_31 : vector<6400x128xi32>
    %shift_right_logical3A_33 = arith.constant 6 : i32
    %shift_right_logical3A_34 = vector.broadcast %shift_right_logical3A_33 : i32 to vector<6400x128xi32>
    %shift_right_logical3A_35 = arith.shrui %xor3A_28, %shift_right_logical3A_34 : vector<6400x128xi32>
    %or3A_36 = arith.ori %shift_left3A_32, %shift_right_logical3A_35 : vector<6400x128xi32>
    %xor3A_37 = arith.xori %add3A_29, %or3A_36 : vector<6400x128xi32>
    %add3A_38 = arith.addi %add3A_29, %xor3A_37 : vector<6400x128xi32>
    %shift_left3A_39 = arith.constant 6 : i32
    %shift_left3A_40 = vector.broadcast %shift_left3A_39 : i32 to vector<6400x128xi32>
    %shift_left3A_41 = arith.shli %xor3A_37, %shift_left3A_40 : vector<6400x128xi32>
    %shift_right_logical3A_42 = arith.constant 26 : i32
    %shift_right_logical3A_43 = vector.broadcast %shift_right_logical3A_42 : i32 to vector<6400x128xi32>
    %shift_right_logical3A_44 = arith.shrui %xor3A_37, %shift_right_logical3A_43 : vector<6400x128xi32>
    %or3A_45 = arith.ori %shift_left3A_41, %shift_right_logical3A_44 : vector<6400x128xi32>
    %xor3A_46 = arith.xori %add3A_38, %or3A_45 : vector<6400x128xi32>
    %add3A_47 = arith.constant 270669613 : i32
    %add3A_48 = vector.broadcast %add3A_47 : i32 to vector<6400x128xi32>
    %add3A_49 = arith.addi %add3A_38, %add3A_48 : vector<6400x128xi32>
    %add3A_50 = arith.constant 1724713081 : i32
    %add3A_51 = vector.broadcast %add3A_50 : i32 to vector<6400x128xi32>
    %add3A_52 = arith.addi %xor3A_46, %add3A_51 : vector<6400x128xi32>
    %add3A_53 = arith.addi %add3A_49, %add3A_52 : vector<6400x128xi32>
    %shift_left3A_54 = arith.constant 17 : i32
    %shift_left3A_55 = vector.broadcast %shift_left3A_54 : i32 to vector<6400x128xi32>
    %shift_left3A_56 = arith.shli %add3A_52, %shift_left3A_55 : vector<6400x128xi32>
    %shift_right_logical3A_57 = arith.constant 15 : i32
    %shift_right_logical3A_58 = vector.broadcast %shift_right_logical3A_57 : i32 to vector<6400x128xi32>
    %shift_right_logical3A_59 = arith.shrui %add3A_52, %shift_right_logical3A_58 : vector<6400x128xi32>
    %or3A_60 = arith.ori %shift_left3A_56, %shift_right_logical3A_59 : vector<6400x128xi32>
    %xor3A_61 = arith.xori %add3A_53, %or3A_60 : vector<6400x128xi32>
    %add3A_62 = arith.addi %add3A_53, %xor3A_61 : vector<6400x128xi32>
    %shift_left3A_63 = arith.constant 29 : i32
    %shift_left3A_64 = vector.broadcast %shift_left3A_63 : i32 to vector<6400x128xi32>
    %shift_left3A_65 = arith.shli %xor3A_61, %shift_left3A_64 : vector<6400x128xi32>
    %shift_right_logical3A_66 = arith.constant 3 : i32
    %shift_right_logical3A_67 = vector.broadcast %shift_right_logical3A_66 : i32 to vector<6400x128xi32>
    %shift_right_logical3A_68 = arith.shrui %xor3A_61, %shift_right_logical3A_67 : vector<6400x128xi32>
    %or3A_69 = arith.ori %shift_left3A_65, %shift_right_logical3A_68 : vector<6400x128xi32>
    %xor3A_70 = arith.xori %add3A_62, %or3A_69 : vector<6400x128xi32>
    %add3A_71 = arith.addi %add3A_62, %xor3A_70 : vector<6400x128xi32>
    %shift_left3A_72 = arith.constant 16 : i32
    %shift_left3A_73 = vector.broadcast %shift_left3A_72 : i32 to vector<6400x128xi32>
    %shift_left3A_74 = arith.shli %xor3A_70, %shift_left3A_73 : vector<6400x128xi32>
    %shift_right_logical3A_75 = arith.constant 16 : i32
    %shift_right_logical3A_76 = vector.broadcast %shift_right_logical3A_75 : i32 to vector<6400x128xi32>
    %shift_right_logical3A_77 = arith.shrui %xor3A_70, %shift_right_logical3A_76 : vector<6400x128xi32>
    %or3A_78 = arith.ori %shift_left3A_74, %shift_right_logical3A_77 : vector<6400x128xi32>
    %xor3A_79 = arith.xori %add3A_71, %or3A_78 : vector<6400x128xi32>
    %add3A_80 = arith.addi %add3A_71, %xor3A_79 : vector<6400x128xi32>
    %shift_left3A_81 = arith.constant 24 : i32
    %shift_left3A_82 = vector.broadcast %shift_left3A_81 : i32 to vector<6400x128xi32>
    %shift_left3A_83 = arith.shli %xor3A_79, %shift_left3A_82 : vector<6400x128xi32>
    %shift_right_logical3A_84 = arith.constant 8 : i32
    %shift_right_logical3A_85 = vector.broadcast %shift_right_logical3A_84 : i32 to vector<6400x128xi32>
    %shift_right_logical3A_86 = arith.shrui %xor3A_79, %shift_right_logical3A_85 : vector<6400x128xi32>
    %or3A_87 = arith.ori %shift_left3A_83, %shift_right_logical3A_86 : vector<6400x128xi32>
    %xor3A_88 = arith.xori %add3A_80, %or3A_87 : vector<6400x128xi32>
    %add3A_89 = arith.constant 1724713080 : i32
    %add3A_90 = vector.broadcast %add3A_89 : i32 to vector<6400x128xi32>
    %add3A_91 = arith.addi %add3A_80, %add3A_90 : vector<6400x128xi32>
    %add3A_92 = arith.constant 1832780945 : i32
    %add3A_93 = vector.broadcast %add3A_92 : i32 to vector<6400x128xi32>
    %add3A_94 = arith.addi %xor3A_88, %add3A_93 : vector<6400x128xi32>
    %add3A_95 = arith.addi %add3A_91, %add3A_94 : vector<6400x128xi32>
    %shift_left3A_96 = arith.constant 13 : i32
    %shift_left3A_97 = vector.broadcast %shift_left3A_96 : i32 to vector<6400x128xi32>
    %shift_left3A_98 = arith.shli %add3A_94, %shift_left3A_97 : vector<6400x128xi32>
    %shift_right_logical3A_99 = arith.constant 19 : i32
    %shift_right_logical3A_100 = vector.broadcast %shift_right_logical3A_99 : i32 to vector<6400x128xi32>
    %shift_right_logical3A_101 = arith.shrui %add3A_94, %shift_right_logical3A_100 : vector<6400x128xi32>
    %or3A_102 = arith.ori %shift_left3A_98, %shift_right_logical3A_101 : vector<6400x128xi32>
    %xor3A_103 = arith.xori %add3A_95, %or3A_102 : vector<6400x128xi32>
    %add3A_104 = arith.addi %add3A_95, %xor3A_103 : vector<6400x128xi32>
    %shift_left3A_105 = arith.constant 15 : i32
    %shift_left3A_106 = vector.broadcast %shift_left3A_105 : i32 to vector<6400x128xi32>
    %shift_left3A_107 = arith.shli %xor3A_103, %shift_left3A_106 : vector<6400x128xi32>
    %shift_right_logical3A_108 = arith.constant 17 : i32
    %shift_right_logical3A_109 = vector.broadcast %shift_right_logical3A_108 : i32 to vector<6400x128xi32>
    %shift_right_logical3A_110 = arith.shrui %xor3A_103, %shift_right_logical3A_109 : vector<6400x128xi32>
    %or3A_111 = arith.ori %shift_left3A_107, %shift_right_logical3A_110 : vector<6400x128xi32>
    %xor3A_112 = arith.xori %add3A_104, %or3A_111 : vector<6400x128xi32>
    %add3A_113 = arith.addi %add3A_104, %xor3A_112 : vector<6400x128xi32>
    %shift_left3A_114 = arith.constant 26 : i32
    %shift_left3A_115 = vector.broadcast %shift_left3A_114 : i32 to vector<6400x128xi32>
    %shift_left3A_116 = arith.shli %xor3A_112, %shift_left3A_115 : vector<6400x128xi32>
    %shift_right_logical3A_117 = arith.constant 6 : i32
    %shift_right_logical3A_118 = vector.broadcast %shift_right_logical3A_117 : i32 to vector<6400x128xi32>
    %shift_right_logical3A_119 = arith.shrui %xor3A_112, %shift_right_logical3A_118 : vector<6400x128xi32>
    %or3A_120 = arith.ori %shift_left3A_116, %shift_right_logical3A_119 : vector<6400x128xi32>
    %xor3A_121 = arith.xori %add3A_113, %or3A_120 : vector<6400x128xi32>
    %add3A_122 = arith.addi %add3A_113, %xor3A_121 : vector<6400x128xi32>
    %shift_left3A_123 = arith.constant 6 : i32
    %shift_left3A_124 = vector.broadcast %shift_left3A_123 : i32 to vector<6400x128xi32>
    %shift_left3A_125 = arith.shli %xor3A_121, %shift_left3A_124 : vector<6400x128xi32>
    %shift_right_logical3A_126 = arith.constant 26 : i32
    %shift_right_logical3A_127 = vector.broadcast %shift_right_logical3A_126 : i32 to vector<6400x128xi32>
    %shift_right_logical3A_128 = arith.shrui %xor3A_121, %shift_right_logical3A_127 : vector<6400x128xi32>
    %or3A_129 = arith.ori %shift_left3A_125, %shift_right_logical3A_128 : vector<6400x128xi32>
    %xor3A_130 = arith.xori %add3A_122, %or3A_129 : vector<6400x128xi32>
    %add3A_131 = arith.constant 1832780943 : i32
    %add3A_132 = vector.broadcast %add3A_131 : i32 to vector<6400x128xi32>
    %add3A_133 = arith.addi %add3A_122, %add3A_132 : vector<6400x128xi32>
    %add3A_134 = arith.constant 270669616 : i32
    %add3A_135 = vector.broadcast %add3A_134 : i32 to vector<6400x128xi32>
    %add3A_136 = arith.addi %xor3A_130, %add3A_135 : vector<6400x128xi32>
    %add3A_137 = arith.addi %add3A_133, %add3A_136 : vector<6400x128xi32>
    %shift_left3A_138 = arith.constant 17 : i32
    %shift_left3A_139 = vector.broadcast %shift_left3A_138 : i32 to vector<6400x128xi32>
    %shift_left3A_140 = arith.shli %add3A_136, %shift_left3A_139 : vector<6400x128xi32>
    %shift_right_logical3A_141 = arith.constant 15 : i32
    %shift_right_logical3A_142 = vector.broadcast %shift_right_logical3A_141 : i32 to vector<6400x128xi32>
    %shift_right_logical3A_143 = arith.shrui %add3A_136, %shift_right_logical3A_142 : vector<6400x128xi32>
    %or3A_144 = arith.ori %shift_left3A_140, %shift_right_logical3A_143 : vector<6400x128xi32>
    %xor3A_145 = arith.xori %add3A_137, %or3A_144 : vector<6400x128xi32>
    %add3A_146 = arith.addi %add3A_137, %xor3A_145 : vector<6400x128xi32>
    %shift_left3A_147 = arith.constant 29 : i32
    %shift_left3A_148 = vector.broadcast %shift_left3A_147 : i32 to vector<6400x128xi32>
    %shift_left3A_149 = arith.shli %xor3A_145, %shift_left3A_148 : vector<6400x128xi32>
    %shift_right_logical3A_150 = arith.constant 3 : i32
    %shift_right_logical3A_151 = vector.broadcast %shift_right_logical3A_150 : i32 to vector<6400x128xi32>
    %shift_right_logical3A_152 = arith.shrui %xor3A_145, %shift_right_logical3A_151 : vector<6400x128xi32>
    %or3A_153 = arith.ori %shift_left3A_149, %shift_right_logical3A_152 : vector<6400x128xi32>
    %xor3A_154 = arith.xori %add3A_146, %or3A_153 : vector<6400x128xi32>
    %add3A_155 = arith.addi %add3A_146, %xor3A_154 : vector<6400x128xi32>
    %shift_left3A_156 = arith.constant 16 : i32
    %shift_left3A_157 = vector.broadcast %shift_left3A_156 : i32 to vector<6400x128xi32>
    %shift_left3A_158 = arith.shli %xor3A_154, %shift_left3A_157 : vector<6400x128xi32>
    %shift_right_logical3A_159 = arith.constant 16 : i32
    %shift_right_logical3A_160 = vector.broadcast %shift_right_logical3A_159 : i32 to vector<6400x128xi32>
    %shift_right_logical3A_161 = arith.shrui %xor3A_154, %shift_right_logical3A_160 : vector<6400x128xi32>
    %or3A_162 = arith.ori %shift_left3A_158, %shift_right_logical3A_161 : vector<6400x128xi32>
    %xor3A_163 = arith.xori %add3A_155, %or3A_162 : vector<6400x128xi32>
    %add3A_164 = arith.addi %add3A_155, %xor3A_163 : vector<6400x128xi32>
    %shift_left3A_165 = arith.constant 24 : i32
    %shift_left3A_166 = vector.broadcast %shift_left3A_165 : i32 to vector<6400x128xi32>
    %shift_left3A_167 = arith.shli %xor3A_163, %shift_left3A_166 : vector<6400x128xi32>
    %shift_right_logical3A_168 = arith.constant 8 : i32
    %shift_right_logical3A_169 = vector.broadcast %shift_right_logical3A_168 : i32 to vector<6400x128xi32>
    %shift_right_logical3A_170 = arith.shrui %xor3A_163, %shift_right_logical3A_169 : vector<6400x128xi32>
    %or3A_171 = arith.ori %shift_left3A_167, %shift_right_logical3A_170 : vector<6400x128xi32>
    %xor3A_172 = arith.xori %add3A_164, %or3A_171 : vector<6400x128xi32>
    %add3A_173 = arith.constant 270669613 : i32
    %add3A_174 = vector.broadcast %add3A_173 : i32 to vector<6400x128xi32>
    %add3A_175 = arith.addi %add3A_164, %add3A_174 : vector<6400x128xi32>
    %add3A_176 = arith.constant 1724713084 : i32
    %add3A_177 = vector.broadcast %add3A_176 : i32 to vector<6400x128xi32>
    %add3A_178 = arith.addi %xor3A_172, %add3A_177 : vector<6400x128xi32>
    %add3A_179 = arith.addi %add3A_175, %add3A_178 : vector<6400x128xi32>
    %shift_left3A_180 = arith.constant 13 : i32
    %shift_left3A_181 = vector.broadcast %shift_left3A_180 : i32 to vector<6400x128xi32>
    %shift_left3A_182 = arith.shli %add3A_178, %shift_left3A_181 : vector<6400x128xi32>
    %shift_right_logical3A_183 = arith.constant 19 : i32
    %shift_right_logical3A_184 = vector.broadcast %shift_right_logical3A_183 : i32 to vector<6400x128xi32>
    %shift_right_logical3A_185 = arith.shrui %add3A_178, %shift_right_logical3A_184 : vector<6400x128xi32>
    %or3A_186 = arith.ori %shift_left3A_182, %shift_right_logical3A_185 : vector<6400x128xi32>
    %xor3A_187 = arith.xori %add3A_179, %or3A_186 : vector<6400x128xi32>
    %add3A_188 = arith.addi %add3A_179, %xor3A_187 : vector<6400x128xi32>
    %shift_left3A_189 = arith.constant 15 : i32
    %shift_left3A_190 = vector.broadcast %shift_left3A_189 : i32 to vector<6400x128xi32>
    %shift_left3A_191 = arith.shli %xor3A_187, %shift_left3A_190 : vector<6400x128xi32>
    %shift_right_logical3A_192 = arith.constant 17 : i32
    %shift_right_logical3A_193 = vector.broadcast %shift_right_logical3A_192 : i32 to vector<6400x128xi32>
    %shift_right_logical3A_194 = arith.shrui %xor3A_187, %shift_right_logical3A_193 : vector<6400x128xi32>
    %or3A_195 = arith.ori %shift_left3A_191, %shift_right_logical3A_194 : vector<6400x128xi32>
    %xor3A_196 = arith.xori %add3A_188, %or3A_195 : vector<6400x128xi32>
    %add3A_197 = arith.addi %add3A_188, %xor3A_196 : vector<6400x128xi32>
    %shift_left3A_198 = arith.constant 26 : i32
    %shift_left3A_199 = vector.broadcast %shift_left3A_198 : i32 to vector<6400x128xi32>
    %shift_left3A_200 = arith.shli %xor3A_196, %shift_left3A_199 : vector<6400x128xi32>
    %shift_right_logical3A_201 = arith.constant 6 : i32
    %shift_right_logical3A_202 = vector.broadcast %shift_right_logical3A_201 : i32 to vector<6400x128xi32>
    %shift_right_logical3A_203 = arith.shrui %xor3A_196, %shift_right_logical3A_202 : vector<6400x128xi32>
    %or3A_204 = arith.ori %shift_left3A_200, %shift_right_logical3A_203 : vector<6400x128xi32>
    %xor3A_205 = arith.xori %add3A_197, %or3A_204 : vector<6400x128xi32>
    %add3A_206 = arith.addi %add3A_197, %xor3A_205 : vector<6400x128xi32>
    %shift_left3A_207 = arith.constant 6 : i32
    %shift_left3A_208 = vector.broadcast %shift_left3A_207 : i32 to vector<6400x128xi32>
    %shift_left3A_209 = arith.shli %xor3A_205, %shift_left3A_208 : vector<6400x128xi32>
    %shift_right_logical3A_210 = arith.constant 26 : i32
    %shift_right_logical3A_211 = vector.broadcast %shift_right_logical3A_210 : i32 to vector<6400x128xi32>
    %shift_right_logical3A_212 = arith.shrui %xor3A_205, %shift_right_logical3A_211 : vector<6400x128xi32>
    %or3A_213 = arith.ori %shift_left3A_209, %shift_right_logical3A_212 : vector<6400x128xi32>
    %xor3A_214 = arith.xori %add3A_206, %or3A_213 : vector<6400x128xi32>
    %add3A_215 = arith.constant 1724713080 : i32
    %add3A_216 = vector.broadcast %add3A_215 : i32 to vector<6400x128xi32>
    %add3A_217 = arith.addi %add3A_206, %add3A_216 : vector<6400x128xi32>
    %add3A_218 = arith.constant 1832780948 : i32
    %add3A_219 = vector.broadcast %add3A_218 : i32 to vector<6400x128xi32>
    %add3A_220 = arith.addi %xor3A_214, %add3A_219 : vector<6400x128xi32>
    %xor3A_221 = arith.xori %add3A_217, %add3A_220 : vector<6400x128xi32>
    %shift_right_logical3A_222 = arith.constant 9 : i32
    %shift_right_logical3A_223 = vector.broadcast %shift_right_logical3A_222 : i32 to vector<6400x128xi32>
    %shift_right_logical3A_224 = arith.shrui %xor3A_221, %shift_right_logical3A_223 : vector<6400x128xi32>
    %or3A_225 = arith.constant 1065353216 : i32
    %or3A_226 = vector.broadcast %or3A_225 : i32 to vector<6400x128xi32>
    %or3A_227 = arith.ori %shift_right_logical3A_224, %or3A_226 : vector<6400x128xi32>
    %bitcast_convert_type3A = tpu.bitcast %or3A_227 : vector<6400x128xi32> -> vector<6400x128xf32>
    %sub3A = arith.constant 1.000000e+00 : f32
    %sub3A_228 = vector.broadcast %sub3A : f32 to vector<6400x128xf32>
    %sub3A_229 = arith.subf %bitcast_convert_type3A, %sub3A_228 : vector<6400x128xf32>
    %sub3A_230 = arith.constant 1.000000e+00 : f32
    %sub3A_231 = arith.constant -0.99999994 : f32
    %sub3A_232 = arith.subf %sub3A_230, %sub3A_231 : f32
    %mul3A_233 = vector.broadcast %sub3A_232 : f32 to vector<6400x128xf32>
    %mul3A_234 = arith.mulf %sub3A_229, %mul3A_233 : vector<6400x128xf32>
    %add3A_235 = arith.constant -0.99999994 : f32
    %add3A_236 = vector.broadcast %add3A_235 : f32 to vector<6400x128xf32>
    %add3A_237 = arith.addf %mul3A_234, %add3A_236 : vector<6400x128xf32>
    %max3A = arith.constant -0.99999994 : f32
    %max3A_238 = vector.broadcast %max3A : f32 to vector<6400x128xf32>
    %max3A_239 = arith.maximumf %max3A_238, %add3A_237 : vector<6400x128xf32>
    %neg3A = arith.constant 0.000000e+00 : f32
    %neg3A_240 = vector.broadcast %neg3A : f32 to vector<6400x128xf32>
    %neg3A_241 = arith.subf %neg3A_240, %max3A_239 : vector<6400x128xf32>
    %mul3A_242 = arith.mulf %neg3A_241, %max3A_239 : vector<6400x128xf32>
    %log1p3A = math.log1p %mul3A_242 : vector<6400x128xf32>
    %neg3A_243 = arith.constant 0.000000e+00 : f32
    %neg3A_244 = vector.broadcast %neg3A_243 : f32 to vector<6400x128xf32>
    %neg3A_245 = arith.subf %neg3A_244, %log1p3A : vector<6400x128xf32>
    %sub3A_246 = arith.constant 2.500000e+00 : f32
    %sub3A_247 = vector.broadcast %sub3A_246 : f32 to vector<6400x128xf32>
    %sub3A_248 = arith.subf %neg3A_245, %sub3A_247 : vector<6400x128xf32>
    %mul3A_249 = arith.constant 2.81022636E-8 : f32
    %mul3A_250 = vector.broadcast %mul3A_249 : f32 to vector<6400x128xf32>
    %mul3A_251 = arith.mulf %mul3A_250, %sub3A_248 : vector<6400x128xf32>
    %add3A_252 = arith.constant 3.43273939E-7 : f32
    %add3A_253 = vector.broadcast %add3A_252 : f32 to vector<6400x128xf32>
    %add3A_254 = arith.addf %add3A_253, %mul3A_251 : vector<6400x128xf32>
    %mul3A_255 = arith.mulf %add3A_254, %sub3A_248 : vector<6400x128xf32>
    %add3A_256 = arith.constant -3.5233877E-6 : f32
    %add3A_257 = vector.broadcast %add3A_256 : f32 to vector<6400x128xf32>
    %add3A_258 = arith.addf %add3A_257, %mul3A_255 : vector<6400x128xf32>
    %mul3A_259 = arith.mulf %add3A_258, %sub3A_248 : vector<6400x128xf32>
    %add3A_260 = arith.constant -4.39150654E-6 : f32
    %add3A_261 = vector.broadcast %add3A_260 : f32 to vector<6400x128xf32>
    %add3A_262 = arith.addf %add3A_261, %mul3A_259 : vector<6400x128xf32>
    %mul3A_263 = arith.mulf %add3A_262, %sub3A_248 : vector<6400x128xf32>
    %add3A_264 = arith.constant 2.1858087E-4 : f32
    %add3A_265 = vector.broadcast %add3A_264 : f32 to vector<6400x128xf32>
    %add3A_266 = arith.addf %add3A_265, %mul3A_263 : vector<6400x128xf32>
    %mul3A_267 = arith.mulf %add3A_266, %sub3A_248 : vector<6400x128xf32>
    %add3A_268 = arith.constant -0.00125372503 : f32
    %add3A_269 = vector.broadcast %add3A_268 : f32 to vector<6400x128xf32>
    %add3A_270 = arith.addf %add3A_269, %mul3A_267 : vector<6400x128xf32>
    %mul3A_271 = arith.mulf %add3A_270, %sub3A_248 : vector<6400x128xf32>
    %add3A_272 = arith.constant -0.00417768164 : f32
    %add3A_273 = vector.broadcast %add3A_272 : f32 to vector<6400x128xf32>
    %add3A_274 = arith.addf %add3A_273, %mul3A_271 : vector<6400x128xf32>
    %mul3A_275 = arith.mulf %add3A_274, %sub3A_248 : vector<6400x128xf32>
    %add3A_276 = arith.constant 0.246640727 : f32
    %add3A_277 = vector.broadcast %add3A_276 : f32 to vector<6400x128xf32>
    %add3A_278 = arith.addf %add3A_277, %mul3A_275 : vector<6400x128xf32>
    %mul3A_279 = arith.mulf %add3A_278, %sub3A_248 : vector<6400x128xf32>
    %add3A_280 = arith.constant 1.50140941 : f32
    %add3A_281 = vector.broadcast %add3A_280 : f32 to vector<6400x128xf32>
    %add3A_282 = arith.addf %add3A_281, %mul3A_279 : vector<6400x128xf32>
    %sqrt3A = math.sqrt %neg3A_245 : vector<6400x128xf32>
    %sub3A_283 = arith.constant 3.000000e+00 : f32
    %sub3A_284 = vector.broadcast %sub3A_283 : f32 to vector<6400x128xf32>
    %sub3A_285 = arith.subf %sqrt3A, %sub3A_284 : vector<6400x128xf32>
    %mul3A_286 = arith.constant -2.00214257E-4 : f32
    %mul3A_287 = vector.broadcast %mul3A_286 : f32 to vector<6400x128xf32>
    %mul3A_288 = arith.mulf %mul3A_287, %sub3A_285 : vector<6400x128xf32>
    %add3A_289 = arith.constant 1.00950558E-4 : f32
    %add3A_290 = vector.broadcast %add3A_289 : f32 to vector<6400x128xf32>
    %add3A_291 = arith.addf %add3A_290, %mul3A_288 : vector<6400x128xf32>
    %mul3A_292 = arith.mulf %add3A_291, %sub3A_285 : vector<6400x128xf32>
    %add3A_293 = arith.constant 0.00134934322 : f32
    %add3A_294 = vector.broadcast %add3A_293 : f32 to vector<6400x128xf32>
    %add3A_295 = arith.addf %add3A_294, %mul3A_292 : vector<6400x128xf32>
    %mul3A_296 = arith.mulf %add3A_295, %sub3A_285 : vector<6400x128xf32>
    %add3A_297 = arith.constant -0.00367342844 : f32
    %add3A_298 = vector.broadcast %add3A_297 : f32 to vector<6400x128xf32>
    %add3A_299 = arith.addf %add3A_298, %mul3A_296 : vector<6400x128xf32>
    %mul3A_300 = arith.mulf %add3A_299, %sub3A_285 : vector<6400x128xf32>
    %add3A_301 = arith.constant 0.00573950773 : f32
    %add3A_302 = vector.broadcast %add3A_301 : f32 to vector<6400x128xf32>
    %add3A_303 = arith.addf %add3A_302, %mul3A_300 : vector<6400x128xf32>
    %mul3A_304 = arith.mulf %add3A_303, %sub3A_285 : vector<6400x128xf32>
    %add3A_305 = arith.constant -0.0076224613 : f32
    %add3A_306 = vector.broadcast %add3A_305 : f32 to vector<6400x128xf32>
    %add3A_307 = arith.addf %add3A_306, %mul3A_304 : vector<6400x128xf32>
    %mul3A_308 = arith.mulf %add3A_307, %sub3A_285 : vector<6400x128xf32>
    %add3A_309 = arith.constant 0.00943887047 : f32
    %add3A_310 = vector.broadcast %add3A_309 : f32 to vector<6400x128xf32>
    %add3A_311 = arith.addf %add3A_310, %mul3A_308 : vector<6400x128xf32>
    %mul3A_312 = arith.mulf %add3A_311, %sub3A_285 : vector<6400x128xf32>
    %add3A_313 = arith.constant 1.00167406 : f32
    %add3A_314 = vector.broadcast %add3A_313 : f32 to vector<6400x128xf32>
    %add3A_315 = arith.addf %add3A_314, %mul3A_312 : vector<6400x128xf32>
    %mul3A_316 = arith.mulf %add3A_315, %sub3A_285 : vector<6400x128xf32>
    %add3A_317 = arith.constant 2.83297682 : f32
    %add3A_318 = vector.broadcast %add3A_317 : f32 to vector<6400x128xf32>
    %add3A_319 = arith.addf %add3A_318, %mul3A_316 : vector<6400x128xf32>
    %lt3A = arith.constant 5.000000e+00 : f32
    %lt3A_320 = vector.broadcast %lt3A : f32 to vector<6400x128xf32>
    %lt3A_321 = arith.cmpf olt, %neg3A_245, %lt3A_320 : vector<6400x128xf32>
    %select_n3A = arith.select %lt3A_321, %add3A_282, %add3A_319 : vector<6400x128xi1>, vector<6400x128xf32>
    %mul3A_322 = arith.constant 1.41421354 : f32
    %mul3A_323 = vector.broadcast %mul3A_322 : f32 to vector<6400x128xf32>
    %mul3A_324 = arith.mulf %mul3A_323, %select_n3A : vector<6400x128xf32>
    %mul3A_325 = arith.mulf %mul3A_324, %max3A_239 : vector<6400x128xf32>
    %get3A = arith.constant 0 : index
    %get3A_326 = arith.constant 0 : index
    %get3A_327 = vector.load %arg1[%get3A, %get3A_326] : memref<2x128xf32, #tpu.memory_space<vmem>>, vector<1x128xf32>
    %get3A_328 = arith.constant 1 : index
    %get3A_329 = arith.constant 0 : index
    %get3A_330 = vector.load %arg1[%get3A_328, %get3A_329] : memref<2x128xf32, #tpu.memory_space<vmem>>, vector<1x128xf32>
    %mul3A_331 = vector.broadcast %get3A_330 : vector<1x128xf32> to vector<6400x128xf32>
    %mul3A_332 = arith.mulf %mul3A_331, %mul3A_325 : vector<6400x128xf32>
    %add3A_333 = vector.broadcast %get3A_327 : vector<1x128xf32> to vector<6400x128xf32>
    %add3A_334 = arith.addf %add3A_333, %mul3A_332 : vector<6400x128xf32>
    %swap3A = arith.constant 0 : index
    %swap3A_335 = arith.constant 0 : index
    %swap3A_336 = vector.load %arg2[%swap3A, %swap3A_335] : memref<6400x128xf32, #tpu.memory_space<vmem>>, vector<6400x128xf32>
    tpu.vector_store %arg2[%swap3A, %swap3A_335], %add3A_334 {strides = array<i32>} : memref<6400x128xf32, #tpu.memory_space<vmem>>, vector<6400x128xf32>,
    return
  }
  func.func @transform_0(%arg0: i32) -> (i32, i32) {
    %c0_i32 = arith.constant 0 : i32
    %c0_i32_0 = arith.constant 0 : i32
    %c0_i32_1 = arith.constant 0 : i32
    return %c0_i32, %c0_i32_0 : i32, i32
  }
  func.func @transform_1(%arg0: i32) -> (i32, i32) {
    %c0_i32 = arith.constant 0 : i32
    %c0_i32_0 = arith.constant 0 : i32
    return %arg0, %c0_i32 : i32, i32
  }
}

module attributes {stable_mosaic.version = 14 : i64} {
  func.func @_rng_body(%arg0: i32, %arg1: memref<2x128xf32, #tpu.memory_space<vmem>>, %arg2: memref<6400x128xf32, #tpu.memory_space<vmem>>) attributes {dimension_semantics = [#tpu.dimension_semantics<arbitrary>], iteration_bounds = array<i64: 18>, scalar_prefetch = 0 : i64, scratch_operands = 0 : i64, tpu.core_type = #tpu.core_type<tc>, window_params = [{pipeline_mode = #tpu.pipeline_mode<synchronous>, transform_indices = @transform_0, window_bounds = array<i64: 2, 128>}, {transform_indices = @transform_1, window_bounds = array<i64: 6400, 128>}]} {
    %mul3A = arith.constant 6400 : i32
    %mul3A_0 = arith.muli %arg0, %mul3A : i32
    %mul3A_1 = arith.constant 128 : i32
    %mul3A_2 = arith.muli %mul3A_0, %mul3A_1 : i32
    %add3A = arith.constant 26214400 : i32
    %add3A_3 = arith.addi %add3A, %mul3A_2 : i32
    %iota3A = tpu.iota {dimensions = array<i32: 0>} : vector<6400x128xi32>
    %mul3A_4 = arith.constant 128 : i32
    %mul3A_5 = vector.broadcast %mul3A_4 : i32 to vector<6400x128xi32>
    %mul3A_6 = arith.muli %iota3A, %mul3A_5 : vector<6400x128xi32>
    %add3A_7 = vector.broadcast %add3A_3 : i32 to vector<6400x128xi32>
    %add3A_8 = arith.addi %add3A_7, %mul3A_6 : vector<6400x128xi32>
    %iota3A_9 = tpu.iota {dimensions = array<i32: 1>} : vector<6400x128xi32>
    %add3A_10 = arith.addi %add3A_8, %iota3A_9 : vector<6400x128xi32>
    %broadcast_in_dim3A = arith.constant 1832780943 : i32
    %broadcast_in_dim3A_11 = vector.broadcast %broadcast_in_dim3A : i32 to vector<6400x128xi32>
    %add3A_12 = arith.constant 270669613 : i32
    %add3A_13 = vector.broadcast %add3A_12 : i32 to vector<6400x128xi32>
    %add3A_14 = arith.addi %add3A_10, %add3A_13 : vector<6400x128xi32>
    %add3A_15 = arith.addi %broadcast_in_dim3A_11, %add3A_14 : vector<6400x128xi32>
    %shift_left3A = arith.constant 13 : i32
    %shift_left3A_16 = vector.broadcast %shift_left3A : i32 to vector<6400x128xi32>
    %shift_left3A_17 = arith.shli %add3A_14, %shift_left3A_16 : vector<6400x128xi32>
    %shift_right_logical3A = arith.constant 19 : i32
    %shift_right_logical3A_18 = vector.broadcast %shift_right_logical3A : i32 to vector<6400x128xi32>
    %shift_right_logical3A_19 = arith.shrui %add3A_14, %shift_right_logical3A_18 : vector<6400x128xi32>
    %or3A = arith.ori %shift_left3A_17, %shift_right_logical3A_19 : vector<6400x128xi32>
    %xor3A = arith.xori %add3A_15, %or3A : vector<6400x128xi32>
    %add3A_20 = arith.addi %add3A_15, %xor3A : vector<6400x128xi32>
    %shift_left3A_21 = arith.constant 15 : i32
    %shift_left3A_22 = vector.broadcast %shift_left3A_21 : i32 to vector<6400x128xi32>
    %shift_left3A_23 = arith.shli %xor3A, %shift_left3A_22 : vector<6400x128xi32>
    %shift_right_logical3A_24 = arith.constant 17 : i32
    %shift_right_logical3A_25 = vector.broadcast %shift_right_logical3A_24 : i32 to vector<6400x128xi32>
    %shift_right_logical3A_26 = arith.shrui %xor3A, %shift_right_logical3A_25 : vector<6400x128xi32>
    %or3A_27 = arith.ori %shift_left3A_23, %shift_right_logical3A_26 : vector<6400x128xi32>
    %xor3A_28 = arith.xori %add3A_20, %or3A_27 : vector<6400x128xi32>
    %add3A_29 = arith.addi %add3A_20, %xor3A_28 : vector<6400x128xi32>
    %shift_left3A_30 = arith.constant 26 : i32
    %shift_left3A_31 = vector.broadcast %shift_left3A_30 : i32 to vector<6400x128xi32>
    %shift_left3A_32 = arith.shli %xor3A_28, %shift_left3A_31 : vector<6400x128xi32>
    %shift_right_logical3A_33 = arith.constant 6 : i32
    %shift_right_logical3A_34 = vector.broadcast %shift_right_logical3A_33 : i32 to vector<6400x128xi32>
    %shift_right_logical3A_35 = arith.shrui %xor3A_28, %shift_right_logical3A_34 : vector<6400x128xi32>
    %or3A_36 = arith.ori %shift_left3A_32, %shift_right_logical3A_35 : vector<6400x128xi32>
    %xor3A_37 = arith.xori %add3A_29, %or3A_36 : vector<6400x128xi32>
    %add3A_38 = arith.addi %add3A_29, %xor3A_37 : vector<6400x128xi32>
    %shift_left3A_39 = arith.constant 6 : i32
    %shift_left3A_40 = vector.broadcast %shift_left3A_39 : i32 to vector<6400x128xi32>
    %shift_left3A_41 = arith.shli %xor3A_37, %shift_left3A_40 : vector<6400x128xi32>
    %shift_right_logical3A_42 = arith.constant 26 : i32
    %shift_right_logical3A_43 = vector.broadcast %shift_right_logical3A_42 : i32 to vector<6400x128xi32>
    %shift_right_logical3A_44 = arith.shrui %xor3A_37, %shift_right_logical3A_43 : vector<6400x128xi32>
    %or3A_45 = arith.ori %shift_left3A_41, %shift_right_logical3A_44 : vector<6400x128xi32>
    %xor3A_46 = arith.xori %add3A_38, %or3A_45 : vector<6400x128xi32>
    %add3A_47 = arith.constant 270669613 : i32
    %add3A_48 = vector.broadcast %add3A_47 : i32 to vector<6400x128xi32>
    %add3A_49 = arith.addi %add3A_38, %add3A_48 : vector<6400x128xi32>
    %add3A_50 = arith.constant 1724713081 : i32
    %add3A_51 = vector.broadcast %add3A_50 : i32 to vector<6400x128xi32>
    %add3A_52 = arith.addi %xor3A_46, %add3A_51 : vector<6400x128xi32>
    %add3A_53 = arith.addi %add3A_49, %add3A_52 : vector<6400x128xi32>
    %shift_left3A_54 = arith.constant 17 : i32
    %shift_left3A_55 = vector.broadcast %shift_left3A_54 : i32 to vector<6400x128xi32>
    %shift_left3A_56 = arith.shli %add3A_52, %shift_left3A_55 : vector<6400x128xi32>
    %shift_right_logical3A_57 = arith.constant 15 : i32
    %shift_right_logical3A_58 = vector.broadcast %shift_right_logical3A_57 : i32 to vector<6400x128xi32>
    %shift_right_logical3A_59 = arith.shrui %add3A_52, %shift_right_logical3A_58 : vector<6400x128xi32>
    %or3A_60 = arith.ori %shift_left3A_56, %shift_right_logical3A_59 : vector<6400x128xi32>
    %xor3A_61 = arith.xori %add3A_53, %or3A_60 : vector<6400x128xi32>
    %add3A_62 = arith.addi %add3A_53, %xor3A_61 : vector<6400x128xi32>
    %shift_left3A_63 = arith.constant 29 : i32
    %shift_left3A_64 = vector.broadcast %shift_left3A_63 : i32 to vector<6400x128xi32>
    %shift_left3A_65 = arith.shli %xor3A_61, %shift_left3A_64 : vector<6400x128xi32>
    %shift_right_logical3A_66 = arith.constant 3 : i32
    %shift_right_logical3A_67 = vector.broadcast %shift_right_logical3A_66 : i32 to vector<6400x128xi32>
    %shift_right_logical3A_68 = arith.shrui %xor3A_61, %shift_right_logical3A_67 : vector<6400x128xi32>
    %or3A_69 = arith.ori %shift_left3A_65, %shift_right_logical3A_68 : vector<6400x128xi32>
    %xor3A_70 = arith.xori %add3A_62, %or3A_69 : vector<6400x128xi32>
    %add3A_71 = arith.addi %add3A_62, %xor3A_70 : vector<6400x128xi32>
    %shift_left3A_72 = arith.constant 16 : i32
    %shift_left3A_73 = vector.broadcast %shift_left3A_72 : i32 to vector<6400x128xi32>
    %shift_left3A_74 = arith.shli %xor3A_70, %shift_left3A_73 : vector<6400x128xi32>
    %shift_right_logical3A_75 = arith.constant 16 : i32
    %shift_right_logical3A_76 = vector.broadcast %shift_right_logical3A_75 : i32 to vector<6400x128xi32>
    %shift_right_logical3A_77 = arith.shrui %xor3A_70, %shift_right_logical3A_76 : vector<6400x128xi32>
    %or3A_78 = arith.ori %shift_left3A_74, %shift_right_logical3A_77 : vector<6400x128xi32>
    %xor3A_79 = arith.xori %add3A_71, %or3A_78 : vector<6400x128xi32>
    %add3A_80 = arith.addi %add3A_71, %xor3A_79 : vector<6400x128xi32>
    %shift_left3A_81 = arith.constant 24 : i32
    %shift_left3A_82 = vector.broadcast %shift_left3A_81 : i32 to vector<6400x128xi32>
    %shift_left3A_83 = arith.shli %xor3A_79, %shift_left3A_82 : vector<6400x128xi32>
    %shift_right_logical3A_84 = arith.constant 8 : i32
    %shift_right_logical3A_85 = vector.broadcast %shift_right_logical3A_84 : i32 to vector<6400x128xi32>
    %shift_right_logical3A_86 = arith.shrui %xor3A_79, %shift_right_logical3A_85 : vector<6400x128xi32>
    %or3A_87 = arith.ori %shift_left3A_83, %shift_right_logical3A_86 : vector<6400x128xi32>
    %xor3A_88 = arith.xori %add3A_80, %or3A_87 : vector<6400x128xi32>
    %add3A_89 = arith.constant 1724713080 : i32
    %add3A_90 = vector.broadcast %add3A_89 : i32 to vector<6400x128xi32>
    %add3A_91 = arith.addi %add3A_80, %add3A_90 : vector<6400x128xi32>
    %add3A_92 = arith.constant 1832780945 : i32
    %add3A_93 = vector.broadcast %add3A_92 : i32 to vector<6400x128xi32>
    %add3A_94 = arith.addi %xor3A_88, %add3A_93 : vector<6400x128xi32>
    %add3A_95 = arith.addi %add3A_91, %add3A_94 : vector<6400x128xi32>
    %shift_left3A_96 = arith.constant 13 : i32
    %shift_left3A_97 = vector.broadcast %shift_left3A_96 : i32 to vector<6400x128xi32>
    %shift_left3A_98 = arith.shli %add3A_94, %shift_left3A_97 : vector<6400x128xi32>
    %shift_right_logical3A_99 = arith.constant 19 : i32
    %shift_right_logical3A_100 = vector.broadcast %shift_right_logical3A_99 : i32 to vector<6400x128xi32>
    %shift_right_logical3A_101 = arith.shrui %add3A_94, %shift_right_logical3A_100 : vector<6400x128xi32>
    %or3A_102 = arith.ori %shift_left3A_98, %shift_right_logical3A_101 : vector<6400x128xi32>
    %xor3A_103 = arith.xori %add3A_95, %or3A_102 : vector<6400x128xi32>
    %add3A_104 = arith.addi %add3A_95, %xor3A_103 : vector<6400x128xi32>
    %shift_left3A_105 = arith.constant 15 : i32
    %shift_left3A_106 = vector.broadcast %shift_left3A_105 : i32 to vector<6400x128xi32>
    %shift_left3A_107 = arith.shli %xor3A_103, %shift_left3A_106 : vector<6400x128xi32>
    %shift_right_logical3A_108 = arith.constant 17 : i32
    %shift_right_logical3A_109 = vector.broadcast %shift_right_logical3A_108 : i32 to vector<6400x128xi32>
    %shift_right_logical3A_110 = arith.shrui %xor3A_103, %shift_right_logical3A_109 : vector<6400x128xi32>
    %or3A_111 = arith.ori %shift_left3A_107, %shift_right_logical3A_110 : vector<6400x128xi32>
    %xor3A_112 = arith.xori %add3A_104, %or3A_111 : vector<6400x128xi32>
    %add3A_113 = arith.addi %add3A_104, %xor3A_112 : vector<6400x128xi32>
    %shift_left3A_114 = arith.constant 26 : i32
    %shift_left3A_115 = vector.broadcast %shift_left3A_114 : i32 to vector<6400x128xi32>
    %shift_left3A_116 = arith.shli %xor3A_112, %shift_left3A_115 : vector<6400x128xi32>
    %shift_right_logical3A_117 = arith.constant 6 : i32
    %shift_right_logical3A_118 = vector.broadcast %shift_right_logical3A_117 : i32 to vector<6400x128xi32>
    %shift_right_logical3A_119 = arith.shrui %xor3A_112, %shift_right_logical3A_118 : vector<6400x128xi32>
    %or3A_120 = arith.ori %shift_left3A_116, %shift_right_logical3A_119 : vector<6400x128xi32>
    %xor3A_121 = arith.xori %add3A_113, %or3A_120 : vector<6400x128xi32>
    %add3A_122 = arith.addi %add3A_113, %xor3A_121 : vector<6400x128xi32>
    %shift_left3A_123 = arith.constant 6 : i32
    %shift_left3A_124 = vector.broadcast %shift_left3A_123 : i32 to vector<6400x128xi32>
    %shift_left3A_125 = arith.shli %xor3A_121, %shift_left3A_124 : vector<6400x128xi32>
    %shift_right_logical3A_126 = arith.constant 26 : i32
    %shift_right_logical3A_127 = vector.broadcast %shift_right_logical3A_126 : i32 to vector<6400x128xi32>
    %shift_right_logical3A_128 = arith.shrui %xor3A_121, %shift_right_logical3A_127 : vector<6400x128xi32>
    %or3A_129 = arith.ori %shift_left3A_125, %shift_right_logical3A_128 : vector<6400x128xi32>
    %xor3A_130 = arith.xori %add3A_122, %or3A_129 : vector<6400x128xi32>
    %add3A_131 = arith.constant 1832780943 : i32
    %add3A_132 = vector.broadcast %add3A_131 : i32 to vector<6400x128xi32>
    %add3A_133 = arith.addi %add3A_122, %add3A_132 : vector<6400x128xi32>
    %add3A_134 = arith.constant 270669616 : i32
    %add3A_135 = vector.broadcast %add3A_134 : i32 to vector<6400x128xi32>
    %add3A_136 = arith.addi %xor3A_130, %add3A_135 : vector<6400x128xi32>
    %add3A_137 = arith.addi %add3A_133, %add3A_136 : vector<6400x128xi32>
    %shift_left3A_138 = arith.constant 17 : i32
    %shift_left3A_139 = vector.broadcast %shift_left3A_138 : i32 to vector<6400x128xi32>
    %shift_left3A_140 = arith.shli %add3A_136, %shift_left3A_139 : vector<6400x128xi32>
    %shift_right_logical3A_141 = arith.constant 15 : i32
    %shift_right_logical3A_142 = vector.broadcast %shift_right_logical3A_141 : i32 to vector<6400x128xi32>
    %shift_right_logical3A_143 = arith.shrui %add3A_136, %shift_right_logical3A_142 : vector<6400x128xi32>
    %or3A_144 = arith.ori %shift_left3A_140, %shift_right_logical3A_143 : vector<6400x128xi32>
    %xor3A_145 = arith.xori %add3A_137, %or3A_144 : vector<6400x128xi32>
    %add3A_146 = arith.addi %add3A_137, %xor3A_145 : vector<6400x128xi32>
    %shift_left3A_147 = arith.constant 29 : i32
    %shift_left3A_148 = vector.broadcast %shift_left3A_147 : i32 to vector<6400x128xi32>
    %shift_left3A_149 = arith.shli %xor3A_145, %shift_left3A_148 : vector<6400x128xi32>
    %shift_right_logical3A_150 = arith.constant 3 : i32
    %shift_right_logical3A_151 = vector.broadcast %shift_right_logical3A_150 : i32 to vector<6400x128xi32>
    %shift_right_logical3A_152 = arith.shrui %xor3A_145, %shift_right_logical3A_151 : vector<6400x128xi32>
    %or3A_153 = arith.ori %shift_left3A_149, %shift_right_logical3A_152 : vector<6400x128xi32>
    %xor3A_154 = arith.xori %add3A_146, %or3A_153 : vector<6400x128xi32>
    %add3A_155 = arith.addi %add3A_146, %xor3A_154 : vector<6400x128xi32>
    %shift_left3A_156 = arith.constant 16 : i32
    %shift_left3A_157 = vector.broadcast %shift_left3A_156 : i32 to vector<6400x128xi32>
    %shift_left3A_158 = arith.shli %xor3A_154, %shift_left3A_157 : vector<6400x128xi32>
    %shift_right_logical3A_159 = arith.constant 16 : i32
    %shift_right_logical3A_160 = vector.broadcast %shift_right_logical3A_159 : i32 to vector<6400x128xi32>
    %shift_right_logical3A_161 = arith.shrui %xor3A_154, %shift_right_logical3A_160 : vector<6400x128xi32>
    %or3A_162 = arith.ori %shift_left3A_158, %shift_right_logical3A_161 : vector<6400x128xi32>
    %xor3A_163 = arith.xori %add3A_155, %or3A_162 : vector<6400x128xi32>
    %add3A_164 = arith.addi %add3A_155, %xor3A_163 : vector<6400x128xi32>
    %shift_left3A_165 = arith.constant 24 : i32
    %shift_left3A_166 = vector.broadcast %shift_left3A_165 : i32 to vector<6400x128xi32>
    %shift_left3A_167 = arith.shli %xor3A_163, %shift_left3A_166 : vector<6400x128xi32>
    %shift_right_logical3A_168 = arith.constant 8 : i32
    %shift_right_logical3A_169 = vector.broadcast %shift_right_logical3A_168 : i32 to vector<6400x128xi32>
    %shift_right_logical3A_170 = arith.shrui %xor3A_163, %shift_right_logical3A_169 : vector<6400x128xi32>
    %or3A_171 = arith.ori %shift_left3A_167, %shift_right_logical3A_170 : vector<6400x128xi32>
    %xor3A_172 = arith.xori %add3A_164, %or3A_171 : vector<6400x128xi32>
    %add3A_173 = arith.constant 270669613 : i32
    %add3A_174 = vector.broadcast %add3A_173 : i32 to vector<6400x128xi32>
    %add3A_175 = arith.addi %add3A_164, %add3A_174 : vector<6400x128xi32>
    %add3A_176 = arith.constant 1724713084 : i32
    %add3A_177 = vector.broadcast %add3A_176 : i32 to vector<6400x128xi32>
    %add3A_178 = arith.addi %xor3A_172, %add3A_177 : vector<6400x128xi32>
    %add3A_179 = arith.addi %add3A_175, %add3A_178 : vector<6400x128xi32>
    %shift_left3A_180 = arith.constant 13 : i32
    %shift_left3A_181 = vector.broadcast %shift_left3A_180 : i32 to vector<6400x128xi32>
    %shift_left3A_182 = arith.shli %add3A_178, %shift_left3A_181 : vector<6400x128xi32>
    %shift_right_logical3A_183 = arith.constant 19 : i32
    %shift_right_logical3A_184 = vector.broadcast %shift_right_logical3A_183 : i32 to vector<6400x128xi32>
    %shift_right_logical3A_185 = arith.shrui %add3A_178, %shift_right_logical3A_184 : vector<6400x128xi32>
    %or3A_186 = arith.ori %shift_left3A_182, %shift_right_logical3A_185 : vector<6400x128xi32>
    %xor3A_187 = arith.xori %add3A_179, %or3A_186 : vector<6400x128xi32>
    %add3A_188 = arith.addi %add3A_179, %xor3A_187 : vector<6400x128xi32>
    %shift_left3A_189 = arith.constant 15 : i32
    %shift_left3A_190 = vector.broadcast %shift_left3A_189 : i32 to vector<6400x128xi32>
    %shift_left3A_191 = arith.shli %xor3A_187, %shift_left3A_190 : vector<6400x128xi32>
    %shift_right_logical3A_192 = arith.constant 17 : i32
    %shift_right_logical3A_193 = vector.broadcast %shift_right_logical3A_192 : i32 to vector<6400x128xi32>
    %shift_right_logical3A_194 = arith.shrui %xor3A_187, %shift_right_logical3A_193 : vector<6400x128xi32>
    %or3A_195 = arith.ori %shift_left3A_191, %shift_right_logical3A_194 : vector<6400x128xi32>
    %xor3A_196 = arith.xori %add3A_188, %or3A_195 : vector<6400x128xi32>
    %add3A_197 = arith.addi %add3A_188, %xor3A_196 : vector<6400x128xi32>
    %shift_left3A_198 = arith.constant 26 : i32
    %shift_left3A_199 = vector.broadcast %shift_left3A_198 : i32 to vector<6400x128xi32>
    %shift_left3A_200 = arith.shli %xor3A_196, %shift_left3A_199 : vector<6400x128xi32>
    %shift_right_logical3A_201 = arith.constant 6 : i32
    %shift_right_logical3A_202 = vector.broadcast %shift_right_logical3A_201 : i32 to vector<6400x128xi32>
    %shift_right_logical3A_203 = arith.shrui %xor3A_196, %shift_right_logical3A_202 : vector<6400x128xi32>
    %or3A_204 = arith.ori %shift_left3A_200, %shift_right_logical3A_203 : vector<6400x128xi32>
    %xor3A_205 = arith.xori %add3A_197, %or3A_204 : vector<6400x128xi32>
    %add3A_206 = arith.addi %add3A_197, %xor3A_205 : vector<6400x128xi32>
    %shift_left3A_207 = arith.constant 6 : i32
    %shift_left3A_208 = vector.broadcast %shift_left3A_207 : i32 to vector<6400x128xi32>
    %shift_left3A_209 = arith.shli %xor3A_205, %shift_left3A_208 : vector<6400x128xi32>
    %shift_right_logical3A_210 = arith.constant 26 : i32
    %shift_right_logical3A_211 = vector.broadcast %shift_right_logical3A_210 : i32 to vector<6400x128xi32>
    %shift_right_logical3A_212 = arith.shrui %xor3A_205, %shift_right_logical3A_211 : vector<6400x128xi32>
    %or3A_213 = arith.ori %shift_left3A_209, %shift_right_logical3A_212 : vector<6400x128xi32>
    %xor3A_214 = arith.xori %add3A_206, %or3A_213 : vector<6400x128xi32>
    %add3A_215 = arith.constant 1724713080 : i32
    %add3A_216 = vector.broadcast %add3A_215 : i32 to vector<6400x128xi32>
    %add3A_217 = arith.addi %add3A_206, %add3A_216 : vector<6400x128xi32>
    %add3A_218 = arith.constant 1832780948 : i32
    %add3A_219 = vector.broadcast %add3A_218 : i32 to vector<6400x128xi32>
    %add3A_220 = arith.addi %xor3A_214, %add3A_219 : vector<6400x128xi32>
    %xor3A_221 = arith.xori %add3A_217, %add3A_220 : vector<6400x128xi32>
    %shift_right_logical3A_222 = arith.constant 9 : i32
    %shift_right_logical3A_223 = vector.broadcast %shift_right_logical3A_222 : i32 to vector<6400x128xi32>
    %shift_right_logical3A_224 = arith.shrui %xor3A_221, %shift_right_logical3A_223 : vector<6400x128xi32>
    %or3A_225 = arith.constant 1065353216 : i32
    %or3A_226 = vector.broadcast %or3A_225 : i32 to vector<6400x128xi32>
    %or3A_227 = arith.ori %shift_right_logical3A_224, %or3A_226 : vector<6400x128xi32>
    %bitcast_convert_type3A = tpu.bitcast %or3A_227 : vector<6400x128xi32> -> vector<6400x128xf32>
    %sub3A = arith.constant 1.000000e+00 : f32
    %sub3A_228 = vector.broadcast %sub3A : f32 to vector<6400x128xf32>
    %sub3A_229 = arith.subf %bitcast_convert_type3A, %sub3A_228 : vector<6400x128xf32>
    %sub3A_230 = arith.constant 1.000000e+00 : f32
    %sub3A_231 = arith.constant -0.99999994 : f32
    %sub3A_232 = arith.subf %sub3A_230, %sub3A_231 : f32
    %mul3A_233 = vector.broadcast %sub3A_232 : f32 to vector<6400x128xf32>
    %mul3A_234 = arith.mulf %sub3A_229, %mul3A_233 : vector<6400x128xf32>
    %add3A_235 = arith.constant -0.99999994 : f32
    %add3A_236 = vector.broadcast %add3A_235 : f32 to vector<6400x128xf32>
    %add3A_237 = arith.addf %mul3A_234, %add3A_236 : vector<6400x128xf32>
    %max3A = arith.constant -0.99999994 : f32
    %max3A_238 = vector.broadcast %max3A : f32 to vector<6400x128xf32>
    %max3A_239 = arith.maximumf %max3A_238, %add3A_237 : vector<6400x128xf32>
    %neg3A = arith.constant 0.000000e+00 : f32
    %neg3A_240 = vector.broadcast %neg3A : f32 to vector<6400x128xf32>
    %neg3A_241 = arith.subf %neg3A_240, %max3A_239 : vector<6400x128xf32>
    %mul3A_242 = arith.mulf %neg3A_241, %max3A_239 : vector<6400x128xf32>
    %log1p3A = math.log1p %mul3A_242 : vector<6400x128xf32>
    %neg3A_243 = arith.constant 0.000000e+00 : f32
    %neg3A_244 = vector.broadcast %neg3A_243 : f32 to vector<6400x128xf32>
    %neg3A_245 = arith.subf %neg3A_244, %log1p3A : vector<6400x128xf32>
    %sub3A_246 = arith.constant 2.500000e+00 : f32
    %sub3A_247 = vector.broadcast %sub3A_246 : f32 to vector<6400x128xf32>
    %sub3A_248 = arith.subf %neg3A_245, %sub3A_247 : vector<6400x128xf32>
    %mul3A_249 = arith.constant 2.81022636E-8 : f32
    %mul3A_250 = vector.broadcast %mul3A_249 : f32 to vector<6400x128xf32>
    %mul3A_251 = arith.mulf %mul3A_250, %sub3A_248 : vector<6400x128xf32>
    %add3A_252 = arith.constant 3.43273939E-7 : f32
    %add3A_253 = vector.broadcast %add3A_252 : f32 to vector<6400x128xf32>
    %add3A_254 = arith.addf %add3A_253, %mul3A_251 : vector<6400x128xf32>
    %mul3A_255 = arith.mulf %add3A_254, %sub3A_248 : vector<6400x128xf32>
    %add3A_256 = arith.constant -3.5233877E-6 : f32
    %add3A_257 = vector.broadcast %add3A_256 : f32 to vector<6400x128xf32>
    %add3A_258 = arith.addf %add3A_257, %mul3A_255 : vector<6400x128xf32>
    %mul3A_259 = arith.mulf %add3A_258, %sub3A_248 : vector<6400x128xf32>
    %add3A_260 = arith.constant -4.39150654E-6 : f32
    %add3A_261 = vector.broadcast %add3A_260 : f32 to vector<6400x128xf32>
    %add3A_262 = arith.addf %add3A_261, %mul3A_259 : vector<6400x128xf32>
    %mul3A_263 = arith.mulf %add3A_262, %sub3A_248 : vector<6400x128xf32>
    %add3A_264 = arith.constant 2.1858087E-4 : f32
    %add3A_265 = vector.broadcast %add3A_264 : f32 to vector<6400x128xf32>
    %add3A_266 = arith.addf %add3A_265, %mul3A_263 : vector<6400x128xf32>
    %mul3A_267 = arith.mulf %add3A_266, %sub3A_248 : vector<6400x128xf32>
    %add3A_268 = arith.constant -0.00125372503 : f32
    %add3A_269 = vector.broadcast %add3A_268 : f32 to vector<6400x128xf32>
    %add3A_270 = arith.addf %add3A_269, %mul3A_267 : vector<6400x128xf32>
    %mul3A_271 = arith.mulf %add3A_270, %sub3A_248 : vector<6400x128xf32>
    %add3A_272 = arith.constant -0.00417768164 : f32
    %add3A_273 = vector.broadcast %add3A_272 : f32 to vector<6400x128xf32>
    %add3A_274 = arith.addf %add3A_273, %mul3A_271 : vector<6400x128xf32>
    %mul3A_275 = arith.mulf %add3A_274, %sub3A_248 : vector<6400x128xf32>
    %add3A_276 = arith.constant 0.246640727 : f32
    %add3A_277 = vector.broadcast %add3A_276 : f32 to vector<6400x128xf32>
    %add3A_278 = arith.addf %add3A_277, %mul3A_275 : vector<6400x128xf32>
    %mul3A_279 = arith.mulf %add3A_278, %sub3A_248 : vector<6400x128xf32>
    %add3A_280 = arith.constant 1.50140941 : f32
    %add3A_281 = vector.broadcast %add3A_280 : f32 to vector<6400x128xf32>
    %add3A_282 = arith.addf %add3A_281, %mul3A_279 : vector<6400x128xf32>
    %sqrt3A = math.sqrt %neg3A_245 : vector<6400x128xf32>
    %sub3A_283 = arith.constant 3.000000e+00 : f32
    %sub3A_284 = vector.broadcast %sub3A_283 : f32 to vector<6400x128xf32>
    %sub3A_285 = arith.subf %sqrt3A, %sub3A_284 : vector<6400x128xf32>
    %mul3A_286 = arith.constant -2.00214257E-4 : f32
    %mul3A_287 = vector.broadcast %mul3A_286 : f32 to vector<6400x128xf32>
    %mul3A_288 = arith.mulf %mul3A_287, %sub3A_285 : vector<6400x128xf32>
    %add3A_289 = arith.constant 1.00950558E-4 : f32
    %add3A_290 = vector.broadcast %add3A_289 : f32 to vector<6400x128xf32>
    %add3A_291 = arith.addf %add3A_290, %mul3A_288 : vector<6400x128xf32>
    %mul3A_292 = arith.mulf %add3A_291, %sub3A_285 : vector<6400x128xf32>
    %add3A_293 = arith.constant 0.00134934322 : f32
    %add3A_294 = vector.broadcast %add3A_293 : f32 to vector<6400x128xf32>
    %add3A_295 = arith.addf %add3A_294, %mul3A_292 : vector<6400x128xf32>
    %mul3A_296 = arith.mulf %add3A_295, %sub3A_285 : vector<6400x128xf32>
    %add3A_297 = arith.constant -0.00367342844 : f32
    %add3A_298 = vector.broadcast %add3A_297 : f32 to vector<6400x128xf32>
    %add3A_299 = arith.addf %add3A_298, %mul3A_296 : vector<6400x128xf32>
    %mul3A_300 = arith.mulf %add3A_299, %sub3A_285 : vector<6400x128xf32>
    %add3A_301 = arith.constant 0.00573950773 : f32
    %add3A_302 = vector.broadcast %add3A_301 : f32 to vector<6400x128xf32>
    %add3A_303 = arith.addf %add3A_302, %mul3A_300 : vector<6400x128xf32>
    %mul3A_304 = arith.mulf %add3A_303, %sub3A_285 : vector<6400x128xf32>
    %add3A_305 = arith.constant -0.0076224613 : f32
    %add3A_306 = vector.broadcast %add3A_305 : f32 to vector<6400x128xf32>
    %add3A_307 = arith.addf %add3A_306, %mul3A_304 : vector<6400x128xf32>
    %mul3A_308 = arith.mulf %add3A_307, %sub3A_285 : vector<6400x128xf32>
    %add3A_309 = arith.constant 0.00943887047 : f32
    %add3A_310 = vector.broadcast %add3A_309 : f32 to vector<6400x128xf32>
    %add3A_311 = arith.addf %add3A_310, %mul3A_308 : vector<6400x128xf32>
    %mul3A_312 = arith.mulf %add3A_311, %sub3A_285 : vector<6400x128xf32>
    %add3A_313 = arith.constant 1.00167406 : f32
    %add3A_314 = vector.broadcast %add3A_313 : f32 to vector<6400x128xf32>
    %add3A_315 = arith.addf %add3A_314, %mul3A_312 : vector<6400x128xf32>
    %mul3A_316 = arith.mulf %add3A_315, %sub3A_285 : vector<6400x128xf32>
    %add3A_317 = arith.constant 2.83297682 : f32
    %add3A_318 = vector.broadcast %add3A_317 : f32 to vector<6400x128xf32>
    %add3A_319 = arith.addf %add3A_318, %mul3A_316 : vector<6400x128xf32>
    %lt3A = arith.constant 5.000000e+00 : f32
    %lt3A_320 = vector.broadcast %lt3A : f32 to vector<6400x128xf32>
    %lt3A_321 = arith.cmpf olt, %neg3A_245, %lt3A_320 : vector<6400x128xf32>
    %select_n3A = arith.select %lt3A_321, %add3A_282, %add3A_319 : vector<6400x128xi1>, vector<6400x128xf32>
    %mul3A_322 = arith.constant 1.41421354 : f32
    %mul3A_323 = vector.broadcast %mul3A_322 : f32 to vector<6400x128xf32>
    %mul3A_324 = arith.mulf %mul3A_323, %select_n3A : vector<6400x128xf32>
    %mul3A_325 = arith.mulf %mul3A_324, %max3A_239 : vector<6400x128xf32>
    %get3A = arith.constant 0 : index
    %get3A_326 = arith.constant 0 : index
    %get3A_327 = vector.load %arg1[%get3A, %get3A_326] : memref<2x128xf32, #tpu.memory_space<vmem>>, vector<1x128xf32>
    %get3A_328 = arith.constant 1 : index
    %get3A_329 = arith.constant 0 : index
    %get3A_330 = vector.load %arg1[%get3A_328, %get3A_329] : memref<2x128xf32, #tpu.memory_space<vmem>>, vector<1x128xf32>
    %mul3A_331 = vector.broadcast %get3A_330 : vector<1x128xf32> to vector<6400x128xf32>
    %mul3A_332 = arith.mulf %mul3A_331, %mul3A_325 : vector<6400x128xf32>
    %add3A_333 = vector.broadcast %get3A_327 : vector<1x128xf32> to vector<6400x128xf32>
    %add3A_334 = arith.addf %add3A_333, %mul3A_332 : vector<6400x128xf32>
    %swap3A = arith.constant 0 : index
    %swap3A_335 = arith.constant 0 : index
    %swap3A_336 = vector.load %arg2[%swap3A, %swap3A_335] : memref<6400x128xf32, #tpu.memory_space<vmem>>, vector<6400x128xf32>
    tpu.vector_store %arg2[%swap3A, %swap3A_335], %add3A_334 {strides = array<i32>} : memref<6400x128xf32, #tpu.memory_space<vmem>>, vector<6400x128xf32>,
    return
  }
  func.func @transform_0(%arg0: i32) -> (i32, i32) {
    %c0_i32 = arith.constant 0 : i32
    %c0_i32_0 = arith.constant 0 : i32
    %c0_i32_1 = arith.constant 0 : i32
    return %c0_i32, %c0_i32_0 : i32, i32
  }
  func.func @transform_1(%arg0: i32) -> (i32, i32) {
    %c0_i32 = arith.constant 0 : i32
    %c0_i32_0 = arith.constant 0 : i32
    return %arg0, %c0_i32 : i32, i32
  }
}

module attributes {stable_mosaic.version = 14 : i64} {
  func.func @_rng_body(%arg0: i32, %arg1: memref<2x128xf32, #tpu.memory_space<vmem>>, %arg2: memref<6400x128xf32, #tpu.memory_space<vmem>>) attributes {dimension_semantics = [#tpu.dimension_semantics<arbitrary>], iteration_bounds = array<i64: 20>, scalar_prefetch = 0 : i64, scratch_operands = 0 : i64, tpu.core_type = #tpu.core_type<tc>, window_params = [{pipeline_mode = #tpu.pipeline_mode<synchronous>, transform_indices = @transform_0, window_bounds = array<i64: 2, 128>}, {transform_indices = @transform_1, window_bounds = array<i64: 6400, 128>}]} {
    %mul3A = arith.constant 6400 : i32
    %mul3A_0 = arith.muli %arg0, %mul3A : i32
    %mul3A_1 = arith.constant 128 : i32
    %mul3A_2 = arith.muli %mul3A_0, %mul3A_1 : i32
    %add3A = arith.constant 0 : i32
    %add3A_3 = arith.addi %add3A, %mul3A_2 : i32
    %iota3A = tpu.iota {dimensions = array<i32: 0>} : vector<6400x128xi32>
    %mul3A_4 = arith.constant 128 : i32
    %mul3A_5 = vector.broadcast %mul3A_4 : i32 to vector<6400x128xi32>
    %mul3A_6 = arith.muli %iota3A, %mul3A_5 : vector<6400x128xi32>
    %add3A_7 = vector.broadcast %add3A_3 : i32 to vector<6400x128xi32>
    %add3A_8 = arith.addi %add3A_7, %mul3A_6 : vector<6400x128xi32>
    %iota3A_9 = tpu.iota {dimensions = array<i32: 1>} : vector<6400x128xi32>
    %add3A_10 = arith.addi %add3A_8, %iota3A_9 : vector<6400x128xi32>
    %broadcast_in_dim3A = arith.constant 64467757 : i32
    %broadcast_in_dim3A_11 = vector.broadcast %broadcast_in_dim3A : i32 to vector<6400x128xi32>
    %add3A_12 = arith.constant -1378843660 : i32
    %add3A_13 = vector.broadcast %add3A_12 : i32 to vector<6400x128xi32>
    %add3A_14 = arith.addi %add3A_10, %add3A_13 : vector<6400x128xi32>
    %add3A_15 = arith.addi %broadcast_in_dim3A_11, %add3A_14 : vector<6400x128xi32>
    %shift_left3A = arith.constant 13 : i32
    %shift_left3A_16 = vector.broadcast %shift_left3A : i32 to vector<6400x128xi32>
    %shift_left3A_17 = arith.shli %add3A_14, %shift_left3A_16 : vector<6400x128xi32>
    %shift_right_logical3A = arith.constant 19 : i32
    %shift_right_logical3A_18 = vector.broadcast %shift_right_logical3A : i32 to vector<6400x128xi32>
    %shift_right_logical3A_19 = arith.shrui %add3A_14, %shift_right_logical3A_18 : vector<6400x128xi32>
    %or3A = arith.ori %shift_left3A_17, %shift_right_logical3A_19 : vector<6400x128xi32>
    %xor3A = arith.xori %add3A_15, %or3A : vector<6400x128xi32>
    %add3A_20 = arith.addi %add3A_15, %xor3A : vector<6400x128xi32>
    %shift_left3A_21 = arith.constant 15 : i32
    %shift_left3A_22 = vector.broadcast %shift_left3A_21 : i32 to vector<6400x128xi32>
    %shift_left3A_23 = arith.shli %xor3A, %shift_left3A_22 : vector<6400x128xi32>
    %shift_right_logical3A_24 = arith.constant 17 : i32
    %shift_right_logical3A_25 = vector.broadcast %shift_right_logical3A_24 : i32 to vector<6400x128xi32>
    %shift_right_logical3A_26 = arith.shrui %xor3A, %shift_right_logical3A_25 : vector<6400x128xi32>
    %or3A_27 = arith.ori %shift_left3A_23, %shift_right_logical3A_26 : vector<6400x128xi32>
    %xor3A_28 = arith.xori %add3A_20, %or3A_27 : vector<6400x128xi32>
    %add3A_29 = arith.addi %add3A_20, %xor3A_28 : vector<6400x128xi32>
    %shift_left3A_30 = arith.constant 26 : i32
    %shift_left3A_31 = vector.broadcast %shift_left3A_30 : i32 to vector<6400x128xi32>
    %shift_left3A_32 = arith.shli %xor3A_28, %shift_left3A_31 : vector<6400x128xi32>
    %shift_right_logical3A_33 = arith.constant 6 : i32
    %shift_right_logical3A_34 = vector.broadcast %shift_right_logical3A_33 : i32 to vector<6400x128xi32>
    %shift_right_logical3A_35 = arith.shrui %xor3A_28, %shift_right_logical3A_34 : vector<6400x128xi32>
    %or3A_36 = arith.ori %shift_left3A_32, %shift_right_logical3A_35 : vector<6400x128xi32>
    %xor3A_37 = arith.xori %add3A_29, %or3A_36 : vector<6400x128xi32>
    %add3A_38 = arith.addi %add3A_29, %xor3A_37 : vector<6400x128xi32>
    %shift_left3A_39 = arith.constant 6 : i32
    %shift_left3A_40 = vector.broadcast %shift_left3A_39 : i32 to vector<6400x128xi32>
    %shift_left3A_41 = arith.shli %xor3A_37, %shift_left3A_40 : vector<6400x128xi32>
    %shift_right_logical3A_42 = arith.constant 26 : i32
    %shift_right_logical3A_43 = vector.broadcast %shift_right_logical3A_42 : i32 to vector<6400x128xi32>
    %shift_right_logical3A_44 = arith.shrui %xor3A_37, %shift_right_logical3A_43 : vector<6400x128xi32>
    %or3A_45 = arith.ori %shift_left3A_41, %shift_right_logical3A_44 : vector<6400x128xi32>
    %xor3A_46 = arith.xori %add3A_38, %or3A_45 : vector<6400x128xi32>
    %add3A_47 = arith.constant -1378843660 : i32
    %add3A_48 = vector.broadcast %add3A_47 : i32 to vector<6400x128xi32>
    %add3A_49 = arith.addi %add3A_38, %add3A_48 : vector<6400x128xi32>
    %add3A_50 = arith.constant -1244255484 : i32
    %add3A_51 = vector.broadcast %add3A_50 : i32 to vector<6400x128xi32>
    %add3A_52 = arith.addi %xor3A_46, %add3A_51 : vector<6400x128xi32>
    %add3A_53 = arith.addi %add3A_49, %add3A_52 : vector<6400x128xi32>
    %shift_left3A_54 = arith.constant 17 : i32
    %shift_left3A_55 = vector.broadcast %shift_left3A_54 : i32 to vector<6400x128xi32>
    %shift_left3A_56 = arith.shli %add3A_52, %shift_left3A_55 : vector<6400x128xi32>
    %shift_right_logical3A_57 = arith.constant 15 : i32
    %shift_right_logical3A_58 = vector.broadcast %shift_right_logical3A_57 : i32 to vector<6400x128xi32>
    %shift_right_logical3A_59 = arith.shrui %add3A_52, %shift_right_logical3A_58 : vector<6400x128xi32>
    %or3A_60 = arith.ori %shift_left3A_56, %shift_right_logical3A_59 : vector<6400x128xi32>
    %xor3A_61 = arith.xori %add3A_53, %or3A_60 : vector<6400x128xi32>
    %add3A_62 = arith.addi %add3A_53, %xor3A_61 : vector<6400x128xi32>
    %shift_left3A_63 = arith.constant 29 : i32
    %shift_left3A_64 = vector.broadcast %shift_left3A_63 : i32 to vector<6400x128xi32>
    %shift_left3A_65 = arith.shli %xor3A_61, %shift_left3A_64 : vector<6400x128xi32>
    %shift_right_logical3A_66 = arith.constant 3 : i32
    %shift_right_logical3A_67 = vector.broadcast %shift_right_logical3A_66 : i32 to vector<6400x128xi32>
    %shift_right_logical3A_68 = arith.shrui %xor3A_61, %shift_right_logical3A_67 : vector<6400x128xi32>
    %or3A_69 = arith.ori %shift_left3A_65, %shift_right_logical3A_68 : vector<6400x128xi32>
    %xor3A_70 = arith.xori %add3A_62, %or3A_69 : vector<6400x128xi32>
    %add3A_71 = arith.addi %add3A_62, %xor3A_70 : vector<6400x128xi32>
    %shift_left3A_72 = arith.constant 16 : i32
    %shift_left3A_73 = vector.broadcast %shift_left3A_72 : i32 to vector<6400x128xi32>
    %shift_left3A_74 = arith.shli %xor3A_70, %shift_left3A_73 : vector<6400x128xi32>
    %shift_right_logical3A_75 = arith.constant 16 : i32
    %shift_right_logical3A_76 = vector.broadcast %shift_right_logical3A_75 : i32 to vector<6400x128xi32>
    %shift_right_logical3A_77 = arith.shrui %xor3A_70, %shift_right_logical3A_76 : vector<6400x128xi32>
    %or3A_78 = arith.ori %shift_left3A_74, %shift_right_logical3A_77 : vector<6400x128xi32>
    %xor3A_79 = arith.xori %add3A_71, %or3A_78 : vector<6400x128xi32>
    %add3A_80 = arith.addi %add3A_71, %xor3A_79 : vector<6400x128xi32>
    %shift_left3A_81 = arith.constant 24 : i32
    %shift_left3A_82 = vector.broadcast %shift_left3A_81 : i32 to vector<6400x128xi32>
    %shift_left3A_83 = arith.shli %xor3A_79, %shift_left3A_82 : vector<6400x128xi32>
    %shift_right_logical3A_84 = arith.constant 8 : i32
    %shift_right_logical3A_85 = vector.broadcast %shift_right_logical3A_84 : i32 to vector<6400x128xi32>
    %shift_right_logical3A_86 = arith.shrui %xor3A_79, %shift_right_logical3A_85 : vector<6400x128xi32>
    %or3A_87 = arith.ori %shift_left3A_83, %shift_right_logical3A_86 : vector<6400x128xi32>
    %xor3A_88 = arith.xori %add3A_80, %or3A_87 : vector<6400x128xi32>
    %add3A_89 = arith.constant -1244255485 : i32
    %add3A_90 = vector.broadcast %add3A_89 : i32 to vector<6400x128xi32>
    %add3A_91 = arith.addi %add3A_80, %add3A_90 : vector<6400x128xi32>
    %add3A_92 = arith.constant 64467759 : i32
    %add3A_93 = vector.broadcast %add3A_92 : i32 to vector<6400x128xi32>
    %add3A_94 = arith.addi %xor3A_88, %add3A_93 : vector<6400x128xi32>
    %add3A_95 = arith.addi %add3A_91, %add3A_94 : vector<6400x128xi32>
    %shift_left3A_96 = arith.constant 13 : i32
    %shift_left3A_97 = vector.broadcast %shift_left3A_96 : i32 to vector<6400x128xi32>
    %shift_left3A_98 = arith.shli %add3A_94, %shift_left3A_97 : vector<6400x128xi32>
    %shift_right_logical3A_99 = arith.constant 19 : i32
    %shift_right_logical3A_100 = vector.broadcast %shift_right_logical3A_99 : i32 to vector<6400x128xi32>
    %shift_right_logical3A_101 = arith.shrui %add3A_94, %shift_right_logical3A_100 : vector<6400x128xi32>
    %or3A_102 = arith.ori %shift_left3A_98, %shift_right_logical3A_101 : vector<6400x128xi32>
    %xor3A_103 = arith.xori %add3A_95, %or3A_102 : vector<6400x128xi32>
    %add3A_104 = arith.addi %add3A_95, %xor3A_103 : vector<6400x128xi32>
    %shift_left3A_105 = arith.constant 15 : i32
    %shift_left3A_106 = vector.broadcast %shift_left3A_105 : i32 to vector<6400x128xi32>
    %shift_left3A_107 = arith.shli %xor3A_103, %shift_left3A_106 : vector<6400x128xi32>
    %shift_right_logical3A_108 = arith.constant 17 : i32
    %shift_right_logical3A_109 = vector.broadcast %shift_right_logical3A_108 : i32 to vector<6400x128xi32>
    %shift_right_logical3A_110 = arith.shrui %xor3A_103, %shift_right_logical3A_109 : vector<6400x128xi32>
    %or3A_111 = arith.ori %shift_left3A_107, %shift_right_logical3A_110 : vector<6400x128xi32>
    %xor3A_112 = arith.xori %add3A_104, %or3A_111 : vector<6400x128xi32>
    %add3A_113 = arith.addi %add3A_104, %xor3A_112 : vector<6400x128xi32>
    %shift_left3A_114 = arith.constant 26 : i32
    %shift_left3A_115 = vector.broadcast %shift_left3A_114 : i32 to vector<6400x128xi32>
    %shift_left3A_116 = arith.shli %xor3A_112, %shift_left3A_115 : vector<6400x128xi32>
    %shift_right_logical3A_117 = arith.constant 6 : i32
    %shift_right_logical3A_118 = vector.broadcast %shift_right_logical3A_117 : i32 to vector<6400x128xi32>
    %shift_right_logical3A_119 = arith.shrui %xor3A_112, %shift_right_logical3A_118 : vector<6400x128xi32>
    %or3A_120 = arith.ori %shift_left3A_116, %shift_right_logical3A_119 : vector<6400x128xi32>
    %xor3A_121 = arith.xori %add3A_113, %or3A_120 : vector<6400x128xi32>
    %add3A_122 = arith.addi %add3A_113, %xor3A_121 : vector<6400x128xi32>
    %shift_left3A_123 = arith.constant 6 : i32
    %shift_left3A_124 = vector.broadcast %shift_left3A_123 : i32 to vector<6400x128xi32>
    %shift_left3A_125 = arith.shli %xor3A_121, %shift_left3A_124 : vector<6400x128xi32>
    %shift_right_logical3A_126 = arith.constant 26 : i32
    %shift_right_logical3A_127 = vector.broadcast %shift_right_logical3A_126 : i32 to vector<6400x128xi32>
    %shift_right_logical3A_128 = arith.shrui %xor3A_121, %shift_right_logical3A_127 : vector<6400x128xi32>
    %or3A_129 = arith.ori %shift_left3A_125, %shift_right_logical3A_128 : vector<6400x128xi32>
    %xor3A_130 = arith.xori %add3A_122, %or3A_129 : vector<6400x128xi32>
    %add3A_131 = arith.constant 64467757 : i32
    %add3A_132 = vector.broadcast %add3A_131 : i32 to vector<6400x128xi32>
    %add3A_133 = arith.addi %add3A_122, %add3A_132 : vector<6400x128xi32>
    %add3A_134 = arith.constant -1378843657 : i32
    %add3A_135 = vector.broadcast %add3A_134 : i32 to vector<6400x128xi32>
    %add3A_136 = arith.addi %xor3A_130, %add3A_135 : vector<6400x128xi32>
    %add3A_137 = arith.addi %add3A_133, %add3A_136 : vector<6400x128xi32>
    %shift_left3A_138 = arith.constant 17 : i32
    %shift_left3A_139 = vector.broadcast %shift_left3A_138 : i32 to vector<6400x128xi32>
    %shift_left3A_140 = arith.shli %add3A_136, %shift_left3A_139 : vector<6400x128xi32>
    %shift_right_logical3A_141 = arith.constant 15 : i32
    %shift_right_logical3A_142 = vector.broadcast %shift_right_logical3A_141 : i32 to vector<6400x128xi32>
    %shift_right_logical3A_143 = arith.shrui %add3A_136, %shift_right_logical3A_142 : vector<6400x128xi32>
    %or3A_144 = arith.ori %shift_left3A_140, %shift_right_logical3A_143 : vector<6400x128xi32>
    %xor3A_145 = arith.xori %add3A_137, %or3A_144 : vector<6400x128xi32>
    %add3A_146 = arith.addi %add3A_137, %xor3A_145 : vector<6400x128xi32>
    %shift_left3A_147 = arith.constant 29 : i32
    %shift_left3A_148 = vector.broadcast %shift_left3A_147 : i32 to vector<6400x128xi32>
    %shift_left3A_149 = arith.shli %xor3A_145, %shift_left3A_148 : vector<6400x128xi32>
    %shift_right_logical3A_150 = arith.constant 3 : i32
    %shift_right_logical3A_151 = vector.broadcast %shift_right_logical3A_150 : i32 to vector<6400x128xi32>
    %shift_right_logical3A_152 = arith.shrui %xor3A_145, %shift_right_logical3A_151 : vector<6400x128xi32>
    %or3A_153 = arith.ori %shift_left3A_149, %shift_right_logical3A_152 : vector<6400x128xi32>
    %xor3A_154 = arith.xori %add3A_146, %or3A_153 : vector<6400x128xi32>
    %add3A_155 = arith.addi %add3A_146, %xor3A_154 : vector<6400x128xi32>
    %shift_left3A_156 = arith.constant 16 : i32
    %shift_left3A_157 = vector.broadcast %shift_left3A_156 : i32 to vector<6400x128xi32>
    %shift_left3A_158 = arith.shli %xor3A_154, %shift_left3A_157 : vector<6400x128xi32>
    %shift_right_logical3A_159 = arith.constant 16 : i32
    %shift_right_logical3A_160 = vector.broadcast %shift_right_logical3A_159 : i32 to vector<6400x128xi32>
    %shift_right_logical3A_161 = arith.shrui %xor3A_154, %shift_right_logical3A_160 : vector<6400x128xi32>
    %or3A_162 = arith.ori %shift_left3A_158, %shift_right_logical3A_161 : vector<6400x128xi32>
    %xor3A_163 = arith.xori %add3A_155, %or3A_162 : vector<6400x128xi32>
    %add3A_164 = arith.addi %add3A_155, %xor3A_163 : vector<6400x128xi32>
    %shift_left3A_165 = arith.constant 24 : i32
    %shift_left3A_166 = vector.broadcast %shift_left3A_165 : i32 to vector<6400x128xi32>
    %shift_left3A_167 = arith.shli %xor3A_163, %shift_left3A_166 : vector<6400x128xi32>
    %shift_right_logical3A_168 = arith.constant 8 : i32
    %shift_right_logical3A_169 = vector.broadcast %shift_right_logical3A_168 : i32 to vector<6400x128xi32>
    %shift_right_logical3A_170 = arith.shrui %xor3A_163, %shift_right_logical3A_169 : vector<6400x128xi32>
    %or3A_171 = arith.ori %shift_left3A_167, %shift_right_logical3A_170 : vector<6400x128xi32>
    %xor3A_172 = arith.xori %add3A_164, %or3A_171 : vector<6400x128xi32>
    %add3A_173 = arith.constant -1378843660 : i32
    %add3A_174 = vector.broadcast %add3A_173 : i32 to vector<6400x128xi32>
    %add3A_175 = arith.addi %add3A_164, %add3A_174 : vector<6400x128xi32>
    %add3A_176 = arith.constant -1244255481 : i32
    %add3A_177 = vector.broadcast %add3A_176 : i32 to vector<6400x128xi32>
    %add3A_178 = arith.addi %xor3A_172, %add3A_177 : vector<6400x128xi32>
    %add3A_179 = arith.addi %add3A_175, %add3A_178 : vector<6400x128xi32>
    %shift_left3A_180 = arith.constant 13 : i32
    %shift_left3A_181 = vector.broadcast %shift_left3A_180 : i32 to vector<6400x128xi32>
    %shift_left3A_182 = arith.shli %add3A_178, %shift_left3A_181 : vector<6400x128xi32>
    %shift_right_logical3A_183 = arith.constant 19 : i32
    %shift_right_logical3A_184 = vector.broadcast %shift_right_logical3A_183 : i32 to vector<6400x128xi32>
    %shift_right_logical3A_185 = arith.shrui %add3A_178, %shift_right_logical3A_184 : vector<6400x128xi32>
    %or3A_186 = arith.ori %shift_left3A_182, %shift_right_logical3A_185 : vector<6400x128xi32>
    %xor3A_187 = arith.xori %add3A_179, %or3A_186 : vector<6400x128xi32>
    %add3A_188 = arith.addi %add3A_179, %xor3A_187 : vector<6400x128xi32>
    %shift_left3A_189 = arith.constant 15 : i32
    %shift_left3A_190 = vector.broadcast %shift_left3A_189 : i32 to vector<6400x128xi32>
    %shift_left3A_191 = arith.shli %xor3A_187, %shift_left3A_190 : vector<6400x128xi32>
    %shift_right_logical3A_192 = arith.constant 17 : i32
    %shift_right_logical3A_193 = vector.broadcast %shift_right_logical3A_192 : i32 to vector<6400x128xi32>
    %shift_right_logical3A_194 = arith.shrui %xor3A_187, %shift_right_logical3A_193 : vector<6400x128xi32>
    %or3A_195 = arith.ori %shift_left3A_191, %shift_right_logical3A_194 : vector<6400x128xi32>
    %xor3A_196 = arith.xori %add3A_188, %or3A_195 : vector<6400x128xi32>
    %add3A_197 = arith.addi %add3A_188, %xor3A_196 : vector<6400x128xi32>
    %shift_left3A_198 = arith.constant 26 : i32
    %shift_left3A_199 = vector.broadcast %shift_left3A_198 : i32 to vector<6400x128xi32>
    %shift_left3A_200 = arith.shli %xor3A_196, %shift_left3A_199 : vector<6400x128xi32>
    %shift_right_logical3A_201 = arith.constant 6 : i32
    %shift_right_logical3A_202 = vector.broadcast %shift_right_logical3A_201 : i32 to vector<6400x128xi32>
    %shift_right_logical3A_203 = arith.shrui %xor3A_196, %shift_right_logical3A_202 : vector<6400x128xi32>
    %or3A_204 = arith.ori %shift_left3A_200, %shift_right_logical3A_203 : vector<6400x128xi32>
    %xor3A_205 = arith.xori %add3A_197, %or3A_204 : vector<6400x128xi32>
    %add3A_206 = arith.addi %add3A_197, %xor3A_205 : vector<6400x128xi32>
    %shift_left3A_207 = arith.constant 6 : i32
    %shift_left3A_208 = vector.broadcast %shift_left3A_207 : i32 to vector<6400x128xi32>
    %shift_left3A_209 = arith.shli %xor3A_205, %shift_left3A_208 : vector<6400x128xi32>
    %shift_right_logical3A_210 = arith.constant 26 : i32
    %shift_right_logical3A_211 = vector.broadcast %shift_right_logical3A_210 : i32 to vector<6400x128xi32>
    %shift_right_logical3A_212 = arith.shrui %xor3A_205, %shift_right_logical3A_211 : vector<6400x128xi32>
    %or3A_213 = arith.ori %shift_left3A_209, %shift_right_logical3A_212 : vector<6400x128xi32>
    %xor3A_214 = arith.xori %add3A_206, %or3A_213 : vector<6400x128xi32>
    %add3A_215 = arith.constant -1244255485 : i32
    %add3A_216 = vector.broadcast %add3A_215 : i32 to vector<6400x128xi32>
    %add3A_217 = arith.addi %add3A_206, %add3A_216 : vector<6400x128xi32>
    %add3A_218 = arith.constant 64467762 : i32
    %add3A_219 = vector.broadcast %add3A_218 : i32 to vector<6400x128xi32>
    %add3A_220 = arith.addi %xor3A_214, %add3A_219 : vector<6400x128xi32>
    %xor3A_221 = arith.xori %add3A_217, %add3A_220 : vector<6400x128xi32>
    %shift_right_logical3A_222 = arith.constant 9 : i32
    %shift_right_logical3A_223 = vector.broadcast %shift_right_logical3A_222 : i32 to vector<6400x128xi32>
    %shift_right_logical3A_224 = arith.shrui %xor3A_221, %shift_right_logical3A_223 : vector<6400x128xi32>
    %or3A_225 = arith.constant 1065353216 : i32
    %or3A_226 = vector.broadcast %or3A_225 : i32 to vector<6400x128xi32>
    %or3A_227 = arith.ori %shift_right_logical3A_224, %or3A_226 : vector<6400x128xi32>
    %bitcast_convert_type3A = tpu.bitcast %or3A_227 : vector<6400x128xi32> -> vector<6400x128xf32>
    %sub3A = arith.constant 1.000000e+00 : f32
    %sub3A_228 = vector.broadcast %sub3A : f32 to vector<6400x128xf32>
    %sub3A_229 = arith.subf %bitcast_convert_type3A, %sub3A_228 : vector<6400x128xf32>
    %sub3A_230 = arith.constant 1.000000e+00 : f32
    %sub3A_231 = arith.constant -0.99999994 : f32
    %sub3A_232 = arith.subf %sub3A_230, %sub3A_231 : f32
    %mul3A_233 = vector.broadcast %sub3A_232 : f32 to vector<6400x128xf32>
    %mul3A_234 = arith.mulf %sub3A_229, %mul3A_233 : vector<6400x128xf32>
    %add3A_235 = arith.constant -0.99999994 : f32
    %add3A_236 = vector.broadcast %add3A_235 : f32 to vector<6400x128xf32>
    %add3A_237 = arith.addf %mul3A_234, %add3A_236 : vector<6400x128xf32>
    %max3A = arith.constant -0.99999994 : f32
    %max3A_238 = vector.broadcast %max3A : f32 to vector<6400x128xf32>
    %max3A_239 = arith.maximumf %max3A_238, %add3A_237 : vector<6400x128xf32>
    %neg3A = arith.constant 0.000000e+00 : f32
    %neg3A_240 = vector.broadcast %neg3A : f32 to vector<6400x128xf32>
    %neg3A_241 = arith.subf %neg3A_240, %max3A_239 : vector<6400x128xf32>
    %mul3A_242 = arith.mulf %neg3A_241, %max3A_239 : vector<6400x128xf32>
    %log1p3A = math.log1p %mul3A_242 : vector<6400x128xf32>
    %neg3A_243 = arith.constant 0.000000e+00 : f32
    %neg3A_244 = vector.broadcast %neg3A_243 : f32 to vector<6400x128xf32>
    %neg3A_245 = arith.subf %neg3A_244, %log1p3A : vector<6400x128xf32>
    %sub3A_246 = arith.constant 2.500000e+00 : f32
    %sub3A_247 = vector.broadcast %sub3A_246 : f32 to vector<6400x128xf32>
    %sub3A_248 = arith.subf %neg3A_245, %sub3A_247 : vector<6400x128xf32>
    %mul3A_249 = arith.constant 2.81022636E-8 : f32
    %mul3A_250 = vector.broadcast %mul3A_249 : f32 to vector<6400x128xf32>
    %mul3A_251 = arith.mulf %mul3A_250, %sub3A_248 : vector<6400x128xf32>
    %add3A_252 = arith.constant 3.43273939E-7 : f32
    %add3A_253 = vector.broadcast %add3A_252 : f32 to vector<6400x128xf32>
    %add3A_254 = arith.addf %add3A_253, %mul3A_251 : vector<6400x128xf32>
    %mul3A_255 = arith.mulf %add3A_254, %sub3A_248 : vector<6400x128xf32>
    %add3A_256 = arith.constant -3.5233877E-6 : f32
    %add3A_257 = vector.broadcast %add3A_256 : f32 to vector<6400x128xf32>
    %add3A_258 = arith.addf %add3A_257, %mul3A_255 : vector<6400x128xf32>
    %mul3A_259 = arith.mulf %add3A_258, %sub3A_248 : vector<6400x128xf32>
    %add3A_260 = arith.constant -4.39150654E-6 : f32
    %add3A_261 = vector.broadcast %add3A_260 : f32 to vector<6400x128xf32>
    %add3A_262 = arith.addf %add3A_261, %mul3A_259 : vector<6400x128xf32>
    %mul3A_263 = arith.mulf %add3A_262, %sub3A_248 : vector<6400x128xf32>
    %add3A_264 = arith.constant 2.1858087E-4 : f32
    %add3A_265 = vector.broadcast %add3A_264 : f32 to vector<6400x128xf32>
    %add3A_266 = arith.addf %add3A_265, %mul3A_263 : vector<6400x128xf32>
    %mul3A_267 = arith.mulf %add3A_266, %sub3A_248 : vector<6400x128xf32>
    %add3A_268 = arith.constant -0.00125372503 : f32
    %add3A_269 = vector.broadcast %add3A_268 : f32 to vector<6400x128xf32>
    %add3A_270 = arith.addf %add3A_269, %mul3A_267 : vector<6400x128xf32>
    %mul3A_271 = arith.mulf %add3A_270, %sub3A_248 : vector<6400x128xf32>
    %add3A_272 = arith.constant -0.00417768164 : f32
    %add3A_273 = vector.broadcast %add3A_272 : f32 to vector<6400x128xf32>
    %add3A_274 = arith.addf %add3A_273, %mul3A_271 : vector<6400x128xf32>
    %mul3A_275 = arith.mulf %add3A_274, %sub3A_248 : vector<6400x128xf32>
    %add3A_276 = arith.constant 0.246640727 : f32
    %add3A_277 = vector.broadcast %add3A_276 : f32 to vector<6400x128xf32>
    %add3A_278 = arith.addf %add3A_277, %mul3A_275 : vector<6400x128xf32>
    %mul3A_279 = arith.mulf %add3A_278, %sub3A_248 : vector<6400x128xf32>
    %add3A_280 = arith.constant 1.50140941 : f32
    %add3A_281 = vector.broadcast %add3A_280 : f32 to vector<6400x128xf32>
    %add3A_282 = arith.addf %add3A_281, %mul3A_279 : vector<6400x128xf32>
    %sqrt3A = math.sqrt %neg3A_245 : vector<6400x128xf32>
    %sub3A_283 = arith.constant 3.000000e+00 : f32
    %sub3A_284 = vector.broadcast %sub3A_283 : f32 to vector<6400x128xf32>
    %sub3A_285 = arith.subf %sqrt3A, %sub3A_284 : vector<6400x128xf32>
    %mul3A_286 = arith.constant -2.00214257E-4 : f32
    %mul3A_287 = vector.broadcast %mul3A_286 : f32 to vector<6400x128xf32>
    %mul3A_288 = arith.mulf %mul3A_287, %sub3A_285 : vector<6400x128xf32>
    %add3A_289 = arith.constant 1.00950558E-4 : f32
    %add3A_290 = vector.broadcast %add3A_289 : f32 to vector<6400x128xf32>
    %add3A_291 = arith.addf %add3A_290, %mul3A_288 : vector<6400x128xf32>
    %mul3A_292 = arith.mulf %add3A_291, %sub3A_285 : vector<6400x128xf32>
    %add3A_293 = arith.constant 0.00134934322 : f32
    %add3A_294 = vector.broadcast %add3A_293 : f32 to vector<6400x128xf32>
    %add3A_295 = arith.addf %add3A_294, %mul3A_292 : vector<6400x128xf32>
    %mul3A_296 = arith.mulf %add3A_295, %sub3A_285 : vector<6400x128xf32>
    %add3A_297 = arith.constant -0.00367342844 : f32
    %add3A_298 = vector.broadcast %add3A_297 : f32 to vector<6400x128xf32>
    %add3A_299 = arith.addf %add3A_298, %mul3A_296 : vector<6400x128xf32>
    %mul3A_300 = arith.mulf %add3A_299, %sub3A_285 : vector<6400x128xf32>
    %add3A_301 = arith.constant 0.00573950773 : f32
    %add3A_302 = vector.broadcast %add3A_301 : f32 to vector<6400x128xf32>
    %add3A_303 = arith.addf %add3A_302, %mul3A_300 : vector<6400x128xf32>
    %mul3A_304 = arith.mulf %add3A_303, %sub3A_285 : vector<6400x128xf32>
    %add3A_305 = arith.constant -0.0076224613 : f32
    %add3A_306 = vector.broadcast %add3A_305 : f32 to vector<6400x128xf32>
    %add3A_307 = arith.addf %add3A_306, %mul3A_304 : vector<6400x128xf32>
    %mul3A_308 = arith.mulf %add3A_307, %sub3A_285 : vector<6400x128xf32>
    %add3A_309 = arith.constant 0.00943887047 : f32
    %add3A_310 = vector.broadcast %add3A_309 : f32 to vector<6400x128xf32>
    %add3A_311 = arith.addf %add3A_310, %mul3A_308 : vector<6400x128xf32>
    %mul3A_312 = arith.mulf %add3A_311, %sub3A_285 : vector<6400x128xf32>
    %add3A_313 = arith.constant 1.00167406 : f32
    %add3A_314 = vector.broadcast %add3A_313 : f32 to vector<6400x128xf32>
    %add3A_315 = arith.addf %add3A_314, %mul3A_312 : vector<6400x128xf32>
    %mul3A_316 = arith.mulf %add3A_315, %sub3A_285 : vector<6400x128xf32>
    %add3A_317 = arith.constant 2.83297682 : f32
    %add3A_318 = vector.broadcast %add3A_317 : f32 to vector<6400x128xf32>
    %add3A_319 = arith.addf %add3A_318, %mul3A_316 : vector<6400x128xf32>
    %lt3A = arith.constant 5.000000e+00 : f32
    %lt3A_320 = vector.broadcast %lt3A : f32 to vector<6400x128xf32>
    %lt3A_321 = arith.cmpf olt, %neg3A_245, %lt3A_320 : vector<6400x128xf32>
    %select_n3A = arith.select %lt3A_321, %add3A_282, %add3A_319 : vector<6400x128xi1>, vector<6400x128xf32>
    %mul3A_322 = arith.constant 1.41421354 : f32
    %mul3A_323 = vector.broadcast %mul3A_322 : f32 to vector<6400x128xf32>
    %mul3A_324 = arith.mulf %mul3A_323, %select_n3A : vector<6400x128xf32>
    %mul3A_325 = arith.mulf %mul3A_324, %max3A_239 : vector<6400x128xf32>
    %get3A = arith.constant 0 : index
    %get3A_326 = arith.constant 0 : index
    %get3A_327 = vector.load %arg1[%get3A, %get3A_326] : memref<2x128xf32, #tpu.memory_space<vmem>>, vector<1x128xf32>
    %get3A_328 = arith.constant 1 : index
    %get3A_329 = arith.constant 0 : index
    %get3A_330 = vector.load %arg1[%get3A_328, %get3A_329] : memref<2x128xf32, #tpu.memory_space<vmem>>, vector<1x128xf32>
    %mul3A_331 = vector.broadcast %get3A_330 : vector<1x128xf32> to vector<6400x128xf32>
    %mul3A_332 = arith.mulf %mul3A_331, %mul3A_325 : vector<6400x128xf32>
    %add3A_333 = vector.broadcast %get3A_327 : vector<1x128xf32> to vector<6400x128xf32>
    %add3A_334 = arith.addf %add3A_333, %mul3A_332 : vector<6400x128xf32>
    %swap3A = arith.constant 0 : index
    %swap3A_335 = arith.constant 0 : index
    %swap3A_336 = vector.load %arg2[%swap3A, %swap3A_335] : memref<6400x128xf32, #tpu.memory_space<vmem>>, vector<6400x128xf32>
    tpu.vector_store %arg2[%swap3A, %swap3A_335], %add3A_334 {strides = array<i32>} : memref<6400x128xf32, #tpu.memory_space<vmem>>, vector<6400x128xf32>,
    return
  }
  func.func @transform_0(%arg0: i32) -> (i32, i32) {
    %c0_i32 = arith.constant 0 : i32
    %c0_i32_0 = arith.constant 0 : i32
    %c0_i32_1 = arith.constant 0 : i32
    return %c0_i32, %c0_i32_0 : i32, i32
  }
  func.func @transform_1(%arg0: i32) -> (i32, i32) {
    %c0_i32 = arith.constant 0 : i32
    %c0_i32_0 = arith.constant 0 : i32
    return %arg0, %c0_i32 : i32, i32
  }
}

module attributes {stable_mosaic.version = 14 : i64} {
  func.func @_mm_relu_body(%arg0: i32, %arg1: memref<2x640x128xf32, #tpu.memory_space<vmem>>, %arg2: memref<2x640x128xf32, #tpu.memory_space<vmem>>, %arg3: memref<128x128xf32, #tpu.memory_space<vmem>>, %arg4: memref<1x128xf32, #tpu.memory_space<vmem>>, %arg5: memref<640x128xf32, #tpu.memory_space<vmem>>) attributes {dimension_semantics = [#tpu.dimension_semantics<arbitrary>], iteration_bounds = array<i64: 16>, scalar_prefetch = 0 : i64, scratch_operands = 0 : i64, tpu.core_type = #tpu.core_type<tc>, window_params = [{transform_indices = @transform_0, window_bounds = array<i64: 2, 640, 128>}, {transform_indices = @transform_1, window_bounds = array<i64: 2, 640, 128>}, {pipeline_mode = #tpu.pipeline_mode<synchronous>, transform_indices = @transform_2, window_bounds = array<i64: 128, 128>}, {pipeline_mode = #tpu.pipeline_mode<synchronous>, transform_indices = @transform_3, window_bounds = array<i64: 1, 128>}, {transform_indices = @transform_4, window_bounds = array<i64: 640, 128>}]} {
    %get3A = arith.constant 0 : index
    %get3A_0 = arith.constant 0 : index
    %get3A_1 = arith.constant 0 : index
    %get3A_2 = vector.load %arg1[%get3A, %get3A_0, %get3A_1] : memref<2x640x128xf32, #tpu.memory_space<vmem>>, vector<1x640x128xf32>
    %get3A_3 = vector.shape_cast %get3A_2 : vector<1x640x128xf32> to vector<640x128xf32>
    %get3A_4 = arith.constant 1 : index
    %get3A_5 = arith.constant 0 : index
    %get3A_6 = arith.constant 0 : index
    %get3A_7 = vector.load %arg1[%get3A_4, %get3A_5, %get3A_6] : memref<2x640x128xf32, #tpu.memory_space<vmem>>, vector<1x640x128xf32>
    %get3A_8 = vector.shape_cast %get3A_7 : vector<1x640x128xf32> to vector<640x128xf32>
    %add3A = arith.addf %get3A_3, %get3A_8 : vector<640x128xf32>
    %get3A_9 = arith.constant 0 : index
    %get3A_10 = arith.constant 0 : index
    %get3A_11 = arith.constant 0 : index
    %get3A_12 = vector.load %arg2[%get3A_9, %get3A_10, %get3A_11] : memref<2x640x128xf32, #tpu.memory_space<vmem>>, vector<1x640x128xf32>
    %get3A_13 = vector.shape_cast %get3A_12 : vector<1x640x128xf32> to vector<640x128xf32>
    %add3A_14 = arith.addf %add3A, %get3A_13 : vector<640x128xf32>
    %get3A_15 = arith.constant 1 : index
    %get3A_16 = arith.constant 0 : index
    %get3A_17 = arith.constant 0 : index
    %get3A_18 = vector.load %arg2[%get3A_15, %get3A_16, %get3A_17] : memref<2x640x128xf32, #tpu.memory_space<vmem>>, vector<1x640x128xf32>
    %get3A_19 = vector.shape_cast %get3A_18 : vector<1x640x128xf32> to vector<640x128xf32>
    %add3A_20 = arith.addf %add3A_14, %get3A_19 : vector<640x128xf32>
    %get3A_21 = arith.constant 0 : index
    %get3A_22 = arith.constant 0 : index
    %get3A_23 = vector.load %arg3[%get3A_21, %get3A_22] : memref<128x128xf32, #tpu.memory_space<vmem>>, vector<128x128xf32>
    %dot_general3A = arith.constant dense<0.000000e+00> : vector<640x128xf32>
    %dot_general3A_24 = tpu.matmul %add3A_20, %get3A_23, %dot_general3A {dimension_numbers = #tpu.dot_dimension_numbers<[1], [0], [0], [1], [0, 0, 1, 1], [], []>, transpose_lhs_hint = false} : vector<640x128xf32>, vector<128x128xf32>, vector<640x128xf32> -> vector<640x128xf32>
    %get3A_25 = arith.constant 0 : index
    %get3A_26 = arith.constant 0 : index
    %get3A_27 = vector.load %arg4[%get3A_25, %get3A_26] : memref<1x128xf32, #tpu.memory_space<vmem>>, vector<1x128xf32>
    %add3A_28 = vector.broadcast %get3A_27 : vector<1x128xf32> to vector<640x128xf32>
    %add3A_29 = arith.addf %dot_general3A_24, %add3A_28 : vector<640x128xf32>
    %max3A = arith.constant 0.000000e+00 : f32
    %max3A_30 = vector.broadcast %max3A : f32 to vector<640x128xf32>
    %max3A_31 = arith.maximumf %add3A_29, %max3A_30 : vector<640x128xf32>
    %swap3A = arith.constant 0 : index
    %swap3A_32 = arith.constant 0 : index
    %swap3A_33 = vector.load %arg5[%swap3A, %swap3A_32] : memref<640x128xf32, #tpu.memory_space<vmem>>, vector<640x128xf32>
    tpu.vector_store %arg5[%swap3A, %swap3A_32], %max3A_31 {strides = array<i32>} : memref<640x128xf32, #tpu.memory_space<vmem>>, vector<640x128xf32>,
    return
  }
  func.func @transform_0(%arg0: i32) -> (i32, i32, i32) {
    %c0_i32 = arith.constant 0 : i32
    %c0_i32_0 = arith.constant 0 : i32
    %c0_i32_1 = arith.constant 0 : i32
    return %c0_i32, %arg0, %c0_i32_0 : i32, i32, i32
  }
  func.func @transform_1(%arg0: i32) -> (i32, i32, i32) {
    %c0_i32 = arith.constant 0 : i32
    %c0_i32_0 = arith.constant 0 : i32
    %c0_i32_1 = arith.constant 0 : i32
    return %c0_i32, %arg0, %c0_i32_0 : i32, i32, i32
  }
  func.func @transform_2(%arg0: i32) -> (i32, i32) {
    %c0_i32 = arith.constant 0 : i32
    %c0_i32_0 = arith.constant 0 : i32
    %c0_i32_1 = arith.constant 0 : i32
    return %c0_i32, %c0_i32_0 : i32, i32
  }
  func.func @transform_3(%arg0: i32) -> (i32, i32) {
    %c0_i32 = arith.constant 0 : i32
    %c0_i32_0 = arith.constant 0 : i32
    %c0_i32_1 = arith.constant 0 : i32
    return %c0_i32, %c0_i32_0 : i32, i32
  }
  func.func @transform_4(%arg0: i32) -> (i32, i32) {
    %c0_i32 = arith.constant 0 : i32
    %c0_i32_0 = arith.constant 0 : i32
    return %arg0, %c0_i32 : i32, i32
  }
}

module attributes {stable_mosaic.version = 14 : i64} {
  func.func @_rng_body(%arg0: i32, %arg1: memref<2x128xf32, #tpu.memory_space<vmem>>, %arg2: memref<6400x128xf32, #tpu.memory_space<vmem>>) attributes {dimension_semantics = [#tpu.dimension_semantics<arbitrary>], iteration_bounds = array<i64: 16>, scalar_prefetch = 0 : i64, scratch_operands = 0 : i64, tpu.core_type = #tpu.core_type<tc>, window_params = [{pipeline_mode = #tpu.pipeline_mode<synchronous>, transform_indices = @transform_0, window_bounds = array<i64: 2, 128>}, {transform_indices = @transform_1, window_bounds = array<i64: 6400, 128>}]} {
    %mul3A = arith.constant 6400 : i32
    %mul3A_0 = arith.muli %arg0, %mul3A : i32
    %mul3A_1 = arith.constant 128 : i32
    %mul3A_2 = arith.muli %mul3A_0, %mul3A_1 : i32
    %add3A = arith.constant 16384000 : i32
    %add3A_3 = arith.addi %add3A, %mul3A_2 : i32
    %iota3A = tpu.iota {dimensions = array<i32: 0>} : vector<6400x128xi32>
    %mul3A_4 = arith.constant 128 : i32
    %mul3A_5 = vector.broadcast %mul3A_4 : i32 to vector<6400x128xi32>
    %mul3A_6 = arith.muli %iota3A, %mul3A_5 : vector<6400x128xi32>
    %add3A_7 = vector.broadcast %add3A_3 : i32 to vector<6400x128xi32>
    %add3A_8 = arith.addi %add3A_7, %mul3A_6 : vector<6400x128xi32>
    %iota3A_9 = tpu.iota {dimensions = array<i32: 1>} : vector<6400x128xi32>
    %add3A_10 = arith.addi %add3A_8, %iota3A_9 : vector<6400x128xi32>
    %broadcast_in_dim3A = arith.constant 64467757 : i32
    %broadcast_in_dim3A_11 = vector.broadcast %broadcast_in_dim3A : i32 to vector<6400x128xi32>
    %add3A_12 = arith.constant -1378843660 : i32
    %add3A_13 = vector.broadcast %add3A_12 : i32 to vector<6400x128xi32>
    %add3A_14 = arith.addi %add3A_10, %add3A_13 : vector<6400x128xi32>
    %add3A_15 = arith.addi %broadcast_in_dim3A_11, %add3A_14 : vector<6400x128xi32>
    %shift_left3A = arith.constant 13 : i32
    %shift_left3A_16 = vector.broadcast %shift_left3A : i32 to vector<6400x128xi32>
    %shift_left3A_17 = arith.shli %add3A_14, %shift_left3A_16 : vector<6400x128xi32>
    %shift_right_logical3A = arith.constant 19 : i32
    %shift_right_logical3A_18 = vector.broadcast %shift_right_logical3A : i32 to vector<6400x128xi32>
    %shift_right_logical3A_19 = arith.shrui %add3A_14, %shift_right_logical3A_18 : vector<6400x128xi32>
    %or3A = arith.ori %shift_left3A_17, %shift_right_logical3A_19 : vector<6400x128xi32>
    %xor3A = arith.xori %add3A_15, %or3A : vector<6400x128xi32>
    %add3A_20 = arith.addi %add3A_15, %xor3A : vector<6400x128xi32>
    %shift_left3A_21 = arith.constant 15 : i32
    %shift_left3A_22 = vector.broadcast %shift_left3A_21 : i32 to vector<6400x128xi32>
    %shift_left3A_23 = arith.shli %xor3A, %shift_left3A_22 : vector<6400x128xi32>
    %shift_right_logical3A_24 = arith.constant 17 : i32
    %shift_right_logical3A_25 = vector.broadcast %shift_right_logical3A_24 : i32 to vector<6400x128xi32>
    %shift_right_logical3A_26 = arith.shrui %xor3A, %shift_right_logical3A_25 : vector<6400x128xi32>
    %or3A_27 = arith.ori %shift_left3A_23, %shift_right_logical3A_26 : vector<6400x128xi32>
    %xor3A_28 = arith.xori %add3A_20, %or3A_27 : vector<6400x128xi32>
    %add3A_29 = arith.addi %add3A_20, %xor3A_28 : vector<6400x128xi32>
    %shift_left3A_30 = arith.constant 26 : i32
    %shift_left3A_31 = vector.broadcast %shift_left3A_30 : i32 to vector<6400x128xi32>
    %shift_left3A_32 = arith.shli %xor3A_28, %shift_left3A_31 : vector<6400x128xi32>
    %shift_right_logical3A_33 = arith.constant 6 : i32
    %shift_right_logical3A_34 = vector.broadcast %shift_right_logical3A_33 : i32 to vector<6400x128xi32>
    %shift_right_logical3A_35 = arith.shrui %xor3A_28, %shift_right_logical3A_34 : vector<6400x128xi32>
    %or3A_36 = arith.ori %shift_left3A_32, %shift_right_logical3A_35 : vector<6400x128xi32>
    %xor3A_37 = arith.xori %add3A_29, %or3A_36 : vector<6400x128xi32>
    %add3A_38 = arith.addi %add3A_29, %xor3A_37 : vector<6400x128xi32>
    %shift_left3A_39 = arith.constant 6 : i32
    %shift_left3A_40 = vector.broadcast %shift_left3A_39 : i32 to vector<6400x128xi32>
    %shift_left3A_41 = arith.shli %xor3A_37, %shift_left3A_40 : vector<6400x128xi32>
    %shift_right_logical3A_42 = arith.constant 26 : i32
    %shift_right_logical3A_43 = vector.broadcast %shift_right_logical3A_42 : i32 to vector<6400x128xi32>
    %shift_right_logical3A_44 = arith.shrui %xor3A_37, %shift_right_logical3A_43 : vector<6400x128xi32>
    %or3A_45 = arith.ori %shift_left3A_41, %shift_right_logical3A_44 : vector<6400x128xi32>
    %xor3A_46 = arith.xori %add3A_38, %or3A_45 : vector<6400x128xi32>
    %add3A_47 = arith.constant -1378843660 : i32
    %add3A_48 = vector.broadcast %add3A_47 : i32 to vector<6400x128xi32>
    %add3A_49 = arith.addi %add3A_38, %add3A_48 : vector<6400x128xi32>
    %add3A_50 = arith.constant -1244255484 : i32
    %add3A_51 = vector.broadcast %add3A_50 : i32 to vector<6400x128xi32>
    %add3A_52 = arith.addi %xor3A_46, %add3A_51 : vector<6400x128xi32>
    %add3A_53 = arith.addi %add3A_49, %add3A_52 : vector<6400x128xi32>
    %shift_left3A_54 = arith.constant 17 : i32
    %shift_left3A_55 = vector.broadcast %shift_left3A_54 : i32 to vector<6400x128xi32>
    %shift_left3A_56 = arith.shli %add3A_52, %shift_left3A_55 : vector<6400x128xi32>
    %shift_right_logical3A_57 = arith.constant 15 : i32
    %shift_right_logical3A_58 = vector.broadcast %shift_right_logical3A_57 : i32 to vector<6400x128xi32>
    %shift_right_logical3A_59 = arith.shrui %add3A_52, %shift_right_logical3A_58 : vector<6400x128xi32>
    %or3A_60 = arith.ori %shift_left3A_56, %shift_right_logical3A_59 : vector<6400x128xi32>
    %xor3A_61 = arith.xori %add3A_53, %or3A_60 : vector<6400x128xi32>
    %add3A_62 = arith.addi %add3A_53, %xor3A_61 : vector<6400x128xi32>
    %shift_left3A_63 = arith.constant 29 : i32
    %shift_left3A_64 = vector.broadcast %shift_left3A_63 : i32 to vector<6400x128xi32>
    %shift_left3A_65 = arith.shli %xor3A_61, %shift_left3A_64 : vector<6400x128xi32>
    %shift_right_logical3A_66 = arith.constant 3 : i32
    %shift_right_logical3A_67 = vector.broadcast %shift_right_logical3A_66 : i32 to vector<6400x128xi32>
    %shift_right_logical3A_68 = arith.shrui %xor3A_61, %shift_right_logical3A_67 : vector<6400x128xi32>
    %or3A_69 = arith.ori %shift_left3A_65, %shift_right_logical3A_68 : vector<6400x128xi32>
    %xor3A_70 = arith.xori %add3A_62, %or3A_69 : vector<6400x128xi32>
    %add3A_71 = arith.addi %add3A_62, %xor3A_70 : vector<6400x128xi32>
    %shift_left3A_72 = arith.constant 16 : i32
    %shift_left3A_73 = vector.broadcast %shift_left3A_72 : i32 to vector<6400x128xi32>
    %shift_left3A_74 = arith.shli %xor3A_70, %shift_left3A_73 : vector<6400x128xi32>
    %shift_right_logical3A_75 = arith.constant 16 : i32
    %shift_right_logical3A_76 = vector.broadcast %shift_right_logical3A_75 : i32 to vector<6400x128xi32>
    %shift_right_logical3A_77 = arith.shrui %xor3A_70, %shift_right_logical3A_76 : vector<6400x128xi32>
    %or3A_78 = arith.ori %shift_left3A_74, %shift_right_logical3A_77 : vector<6400x128xi32>
    %xor3A_79 = arith.xori %add3A_71, %or3A_78 : vector<6400x128xi32>
    %add3A_80 = arith.addi %add3A_71, %xor3A_79 : vector<6400x128xi32>
    %shift_left3A_81 = arith.constant 24 : i32
    %shift_left3A_82 = vector.broadcast %shift_left3A_81 : i32 to vector<6400x128xi32>
    %shift_left3A_83 = arith.shli %xor3A_79, %shift_left3A_82 : vector<6400x128xi32>
    %shift_right_logical3A_84 = arith.constant 8 : i32
    %shift_right_logical3A_85 = vector.broadcast %shift_right_logical3A_84 : i32 to vector<6400x128xi32>
    %shift_right_logical3A_86 = arith.shrui %xor3A_79, %shift_right_logical3A_85 : vector<6400x128xi32>
    %or3A_87 = arith.ori %shift_left3A_83, %shift_right_logical3A_86 : vector<6400x128xi32>
    %xor3A_88 = arith.xori %add3A_80, %or3A_87 : vector<6400x128xi32>
    %add3A_89 = arith.constant -1244255485 : i32
    %add3A_90 = vector.broadcast %add3A_89 : i32 to vector<6400x128xi32>
    %add3A_91 = arith.addi %add3A_80, %add3A_90 : vector<6400x128xi32>
    %add3A_92 = arith.constant 64467759 : i32
    %add3A_93 = vector.broadcast %add3A_92 : i32 to vector<6400x128xi32>
    %add3A_94 = arith.addi %xor3A_88, %add3A_93 : vector<6400x128xi32>
    %add3A_95 = arith.addi %add3A_91, %add3A_94 : vector<6400x128xi32>
    %shift_left3A_96 = arith.constant 13 : i32
    %shift_left3A_97 = vector.broadcast %shift_left3A_96 : i32 to vector<6400x128xi32>
    %shift_left3A_98 = arith.shli %add3A_94, %shift_left3A_97 : vector<6400x128xi32>
    %shift_right_logical3A_99 = arith.constant 19 : i32
    %shift_right_logical3A_100 = vector.broadcast %shift_right_logical3A_99 : i32 to vector<6400x128xi32>
    %shift_right_logical3A_101 = arith.shrui %add3A_94, %shift_right_logical3A_100 : vector<6400x128xi32>
    %or3A_102 = arith.ori %shift_left3A_98, %shift_right_logical3A_101 : vector<6400x128xi32>
    %xor3A_103 = arith.xori %add3A_95, %or3A_102 : vector<6400x128xi32>
    %add3A_104 = arith.addi %add3A_95, %xor3A_103 : vector<6400x128xi32>
    %shift_left3A_105 = arith.constant 15 : i32
    %shift_left3A_106 = vector.broadcast %shift_left3A_105 : i32 to vector<6400x128xi32>
    %shift_left3A_107 = arith.shli %xor3A_103, %shift_left3A_106 : vector<6400x128xi32>
    %shift_right_logical3A_108 = arith.constant 17 : i32
    %shift_right_logical3A_109 = vector.broadcast %shift_right_logical3A_108 : i32 to vector<6400x128xi32>
    %shift_right_logical3A_110 = arith.shrui %xor3A_103, %shift_right_logical3A_109 : vector<6400x128xi32>
    %or3A_111 = arith.ori %shift_left3A_107, %shift_right_logical3A_110 : vector<6400x128xi32>
    %xor3A_112 = arith.xori %add3A_104, %or3A_111 : vector<6400x128xi32>
    %add3A_113 = arith.addi %add3A_104, %xor3A_112 : vector<6400x128xi32>
    %shift_left3A_114 = arith.constant 26 : i32
    %shift_left3A_115 = vector.broadcast %shift_left3A_114 : i32 to vector<6400x128xi32>
    %shift_left3A_116 = arith.shli %xor3A_112, %shift_left3A_115 : vector<6400x128xi32>
    %shift_right_logical3A_117 = arith.constant 6 : i32
    %shift_right_logical3A_118 = vector.broadcast %shift_right_logical3A_117 : i32 to vector<6400x128xi32>
    %shift_right_logical3A_119 = arith.shrui %xor3A_112, %shift_right_logical3A_118 : vector<6400x128xi32>
    %or3A_120 = arith.ori %shift_left3A_116, %shift_right_logical3A_119 : vector<6400x128xi32>
    %xor3A_121 = arith.xori %add3A_113, %or3A_120 : vector<6400x128xi32>
    %add3A_122 = arith.addi %add3A_113, %xor3A_121 : vector<6400x128xi32>
    %shift_left3A_123 = arith.constant 6 : i32
    %shift_left3A_124 = vector.broadcast %shift_left3A_123 : i32 to vector<6400x128xi32>
    %shift_left3A_125 = arith.shli %xor3A_121, %shift_left3A_124 : vector<6400x128xi32>
    %shift_right_logical3A_126 = arith.constant 26 : i32
    %shift_right_logical3A_127 = vector.broadcast %shift_right_logical3A_126 : i32 to vector<6400x128xi32>
    %shift_right_logical3A_128 = arith.shrui %xor3A_121, %shift_right_logical3A_127 : vector<6400x128xi32>
    %or3A_129 = arith.ori %shift_left3A_125, %shift_right_logical3A_128 : vector<6400x128xi32>
    %xor3A_130 = arith.xori %add3A_122, %or3A_129 : vector<6400x128xi32>
    %add3A_131 = arith.constant 64467757 : i32
    %add3A_132 = vector.broadcast %add3A_131 : i32 to vector<6400x128xi32>
    %add3A_133 = arith.addi %add3A_122, %add3A_132 : vector<6400x128xi32>
    %add3A_134 = arith.constant -1378843657 : i32
    %add3A_135 = vector.broadcast %add3A_134 : i32 to vector<6400x128xi32>
    %add3A_136 = arith.addi %xor3A_130, %add3A_135 : vector<6400x128xi32>
    %add3A_137 = arith.addi %add3A_133, %add3A_136 : vector<6400x128xi32>
    %shift_left3A_138 = arith.constant 17 : i32
    %shift_left3A_139 = vector.broadcast %shift_left3A_138 : i32 to vector<6400x128xi32>
    %shift_left3A_140 = arith.shli %add3A_136, %shift_left3A_139 : vector<6400x128xi32>
    %shift_right_logical3A_141 = arith.constant 15 : i32
    %shift_right_logical3A_142 = vector.broadcast %shift_right_logical3A_141 : i32 to vector<6400x128xi32>
    %shift_right_logical3A_143 = arith.shrui %add3A_136, %shift_right_logical3A_142 : vector<6400x128xi32>
    %or3A_144 = arith.ori %shift_left3A_140, %shift_right_logical3A_143 : vector<6400x128xi32>
    %xor3A_145 = arith.xori %add3A_137, %or3A_144 : vector<6400x128xi32>
    %add3A_146 = arith.addi %add3A_137, %xor3A_145 : vector<6400x128xi32>
    %shift_left3A_147 = arith.constant 29 : i32
    %shift_left3A_148 = vector.broadcast %shift_left3A_147 : i32 to vector<6400x128xi32>
    %shift_left3A_149 = arith.shli %xor3A_145, %shift_left3A_148 : vector<6400x128xi32>
    %shift_right_logical3A_150 = arith.constant 3 : i32
    %shift_right_logical3A_151 = vector.broadcast %shift_right_logical3A_150 : i32 to vector<6400x128xi32>
    %shift_right_logical3A_152 = arith.shrui %xor3A_145, %shift_right_logical3A_151 : vector<6400x128xi32>
    %or3A_153 = arith.ori %shift_left3A_149, %shift_right_logical3A_152 : vector<6400x128xi32>
    %xor3A_154 = arith.xori %add3A_146, %or3A_153 : vector<6400x128xi32>
    %add3A_155 = arith.addi %add3A_146, %xor3A_154 : vector<6400x128xi32>
    %shift_left3A_156 = arith.constant 16 : i32
    %shift_left3A_157 = vector.broadcast %shift_left3A_156 : i32 to vector<6400x128xi32>
    %shift_left3A_158 = arith.shli %xor3A_154, %shift_left3A_157 : vector<6400x128xi32>
    %shift_right_logical3A_159 = arith.constant 16 : i32
    %shift_right_logical3A_160 = vector.broadcast %shift_right_logical3A_159 : i32 to vector<6400x128xi32>
    %shift_right_logical3A_161 = arith.shrui %xor3A_154, %shift_right_logical3A_160 : vector<6400x128xi32>
    %or3A_162 = arith.ori %shift_left3A_158, %shift_right_logical3A_161 : vector<6400x128xi32>
    %xor3A_163 = arith.xori %add3A_155, %or3A_162 : vector<6400x128xi32>
    %add3A_164 = arith.addi %add3A_155, %xor3A_163 : vector<6400x128xi32>
    %shift_left3A_165 = arith.constant 24 : i32
    %shift_left3A_166 = vector.broadcast %shift_left3A_165 : i32 to vector<6400x128xi32>
    %shift_left3A_167 = arith.shli %xor3A_163, %shift_left3A_166 : vector<6400x128xi32>
    %shift_right_logical3A_168 = arith.constant 8 : i32
    %shift_right_logical3A_169 = vector.broadcast %shift_right_logical3A_168 : i32 to vector<6400x128xi32>
    %shift_right_logical3A_170 = arith.shrui %xor3A_163, %shift_right_logical3A_169 : vector<6400x128xi32>
    %or3A_171 = arith.ori %shift_left3A_167, %shift_right_logical3A_170 : vector<6400x128xi32>
    %xor3A_172 = arith.xori %add3A_164, %or3A_171 : vector<6400x128xi32>
    %add3A_173 = arith.constant -1378843660 : i32
    %add3A_174 = vector.broadcast %add3A_173 : i32 to vector<6400x128xi32>
    %add3A_175 = arith.addi %add3A_164, %add3A_174 : vector<6400x128xi32>
    %add3A_176 = arith.constant -1244255481 : i32
    %add3A_177 = vector.broadcast %add3A_176 : i32 to vector<6400x128xi32>
    %add3A_178 = arith.addi %xor3A_172, %add3A_177 : vector<6400x128xi32>
    %add3A_179 = arith.addi %add3A_175, %add3A_178 : vector<6400x128xi32>
    %shift_left3A_180 = arith.constant 13 : i32
    %shift_left3A_181 = vector.broadcast %shift_left3A_180 : i32 to vector<6400x128xi32>
    %shift_left3A_182 = arith.shli %add3A_178, %shift_left3A_181 : vector<6400x128xi32>
    %shift_right_logical3A_183 = arith.constant 19 : i32
    %shift_right_logical3A_184 = vector.broadcast %shift_right_logical3A_183 : i32 to vector<6400x128xi32>
    %shift_right_logical3A_185 = arith.shrui %add3A_178, %shift_right_logical3A_184 : vector<6400x128xi32>
    %or3A_186 = arith.ori %shift_left3A_182, %shift_right_logical3A_185 : vector<6400x128xi32>
    %xor3A_187 = arith.xori %add3A_179, %or3A_186 : vector<6400x128xi32>
    %add3A_188 = arith.addi %add3A_179, %xor3A_187 : vector<6400x128xi32>
    %shift_left3A_189 = arith.constant 15 : i32
    %shift_left3A_190 = vector.broadcast %shift_left3A_189 : i32 to vector<6400x128xi32>
    %shift_left3A_191 = arith.shli %xor3A_187, %shift_left3A_190 : vector<6400x128xi32>
    %shift_right_logical3A_192 = arith.constant 17 : i32
    %shift_right_logical3A_193 = vector.broadcast %shift_right_logical3A_192 : i32 to vector<6400x128xi32>
    %shift_right_logical3A_194 = arith.shrui %xor3A_187, %shift_right_logical3A_193 : vector<6400x128xi32>
    %or3A_195 = arith.ori %shift_left3A_191, %shift_right_logical3A_194 : vector<6400x128xi32>
    %xor3A_196 = arith.xori %add3A_188, %or3A_195 : vector<6400x128xi32>
    %add3A_197 = arith.addi %add3A_188, %xor3A_196 : vector<6400x128xi32>
    %shift_left3A_198 = arith.constant 26 : i32
    %shift_left3A_199 = vector.broadcast %shift_left3A_198 : i32 to vector<6400x128xi32>
    %shift_left3A_200 = arith.shli %xor3A_196, %shift_left3A_199 : vector<6400x128xi32>
    %shift_right_logical3A_201 = arith.constant 6 : i32
    %shift_right_logical3A_202 = vector.broadcast %shift_right_logical3A_201 : i32 to vector<6400x128xi32>
    %shift_right_logical3A_203 = arith.shrui %xor3A_196, %shift_right_logical3A_202 : vector<6400x128xi32>
    %or3A_204 = arith.ori %shift_left3A_200, %shift_right_logical3A_203 : vector<6400x128xi32>
    %xor3A_205 = arith.xori %add3A_197, %or3A_204 : vector<6400x128xi32>
    %add3A_206 = arith.addi %add3A_197, %xor3A_205 : vector<6400x128xi32>
    %shift_left3A_207 = arith.constant 6 : i32
    %shift_left3A_208 = vector.broadcast %shift_left3A_207 : i32 to vector<6400x128xi32>
    %shift_left3A_209 = arith.shli %xor3A_205, %shift_left3A_208 : vector<6400x128xi32>
    %shift_right_logical3A_210 = arith.constant 26 : i32
    %shift_right_logical3A_211 = vector.broadcast %shift_right_logical3A_210 : i32 to vector<6400x128xi32>
    %shift_right_logical3A_212 = arith.shrui %xor3A_205, %shift_right_logical3A_211 : vector<6400x128xi32>
    %or3A_213 = arith.ori %shift_left3A_209, %shift_right_logical3A_212 : vector<6400x128xi32>
    %xor3A_214 = arith.xori %add3A_206, %or3A_213 : vector<6400x128xi32>
    %add3A_215 = arith.constant -1244255485 : i32
    %add3A_216 = vector.broadcast %add3A_215 : i32 to vector<6400x128xi32>
    %add3A_217 = arith.addi %add3A_206, %add3A_216 : vector<6400x128xi32>
    %add3A_218 = arith.constant 64467762 : i32
    %add3A_219 = vector.broadcast %add3A_218 : i32 to vector<6400x128xi32>
    %add3A_220 = arith.addi %xor3A_214, %add3A_219 : vector<6400x128xi32>
    %xor3A_221 = arith.xori %add3A_217, %add3A_220 : vector<6400x128xi32>
    %shift_right_logical3A_222 = arith.constant 9 : i32
    %shift_right_logical3A_223 = vector.broadcast %shift_right_logical3A_222 : i32 to vector<6400x128xi32>
    %shift_right_logical3A_224 = arith.shrui %xor3A_221, %shift_right_logical3A_223 : vector<6400x128xi32>
    %or3A_225 = arith.constant 1065353216 : i32
    %or3A_226 = vector.broadcast %or3A_225 : i32 to vector<6400x128xi32>
    %or3A_227 = arith.ori %shift_right_logical3A_224, %or3A_226 : vector<6400x128xi32>
    %bitcast_convert_type3A = tpu.bitcast %or3A_227 : vector<6400x128xi32> -> vector<6400x128xf32>
    %sub3A = arith.constant 1.000000e+00 : f32
    %sub3A_228 = vector.broadcast %sub3A : f32 to vector<6400x128xf32>
    %sub3A_229 = arith.subf %bitcast_convert_type3A, %sub3A_228 : vector<6400x128xf32>
    %sub3A_230 = arith.constant 1.000000e+00 : f32
    %sub3A_231 = arith.constant -0.99999994 : f32
    %sub3A_232 = arith.subf %sub3A_230, %sub3A_231 : f32
    %mul3A_233 = vector.broadcast %sub3A_232 : f32 to vector<6400x128xf32>
    %mul3A_234 = arith.mulf %sub3A_229, %mul3A_233 : vector<6400x128xf32>
    %add3A_235 = arith.constant -0.99999994 : f32
    %add3A_236 = vector.broadcast %add3A_235 : f32 to vector<6400x128xf32>
    %add3A_237 = arith.addf %mul3A_234, %add3A_236 : vector<6400x128xf32>
    %max3A = arith.constant -0.99999994 : f32
    %max3A_238 = vector.broadcast %max3A : f32 to vector<6400x128xf32>
    %max3A_239 = arith.maximumf %max3A_238, %add3A_237 : vector<6400x128xf32>
    %neg3A = arith.constant 0.000000e+00 : f32
    %neg3A_240 = vector.broadcast %neg3A : f32 to vector<6400x128xf32>
    %neg3A_241 = arith.subf %neg3A_240, %max3A_239 : vector<6400x128xf32>
    %mul3A_242 = arith.mulf %neg3A_241, %max3A_239 : vector<6400x128xf32>
    %log1p3A = math.log1p %mul3A_242 : vector<6400x128xf32>
    %neg3A_243 = arith.constant 0.000000e+00 : f32
    %neg3A_244 = vector.broadcast %neg3A_243 : f32 to vector<6400x128xf32>
    %neg3A_245 = arith.subf %neg3A_244, %log1p3A : vector<6400x128xf32>
    %sub3A_246 = arith.constant 2.500000e+00 : f32
    %sub3A_247 = vector.broadcast %sub3A_246 : f32 to vector<6400x128xf32>
    %sub3A_248 = arith.subf %neg3A_245, %sub3A_247 : vector<6400x128xf32>
    %mul3A_249 = arith.constant 2.81022636E-8 : f32
    %mul3A_250 = vector.broadcast %mul3A_249 : f32 to vector<6400x128xf32>
    %mul3A_251 = arith.mulf %mul3A_250, %sub3A_248 : vector<6400x128xf32>
    %add3A_252 = arith.constant 3.43273939E-7 : f32
    %add3A_253 = vector.broadcast %add3A_252 : f32 to vector<6400x128xf32>
    %add3A_254 = arith.addf %add3A_253, %mul3A_251 : vector<6400x128xf32>
    %mul3A_255 = arith.mulf %add3A_254, %sub3A_248 : vector<6400x128xf32>
    %add3A_256 = arith.constant -3.5233877E-6 : f32
    %add3A_257 = vector.broadcast %add3A_256 : f32 to vector<6400x128xf32>
    %add3A_258 = arith.addf %add3A_257, %mul3A_255 : vector<6400x128xf32>
    %mul3A_259 = arith.mulf %add3A_258, %sub3A_248 : vector<6400x128xf32>
    %add3A_260 = arith.constant -4.39150654E-6 : f32
    %add3A_261 = vector.broadcast %add3A_260 : f32 to vector<6400x128xf32>
    %add3A_262 = arith.addf %add3A_261, %mul3A_259 : vector<6400x128xf32>
    %mul3A_263 = arith.mulf %add3A_262, %sub3A_248 : vector<6400x128xf32>
    %add3A_264 = arith.constant 2.1858087E-4 : f32
    %add3A_265 = vector.broadcast %add3A_264 : f32 to vector<6400x128xf32>
    %add3A_266 = arith.addf %add3A_265, %mul3A_263 : vector<6400x128xf32>
    %mul3A_267 = arith.mulf %add3A_266, %sub3A_248 : vector<6400x128xf32>
    %add3A_268 = arith.constant -0.00125372503 : f32
    %add3A_269 = vector.broadcast %add3A_268 : f32 to vector<6400x128xf32>
    %add3A_270 = arith.addf %add3A_269, %mul3A_267 : vector<6400x128xf32>
    %mul3A_271 = arith.mulf %add3A_270, %sub3A_248 : vector<6400x128xf32>
    %add3A_272 = arith.constant -0.00417768164 : f32
    %add3A_273 = vector.broadcast %add3A_272 : f32 to vector<6400x128xf32>
    %add3A_274 = arith.addf %add3A_273, %mul3A_271 : vector<6400x128xf32>
    %mul3A_275 = arith.mulf %add3A_274, %sub3A_248 : vector<6400x128xf32>
    %add3A_276 = arith.constant 0.246640727 : f32
    %add3A_277 = vector.broadcast %add3A_276 : f32 to vector<6400x128xf32>
    %add3A_278 = arith.addf %add3A_277, %mul3A_275 : vector<6400x128xf32>
    %mul3A_279 = arith.mulf %add3A_278, %sub3A_248 : vector<6400x128xf32>
    %add3A_280 = arith.constant 1.50140941 : f32
    %add3A_281 = vector.broadcast %add3A_280 : f32 to vector<6400x128xf32>
    %add3A_282 = arith.addf %add3A_281, %mul3A_279 : vector<6400x128xf32>
    %sqrt3A = math.sqrt %neg3A_245 : vector<6400x128xf32>
    %sub3A_283 = arith.constant 3.000000e+00 : f32
    %sub3A_284 = vector.broadcast %sub3A_283 : f32 to vector<6400x128xf32>
    %sub3A_285 = arith.subf %sqrt3A, %sub3A_284 : vector<6400x128xf32>
    %mul3A_286 = arith.constant -2.00214257E-4 : f32
    %mul3A_287 = vector.broadcast %mul3A_286 : f32 to vector<6400x128xf32>
    %mul3A_288 = arith.mulf %mul3A_287, %sub3A_285 : vector<6400x128xf32>
    %add3A_289 = arith.constant 1.00950558E-4 : f32
    %add3A_290 = vector.broadcast %add3A_289 : f32 to vector<6400x128xf32>
    %add3A_291 = arith.addf %add3A_290, %mul3A_288 : vector<6400x128xf32>
    %mul3A_292 = arith.mulf %add3A_291, %sub3A_285 : vector<6400x128xf32>
    %add3A_293 = arith.constant 0.00134934322 : f32
    %add3A_294 = vector.broadcast %add3A_293 : f32 to vector<6400x128xf32>
    %add3A_295 = arith.addf %add3A_294, %mul3A_292 : vector<6400x128xf32>
    %mul3A_296 = arith.mulf %add3A_295, %sub3A_285 : vector<6400x128xf32>
    %add3A_297 = arith.constant -0.00367342844 : f32
    %add3A_298 = vector.broadcast %add3A_297 : f32 to vector<6400x128xf32>
    %add3A_299 = arith.addf %add3A_298, %mul3A_296 : vector<6400x128xf32>
    %mul3A_300 = arith.mulf %add3A_299, %sub3A_285 : vector<6400x128xf32>
    %add3A_301 = arith.constant 0.00573950773 : f32
    %add3A_302 = vector.broadcast %add3A_301 : f32 to vector<6400x128xf32>
    %add3A_303 = arith.addf %add3A_302, %mul3A_300 : vector<6400x128xf32>
    %mul3A_304 = arith.mulf %add3A_303, %sub3A_285 : vector<6400x128xf32>
    %add3A_305 = arith.constant -0.0076224613 : f32
    %add3A_306 = vector.broadcast %add3A_305 : f32 to vector<6400x128xf32>
    %add3A_307 = arith.addf %add3A_306, %mul3A_304 : vector<6400x128xf32>
    %mul3A_308 = arith.mulf %add3A_307, %sub3A_285 : vector<6400x128xf32>
    %add3A_309 = arith.constant 0.00943887047 : f32
    %add3A_310 = vector.broadcast %add3A_309 : f32 to vector<6400x128xf32>
    %add3A_311 = arith.addf %add3A_310, %mul3A_308 : vector<6400x128xf32>
    %mul3A_312 = arith.mulf %add3A_311, %sub3A_285 : vector<6400x128xf32>
    %add3A_313 = arith.constant 1.00167406 : f32
    %add3A_314 = vector.broadcast %add3A_313 : f32 to vector<6400x128xf32>
    %add3A_315 = arith.addf %add3A_314, %mul3A_312 : vector<6400x128xf32>
    %mul3A_316 = arith.mulf %add3A_315, %sub3A_285 : vector<6400x128xf32>
    %add3A_317 = arith.constant 2.83297682 : f32
    %add3A_318 = vector.broadcast %add3A_317 : f32 to vector<6400x128xf32>
    %add3A_319 = arith.addf %add3A_318, %mul3A_316 : vector<6400x128xf32>
    %lt3A = arith.constant 5.000000e+00 : f32
    %lt3A_320 = vector.broadcast %lt3A : f32 to vector<6400x128xf32>
    %lt3A_321 = arith.cmpf olt, %neg3A_245, %lt3A_320 : vector<6400x128xf32>
    %select_n3A = arith.select %lt3A_321, %add3A_282, %add3A_319 : vector<6400x128xi1>, vector<6400x128xf32>
    %mul3A_322 = arith.constant 1.41421354 : f32
    %mul3A_323 = vector.broadcast %mul3A_322 : f32 to vector<6400x128xf32>
    %mul3A_324 = arith.mulf %mul3A_323, %select_n3A : vector<6400x128xf32>
    %mul3A_325 = arith.mulf %mul3A_324, %max3A_239 : vector<6400x128xf32>
    %get3A = arith.constant 0 : index
    %get3A_326 = arith.constant 0 : index
    %get3A_327 = vector.load %arg1[%get3A, %get3A_326] : memref<2x128xf32, #tpu.memory_space<vmem>>, vector<1x128xf32>
    %get3A_328 = arith.constant 1 : index
    %get3A_329 = arith.constant 0 : index
    %get3A_330 = vector.load %arg1[%get3A_328, %get3A_329] : memref<2x128xf32, #tpu.memory_space<vmem>>, vector<1x128xf32>
    %mul3A_331 = vector.broadcast %get3A_330 : vector<1x128xf32> to vector<6400x128xf32>
    %mul3A_332 = arith.mulf %mul3A_331, %mul3A_325 : vector<6400x128xf32>
    %add3A_333 = vector.broadcast %get3A_327 : vector<1x128xf32> to vector<6400x128xf32>
    %add3A_334 = arith.addf %add3A_333, %mul3A_332 : vector<6400x128xf32>
    %swap3A = arith.constant 0 : index
    %swap3A_335 = arith.constant 0 : index
    %swap3A_336 = vector.load %arg2[%swap3A, %swap3A_335] : memref<6400x128xf32, #tpu.memory_space<vmem>>, vector<6400x128xf32>
    tpu.vector_store %arg2[%swap3A, %swap3A_335], %add3A_334 {strides = array<i32>} : memref<6400x128xf32, #tpu.memory_space<vmem>>, vector<6400x128xf32>,
    return
  }
  func.func @transform_0(%arg0: i32) -> (i32, i32) {
    %c0_i32 = arith.constant 0 : i32
    %c0_i32_0 = arith.constant 0 : i32
    %c0_i32_1 = arith.constant 0 : i32
    return %c0_i32, %c0_i32_0 : i32, i32
  }
  func.func @transform_1(%arg0: i32) -> (i32, i32) {
    %c0_i32 = arith.constant 0 : i32
    %c0_i32_0 = arith.constant 0 : i32
    return %arg0, %c0_i32 : i32, i32
  }
}

module attributes {stable_mosaic.version = 14 : i64} {
  func.func @_rng_body(%arg0: i32, %arg1: memref<2x128xf32, #tpu.memory_space<vmem>>, %arg2: memref<6400x128xf32, #tpu.memory_space<vmem>>) attributes {dimension_semantics = [#tpu.dimension_semantics<arbitrary>], iteration_bounds = array<i64: 10>, scalar_prefetch = 0 : i64, scratch_operands = 0 : i64, tpu.core_type = #tpu.core_type<tc>, window_params = [{pipeline_mode = #tpu.pipeline_mode<synchronous>, transform_indices = @transform_0, window_bounds = array<i64: 2, 128>}, {transform_indices = @transform_1, window_bounds = array<i64: 6400, 128>}]} {
    %mul3A = arith.constant 6400 : i32
    %mul3A_0 = arith.muli %arg0, %mul3A : i32
    %mul3A_1 = arith.constant 128 : i32
    %mul3A_2 = arith.muli %mul3A_0, %mul3A_1 : i32
    %add3A = arith.constant 29491200 : i32
    %add3A_3 = arith.addi %add3A, %mul3A_2 : i32
    %iota3A = tpu.iota {dimensions = array<i32: 0>} : vector<6400x128xi32>
    %mul3A_4 = arith.constant 128 : i32
    %mul3A_5 = vector.broadcast %mul3A_4 : i32 to vector<6400x128xi32>
    %mul3A_6 = arith.muli %iota3A, %mul3A_5 : vector<6400x128xi32>
    %add3A_7 = vector.broadcast %add3A_3 : i32 to vector<6400x128xi32>
    %add3A_8 = arith.addi %add3A_7, %mul3A_6 : vector<6400x128xi32>
    %iota3A_9 = tpu.iota {dimensions = array<i32: 1>} : vector<6400x128xi32>
    %add3A_10 = arith.addi %add3A_8, %iota3A_9 : vector<6400x128xi32>
    %broadcast_in_dim3A = arith.constant 64467757 : i32
    %broadcast_in_dim3A_11 = vector.broadcast %broadcast_in_dim3A : i32 to vector<6400x128xi32>
    %add3A_12 = arith.constant -1378843660 : i32
    %add3A_13 = vector.broadcast %add3A_12 : i32 to vector<6400x128xi32>
    %add3A_14 = arith.addi %add3A_10, %add3A_13 : vector<6400x128xi32>
    %add3A_15 = arith.addi %broadcast_in_dim3A_11, %add3A_14 : vector<6400x128xi32>
    %shift_left3A = arith.constant 13 : i32
    %shift_left3A_16 = vector.broadcast %shift_left3A : i32 to vector<6400x128xi32>
    %shift_left3A_17 = arith.shli %add3A_14, %shift_left3A_16 : vector<6400x128xi32>
    %shift_right_logical3A = arith.constant 19 : i32
    %shift_right_logical3A_18 = vector.broadcast %shift_right_logical3A : i32 to vector<6400x128xi32>
    %shift_right_logical3A_19 = arith.shrui %add3A_14, %shift_right_logical3A_18 : vector<6400x128xi32>
    %or3A = arith.ori %shift_left3A_17, %shift_right_logical3A_19 : vector<6400x128xi32>
    %xor3A = arith.xori %add3A_15, %or3A : vector<6400x128xi32>
    %add3A_20 = arith.addi %add3A_15, %xor3A : vector<6400x128xi32>
    %shift_left3A_21 = arith.constant 15 : i32
    %shift_left3A_22 = vector.broadcast %shift_left3A_21 : i32 to vector<6400x128xi32>
    %shift_left3A_23 = arith.shli %xor3A, %shift_left3A_22 : vector<6400x128xi32>
    %shift_right_logical3A_24 = arith.constant 17 : i32
    %shift_right_logical3A_25 = vector.broadcast %shift_right_logical3A_24 : i32 to vector<6400x128xi32>
    %shift_right_logical3A_26 = arith.shrui %xor3A, %shift_right_logical3A_25 : vector<6400x128xi32>
    %or3A_27 = arith.ori %shift_left3A_23, %shift_right_logical3A_26 : vector<6400x128xi32>
    %xor3A_28 = arith.xori %add3A_20, %or3A_27 : vector<6400x128xi32>
    %add3A_29 = arith.addi %add3A_20, %xor3A_28 : vector<6400x128xi32>
    %shift_left3A_30 = arith.constant 26 : i32
    %shift_left3A_31 = vector.broadcast %shift_left3A_30 : i32 to vector<6400x128xi32>
    %shift_left3A_32 = arith.shli %xor3A_28, %shift_left3A_31 : vector<6400x128xi32>
    %shift_right_logical3A_33 = arith.constant 6 : i32
    %shift_right_logical3A_34 = vector.broadcast %shift_right_logical3A_33 : i32 to vector<6400x128xi32>
    %shift_right_logical3A_35 = arith.shrui %xor3A_28, %shift_right_logical3A_34 : vector<6400x128xi32>
    %or3A_36 = arith.ori %shift_left3A_32, %shift_right_logical3A_35 : vector<6400x128xi32>
    %xor3A_37 = arith.xori %add3A_29, %or3A_36 : vector<6400x128xi32>
    %add3A_38 = arith.addi %add3A_29, %xor3A_37 : vector<6400x128xi32>
    %shift_left3A_39 = arith.constant 6 : i32
    %shift_left3A_40 = vector.broadcast %shift_left3A_39 : i32 to vector<6400x128xi32>
    %shift_left3A_41 = arith.shli %xor3A_37, %shift_left3A_40 : vector<6400x128xi32>
    %shift_right_logical3A_42 = arith.constant 26 : i32
    %shift_right_logical3A_43 = vector.broadcast %shift_right_logical3A_42 : i32 to vector<6400x128xi32>
    %shift_right_logical3A_44 = arith.shrui %xor3A_37, %shift_right_logical3A_43 : vector<6400x128xi32>
    %or3A_45 = arith.ori %shift_left3A_41, %shift_right_logical3A_44 : vector<6400x128xi32>
    %xor3A_46 = arith.xori %add3A_38, %or3A_45 : vector<6400x128xi32>
    %add3A_47 = arith.constant -1378843660 : i32
    %add3A_48 = vector.broadcast %add3A_47 : i32 to vector<6400x128xi32>
    %add3A_49 = arith.addi %add3A_38, %add3A_48 : vector<6400x128xi32>
    %add3A_50 = arith.constant -1244255484 : i32
    %add3A_51 = vector.broadcast %add3A_50 : i32 to vector<6400x128xi32>
    %add3A_52 = arith.addi %xor3A_46, %add3A_51 : vector<6400x128xi32>
    %add3A_53 = arith.addi %add3A_49, %add3A_52 : vector<6400x128xi32>
    %shift_left3A_54 = arith.constant 17 : i32
    %shift_left3A_55 = vector.broadcast %shift_left3A_54 : i32 to vector<6400x128xi32>
    %shift_left3A_56 = arith.shli %add3A_52, %shift_left3A_55 : vector<6400x128xi32>
    %shift_right_logical3A_57 = arith.constant 15 : i32
    %shift_right_logical3A_58 = vector.broadcast %shift_right_logical3A_57 : i32 to vector<6400x128xi32>
    %shift_right_logical3A_59 = arith.shrui %add3A_52, %shift_right_logical3A_58 : vector<6400x128xi32>
    %or3A_60 = arith.ori %shift_left3A_56, %shift_right_logical3A_59 : vector<6400x128xi32>
    %xor3A_61 = arith.xori %add3A_53, %or3A_60 : vector<6400x128xi32>
    %add3A_62 = arith.addi %add3A_53, %xor3A_61 : vector<6400x128xi32>
    %shift_left3A_63 = arith.constant 29 : i32
    %shift_left3A_64 = vector.broadcast %shift_left3A_63 : i32 to vector<6400x128xi32>
    %shift_left3A_65 = arith.shli %xor3A_61, %shift_left3A_64 : vector<6400x128xi32>
    %shift_right_logical3A_66 = arith.constant 3 : i32
    %shift_right_logical3A_67 = vector.broadcast %shift_right_logical3A_66 : i32 to vector<6400x128xi32>
    %shift_right_logical3A_68 = arith.shrui %xor3A_61, %shift_right_logical3A_67 : vector<6400x128xi32>
    %or3A_69 = arith.ori %shift_left3A_65, %shift_right_logical3A_68 : vector<6400x128xi32>
    %xor3A_70 = arith.xori %add3A_62, %or3A_69 : vector<6400x128xi32>
    %add3A_71 = arith.addi %add3A_62, %xor3A_70 : vector<6400x128xi32>
    %shift_left3A_72 = arith.constant 16 : i32
    %shift_left3A_73 = vector.broadcast %shift_left3A_72 : i32 to vector<6400x128xi32>
    %shift_left3A_74 = arith.shli %xor3A_70, %shift_left3A_73 : vector<6400x128xi32>
    %shift_right_logical3A_75 = arith.constant 16 : i32
    %shift_right_logical3A_76 = vector.broadcast %shift_right_logical3A_75 : i32 to vector<6400x128xi32>
    %shift_right_logical3A_77 = arith.shrui %xor3A_70, %shift_right_logical3A_76 : vector<6400x128xi32>
    %or3A_78 = arith.ori %shift_left3A_74, %shift_right_logical3A_77 : vector<6400x128xi32>
    %xor3A_79 = arith.xori %add3A_71, %or3A_78 : vector<6400x128xi32>
    %add3A_80 = arith.addi %add3A_71, %xor3A_79 : vector<6400x128xi32>
    %shift_left3A_81 = arith.constant 24 : i32
    %shift_left3A_82 = vector.broadcast %shift_left3A_81 : i32 to vector<6400x128xi32>
    %shift_left3A_83 = arith.shli %xor3A_79, %shift_left3A_82 : vector<6400x128xi32>
    %shift_right_logical3A_84 = arith.constant 8 : i32
    %shift_right_logical3A_85 = vector.broadcast %shift_right_logical3A_84 : i32 to vector<6400x128xi32>
    %shift_right_logical3A_86 = arith.shrui %xor3A_79, %shift_right_logical3A_85 : vector<6400x128xi32>
    %or3A_87 = arith.ori %shift_left3A_83, %shift_right_logical3A_86 : vector<6400x128xi32>
    %xor3A_88 = arith.xori %add3A_80, %or3A_87 : vector<6400x128xi32>
    %add3A_89 = arith.constant -1244255485 : i32
    %add3A_90 = vector.broadcast %add3A_89 : i32 to vector<6400x128xi32>
    %add3A_91 = arith.addi %add3A_80, %add3A_90 : vector<6400x128xi32>
    %add3A_92 = arith.constant 64467759 : i32
    %add3A_93 = vector.broadcast %add3A_92 : i32 to vector<6400x128xi32>
    %add3A_94 = arith.addi %xor3A_88, %add3A_93 : vector<6400x128xi32>
    %add3A_95 = arith.addi %add3A_91, %add3A_94 : vector<6400x128xi32>
    %shift_left3A_96 = arith.constant 13 : i32
    %shift_left3A_97 = vector.broadcast %shift_left3A_96 : i32 to vector<6400x128xi32>
    %shift_left3A_98 = arith.shli %add3A_94, %shift_left3A_97 : vector<6400x128xi32>
    %shift_right_logical3A_99 = arith.constant 19 : i32
    %shift_right_logical3A_100 = vector.broadcast %shift_right_logical3A_99 : i32 to vector<6400x128xi32>
    %shift_right_logical3A_101 = arith.shrui %add3A_94, %shift_right_logical3A_100 : vector<6400x128xi32>
    %or3A_102 = arith.ori %shift_left3A_98, %shift_right_logical3A_101 : vector<6400x128xi32>
    %xor3A_103 = arith.xori %add3A_95, %or3A_102 : vector<6400x128xi32>
    %add3A_104 = arith.addi %add3A_95, %xor3A_103 : vector<6400x128xi32>
    %shift_left3A_105 = arith.constant 15 : i32
    %shift_left3A_106 = vector.broadcast %shift_left3A_105 : i32 to vector<6400x128xi32>
    %shift_left3A_107 = arith.shli %xor3A_103, %shift_left3A_106 : vector<6400x128xi32>
    %shift_right_logical3A_108 = arith.constant 17 : i32
    %shift_right_logical3A_109 = vector.broadcast %shift_right_logical3A_108 : i32 to vector<6400x128xi32>
    %shift_right_logical3A_110 = arith.shrui %xor3A_103, %shift_right_logical3A_109 : vector<6400x128xi32>
    %or3A_111 = arith.ori %shift_left3A_107, %shift_right_logical3A_110 : vector<6400x128xi32>
    %xor3A_112 = arith.xori %add3A_104, %or3A_111 : vector<6400x128xi32>
    %add3A_113 = arith.addi %add3A_104, %xor3A_112 : vector<6400x128xi32>
    %shift_left3A_114 = arith.constant 26 : i32
    %shift_left3A_115 = vector.broadcast %shift_left3A_114 : i32 to vector<6400x128xi32>
    %shift_left3A_116 = arith.shli %xor3A_112, %shift_left3A_115 : vector<6400x128xi32>
    %shift_right_logical3A_117 = arith.constant 6 : i32
    %shift_right_logical3A_118 = vector.broadcast %shift_right_logical3A_117 : i32 to vector<6400x128xi32>
    %shift_right_logical3A_119 = arith.shrui %xor3A_112, %shift_right_logical3A_118 : vector<6400x128xi32>
    %or3A_120 = arith.ori %shift_left3A_116, %shift_right_logical3A_119 : vector<6400x128xi32>
    %xor3A_121 = arith.xori %add3A_113, %or3A_120 : vector<6400x128xi32>
    %add3A_122 = arith.addi %add3A_113, %xor3A_121 : vector<6400x128xi32>
    %shift_left3A_123 = arith.constant 6 : i32
    %shift_left3A_124 = vector.broadcast %shift_left3A_123 : i32 to vector<6400x128xi32>
    %shift_left3A_125 = arith.shli %xor3A_121, %shift_left3A_124 : vector<6400x128xi32>
    %shift_right_logical3A_126 = arith.constant 26 : i32
    %shift_right_logical3A_127 = vector.broadcast %shift_right_logical3A_126 : i32 to vector<6400x128xi32>
    %shift_right_logical3A_128 = arith.shrui %xor3A_121, %shift_right_logical3A_127 : vector<6400x128xi32>
    %or3A_129 = arith.ori %shift_left3A_125, %shift_right_logical3A_128 : vector<6400x128xi32>
    %xor3A_130 = arith.xori %add3A_122, %or3A_129 : vector<6400x128xi32>
    %add3A_131 = arith.constant 64467757 : i32
    %add3A_132 = vector.broadcast %add3A_131 : i32 to vector<6400x128xi32>
    %add3A_133 = arith.addi %add3A_122, %add3A_132 : vector<6400x128xi32>
    %add3A_134 = arith.constant -1378843657 : i32
    %add3A_135 = vector.broadcast %add3A_134 : i32 to vector<6400x128xi32>
    %add3A_136 = arith.addi %xor3A_130, %add3A_135 : vector<6400x128xi32>
    %add3A_137 = arith.addi %add3A_133, %add3A_136 : vector<6400x128xi32>
    %shift_left3A_138 = arith.constant 17 : i32
    %shift_left3A_139 = vector.broadcast %shift_left3A_138 : i32 to vector<6400x128xi32>
    %shift_left3A_140 = arith.shli %add3A_136, %shift_left3A_139 : vector<6400x128xi32>
    %shift_right_logical3A_141 = arith.constant 15 : i32
    %shift_right_logical3A_142 = vector.broadcast %shift_right_logical3A_141 : i32 to vector<6400x128xi32>
    %shift_right_logical3A_143 = arith.shrui %add3A_136, %shift_right_logical3A_142 : vector<6400x128xi32>
    %or3A_144 = arith.ori %shift_left3A_140, %shift_right_logical3A_143 : vector<6400x128xi32>
    %xor3A_145 = arith.xori %add3A_137, %or3A_144 : vector<6400x128xi32>
    %add3A_146 = arith.addi %add3A_137, %xor3A_145 : vector<6400x128xi32>
    %shift_left3A_147 = arith.constant 29 : i32
    %shift_left3A_148 = vector.broadcast %shift_left3A_147 : i32 to vector<6400x128xi32>
    %shift_left3A_149 = arith.shli %xor3A_145, %shift_left3A_148 : vector<6400x128xi32>
    %shift_right_logical3A_150 = arith.constant 3 : i32
    %shift_right_logical3A_151 = vector.broadcast %shift_right_logical3A_150 : i32 to vector<6400x128xi32>
    %shift_right_logical3A_152 = arith.shrui %xor3A_145, %shift_right_logical3A_151 : vector<6400x128xi32>
    %or3A_153 = arith.ori %shift_left3A_149, %shift_right_logical3A_152 : vector<6400x128xi32>
    %xor3A_154 = arith.xori %add3A_146, %or3A_153 : vector<6400x128xi32>
    %add3A_155 = arith.addi %add3A_146, %xor3A_154 : vector<6400x128xi32>
    %shift_left3A_156 = arith.constant 16 : i32
    %shift_left3A_157 = vector.broadcast %shift_left3A_156 : i32 to vector<6400x128xi32>
    %shift_left3A_158 = arith.shli %xor3A_154, %shift_left3A_157 : vector<6400x128xi32>
    %shift_right_logical3A_159 = arith.constant 16 : i32
    %shift_right_logical3A_160 = vector.broadcast %shift_right_logical3A_159 : i32 to vector<6400x128xi32>
    %shift_right_logical3A_161 = arith.shrui %xor3A_154, %shift_right_logical3A_160 : vector<6400x128xi32>
    %or3A_162 = arith.ori %shift_left3A_158, %shift_right_logical3A_161 : vector<6400x128xi32>
    %xor3A_163 = arith.xori %add3A_155, %or3A_162 : vector<6400x128xi32>
    %add3A_164 = arith.addi %add3A_155, %xor3A_163 : vector<6400x128xi32>
    %shift_left3A_165 = arith.constant 24 : i32
    %shift_left3A_166 = vector.broadcast %shift_left3A_165 : i32 to vector<6400x128xi32>
    %shift_left3A_167 = arith.shli %xor3A_163, %shift_left3A_166 : vector<6400x128xi32>
    %shift_right_logical3A_168 = arith.constant 8 : i32
    %shift_right_logical3A_169 = vector.broadcast %shift_right_logical3A_168 : i32 to vector<6400x128xi32>
    %shift_right_logical3A_170 = arith.shrui %xor3A_163, %shift_right_logical3A_169 : vector<6400x128xi32>
    %or3A_171 = arith.ori %shift_left3A_167, %shift_right_logical3A_170 : vector<6400x128xi32>
    %xor3A_172 = arith.xori %add3A_164, %or3A_171 : vector<6400x128xi32>
    %add3A_173 = arith.constant -1378843660 : i32
    %add3A_174 = vector.broadcast %add3A_173 : i32 to vector<6400x128xi32>
    %add3A_175 = arith.addi %add3A_164, %add3A_174 : vector<6400x128xi32>
    %add3A_176 = arith.constant -1244255481 : i32
    %add3A_177 = vector.broadcast %add3A_176 : i32 to vector<6400x128xi32>
    %add3A_178 = arith.addi %xor3A_172, %add3A_177 : vector<6400x128xi32>
    %add3A_179 = arith.addi %add3A_175, %add3A_178 : vector<6400x128xi32>
    %shift_left3A_180 = arith.constant 13 : i32
    %shift_left3A_181 = vector.broadcast %shift_left3A_180 : i32 to vector<6400x128xi32>
    %shift_left3A_182 = arith.shli %add3A_178, %shift_left3A_181 : vector<6400x128xi32>
    %shift_right_logical3A_183 = arith.constant 19 : i32
    %shift_right_logical3A_184 = vector.broadcast %shift_right_logical3A_183 : i32 to vector<6400x128xi32>
    %shift_right_logical3A_185 = arith.shrui %add3A_178, %shift_right_logical3A_184 : vector<6400x128xi32>
    %or3A_186 = arith.ori %shift_left3A_182, %shift_right_logical3A_185 : vector<6400x128xi32>
    %xor3A_187 = arith.xori %add3A_179, %or3A_186 : vector<6400x128xi32>
    %add3A_188 = arith.addi %add3A_179, %xor3A_187 : vector<6400x128xi32>
    %shift_left3A_189 = arith.constant 15 : i32
    %shift_left3A_190 = vector.broadcast %shift_left3A_189 : i32 to vector<6400x128xi32>
    %shift_left3A_191 = arith.shli %xor3A_187, %shift_left3A_190 : vector<6400x128xi32>
    %shift_right_logical3A_192 = arith.constant 17 : i32
    %shift_right_logical3A_193 = vector.broadcast %shift_right_logical3A_192 : i32 to vector<6400x128xi32>
    %shift_right_logical3A_194 = arith.shrui %xor3A_187, %shift_right_logical3A_193 : vector<6400x128xi32>
    %or3A_195 = arith.ori %shift_left3A_191, %shift_right_logical3A_194 : vector<6400x128xi32>
    %xor3A_196 = arith.xori %add3A_188, %or3A_195 : vector<6400x128xi32>
    %add3A_197 = arith.addi %add3A_188, %xor3A_196 : vector<6400x128xi32>
    %shift_left3A_198 = arith.constant 26 : i32
    %shift_left3A_199 = vector.broadcast %shift_left3A_198 : i32 to vector<6400x128xi32>
    %shift_left3A_200 = arith.shli %xor3A_196, %shift_left3A_199 : vector<6400x128xi32>
    %shift_right_logical3A_201 = arith.constant 6 : i32
    %shift_right_logical3A_202 = vector.broadcast %shift_right_logical3A_201 : i32 to vector<6400x128xi32>
    %shift_right_logical3A_203 = arith.shrui %xor3A_196, %shift_right_logical3A_202 : vector<6400x128xi32>
    %or3A_204 = arith.ori %shift_left3A_200, %shift_right_logical3A_203 : vector<6400x128xi32>
    %xor3A_205 = arith.xori %add3A_197, %or3A_204 : vector<6400x128xi32>
    %add3A_206 = arith.addi %add3A_197, %xor3A_205 : vector<6400x128xi32>
    %shift_left3A_207 = arith.constant 6 : i32
    %shift_left3A_208 = vector.broadcast %shift_left3A_207 : i32 to vector<6400x128xi32>
    %shift_left3A_209 = arith.shli %xor3A_205, %shift_left3A_208 : vector<6400x128xi32>
    %shift_right_logical3A_210 = arith.constant 26 : i32
    %shift_right_logical3A_211 = vector.broadcast %shift_right_logical3A_210 : i32 to vector<6400x128xi32>
    %shift_right_logical3A_212 = arith.shrui %xor3A_205, %shift_right_logical3A_211 : vector<6400x128xi32>
    %or3A_213 = arith.ori %shift_left3A_209, %shift_right_logical3A_212 : vector<6400x128xi32>
    %xor3A_214 = arith.xori %add3A_206, %or3A_213 : vector<6400x128xi32>
    %add3A_215 = arith.constant -1244255485 : i32
    %add3A_216 = vector.broadcast %add3A_215 : i32 to vector<6400x128xi32>
    %add3A_217 = arith.addi %add3A_206, %add3A_216 : vector<6400x128xi32>
    %add3A_218 = arith.constant 64467762 : i32
    %add3A_219 = vector.broadcast %add3A_218 : i32 to vector<6400x128xi32>
    %add3A_220 = arith.addi %xor3A_214, %add3A_219 : vector<6400x128xi32>
    %xor3A_221 = arith.xori %add3A_217, %add3A_220 : vector<6400x128xi32>
    %shift_right_logical3A_222 = arith.constant 9 : i32
    %shift_right_logical3A_223 = vector.broadcast %shift_right_logical3A_222 : i32 to vector<6400x128xi32>
    %shift_right_logical3A_224 = arith.shrui %xor3A_221, %shift_right_logical3A_223 : vector<6400x128xi32>
    %or3A_225 = arith.constant 1065353216 : i32
    %or3A_226 = vector.broadcast %or3A_225 : i32 to vector<6400x128xi32>
    %or3A_227 = arith.ori %shift_right_logical3A_224, %or3A_226 : vector<6400x128xi32>
    %bitcast_convert_type3A = tpu.bitcast %or3A_227 : vector<6400x128xi32> -> vector<6400x128xf32>
    %sub3A = arith.constant 1.000000e+00 : f32
    %sub3A_228 = vector.broadcast %sub3A : f32 to vector<6400x128xf32>
    %sub3A_229 = arith.subf %bitcast_convert_type3A, %sub3A_228 : vector<6400x128xf32>
    %sub3A_230 = arith.constant 1.000000e+00 : f32
    %sub3A_231 = arith.constant -0.99999994 : f32
    %sub3A_232 = arith.subf %sub3A_230, %sub3A_231 : f32
    %mul3A_233 = vector.broadcast %sub3A_232 : f32 to vector<6400x128xf32>
    %mul3A_234 = arith.mulf %sub3A_229, %mul3A_233 : vector<6400x128xf32>
    %add3A_235 = arith.constant -0.99999994 : f32
    %add3A_236 = vector.broadcast %add3A_235 : f32 to vector<6400x128xf32>
    %add3A_237 = arith.addf %mul3A_234, %add3A_236 : vector<6400x128xf32>
    %max3A = arith.constant -0.99999994 : f32
    %max3A_238 = vector.broadcast %max3A : f32 to vector<6400x128xf32>
    %max3A_239 = arith.maximumf %max3A_238, %add3A_237 : vector<6400x128xf32>
    %neg3A = arith.constant 0.000000e+00 : f32
    %neg3A_240 = vector.broadcast %neg3A : f32 to vector<6400x128xf32>
    %neg3A_241 = arith.subf %neg3A_240, %max3A_239 : vector<6400x128xf32>
    %mul3A_242 = arith.mulf %neg3A_241, %max3A_239 : vector<6400x128xf32>
    %log1p3A = math.log1p %mul3A_242 : vector<6400x128xf32>
    %neg3A_243 = arith.constant 0.000000e+00 : f32
    %neg3A_244 = vector.broadcast %neg3A_243 : f32 to vector<6400x128xf32>
    %neg3A_245 = arith.subf %neg3A_244, %log1p3A : vector<6400x128xf32>
    %sub3A_246 = arith.constant 2.500000e+00 : f32
    %sub3A_247 = vector.broadcast %sub3A_246 : f32 to vector<6400x128xf32>
    %sub3A_248 = arith.subf %neg3A_245, %sub3A_247 : vector<6400x128xf32>
    %mul3A_249 = arith.constant 2.81022636E-8 : f32
    %mul3A_250 = vector.broadcast %mul3A_249 : f32 to vector<6400x128xf32>
    %mul3A_251 = arith.mulf %mul3A_250, %sub3A_248 : vector<6400x128xf32>
    %add3A_252 = arith.constant 3.43273939E-7 : f32
    %add3A_253 = vector.broadcast %add3A_252 : f32 to vector<6400x128xf32>
    %add3A_254 = arith.addf %add3A_253, %mul3A_251 : vector<6400x128xf32>
    %mul3A_255 = arith.mulf %add3A_254, %sub3A_248 : vector<6400x128xf32>
    %add3A_256 = arith.constant -3.5233877E-6 : f32
    %add3A_257 = vector.broadcast %add3A_256 : f32 to vector<6400x128xf32>
    %add3A_258 = arith.addf %add3A_257, %mul3A_255 : vector<6400x128xf32>
    %mul3A_259 = arith.mulf %add3A_258, %sub3A_248 : vector<6400x128xf32>
    %add3A_260 = arith.constant -4.39150654E-6 : f32
    %add3A_261 = vector.broadcast %add3A_260 : f32 to vector<6400x128xf32>
    %add3A_262 = arith.addf %add3A_261, %mul3A_259 : vector<6400x128xf32>
    %mul3A_263 = arith.mulf %add3A_262, %sub3A_248 : vector<6400x128xf32>
    %add3A_264 = arith.constant 2.1858087E-4 : f32
    %add3A_265 = vector.broadcast %add3A_264 : f32 to vector<6400x128xf32>
    %add3A_266 = arith.addf %add3A_265, %mul3A_263 : vector<6400x128xf32>
    %mul3A_267 = arith.mulf %add3A_266, %sub3A_248 : vector<6400x128xf32>
    %add3A_268 = arith.constant -0.00125372503 : f32
    %add3A_269 = vector.broadcast %add3A_268 : f32 to vector<6400x128xf32>
    %add3A_270 = arith.addf %add3A_269, %mul3A_267 : vector<6400x128xf32>
    %mul3A_271 = arith.mulf %add3A_270, %sub3A_248 : vector<6400x128xf32>
    %add3A_272 = arith.constant -0.00417768164 : f32
    %add3A_273 = vector.broadcast %add3A_272 : f32 to vector<6400x128xf32>
    %add3A_274 = arith.addf %add3A_273, %mul3A_271 : vector<6400x128xf32>
    %mul3A_275 = arith.mulf %add3A_274, %sub3A_248 : vector<6400x128xf32>
    %add3A_276 = arith.constant 0.246640727 : f32
    %add3A_277 = vector.broadcast %add3A_276 : f32 to vector<6400x128xf32>
    %add3A_278 = arith.addf %add3A_277, %mul3A_275 : vector<6400x128xf32>
    %mul3A_279 = arith.mulf %add3A_278, %sub3A_248 : vector<6400x128xf32>
    %add3A_280 = arith.constant 1.50140941 : f32
    %add3A_281 = vector.broadcast %add3A_280 : f32 to vector<6400x128xf32>
    %add3A_282 = arith.addf %add3A_281, %mul3A_279 : vector<6400x128xf32>
    %sqrt3A = math.sqrt %neg3A_245 : vector<6400x128xf32>
    %sub3A_283 = arith.constant 3.000000e+00 : f32
    %sub3A_284 = vector.broadcast %sub3A_283 : f32 to vector<6400x128xf32>
    %sub3A_285 = arith.subf %sqrt3A, %sub3A_284 : vector<6400x128xf32>
    %mul3A_286 = arith.constant -2.00214257E-4 : f32
    %mul3A_287 = vector.broadcast %mul3A_286 : f32 to vector<6400x128xf32>
    %mul3A_288 = arith.mulf %mul3A_287, %sub3A_285 : vector<6400x128xf32>
    %add3A_289 = arith.constant 1.00950558E-4 : f32
    %add3A_290 = vector.broadcast %add3A_289 : f32 to vector<6400x128xf32>
    %add3A_291 = arith.addf %add3A_290, %mul3A_288 : vector<6400x128xf32>
    %mul3A_292 = arith.mulf %add3A_291, %sub3A_285 : vector<6400x128xf32>
    %add3A_293 = arith.constant 0.00134934322 : f32
    %add3A_294 = vector.broadcast %add3A_293 : f32 to vector<6400x128xf32>
    %add3A_295 = arith.addf %add3A_294, %mul3A_292 : vector<6400x128xf32>
    %mul3A_296 = arith.mulf %add3A_295, %sub3A_285 : vector<6400x128xf32>
    %add3A_297 = arith.constant -0.00367342844 : f32
    %add3A_298 = vector.broadcast %add3A_297 : f32 to vector<6400x128xf32>
    %add3A_299 = arith.addf %add3A_298, %mul3A_296 : vector<6400x128xf32>
    %mul3A_300 = arith.mulf %add3A_299, %sub3A_285 : vector<6400x128xf32>
    %add3A_301 = arith.constant 0.00573950773 : f32
    %add3A_302 = vector.broadcast %add3A_301 : f32 to vector<6400x128xf32>
    %add3A_303 = arith.addf %add3A_302, %mul3A_300 : vector<6400x128xf32>
    %mul3A_304 = arith.mulf %add3A_303, %sub3A_285 : vector<6400x128xf32>
    %add3A_305 = arith.constant -0.0076224613 : f32
    %add3A_306 = vector.broadcast %add3A_305 : f32 to vector<6400x128xf32>
    %add3A_307 = arith.addf %add3A_306, %mul3A_304 : vector<6400x128xf32>
    %mul3A_308 = arith.mulf %add3A_307, %sub3A_285 : vector<6400x128xf32>
    %add3A_309 = arith.constant 0.00943887047 : f32
    %add3A_310 = vector.broadcast %add3A_309 : f32 to vector<6400x128xf32>
    %add3A_311 = arith.addf %add3A_310, %mul3A_308 : vector<6400x128xf32>
    %mul3A_312 = arith.mulf %add3A_311, %sub3A_285 : vector<6400x128xf32>
    %add3A_313 = arith.constant 1.00167406 : f32
    %add3A_314 = vector.broadcast %add3A_313 : f32 to vector<6400x128xf32>
    %add3A_315 = arith.addf %add3A_314, %mul3A_312 : vector<6400x128xf32>
    %mul3A_316 = arith.mulf %add3A_315, %sub3A_285 : vector<6400x128xf32>
    %add3A_317 = arith.constant 2.83297682 : f32
    %add3A_318 = vector.broadcast %add3A_317 : f32 to vector<6400x128xf32>
    %add3A_319 = arith.addf %add3A_318, %mul3A_316 : vector<6400x128xf32>
    %lt3A = arith.constant 5.000000e+00 : f32
    %lt3A_320 = vector.broadcast %lt3A : f32 to vector<6400x128xf32>
    %lt3A_321 = arith.cmpf olt, %neg3A_245, %lt3A_320 : vector<6400x128xf32>
    %select_n3A = arith.select %lt3A_321, %add3A_282, %add3A_319 : vector<6400x128xi1>, vector<6400x128xf32>
    %mul3A_322 = arith.constant 1.41421354 : f32
    %mul3A_323 = vector.broadcast %mul3A_322 : f32 to vector<6400x128xf32>
    %mul3A_324 = arith.mulf %mul3A_323, %select_n3A : vector<6400x128xf32>
    %mul3A_325 = arith.mulf %mul3A_324, %max3A_239 : vector<6400x128xf32>
    %get3A = arith.constant 0 : index
    %get3A_326 = arith.constant 0 : index
    %get3A_327 = vector.load %arg1[%get3A, %get3A_326] : memref<2x128xf32, #tpu.memory_space<vmem>>, vector<1x128xf32>
    %get3A_328 = arith.constant 1 : index
    %get3A_329 = arith.constant 0 : index
    %get3A_330 = vector.load %arg1[%get3A_328, %get3A_329] : memref<2x128xf32, #tpu.memory_space<vmem>>, vector<1x128xf32>
    %mul3A_331 = vector.broadcast %get3A_330 : vector<1x128xf32> to vector<6400x128xf32>
    %mul3A_332 = arith.mulf %mul3A_331, %mul3A_325 : vector<6400x128xf32>
    %add3A_333 = vector.broadcast %get3A_327 : vector<1x128xf32> to vector<6400x128xf32>
    %add3A_334 = arith.addf %add3A_333, %mul3A_332 : vector<6400x128xf32>
    %swap3A = arith.constant 0 : index
    %swap3A_335 = arith.constant 0 : index
    %swap3A_336 = vector.load %arg2[%swap3A, %swap3A_335] : memref<6400x128xf32, #tpu.memory_space<vmem>>, vector<6400x128xf32>
    tpu.vector_store %arg2[%swap3A, %swap3A_335], %add3A_334 {strides = array<i32>} : memref<6400x128xf32, #tpu.memory_space<vmem>>, vector<6400x128xf32>,
    return
  }
  func.func @transform_0(%arg0: i32) -> (i32, i32) {
    %c0_i32 = arith.constant 0 : i32
    %c0_i32_0 = arith.constant 0 : i32
    %c0_i32_1 = arith.constant 0 : i32
    return %c0_i32, %c0_i32_0 : i32, i32
  }
  func.func @transform_1(%arg0: i32) -> (i32, i32) {
    %c0_i32 = arith.constant 0 : i32
    %c0_i32_0 = arith.constant 0 : i32
    return %arg0, %c0_i32 : i32, i32
  }
}

module attributes {stable_mosaic.version = 14 : i64} {
  func.func @_rng_body(%arg0: i32, %arg1: memref<2x128xf32, #tpu.memory_space<vmem>>, %arg2: memref<6400x128xf32, #tpu.memory_space<vmem>>) attributes {dimension_semantics = [#tpu.dimension_semantics<arbitrary>], iteration_bounds = array<i64: 4>, scalar_prefetch = 0 : i64, scratch_operands = 0 : i64, tpu.core_type = #tpu.core_type<tc>, window_params = [{pipeline_mode = #tpu.pipeline_mode<synchronous>, transform_indices = @transform_0, window_bounds = array<i64: 2, 128>}, {transform_indices = @transform_1, window_bounds = array<i64: 6400, 128>}]} {
    %mul3A = arith.constant 6400 : i32
    %mul3A_0 = arith.muli %arg0, %mul3A : i32
    %mul3A_1 = arith.constant 128 : i32
    %mul3A_2 = arith.muli %mul3A_0, %mul3A_1 : i32
    %add3A = arith.constant 37683200 : i32
    %add3A_3 = arith.addi %add3A, %mul3A_2 : i32
    %iota3A = tpu.iota {dimensions = array<i32: 0>} : vector<6400x128xi32>
    %mul3A_4 = arith.constant 128 : i32
    %mul3A_5 = vector.broadcast %mul3A_4 : i32 to vector<6400x128xi32>
    %mul3A_6 = arith.muli %iota3A, %mul3A_5 : vector<6400x128xi32>
    %add3A_7 = vector.broadcast %add3A_3 : i32 to vector<6400x128xi32>
    %add3A_8 = arith.addi %add3A_7, %mul3A_6 : vector<6400x128xi32>
    %iota3A_9 = tpu.iota {dimensions = array<i32: 1>} : vector<6400x128xi32>
    %add3A_10 = arith.addi %add3A_8, %iota3A_9 : vector<6400x128xi32>
    %broadcast_in_dim3A = arith.constant 64467757 : i32
    %broadcast_in_dim3A_11 = vector.broadcast %broadcast_in_dim3A : i32 to vector<6400x128xi32>
    %add3A_12 = arith.constant -1378843660 : i32
    %add3A_13 = vector.broadcast %add3A_12 : i32 to vector<6400x128xi32>
    %add3A_14 = arith.addi %add3A_10, %add3A_13 : vector<6400x128xi32>
    %add3A_15 = arith.addi %broadcast_in_dim3A_11, %add3A_14 : vector<6400x128xi32>
    %shift_left3A = arith.constant 13 : i32
    %shift_left3A_16 = vector.broadcast %shift_left3A : i32 to vector<6400x128xi32>
    %shift_left3A_17 = arith.shli %add3A_14, %shift_left3A_16 : vector<6400x128xi32>
    %shift_right_logical3A = arith.constant 19 : i32
    %shift_right_logical3A_18 = vector.broadcast %shift_right_logical3A : i32 to vector<6400x128xi32>
    %shift_right_logical3A_19 = arith.shrui %add3A_14, %shift_right_logical3A_18 : vector<6400x128xi32>
    %or3A = arith.ori %shift_left3A_17, %shift_right_logical3A_19 : vector<6400x128xi32>
    %xor3A = arith.xori %add3A_15, %or3A : vector<6400x128xi32>
    %add3A_20 = arith.addi %add3A_15, %xor3A : vector<6400x128xi32>
    %shift_left3A_21 = arith.constant 15 : i32
    %shift_left3A_22 = vector.broadcast %shift_left3A_21 : i32 to vector<6400x128xi32>
    %shift_left3A_23 = arith.shli %xor3A, %shift_left3A_22 : vector<6400x128xi32>
    %shift_right_logical3A_24 = arith.constant 17 : i32
    %shift_right_logical3A_25 = vector.broadcast %shift_right_logical3A_24 : i32 to vector<6400x128xi32>
    %shift_right_logical3A_26 = arith.shrui %xor3A, %shift_right_logical3A_25 : vector<6400x128xi32>
    %or3A_27 = arith.ori %shift_left3A_23, %shift_right_logical3A_26 : vector<6400x128xi32>
    %xor3A_28 = arith.xori %add3A_20, %or3A_27 : vector<6400x128xi32>
    %add3A_29 = arith.addi %add3A_20, %xor3A_28 : vector<6400x128xi32>
    %shift_left3A_30 = arith.constant 26 : i32
    %shift_left3A_31 = vector.broadcast %shift_left3A_30 : i32 to vector<6400x128xi32>
    %shift_left3A_32 = arith.shli %xor3A_28, %shift_left3A_31 : vector<6400x128xi32>
    %shift_right_logical3A_33 = arith.constant 6 : i32
    %shift_right_logical3A_34 = vector.broadcast %shift_right_logical3A_33 : i32 to vector<6400x128xi32>
    %shift_right_logical3A_35 = arith.shrui %xor3A_28, %shift_right_logical3A_34 : vector<6400x128xi32>
    %or3A_36 = arith.ori %shift_left3A_32, %shift_right_logical3A_35 : vector<6400x128xi32>
    %xor3A_37 = arith.xori %add3A_29, %or3A_36 : vector<6400x128xi32>
    %add3A_38 = arith.addi %add3A_29, %xor3A_37 : vector<6400x128xi32>
    %shift_left3A_39 = arith.constant 6 : i32
    %shift_left3A_40 = vector.broadcast %shift_left3A_39 : i32 to vector<6400x128xi32>
    %shift_left3A_41 = arith.shli %xor3A_37, %shift_left3A_40 : vector<6400x128xi32>
    %shift_right_logical3A_42 = arith.constant 26 : i32
    %shift_right_logical3A_43 = vector.broadcast %shift_right_logical3A_42 : i32 to vector<6400x128xi32>
    %shift_right_logical3A_44 = arith.shrui %xor3A_37, %shift_right_logical3A_43 : vector<6400x128xi32>
    %or3A_45 = arith.ori %shift_left3A_41, %shift_right_logical3A_44 : vector<6400x128xi32>
    %xor3A_46 = arith.xori %add3A_38, %or3A_45 : vector<6400x128xi32>
    %add3A_47 = arith.constant -1378843660 : i32
    %add3A_48 = vector.broadcast %add3A_47 : i32 to vector<6400x128xi32>
    %add3A_49 = arith.addi %add3A_38, %add3A_48 : vector<6400x128xi32>
    %add3A_50 = arith.constant -1244255484 : i32
    %add3A_51 = vector.broadcast %add3A_50 : i32 to vector<6400x128xi32>
    %add3A_52 = arith.addi %xor3A_46, %add3A_51 : vector<6400x128xi32>
    %add3A_53 = arith.addi %add3A_49, %add3A_52 : vector<6400x128xi32>
    %shift_left3A_54 = arith.constant 17 : i32
    %shift_left3A_55 = vector.broadcast %shift_left3A_54 : i32 to vector<6400x128xi32>
    %shift_left3A_56 = arith.shli %add3A_52, %shift_left3A_55 : vector<6400x128xi32>
    %shift_right_logical3A_57 = arith.constant 15 : i32
    %shift_right_logical3A_58 = vector.broadcast %shift_right_logical3A_57 : i32 to vector<6400x128xi32>
    %shift_right_logical3A_59 = arith.shrui %add3A_52, %shift_right_logical3A_58 : vector<6400x128xi32>
    %or3A_60 = arith.ori %shift_left3A_56, %shift_right_logical3A_59 : vector<6400x128xi32>
    %xor3A_61 = arith.xori %add3A_53, %or3A_60 : vector<6400x128xi32>
    %add3A_62 = arith.addi %add3A_53, %xor3A_61 : vector<6400x128xi32>
    %shift_left3A_63 = arith.constant 29 : i32
    %shift_left3A_64 = vector.broadcast %shift_left3A_63 : i32 to vector<6400x128xi32>
    %shift_left3A_65 = arith.shli %xor3A_61, %shift_left3A_64 : vector<6400x128xi32>
    %shift_right_logical3A_66 = arith.constant 3 : i32
    %shift_right_logical3A_67 = vector.broadcast %shift_right_logical3A_66 : i32 to vector<6400x128xi32>
    %shift_right_logical3A_68 = arith.shrui %xor3A_61, %shift_right_logical3A_67 : vector<6400x128xi32>
    %or3A_69 = arith.ori %shift_left3A_65, %shift_right_logical3A_68 : vector<6400x128xi32>
    %xor3A_70 = arith.xori %add3A_62, %or3A_69 : vector<6400x128xi32>
    %add3A_71 = arith.addi %add3A_62, %xor3A_70 : vector<6400x128xi32>
    %shift_left3A_72 = arith.constant 16 : i32
    %shift_left3A_73 = vector.broadcast %shift_left3A_72 : i32 to vector<6400x128xi32>
    %shift_left3A_74 = arith.shli %xor3A_70, %shift_left3A_73 : vector<6400x128xi32>
    %shift_right_logical3A_75 = arith.constant 16 : i32
    %shift_right_logical3A_76 = vector.broadcast %shift_right_logical3A_75 : i32 to vector<6400x128xi32>
    %shift_right_logical3A_77 = arith.shrui %xor3A_70, %shift_right_logical3A_76 : vector<6400x128xi32>
    %or3A_78 = arith.ori %shift_left3A_74, %shift_right_logical3A_77 : vector<6400x128xi32>
    %xor3A_79 = arith.xori %add3A_71, %or3A_78 : vector<6400x128xi32>
    %add3A_80 = arith.addi %add3A_71, %xor3A_79 : vector<6400x128xi32>
    %shift_left3A_81 = arith.constant 24 : i32
    %shift_left3A_82 = vector.broadcast %shift_left3A_81 : i32 to vector<6400x128xi32>
    %shift_left3A_83 = arith.shli %xor3A_79, %shift_left3A_82 : vector<6400x128xi32>
    %shift_right_logical3A_84 = arith.constant 8 : i32
    %shift_right_logical3A_85 = vector.broadcast %shift_right_logical3A_84 : i32 to vector<6400x128xi32>
    %shift_right_logical3A_86 = arith.shrui %xor3A_79, %shift_right_logical3A_85 : vector<6400x128xi32>
    %or3A_87 = arith.ori %shift_left3A_83, %shift_right_logical3A_86 : vector<6400x128xi32>
    %xor3A_88 = arith.xori %add3A_80, %or3A_87 : vector<6400x128xi32>
    %add3A_89 = arith.constant -1244255485 : i32
    %add3A_90 = vector.broadcast %add3A_89 : i32 to vector<6400x128xi32>
    %add3A_91 = arith.addi %add3A_80, %add3A_90 : vector<6400x128xi32>
    %add3A_92 = arith.constant 64467759 : i32
    %add3A_93 = vector.broadcast %add3A_92 : i32 to vector<6400x128xi32>
    %add3A_94 = arith.addi %xor3A_88, %add3A_93 : vector<6400x128xi32>
    %add3A_95 = arith.addi %add3A_91, %add3A_94 : vector<6400x128xi32>
    %shift_left3A_96 = arith.constant 13 : i32
    %shift_left3A_97 = vector.broadcast %shift_left3A_96 : i32 to vector<6400x128xi32>
    %shift_left3A_98 = arith.shli %add3A_94, %shift_left3A_97 : vector<6400x128xi32>
    %shift_right_logical3A_99 = arith.constant 19 : i32
    %shift_right_logical3A_100 = vector.broadcast %shift_right_logical3A_99 : i32 to vector<6400x128xi32>
    %shift_right_logical3A_101 = arith.shrui %add3A_94, %shift_right_logical3A_100 : vector<6400x128xi32>
    %or3A_102 = arith.ori %shift_left3A_98, %shift_right_logical3A_101 : vector<6400x128xi32>
    %xor3A_103 = arith.xori %add3A_95, %or3A_102 : vector<6400x128xi32>
    %add3A_104 = arith.addi %add3A_95, %xor3A_103 : vector<6400x128xi32>
    %shift_left3A_105 = arith.constant 15 : i32
    %shift_left3A_106 = vector.broadcast %shift_left3A_105 : i32 to vector<6400x128xi32>
    %shift_left3A_107 = arith.shli %xor3A_103, %shift_left3A_106 : vector<6400x128xi32>
    %shift_right_logical3A_108 = arith.constant 17 : i32
    %shift_right_logical3A_109 = vector.broadcast %shift_right_logical3A_108 : i32 to vector<6400x128xi32>
    %shift_right_logical3A_110 = arith.shrui %xor3A_103, %shift_right_logical3A_109 : vector<6400x128xi32>
    %or3A_111 = arith.ori %shift_left3A_107, %shift_right_logical3A_110 : vector<6400x128xi32>
    %xor3A_112 = arith.xori %add3A_104, %or3A_111 : vector<6400x128xi32>
    %add3A_113 = arith.addi %add3A_104, %xor3A_112 : vector<6400x128xi32>
    %shift_left3A_114 = arith.constant 26 : i32
    %shift_left3A_115 = vector.broadcast %shift_left3A_114 : i32 to vector<6400x128xi32>
    %shift_left3A_116 = arith.shli %xor3A_112, %shift_left3A_115 : vector<6400x128xi32>
    %shift_right_logical3A_117 = arith.constant 6 : i32
    %shift_right_logical3A_118 = vector.broadcast %shift_right_logical3A_117 : i32 to vector<6400x128xi32>
    %shift_right_logical3A_119 = arith.shrui %xor3A_112, %shift_right_logical3A_118 : vector<6400x128xi32>
    %or3A_120 = arith.ori %shift_left3A_116, %shift_right_logical3A_119 : vector<6400x128xi32>
    %xor3A_121 = arith.xori %add3A_113, %or3A_120 : vector<6400x128xi32>
    %add3A_122 = arith.addi %add3A_113, %xor3A_121 : vector<6400x128xi32>
    %shift_left3A_123 = arith.constant 6 : i32
    %shift_left3A_124 = vector.broadcast %shift_left3A_123 : i32 to vector<6400x128xi32>
    %shift_left3A_125 = arith.shli %xor3A_121, %shift_left3A_124 : vector<6400x128xi32>
    %shift_right_logical3A_126 = arith.constant 26 : i32
    %shift_right_logical3A_127 = vector.broadcast %shift_right_logical3A_126 : i32 to vector<6400x128xi32>
    %shift_right_logical3A_128 = arith.shrui %xor3A_121, %shift_right_logical3A_127 : vector<6400x128xi32>
    %or3A_129 = arith.ori %shift_left3A_125, %shift_right_logical3A_128 : vector<6400x128xi32>
    %xor3A_130 = arith.xori %add3A_122, %or3A_129 : vector<6400x128xi32>
    %add3A_131 = arith.constant 64467757 : i32
    %add3A_132 = vector.broadcast %add3A_131 : i32 to vector<6400x128xi32>
    %add3A_133 = arith.addi %add3A_122, %add3A_132 : vector<6400x128xi32>
    %add3A_134 = arith.constant -1378843657 : i32
    %add3A_135 = vector.broadcast %add3A_134 : i32 to vector<6400x128xi32>
    %add3A_136 = arith.addi %xor3A_130, %add3A_135 : vector<6400x128xi32>
    %add3A_137 = arith.addi %add3A_133, %add3A_136 : vector<6400x128xi32>
    %shift_left3A_138 = arith.constant 17 : i32
    %shift_left3A_139 = vector.broadcast %shift_left3A_138 : i32 to vector<6400x128xi32>
    %shift_left3A_140 = arith.shli %add3A_136, %shift_left3A_139 : vector<6400x128xi32>
    %shift_right_logical3A_141 = arith.constant 15 : i32
    %shift_right_logical3A_142 = vector.broadcast %shift_right_logical3A_141 : i32 to vector<6400x128xi32>
    %shift_right_logical3A_143 = arith.shrui %add3A_136, %shift_right_logical3A_142 : vector<6400x128xi32>
    %or3A_144 = arith.ori %shift_left3A_140, %shift_right_logical3A_143 : vector<6400x128xi32>
    %xor3A_145 = arith.xori %add3A_137, %or3A_144 : vector<6400x128xi32>
    %add3A_146 = arith.addi %add3A_137, %xor3A_145 : vector<6400x128xi32>
    %shift_left3A_147 = arith.constant 29 : i32
    %shift_left3A_148 = vector.broadcast %shift_left3A_147 : i32 to vector<6400x128xi32>
    %shift_left3A_149 = arith.shli %xor3A_145, %shift_left3A_148 : vector<6400x128xi32>
    %shift_right_logical3A_150 = arith.constant 3 : i32
    %shift_right_logical3A_151 = vector.broadcast %shift_right_logical3A_150 : i32 to vector<6400x128xi32>
    %shift_right_logical3A_152 = arith.shrui %xor3A_145, %shift_right_logical3A_151 : vector<6400x128xi32>
    %or3A_153 = arith.ori %shift_left3A_149, %shift_right_logical3A_152 : vector<6400x128xi32>
    %xor3A_154 = arith.xori %add3A_146, %or3A_153 : vector<6400x128xi32>
    %add3A_155 = arith.addi %add3A_146, %xor3A_154 : vector<6400x128xi32>
    %shift_left3A_156 = arith.constant 16 : i32
    %shift_left3A_157 = vector.broadcast %shift_left3A_156 : i32 to vector<6400x128xi32>
    %shift_left3A_158 = arith.shli %xor3A_154, %shift_left3A_157 : vector<6400x128xi32>
    %shift_right_logical3A_159 = arith.constant 16 : i32
    %shift_right_logical3A_160 = vector.broadcast %shift_right_logical3A_159 : i32 to vector<6400x128xi32>
    %shift_right_logical3A_161 = arith.shrui %xor3A_154, %shift_right_logical3A_160 : vector<6400x128xi32>
    %or3A_162 = arith.ori %shift_left3A_158, %shift_right_logical3A_161 : vector<6400x128xi32>
    %xor3A_163 = arith.xori %add3A_155, %or3A_162 : vector<6400x128xi32>
    %add3A_164 = arith.addi %add3A_155, %xor3A_163 : vector<6400x128xi32>
    %shift_left3A_165 = arith.constant 24 : i32
    %shift_left3A_166 = vector.broadcast %shift_left3A_165 : i32 to vector<6400x128xi32>
    %shift_left3A_167 = arith.shli %xor3A_163, %shift_left3A_166 : vector<6400x128xi32>
    %shift_right_logical3A_168 = arith.constant 8 : i32
    %shift_right_logical3A_169 = vector.broadcast %shift_right_logical3A_168 : i32 to vector<6400x128xi32>
    %shift_right_logical3A_170 = arith.shrui %xor3A_163, %shift_right_logical3A_169 : vector<6400x128xi32>
    %or3A_171 = arith.ori %shift_left3A_167, %shift_right_logical3A_170 : vector<6400x128xi32>
    %xor3A_172 = arith.xori %add3A_164, %or3A_171 : vector<6400x128xi32>
    %add3A_173 = arith.constant -1378843660 : i32
    %add3A_174 = vector.broadcast %add3A_173 : i32 to vector<6400x128xi32>
    %add3A_175 = arith.addi %add3A_164, %add3A_174 : vector<6400x128xi32>
    %add3A_176 = arith.constant -1244255481 : i32
    %add3A_177 = vector.broadcast %add3A_176 : i32 to vector<6400x128xi32>
    %add3A_178 = arith.addi %xor3A_172, %add3A_177 : vector<6400x128xi32>
    %add3A_179 = arith.addi %add3A_175, %add3A_178 : vector<6400x128xi32>
    %shift_left3A_180 = arith.constant 13 : i32
    %shift_left3A_181 = vector.broadcast %shift_left3A_180 : i32 to vector<6400x128xi32>
    %shift_left3A_182 = arith.shli %add3A_178, %shift_left3A_181 : vector<6400x128xi32>
    %shift_right_logical3A_183 = arith.constant 19 : i32
    %shift_right_logical3A_184 = vector.broadcast %shift_right_logical3A_183 : i32 to vector<6400x128xi32>
    %shift_right_logical3A_185 = arith.shrui %add3A_178, %shift_right_logical3A_184 : vector<6400x128xi32>
    %or3A_186 = arith.ori %shift_left3A_182, %shift_right_logical3A_185 : vector<6400x128xi32>
    %xor3A_187 = arith.xori %add3A_179, %or3A_186 : vector<6400x128xi32>
    %add3A_188 = arith.addi %add3A_179, %xor3A_187 : vector<6400x128xi32>
    %shift_left3A_189 = arith.constant 15 : i32
    %shift_left3A_190 = vector.broadcast %shift_left3A_189 : i32 to vector<6400x128xi32>
    %shift_left3A_191 = arith.shli %xor3A_187, %shift_left3A_190 : vector<6400x128xi32>
    %shift_right_logical3A_192 = arith.constant 17 : i32
    %shift_right_logical3A_193 = vector.broadcast %shift_right_logical3A_192 : i32 to vector<6400x128xi32>
    %shift_right_logical3A_194 = arith.shrui %xor3A_187, %shift_right_logical3A_193 : vector<6400x128xi32>
    %or3A_195 = arith.ori %shift_left3A_191, %shift_right_logical3A_194 : vector<6400x128xi32>
    %xor3A_196 = arith.xori %add3A_188, %or3A_195 : vector<6400x128xi32>
    %add3A_197 = arith.addi %add3A_188, %xor3A_196 : vector<6400x128xi32>
    %shift_left3A_198 = arith.constant 26 : i32
    %shift_left3A_199 = vector.broadcast %shift_left3A_198 : i32 to vector<6400x128xi32>
    %shift_left3A_200 = arith.shli %xor3A_196, %shift_left3A_199 : vector<6400x128xi32>
    %shift_right_logical3A_201 = arith.constant 6 : i32
    %shift_right_logical3A_202 = vector.broadcast %shift_right_logical3A_201 : i32 to vector<6400x128xi32>
    %shift_right_logical3A_203 = arith.shrui %xor3A_196, %shift_right_logical3A_202 : vector<6400x128xi32>
    %or3A_204 = arith.ori %shift_left3A_200, %shift_right_logical3A_203 : vector<6400x128xi32>
    %xor3A_205 = arith.xori %add3A_197, %or3A_204 : vector<6400x128xi32>
    %add3A_206 = arith.addi %add3A_197, %xor3A_205 : vector<6400x128xi32>
    %shift_left3A_207 = arith.constant 6 : i32
    %shift_left3A_208 = vector.broadcast %shift_left3A_207 : i32 to vector<6400x128xi32>
    %shift_left3A_209 = arith.shli %xor3A_205, %shift_left3A_208 : vector<6400x128xi32>
    %shift_right_logical3A_210 = arith.constant 26 : i32
    %shift_right_logical3A_211 = vector.broadcast %shift_right_logical3A_210 : i32 to vector<6400x128xi32>
    %shift_right_logical3A_212 = arith.shrui %xor3A_205, %shift_right_logical3A_211 : vector<6400x128xi32>
    %or3A_213 = arith.ori %shift_left3A_209, %shift_right_logical3A_212 : vector<6400x128xi32>
    %xor3A_214 = arith.xori %add3A_206, %or3A_213 : vector<6400x128xi32>
    %add3A_215 = arith.constant -1244255485 : i32
    %add3A_216 = vector.broadcast %add3A_215 : i32 to vector<6400x128xi32>
    %add3A_217 = arith.addi %add3A_206, %add3A_216 : vector<6400x128xi32>
    %add3A_218 = arith.constant 64467762 : i32
    %add3A_219 = vector.broadcast %add3A_218 : i32 to vector<6400x128xi32>
    %add3A_220 = arith.addi %xor3A_214, %add3A_219 : vector<6400x128xi32>
    %xor3A_221 = arith.xori %add3A_217, %add3A_220 : vector<6400x128xi32>
    %shift_right_logical3A_222 = arith.constant 9 : i32
    %shift_right_logical3A_223 = vector.broadcast %shift_right_logical3A_222 : i32 to vector<6400x128xi32>
    %shift_right_logical3A_224 = arith.shrui %xor3A_221, %shift_right_logical3A_223 : vector<6400x128xi32>
    %or3A_225 = arith.constant 1065353216 : i32
    %or3A_226 = vector.broadcast %or3A_225 : i32 to vector<6400x128xi32>
    %or3A_227 = arith.ori %shift_right_logical3A_224, %or3A_226 : vector<6400x128xi32>
    %bitcast_convert_type3A = tpu.bitcast %or3A_227 : vector<6400x128xi32> -> vector<6400x128xf32>
    %sub3A = arith.constant 1.000000e+00 : f32
    %sub3A_228 = vector.broadcast %sub3A : f32 to vector<6400x128xf32>
    %sub3A_229 = arith.subf %bitcast_convert_type3A, %sub3A_228 : vector<6400x128xf32>
    %sub3A_230 = arith.constant 1.000000e+00 : f32
    %sub3A_231 = arith.constant -0.99999994 : f32
    %sub3A_232 = arith.subf %sub3A_230, %sub3A_231 : f32
    %mul3A_233 = vector.broadcast %sub3A_232 : f32 to vector<6400x128xf32>
    %mul3A_234 = arith.mulf %sub3A_229, %mul3A_233 : vector<6400x128xf32>
    %add3A_235 = arith.constant -0.99999994 : f32
    %add3A_236 = vector.broadcast %add3A_235 : f32 to vector<6400x128xf32>
    %add3A_237 = arith.addf %mul3A_234, %add3A_236 : vector<6400x128xf32>
    %max3A = arith.constant -0.99999994 : f32
    %max3A_238 = vector.broadcast %max3A : f32 to vector<6400x128xf32>
    %max3A_239 = arith.maximumf %max3A_238, %add3A_237 : vector<6400x128xf32>
    %neg3A = arith.constant 0.000000e+00 : f32
    %neg3A_240 = vector.broadcast %neg3A : f32 to vector<6400x128xf32>
    %neg3A_241 = arith.subf %neg3A_240, %max3A_239 : vector<6400x128xf32>
    %mul3A_242 = arith.mulf %neg3A_241, %max3A_239 : vector<6400x128xf32>
    %log1p3A = math.log1p %mul3A_242 : vector<6400x128xf32>
    %neg3A_243 = arith.constant 0.000000e+00 : f32
    %neg3A_244 = vector.broadcast %neg3A_243 : f32 to vector<6400x128xf32>
    %neg3A_245 = arith.subf %neg3A_244, %log1p3A : vector<6400x128xf32>
    %sub3A_246 = arith.constant 2.500000e+00 : f32
    %sub3A_247 = vector.broadcast %sub3A_246 : f32 to vector<6400x128xf32>
    %sub3A_248 = arith.subf %neg3A_245, %sub3A_247 : vector<6400x128xf32>
    %mul3A_249 = arith.constant 2.81022636E-8 : f32
    %mul3A_250 = vector.broadcast %mul3A_249 : f32 to vector<6400x128xf32>
    %mul3A_251 = arith.mulf %mul3A_250, %sub3A_248 : vector<6400x128xf32>
    %add3A_252 = arith.constant 3.43273939E-7 : f32
    %add3A_253 = vector.broadcast %add3A_252 : f32 to vector<6400x128xf32>
    %add3A_254 = arith.addf %add3A_253, %mul3A_251 : vector<6400x128xf32>
    %mul3A_255 = arith.mulf %add3A_254, %sub3A_248 : vector<6400x128xf32>
    %add3A_256 = arith.constant -3.5233877E-6 : f32
    %add3A_257 = vector.broadcast %add3A_256 : f32 to vector<6400x128xf32>
    %add3A_258 = arith.addf %add3A_257, %mul3A_255 : vector<6400x128xf32>
    %mul3A_259 = arith.mulf %add3A_258, %sub3A_248 : vector<6400x128xf32>
    %add3A_260 = arith.constant -4.39150654E-6 : f32
    %add3A_261 = vector.broadcast %add3A_260 : f32 to vector<6400x128xf32>
    %add3A_262 = arith.addf %add3A_261, %mul3A_259 : vector<6400x128xf32>
    %mul3A_263 = arith.mulf %add3A_262, %sub3A_248 : vector<6400x128xf32>
    %add3A_264 = arith.constant 2.1858087E-4 : f32
    %add3A_265 = vector.broadcast %add3A_264 : f32 to vector<6400x128xf32>
    %add3A_266 = arith.addf %add3A_265, %mul3A_263 : vector<6400x128xf32>
    %mul3A_267 = arith.mulf %add3A_266, %sub3A_248 : vector<6400x128xf32>
    %add3A_268 = arith.constant -0.00125372503 : f32
    %add3A_269 = vector.broadcast %add3A_268 : f32 to vector<6400x128xf32>
    %add3A_270 = arith.addf %add3A_269, %mul3A_267 : vector<6400x128xf32>
    %mul3A_271 = arith.mulf %add3A_270, %sub3A_248 : vector<6400x128xf32>
    %add3A_272 = arith.constant -0.00417768164 : f32
    %add3A_273 = vector.broadcast %add3A_272 : f32 to vector<6400x128xf32>
    %add3A_274 = arith.addf %add3A_273, %mul3A_271 : vector<6400x128xf32>
    %mul3A_275 = arith.mulf %add3A_274, %sub3A_248 : vector<6400x128xf32>
    %add3A_276 = arith.constant 0.246640727 : f32
    %add3A_277 = vector.broadcast %add3A_276 : f32 to vector<6400x128xf32>
    %add3A_278 = arith.addf %add3A_277, %mul3A_275 : vector<6400x128xf32>
    %mul3A_279 = arith.mulf %add3A_278, %sub3A_248 : vector<6400x128xf32>
    %add3A_280 = arith.constant 1.50140941 : f32
    %add3A_281 = vector.broadcast %add3A_280 : f32 to vector<6400x128xf32>
    %add3A_282 = arith.addf %add3A_281, %mul3A_279 : vector<6400x128xf32>
    %sqrt3A = math.sqrt %neg3A_245 : vector<6400x128xf32>
    %sub3A_283 = arith.constant 3.000000e+00 : f32
    %sub3A_284 = vector.broadcast %sub3A_283 : f32 to vector<6400x128xf32>
    %sub3A_285 = arith.subf %sqrt3A, %sub3A_284 : vector<6400x128xf32>
    %mul3A_286 = arith.constant -2.00214257E-4 : f32
    %mul3A_287 = vector.broadcast %mul3A_286 : f32 to vector<6400x128xf32>
    %mul3A_288 = arith.mulf %mul3A_287, %sub3A_285 : vector<6400x128xf32>
    %add3A_289 = arith.constant 1.00950558E-4 : f32
    %add3A_290 = vector.broadcast %add3A_289 : f32 to vector<6400x128xf32>
    %add3A_291 = arith.addf %add3A_290, %mul3A_288 : vector<6400x128xf32>
    %mul3A_292 = arith.mulf %add3A_291, %sub3A_285 : vector<6400x128xf32>
    %add3A_293 = arith.constant 0.00134934322 : f32
    %add3A_294 = vector.broadcast %add3A_293 : f32 to vector<6400x128xf32>
    %add3A_295 = arith.addf %add3A_294, %mul3A_292 : vector<6400x128xf32>
    %mul3A_296 = arith.mulf %add3A_295, %sub3A_285 : vector<6400x128xf32>
    %add3A_297 = arith.constant -0.00367342844 : f32
    %add3A_298 = vector.broadcast %add3A_297 : f32 to vector<6400x128xf32>
    %add3A_299 = arith.addf %add3A_298, %mul3A_296 : vector<6400x128xf32>
    %mul3A_300 = arith.mulf %add3A_299, %sub3A_285 : vector<6400x128xf32>
    %add3A_301 = arith.constant 0.00573950773 : f32
    %add3A_302 = vector.broadcast %add3A_301 : f32 to vector<6400x128xf32>
    %add3A_303 = arith.addf %add3A_302, %mul3A_300 : vector<6400x128xf32>
    %mul3A_304 = arith.mulf %add3A_303, %sub3A_285 : vector<6400x128xf32>
    %add3A_305 = arith.constant -0.0076224613 : f32
    %add3A_306 = vector.broadcast %add3A_305 : f32 to vector<6400x128xf32>
    %add3A_307 = arith.addf %add3A_306, %mul3A_304 : vector<6400x128xf32>
    %mul3A_308 = arith.mulf %add3A_307, %sub3A_285 : vector<6400x128xf32>
    %add3A_309 = arith.constant 0.00943887047 : f32
    %add3A_310 = vector.broadcast %add3A_309 : f32 to vector<6400x128xf32>
    %add3A_311 = arith.addf %add3A_310, %mul3A_308 : vector<6400x128xf32>
    %mul3A_312 = arith.mulf %add3A_311, %sub3A_285 : vector<6400x128xf32>
    %add3A_313 = arith.constant 1.00167406 : f32
    %add3A_314 = vector.broadcast %add3A_313 : f32 to vector<6400x128xf32>
    %add3A_315 = arith.addf %add3A_314, %mul3A_312 : vector<6400x128xf32>
    %mul3A_316 = arith.mulf %add3A_315, %sub3A_285 : vector<6400x128xf32>
    %add3A_317 = arith.constant 2.83297682 : f32
    %add3A_318 = vector.broadcast %add3A_317 : f32 to vector<6400x128xf32>
    %add3A_319 = arith.addf %add3A_318, %mul3A_316 : vector<6400x128xf32>
    %lt3A = arith.constant 5.000000e+00 : f32
    %lt3A_320 = vector.broadcast %lt3A : f32 to vector<6400x128xf32>
    %lt3A_321 = arith.cmpf olt, %neg3A_245, %lt3A_320 : vector<6400x128xf32>
    %select_n3A = arith.select %lt3A_321, %add3A_282, %add3A_319 : vector<6400x128xi1>, vector<6400x128xf32>
    %mul3A_322 = arith.constant 1.41421354 : f32
    %mul3A_323 = vector.broadcast %mul3A_322 : f32 to vector<6400x128xf32>
    %mul3A_324 = arith.mulf %mul3A_323, %select_n3A : vector<6400x128xf32>
    %mul3A_325 = arith.mulf %mul3A_324, %max3A_239 : vector<6400x128xf32>
    %get3A = arith.constant 0 : index
    %get3A_326 = arith.constant 0 : index
    %get3A_327 = vector.load %arg1[%get3A, %get3A_326] : memref<2x128xf32, #tpu.memory_space<vmem>>, vector<1x128xf32>
    %get3A_328 = arith.constant 1 : index
    %get3A_329 = arith.constant 0 : index
    %get3A_330 = vector.load %arg1[%get3A_328, %get3A_329] : memref<2x128xf32, #tpu.memory_space<vmem>>, vector<1x128xf32>
    %mul3A_331 = vector.broadcast %get3A_330 : vector<1x128xf32> to vector<6400x128xf32>
    %mul3A_332 = arith.mulf %mul3A_331, %mul3A_325 : vector<6400x128xf32>
    %add3A_333 = vector.broadcast %get3A_327 : vector<1x128xf32> to vector<6400x128xf32>
    %add3A_334 = arith.addf %add3A_333, %mul3A_332 : vector<6400x128xf32>
    %swap3A = arith.constant 0 : index
    %swap3A_335 = arith.constant 0 : index
    %swap3A_336 = vector.load %arg2[%swap3A, %swap3A_335] : memref<6400x128xf32, #tpu.memory_space<vmem>>, vector<6400x128xf32>
    tpu.vector_store %arg2[%swap3A, %swap3A_335], %add3A_334 {strides = array<i32>} : memref<6400x128xf32, #tpu.memory_space<vmem>>, vector<6400x128xf32>,
    return
  }
  func.func @transform_0(%arg0: i32) -> (i32, i32) {
    %c0_i32 = arith.constant 0 : i32
    %c0_i32_0 = arith.constant 0 : i32
    %c0_i32_1 = arith.constant 0 : i32
    return %c0_i32, %c0_i32_0 : i32, i32
  }
  func.func @transform_1(%arg0: i32) -> (i32, i32) {
    %c0_i32 = arith.constant 0 : i32
    %c0_i32_0 = arith.constant 0 : i32
    return %arg0, %c0_i32 : i32, i32
  }
}

module attributes {stable_mosaic.version = 14 : i64} {
  func.func @_mm_softmax_body(%arg0: i32, %arg1: memref<2x400x128xf32, #tpu.memory_space<vmem>>, %arg2: memref<2x400x128xf32, #tpu.memory_space<vmem>>, %arg3: memref<2x400x128xf32, #tpu.memory_space<vmem>>, %arg4: memref<2x400x128xf32, #tpu.memory_space<vmem>>, %arg5: memref<128x128xf32, #tpu.memory_space<vmem>>, %arg6: memref<1x128xf32, #tpu.memory_space<vmem>>, %arg7: memref<400x40xf32, #tpu.memory_space<vmem>>) attributes {dimension_semantics = [#tpu.dimension_semantics<arbitrary>], iteration_bounds = array<i64: 25>, scalar_prefetch = 0 : i64, scratch_operands = 0 : i64, tpu.core_type = #tpu.core_type<tc>, window_params = [{transform_indices = @transform_0, window_bounds = array<i64: 2, 400, 128>}, {transform_indices = @transform_1, window_bounds = array<i64: 2, 400, 128>}, {transform_indices = @transform_2, window_bounds = array<i64: 2, 400, 128>}, {transform_indices = @transform_3, window_bounds = array<i64: 2, 400, 128>}, {pipeline_mode = #tpu.pipeline_mode<synchronous>, transform_indices = @transform_4, window_bounds = array<i64: 128, 128>}, {pipeline_mode = #tpu.pipeline_mode<synchronous>, transform_indices = @transform_5, window_bounds = array<i64: 1, 128>}, {transform_indices = @transform_6, window_bounds = array<i64: 400, 40>}]} {
    %get3A = arith.constant 0 : index
    %get3A_0 = arith.constant 0 : index
    %get3A_1 = arith.constant 0 : index
    %get3A_2 = vector.load %arg1[%get3A, %get3A_0, %get3A_1] : memref<2x400x128xf32, #tpu.memory_space<vmem>>, vector<1x400x128xf32>
    %get3A_3 = vector.shape_cast %get3A_2 : vector<1x400x128xf32> to vector<400x128xf32>
    %get3A_4 = arith.constant 1 : index
    %get3A_5 = arith.constant 0 : index
    %get3A_6 = arith.constant 0 : index
    %get3A_7 = vector.load %arg1[%get3A_4, %get3A_5, %get3A_6] : memref<2x400x128xf32, #tpu.memory_space<vmem>>, vector<1x400x128xf32>
    %get3A_8 = vector.shape_cast %get3A_7 : vector<1x400x128xf32> to vector<400x128xf32>
    %add3A = arith.addf %get3A_3, %get3A_8 : vector<400x128xf32>
    %get3A_9 = arith.constant 0 : index
    %get3A_10 = arith.constant 0 : index
    %get3A_11 = arith.constant 0 : index
    %get3A_12 = vector.load %arg2[%get3A_9, %get3A_10, %get3A_11] : memref<2x400x128xf32, #tpu.memory_space<vmem>>, vector<1x400x128xf32>
    %get3A_13 = vector.shape_cast %get3A_12 : vector<1x400x128xf32> to vector<400x128xf32>
    %add3A_14 = arith.addf %add3A, %get3A_13 : vector<400x128xf32>
    %get3A_15 = arith.constant 1 : index
    %get3A_16 = arith.constant 0 : index
    %get3A_17 = arith.constant 0 : index
    %get3A_18 = vector.load %arg2[%get3A_15, %get3A_16, %get3A_17] : memref<2x400x128xf32, #tpu.memory_space<vmem>>, vector<1x400x128xf32>
    %get3A_19 = vector.shape_cast %get3A_18 : vector<1x400x128xf32> to vector<400x128xf32>
    %add3A_20 = arith.addf %add3A_14, %get3A_19 : vector<400x128xf32>
    %get3A_21 = arith.constant 0 : index
    %get3A_22 = arith.constant 0 : index
    %get3A_23 = arith.constant 0 : index
    %get3A_24 = vector.load %arg3[%get3A_21, %get3A_22, %get3A_23] : memref<2x400x128xf32, #tpu.memory_space<vmem>>, vector<1x400x128xf32>
    %get3A_25 = vector.shape_cast %get3A_24 : vector<1x400x128xf32> to vector<400x128xf32>
    %add3A_26 = arith.addf %add3A_20, %get3A_25 : vector<400x128xf32>
    %get3A_27 = arith.constant 1 : index
    %get3A_28 = arith.constant 0 : index
    %get3A_29 = arith.constant 0 : index
    %get3A_30 = vector.load %arg3[%get3A_27, %get3A_28, %get3A_29] : memref<2x400x128xf32, #tpu.memory_space<vmem>>, vector<1x400x128xf32>
    %get3A_31 = vector.shape_cast %get3A_30 : vector<1x400x128xf32> to vector<400x128xf32>
    %add3A_32 = arith.addf %add3A_26, %get3A_31 : vector<400x128xf32>
    %get3A_33 = arith.constant 0 : index
    %get3A_34 = arith.constant 0 : index
    %get3A_35 = arith.constant 0 : index
    %get3A_36 = vector.load %arg4[%get3A_33, %get3A_34, %get3A_35] : memref<2x400x128xf32, #tpu.memory_space<vmem>>, vector<1x400x128xf32>
    %get3A_37 = vector.shape_cast %get3A_36 : vector<1x400x128xf32> to vector<400x128xf32>
    %add3A_38 = arith.addf %add3A_32, %get3A_37 : vector<400x128xf32>
    %get3A_39 = arith.constant 1 : index
    %get3A_40 = arith.constant 0 : index
    %get3A_41 = arith.constant 0 : index
    %get3A_42 = vector.load %arg4[%get3A_39, %get3A_40, %get3A_41] : memref<2x400x128xf32, #tpu.memory_space<vmem>>, vector<1x400x128xf32>
    %get3A_43 = vector.shape_cast %get3A_42 : vector<1x400x128xf32> to vector<400x128xf32>
    %add3A_44 = arith.addf %add3A_38, %get3A_43 : vector<400x128xf32>
    %get3A_45 = arith.constant 0 : index
    %get3A_46 = arith.constant 0 : index
    %get3A_47 = vector.load %arg5[%get3A_45, %get3A_46] : memref<128x128xf32, #tpu.memory_space<vmem>>, vector<128x128xf32>
    %dot_general3A = arith.constant dense<0.000000e+00> : vector<400x128xf32>
    %dot_general3A_48 = tpu.matmul %add3A_44, %get3A_47, %dot_general3A {dimension_numbers = #tpu.dot_dimension_numbers<[1], [0], [0], [1], [0, 0, 1, 1], [], []>, transpose_lhs_hint = false} : vector<400x128xf32>, vector<128x128xf32>, vector<400x128xf32> -> vector<400x128xf32>
    %get3A_49 = arith.constant 0 : index
    %get3A_50 = arith.constant 0 : index
    %get3A_51 = vector.load %arg6[%get3A_49, %get3A_50] : memref<1x128xf32, #tpu.memory_space<vmem>>, vector<1x128xf32>
    %add3A_52 = vector.broadcast %get3A_51 : vector<1x128xf32> to vector<400x128xf32>
    %add3A_53 = arith.addf %dot_general3A_48, %add3A_52 : vector<400x128xf32>
    %reduce_max3A = arith.constant dense<0xFF800000> : vector<400xf32>
    %reduce_max3A_54 = vector.multi_reduction <maximumf>, %add3A_53, %reduce_max3A [1] : vector<400x128xf32> to vector<400xf32>
    %broadcast_in_dim3A = vector.shape_cast %reduce_max3A_54 : vector<400xf32> to vector<400x1xf32>
    %sub3A = vector.broadcast %broadcast_in_dim3A : vector<400x1xf32> to vector<400x128xf32>
    %sub3A_55 = arith.subf %add3A_53, %sub3A : vector<400x128xf32>
    %exp3A = math.exp %sub3A_55 : vector<400x128xf32>
    %reduce_sum3A = arith.constant dense<0.000000e+00> : vector<400xf32>
    %reduce_sum3A_56 = vector.multi_reduction <add>, %exp3A, %reduce_sum3A [1] : vector<400x128xf32> to vector<400xf32>
    %broadcast_in_dim3A_57 = vector.shape_cast %reduce_sum3A_56 : vector<400xf32> to vector<400x1xf32>
    %div3A = vector.broadcast %broadcast_in_dim3A_57 : vector<400x1xf32> to vector<400x128xf32>
    %div3A_58 = arith.divf %exp3A, %div3A : vector<400x128xf32>
    %slice3A = vector.extract_strided_slice %div3A_58 {offsets = [0, 0], sizes = [400, 40], strides = [1, 1]} : vector<400x128xf32> to vector<400x40xf32>
    %swap3A = arith.constant 0 : index
    %swap3A_59 = arith.constant 0 : index
    %swap3A_60 = vector.load %arg7[%swap3A, %swap3A_59] : memref<400x40xf32, #tpu.memory_space<vmem>>, vector<400x40xf32>
    tpu.vector_store %arg7[%swap3A, %swap3A_59], %slice3A {strides = array<i32>} : memref<400x40xf32, #tpu.memory_space<vmem>>, vector<400x40xf32>,
    return
  }
  func.func @transform_0(%arg0: i32) -> (i32, i32, i32) {
    %c0_i32 = arith.constant 0 : i32
    %c0_i32_0 = arith.constant 0 : i32
    %c0_i32_1 = arith.constant 0 : i32
    return %c0_i32, %arg0, %c0_i32_0 : i32, i32, i32
  }
  func.func @transform_1(%arg0: i32) -> (i32, i32, i32) {
    %c0_i32 = arith.constant 0 : i32
    %c0_i32_0 = arith.constant 0 : i32
    %c0_i32_1 = arith.constant 0 : i32
    return %c0_i32, %arg0, %c0_i32_0 : i32, i32, i32
  }
  func.func @transform_2(%arg0: i32) -> (i32, i32, i32) {
    %c0_i32 = arith.constant 0 : i32
    %c0_i32_0 = arith.constant 0 : i32
    %c0_i32_1 = arith.constant 0 : i32
    return %c0_i32, %arg0, %c0_i32_0 : i32, i32, i32
  }
  func.func @transform_3(%arg0: i32) -> (i32, i32, i32) {
    %c0_i32 = arith.constant 0 : i32
    %c0_i32_0 = arith.constant 0 : i32
    %c0_i32_1 = arith.constant 0 : i32
    return %c0_i32, %arg0, %c0_i32_0 : i32, i32, i32
  }
  func.func @transform_4(%arg0: i32) -> (i32, i32) {
    %c0_i32 = arith.constant 0 : i32
    %c0_i32_0 = arith.constant 0 : i32
    %c0_i32_1 = arith.constant 0 : i32
    return %c0_i32, %c0_i32_0 : i32, i32
  }
  func.func @transform_5(%arg0: i32) -> (i32, i32) {
    %c0_i32 = arith.constant 0 : i32
    %c0_i32_0 = arith.constant 0 : i32
    %c0_i32_1 = arith.constant 0 : i32
    return %c0_i32, %c0_i32_0 : i32, i32
  }
  func.func @transform_6(%arg0: i32) -> (i32, i32) {
    %c0_i32 = arith.constant 0 : i32
    %c0_i32_0 = arith.constant 0 : i32
    return %arg0, %c0_i32 : i32, i32
  }
}

</mosaic_0001>

<sc_bundles>
// kernel: kernel.16.cloned.1.call-start
scs
__scs_entry_jumppad:
0x0: {  	(pc) =	sbr.rel $0x88, $3  }
0x1: {  	(tag) =	ssettag $0x0;
	lr =	simm.s32 $0x1  }
0x2: {  	[smem:$0x3F97] =	sst lr;
	_ =	strace $0xD0000000  }
0x3: {  	_ = 	snop  }
0x4: {  	_ = 	snop  }
0x5: {  	_ = 	snop  }
0x6: {  	_ = 	snop  }
0x7: {  	_ = 	snop  }
__scs_overlays_trampoline_lowered:
0x8: {  	[smem:$0x3FA6] =	sst s0  }
0x9: {  	[smem:$0x3FA7] =	sst s1  }
0xa: {  	[smem:$0x3FA8] =	sst s2  }
0xb: {  	[smem:$0x3FA9] =	sst s3  }
0xc: {  	[smem:$0x3FAA] =	sst s4  }
0xd: {  	[smem:$0x3FAB] =	sst s5  }
0xe: {  	[smem:$0x3FAC] =	sst s6  }
0xf: {  	[smem:$0x3FAD] =	sst s7  }
0x10: {  	[smem:$0x3FAE] =	sst s8  }
0x11: {  	[smem:$0x3FAF] =	sst s9;
	s0 =	simm.s32 @!p0 $0x0  }
0x12: {  	s1 =	sld [smem:$0x3F95];
	s0 =	simm.s32 @p0 $0x1  }
0x13: {  	[smem:$0x3FB0] =	sst s0;
	s0 =	simm.s32 @!p1 $0x0  }
0x14: {  	s2 =	sld [smem:$0x3F94];
	s0 =	simm.s32 @p1 $0x1  }
0x15: {  	[smem:$0x3FB1] =	sst s0;
	s0 =	simm.s32 @!p2 $0x0  }
0x16: {  	s3 =	sld [smem:$0x3FDB];
	s0 =	simm.s32 @p2 $0x1  }
0x17: {  	s4 =	simm.s32 $0x1BF5;
	[smem:$0x3FB3] =	sst s0  }
0x18: {  	s0 =	sld [smem:$0x3F96];
	_ =	swait.ge [sflag:s4], $0x0  }
0x19: {  	s7 =	sld [smem:$0x3F97]  }
0x1a: {  	s8 =	sadd.s32 $0xFFFFE003, lr  }
0x1b: {  	s9 =	sadd.s32 $0xFFFFFEF7, lr;
	s5 =	simm.s32 $0xFFFFFFFF;
	p2 =	slt.u32 s8, $0xFFFFF086  }
0x1c: {  	p1 =	slt.u32 s9, $0xF7A;
	s5 =	simm.s32 @!p2 $0x0  }
0x1d: {  	s5 =	simm.s32 @p1 $0x1;
	p0 =	seq.s32 s7, s2  }
0x1e: {  	s7 =	smul.u32 @!p0 $0xF7A, s2;
	p2 =	seq.s32 @!p0 s5, $0x0  }
0x1f: {  	s9 =	smul.u32 $0xF7A, s1;
	s8 =	simm.s32 @!p0 $0x1BF5;
	p2 =	por !p2, p0  }
0x20: {  	[sflag:s8] =	ssyncset.s32 @!p0 $0xFFFFF086;
	s6 =	sadd.s32 @!p0 s3, s7;
	s7 =	simm.s32 @!p0 $0x108  }
0x21: {  	s3 =	sadd.s32 s3, s9;
	s6 =	sadd.s32 @!p0 $0x88, s6;
	s7 =	simm.s32 @p2 $0x1082  }
0x22: {  	[simem:s7], [sflag:s8] =	dma.local @!p0 [hbm:s6], $0xF7A  }
0x23: {  	s9 =	sor.u32 $0xD0000000, s2;
	s6 =	simm.s32 $0x108;
	_ =	swait.ge @!p0 [sflag:s8], $0x0  }
0x24: {  	s3 =	sadd.s32 $0x88, s3;
	s6 =	simm.s32 @!p1 $0x1082;
	[sflag:s4] =	ssyncset.s32 $0xFFFFF086  }
0x25: {  	[simem:s6], [sflag:s4] =	dma.local [hbm:s3], $0xF7A  }
0x26: {  	[smem:$0x3F97] =	sst s1;
	(tag) =	ssettag s2;
	_ =	strace s9  }
0x27: {  	s1 =	sld [smem:$0x3FA7]  }
0x28: {  	s2 =	sld [smem:$0x3FA8]  }
0x29: {  	s4 =	sld [smem:$0x3FAA]  }
0x2a: {  	p0 =	seq.s32 s5, $0x0;
	s5 =	sld [smem:$0x3FAB]  }
0x2b: {  	s6 =	sld [smem:$0x3FAC]  }
0x2c: {  	s7 =	sld [smem:$0x3FAD]  }
0x2d: {  	s3 =	simm.s32 $0x108;
	s8 =	sld [smem:$0x3FAE]  }
0x2e: {  	s3 =	simm.s32 @!p0 $0x1082;
	s9 =	sld [smem:$0x3FAF]  }
0x2f: {  	lr =	sadd.s32 s0, s3;
	s0 =	sld [smem:$0x3FA6]  }
0x30: {  	s3 =	sld [smem:$0x3FA9]  }
0x31: {  	[smem:$0x3FB2] =	sst s10  }
0x32: {  	s10 =	sld [smem:$0x3FB0];
	_ =	sdelay $0x3  }
0x33: {  	p0 =	seq.s32 s10, $0x1;
	s10 =	sld [smem:$0x3FB2];
	_ =	sdelay $0x3  }
0x34: {  	[smem:$0x3FB2] =	sst s10  }
0x35: {  	s10 =	sld [smem:$0x3FB1];
	_ =	sdelay $0x3  }
0x36: {  	p1 =	seq.s32 s10, $0x1;
	s10 =	sld [smem:$0x3FB2];
	_ =	sdelay $0x3  }
0x37: {  	[smem:$0x3FB2] =	sst s10  }
0x38: {  	s10 =	sld [smem:$0x3FB3]  }
0x39: {  	_ = 	snop;
	(pc) =	sbr.ind lr, $3  }
0x3a: {  	_ = 	snop  }
0x3b: {  	_ = 	snop  }
0x3c: {  	p2 =	seq.s32 s10, $0x1;
	s10 =	sld [smem:$0x3FB2]  }
0x3d: {  	_ =	shalt  }
0x3e: {  	_ =	shalt  }
0x3f: {  	_ =	shalt  }
0x40: {  	_ =	shalt  }
0x41: {  	_ =	shalt  }
0x42: {  	_ =	shalt  }
0x43: {  	_ =	shalt  }
0x44: {  	_ =	shalt  }
0x45: {  	_ =	shalt  }
0x46: {  	_ =	shalt  }
0x47: {  	_ =	shalt  }
0x48: {  	_ =	shalt  }
0x49: {  	_ =	shalt  }
0x4a: {  	_ =	shalt  }
0x4b: {  	_ =	shalt  }
0x4c: {  	_ =	shalt  }
0x4d: {  	_ =	shalt  }
0x4e: {  	_ =	shalt  }
0x4f: {  	_ =	shalt  }
0x50: {  	_ =	shalt  }
0x51: {  	_ =	shalt  }
0x52: {  	_ =	shalt  }
0x53: {  	_ =	shalt  }
0x54: {  	_ =	shalt  }
0x55: {  	_ =	shalt  }
0x56: {  	_ =	shalt  }
0x57: {  	_ =	shalt  }
0x58: {  	_ =	shalt  }
0x59: {  	_ =	shalt  }
0x5a: {  	_ =	shalt  }
0x5b: {  	_ =	shalt  }
0x5c: {  	_ =	shalt  }
0x5d: {  	_ =	shalt  }
0x5e: {  	_ =	shalt  }
0x5f: {  	_ =	shalt  }
0x60: {  	_ =	shalt  }
0x61: {  	_ =	shalt  }
0x62: {  	_ =	shalt  }
0x63: {  	_ =	shalt  }
0x64: {  	_ =	shalt  }
0x65: {  	_ =	shalt  }
0x66: {  	_ =	shalt  }
0x67: {  	_ =	shalt  }
0x68: {  	_ =	shalt  }
0x69: {  	_ =	shalt  }
0x6a: {  	_ =	shalt  }
0x6b: {  	_ =	shalt  }
0x6c: {  	_ =	shalt  }
0x6d: {  	_ =	shalt  }
0x6e: {  	_ =	shalt  }
0x6f: {  	_ =	shalt  }
0x70: {  	_ =	shalt  }
0x71: {  	_ =	shalt  }
0x72: {  	_ =	shalt  }
0x73: {  	_ =	shalt  }
0x74: {  	_ =	shalt  }
0x75: {  	_ =	shalt  }
0x76: {  	_ =	shalt  }
0x77: {  	_ =	shalt  }
0x78: {  	_ =	shalt  }
0x79: {  	_ =	shalt  }
0x7a: {  	_ =	shalt  }
0x7b: {  	_ =	shalt  }
0x7c: {  	_ =	shalt  }
0x7d: {  	_ =	shalt  }
0x7e: {  	_ =	shalt  }
0x7f: {  	_ =	shalt  }
0x80: {  	_ =	shalt  }
0x81: {  	_ =	shalt  }
0x82: {  	_ =	shalt  }
0x83: {  	_ =	shalt  }
0x84: {  	_ =	shalt  }
0x85: {  	_ =	shalt  }
0x86: {  	_ =	shalt  }
0x87: {  	_ =	shalt  }
.Lfunc_end0:
.L_simem_size_0:
called_computation_lowered:
.L_overlay_start_0:
0x88: {  	s2 =	sld [smem:$0x3FD9]  }
0x89: {  	s3 =	sld [smem:$0x3FFE];
	_ =	sdelay $0x1  }
0x8a: {  	s1 =	srdreg.scid  }
0x8b: {  	s0 =	sand.u32 $0x1, s1  }
0x8c: {  	s17 =	sshll.u32 s0, $0xA;
	s2 =	sadd.s32 s3, s2  }
0x8d: {  	s2 =	sadd.s32 s2, s17  }
0x8e: {  	[smem:$0x3FBE] =	sst s2  }
0x8f: {  	_ = 	snop  }
0x90: {  	s2 =	sld [smem:$0x3FC9]  }
0x91: {  	s18 =	sld [smem:$0x3FD0];
	(tm) =	ssettm $0x1  }
0x92: {  	s4 =	sld [smem:$0x3FFB];
	_ =	sdelay $0x3  }
0x93: {  	_ =	strace s4  }
0x94: {  	s4 =	sld [smem:$0x3FFC];
	_ =	sdelay $0x3  }
0x95: {  	_ =	strace s4  }
0x96: {  	s4 =	sld [smem:$0x3FFD];
	_ =	sdelay $0x3  }
0x97: {  	_ =	strace s4  }
0x98: {  	_ =	strace $0x8FFFFFFF  }
0x99: {  	s19 =	sld [smem:$0x3FDB];
	_ =	sdelay $0x1  }
0x9a: {  	s5 =	simm.s32 $_scs_section_size  }
0x9b: {  	s6 =	simm.s32 $_size__tile_overlayer_lowered;
	s7 =	simm.s32 $_tile_overlayer_lowered  }
0x9c: {  	s22 =	simm.s32 $0x1BFF;
	s21 =	sshll.u32 s7, $0x1;
	s4 =	sadd.s32 s5, s19  }
0x9d: {  	s8 =	simm.s32 $0x0;
	s20 =	sshll.u32 s6, $0x1;
	s6 =	sadd.s32 s21, s4  }
0x9e: {  	[timem:s8], [sflag:s22] =	dma.local [hbm:s6], s20  }
0x9f: {  	_ =	swait.ge [sflag:s22], s20  }
0xa0: {  	s5 =	ssub.s32 $0x0, s20;
	[sflag:s22] =	ssyncset.done $0x0  }
0xa1: {  	[sflag:s22] =	ssyncadd.s32 s5;
	_ =	sdelay $0x1  }
0xa2: {  	s23 =	simm.s32 $0x1B8B  }
0xa3: {  	_ =	swait.ge [sflag:s23], $0x1  }
0xa4: {  	[sflag:s23] =	ssyncset.done $0x0  }
0xa5: {  	s25 =	simm.s32 $0x1B8E;
	s24 =	sld [smem:$0x3FFE];
	[sflag:s23] =	ssyncadd.s32 $0xFFFFFFFF  }
0xa6: {  	s26 =	simm.s32 $execute0_lowered;
	[smem:$0x3FD2] =	sst s25  }
0xa7: {  	s6 =	sshll.u32 s26, $0x1;
	_ =	strace $0x80000046;
	[dreg:$0x1] =	wrdreg $0xFFFFFFFF  }
0xa8: {  	s28 =	simm.s32 $_size_execute0_lowered;
	s4 =	sadd.s32 s4, s6;
	[dreg:$0x0] =	wrdreg $0x0  }
0xa9: {  	s6 =	sshll.u32 s28, $0x1;
	[dreg:$0x2] =	wrdreg s4  }
0xaa: {  	[dreg:$0x3] =	wrdreg s6  }
0xab: {  	[dreg:$0x4] =	wrdreg $0xC0  }
0xac: {  	_ =	task [dreg:s8], $0x5FFFF  }
0xad: {  	[dreg:$0x1] =	wrdreg $0xFFFFFFFF  }
0xae: {  	[dreg:$0x0] =	wrdreg $0x60  }
0xaf: {  	[dreg:$0x2] =	wrdreg s2  }
0xb0: {  	[dreg:$0x3] =	wrdreg s24  }
0xb1: {  	[dreg:$0x4] =	wrdreg s18  }
0xb2: {  	[dreg:$0x5] =	wrdreg $0x0  }
0xb3: {  	[dreg:$0x6] =	wrdreg $0x9  }
0xb4: {  	_ =	task.clear_ibuf [dreg:s8], $0x7FFFF;
	_ =	strace $0x90000046  }
0xb5: {  	s29 =	simm.s32 $0x9;
	_ =	strace $0x80000048  }
0xb6: {  	_ =	swait.ge [sflag:s29], $0x1  }
0xb7: {  	[sflag:s29] =	ssyncadd.s32 $0xFFFFFFFF  }
0xb8: {  	_ =	strace $0x90000048  }
0xb9: {  	_ =	sfence  }
0xba: {  	s30 =	sld [smem:$0x0];
	_ =	sdelay $0x2  }
0xbb: {  	s31 =	sshll.u32 s1, $0xD;
	s1 =	sshrl.u32 s1, $0x2  }
0xbc: {  	s3 =	sand.u32 $0x4000, s31;
	s1 =	sadd.s32 s1, s30  }
0xbd: {  	s0 =	sor.u32 s3, s0;
	s1 =	sshll.u32 s1, $0x11  }
0xbe: {  	s0 =	sor.u32 s1, s0  }
0xbf: {  	s0 =	sadd.s32 $0x8F2B, s0  }
0xc0: {  	[sflag:s0] =	ssyncadd.remote.s32 $0x1  }
0xc1: {  	_ =	sfence.sel $0xFFFF  }
0xc2: {  	[dreg:$0x0] =	wrdreg $0xFFFFFFFF;
	(pc) =	sbr.abs _section_cstart, $3  }
0xc3: {  	[dreg:$0x1] =	wrdreg $0xFFFFFFFF  }
0xc4: {  	_ =	task.clear_ibuf [dreg:s8], $0x2FFFF;
	_ =	strace $0x9FFFFFFF  }
0xc5: {  	(tm) =	ssettm $0x7FFFFFFF  }
tec
execute0_lowered:
.L_overlay_start_1:
0x0: {  	(tag) =	ssettag $0x1  }
0x1: {  	s0 =	rddreg [dreg:$0x0]  }
0x2: {  	s8 =	rddreg [dreg:$0x1]  }
0x3: {  	s3 =	rddreg [dreg:$0x2]  }
0x4: {  	s1 =	srdreg.scid;
	s4 =	rddreg [dreg:$0x3]  }
0x5: {  	s2 =	stileid.u32;
	s5 =	simm.s32 $0x0;
	s16 =	simm.s32 $0x19100  }
0x6: {  	s17 =	simm.s32 $0x2;
	s18 =	simm.s32 $0x14000;
	s19 =	simm.s32 $0x50  }
0x7: {  	s20 =	simm.s32 $0x16900;
	s21 =	simm.s32 $0x14100;
	s22 =	simm.s32 $0x14080  }
0x8: {  	s9 =	sand.u32 $0x1, s1;
	s1 =	rddreg [dreg:$0x4];
	s7 =	smul.u32 $0x14000, s2  }
0x9: {  	s23 =	simm.s32 $0x1;
	[smem:$0x7FF] =	sst s5;
	s11 =	smul.u32 $0x50000, s2  }
0xa: {  	s6 =	smul.u32 $0x140000, s9;
	_ =	strace $0x80000047;
	s30 =	ssub.s32 $0x2, s9  }
0xb: {  	s9 =	sshll.u32 s9, $0x4;
	s31 =	sshrl.u32 s30, $0x1;
	s11 =	sshrl.u32 s11, $0x2  }
0xc: {  	s13 =	sor.u32 s2, s9;
	s7 =	sadd.s32 s7, s6;
	s6 =	sadd.s32 $0x1E00, s8  }
0xd: {  	s15 =	ssub.s32 s30, s31;
	s13 =	smul.u32 $0x1900, s13;
	s10 =	sshrl.u32 s7, $0x3  }
0xe: {  	s7 =	sadd.s32 $0xBC00, s8;
	s14 =	sadd.s32 s10, s8;
	s8 =	sadd.s32 s11, s4  }
0xf: {  	s15 =	smax.u32 s15, $0x1;
	s9 =	sadd.s32 $0x4000, s8;
	s10 =	sadd.s32 $0x8000, s8  }
0x10: {  	v0 =	vimm.f32 $0.0e+00;
	s11 =	sadd.s32 $0xC000, s8;
	s12 =	sadd.s32 $0x10000, s8;
	s14 =	sadd.s32 $0x32BC00, s14  }
.LBB2_1:
0x11: {  	s24 =	simm.s32 $0x0;
	s25 =	simm.s32 $0x200  }
.LBB2_2:
0x12: {  	p0 =	sne.s32 s25, $0xFE00;
	[tilespmem:s24+$0x19170] =	vst v0  }
0x13: {  	[tilespmem:s24+$0x19100] =	vst v0  }
0x14: {  	[tilespmem:s24+$0x19110] =	vst v0  }
.Ltmp0:
0x15: {  	[tilespmem:s24+$0x19120] =	vst v0;
	(pc) =	sbr.rel @p0 .LBB2_2-.Ltmp0, $4  }
0x16: {  	[tilespmem:s24+$0x19130] =	vst v0  }
0x17: {  	[tilespmem:s24+$0x19140] =	vst v0  }
0x18: {  	[tilespmem:s24+$0x19150] =	vst v0  }
0x19: {  	[tilespmem:s24+$0x19160] =	vst v0;
	s24 =	sshra.s32 s25, $0x2;
	s25 =	sadd.s32 $0x200, s25  }
0x1a: {  	[tilespmem:s24+$0x19170] =	vst v0  }
0x1b: {  	[tilespmem:s24+$0x19100] =	vst v0  }
0x1c: {  	[tilespmem:s24+$0x19110] =	vst v0  }
0x1d: {  	[tilespmem:s24+$0x19120] =	vst v0  }
0x1e: {  	[tilespmem:s24+$0x19130] =	vst v0  }
0x1f: {  	[tilespmem:s24+$0x19140] =	vst v0  }
0x20: {  	[tilespmem:s24+$0x19150] =	vst v0  }
0x21: {  	[tilespmem:s24+$0x19160] =	vst v0  }
0x22: {  	[spmem:s8] =	stream.linear.scatter [tilespmem:s16], [sflag:$0x2], $0x4000, $0x38;
	[tilespmem:$0x1D100] =	vst v63  }
0x23: {  	_ =	swait.ge [sflag:s17], $0x4000  }
0x24: {  	[sflag:s17] =	ssyncset.done $0x0  }
0x25: {  	[sflag:s17] =	ssyncadd.s32 $0xFFFFC000  }
0x26: {  	[spmem:s9] =	stream.linear.scatter [tilespmem:s16], [sflag:$0x2], $0x4000, $0x38;
	[tilespmem:$0x1D100] =	vst v63  }
0x27: {  	_ =	swait.ge [sflag:s17], $0x4000  }
0x28: {  	[sflag:s17] =	ssyncset.done $0x0  }
0x29: {  	[sflag:s17] =	ssyncadd.s32 $0xFFFFC000  }
0x2a: {  	[spmem:s10] =	stream.linear.scatter [tilespmem:s16], [sflag:$0x2], $0x4000, $0x38;
	[tilespmem:$0x1D100] =	vst v63  }
0x2b: {  	_ =	swait.ge [sflag:s17], $0x4000  }
0x2c: {  	[sflag:s17] =	ssyncset.done $0x0  }
0x2d: {  	[sflag:s17] =	ssyncadd.s32 $0xFFFFC000  }
0x2e: {  	[spmem:s11] =	stream.linear.scatter [tilespmem:s16], [sflag:$0x2], $0x4000, $0x38;
	[tilespmem:$0x1D100] =	vst v63  }
0x2f: {  	_ =	swait.ge [sflag:s17], $0x4000  }
0x30: {  	[sflag:s17] =	ssyncset.done $0x0  }
0x31: {  	[sflag:s17] =	ssyncadd.s32 $0xFFFFC000  }
0x32: {  	[spmem:s12] =	stream.linear.scatter [tilespmem:s16], [sflag:$0x2], $0x4000, $0x38;
	[tilespmem:$0x1D100] =	vst v63  }
0x33: {  	_ =	swait.ge [sflag:s17], $0x4000  }
0x34: {  	[sflag:s17] =	ssyncset.done $0x0  }
0x35: {  	[sflag:s17] =	ssyncadd.s32 $0xFFFFC000  }
0x36: {  	s24 =	simm.s32 $0x0;
	s25 =	simm.s32 $0x0;
	[bflag:$0x0] =	sbarrier.arrive $0xFFFF  }
.LBB2_4:
0x37: {  	s26 =	smul.u32 $0x50, s25;
	_ =	sdelay $0x1  }
0x38: {  	s26 =	sadd.s32 s13, s26  }
0x39: {  	s28 =	sshrl.u32 s26, $0x3  }
0x3a: {  	s29 =	sadd.s32 s6, s28  }
0x3b: {  	[tilespmem:s18], [sflag:$0x2] =	stream.linear.gather [hbm4b:s29+s24], $0x50, $0x38;
	[tilespmem:$0x1D100] =	vst v63  }
0x3c: {  	_ =	swait.ge [sflag:s17], $0x50  }
0x3d: {  	[sflag:s17] =	ssyncset.done $0x0  }
0x3e: {  	s26 =	sshll.u32 s26, $0x4;
	[sflag:s17] =	ssyncadd.s32 $0xFFFFFFB0  }
0x3f: {  	[tilespmem:s20], [sflag:$0x1] =	stream.indirect.gather [hbm4b:s0+s19], $0x80, s18, s19, $0xb8;
	[tilespmem:$0x1D100] =	vst v63  }
0x40: {  	s26 =	sadd.s32 s7, s26  }
0x41: {  	[tilespmem:s21], [sflag:$0x2] =	stream.linear.gather [hbm4b:s26+s24], $0x2800, $0x38;
	[tilespmem:$0x1D100] =	vst v63  }
0x42: {  	_ =	swait.ge [sflag:s17], $0x2800  }
0x43: {  	[sflag:s17] =	ssyncset.done $0x0  }
0x44: {  	s31 =	sadd.s32 s3, s28;
	[sflag:s17] =	ssyncadd.s32 $0xFFFFD800  }
0x45: {  	[tilespmem:s22], [sflag:$0x2] =	stream.linear.gather [hbm4b:s31+s24], $0x50, $0x38;
	[tilespmem:$0x1D100] =	vst v63  }
0x46: {  	_ =	swait.ge [sflag:s17], $0x50  }
0x47: {  	[sflag:s17] =	ssyncset.done $0x0  }
0x48: {  	[sflag:s17] =	ssyncadd.s32 $0xFFFFFFB0  }
0x49: {  	_ =	swait.ge [sflag:s23], $0x2800  }
0x4a: {  	[sflag:s23] =	ssyncset.done $0x0  }
0x4b: {  	s26 =	simm.s32 $0x0;
	[sflag:s23] =	ssyncadd.s32 $0xFFFFD800  }
0x4c: {  	v8 =	vld [tilespmem:s26+$0x14100]  }
0x4d: {  	v12 =	vld [tilespmem:s26+$0x14110]  }
0x4e: {  	v6 =	vld [tilespmem:s26+$0x14120]  }
0x4f: {  	v5 =	vld [tilespmem:s26+$0x14130]  }
0x50: {  	v4 =	vld [tilespmem:s26+$0x14140]  }
0x51: {  	v3 =	vld [tilespmem:s26+$0x14150]  }
0x52: {  	v2 =	vld [tilespmem:s26+$0x14160]  }
0x53: {  	v1 =	vld [tilespmem:s26+$0x14170]  }
0x54: {  	v13 =	vld [tilespmem:s26+$0x16900]  }
0x55: {  	v14 =	vld [tilespmem:s26+$0x16910]  }
0x56: {  	v11 =	vld [tilespmem:s26+$0x16920]  }
0x57: {  	v10 =	vld [tilespmem:s26+$0x16930]  }
0x58: {  	v9 =	vld [tilespmem:s26+$0x16940]  }
0x59: {  	v7 =	vld [tilespmem:s26+$0x16950];
	v13 =	vmul.f32 v8, v13  }
0x5a: {  	s28 =	simm.s32 $0x200;
	v12 =	vmul.f32 v12, v14;
	v8 =	vld [tilespmem:s26+$0x16960]  }
.LBB2_5:
0x5b: {  	s29 =	sshra.s32 s28, $0x2;
	p0 =	sne.s32 s28, $0x9E00;
	[tilespmem:s26+$0x16900] =	vst v13;
	v6 =	vmul.f32 v6, v11;
	v11 =	vld [tilespmem:s26+$0x16970]  }
0x5c: {  	v13 =	vld [tilespmem:s29+$0x14100];
	[tilespmem:s26+$0x16910] =	vst v12;
	v5 =	vmul.f32 v5, v10  }
0x5d: {  	v12 =	vld [tilespmem:s29+$0x14110];
	[tilespmem:s26+$0x16920] =	vst v6;
	v4 =	vmul.f32 v4, v9  }
0x5e: {  	v6 =	vld [tilespmem:s29+$0x14120];
	[tilespmem:s26+$0x16930] =	vst v5;
	v3 =	vmul.f32 v3, v7  }
0x5f: {  	v5 =	vld [tilespmem:s29+$0x14130];
	[tilespmem:s26+$0x16940] =	vst v4;
	v2 =	vmul.f32 v2, v8  }
0x60: {  	v4 =	vld [tilespmem:s29+$0x14140];
	[tilespmem:s26+$0x16950] =	vst v3;
	v1 =	vmul.f32 v1, v11  }
0x61: {  	v3 =	vld [tilespmem:s29+$0x14150];
	[tilespmem:s26+$0x16960] =	vst v2  }
0x62: {  	v2 =	vld [tilespmem:s29+$0x14160];
	[tilespmem:s26+$0x16970] =	vst v1;
	s26 =	smov.u32 s29  }
0x63: {  	v1 =	vld [tilespmem:s26+$0x14170]  }
0x64: {  	v7 =	vld [tilespmem:s26+$0x16900]  }
0x65: {  	v8 =	vld [tilespmem:s26+$0x16910]  }
.Ltmp1:
0x66: {  	v11 =	vld [tilespmem:s26+$0x16920];
	(pc) =	sbr.rel @p0 .LBB2_5-.Ltmp1, $4  }
0x67: {  	v10 =	vld [tilespmem:s26+$0x16930]  }
0x68: {  	v9 =	vld [tilespmem:s26+$0x16940]  }
0x69: {  	v13 =	vmul.f32 v13, v7;
	v7 =	vld [tilespmem:s26+$0x16950]  }
0x6a: {  	s28 =	sadd.s32 $0x200, s28;
	v12 =	vmul.f32 v12, v8;
	v8 =	vld [tilespmem:s26+$0x16960]  }
0x6b: {  	[tilespmem:s26+$0x16900] =	vst v13;
	v6 =	vmul.f32 v6, v11;
	v63 =	vld [tilespmem:s26+$0x16970]  }
0x6c: {  	[tilespmem:s26+$0x16910] =	vst v12;
	v5 =	vmul.f32 v5, v10  }
0x6d: {  	[tilespmem:s26+$0x16920] =	vst v6;
	v4 =	vmul.f32 v4, v9  }
0x6e: {  	[tilespmem:s26+$0x16930] =	vst v5;
	v3 =	vmul.f32 v3, v7  }
0x6f: {  	[tilespmem:s26+$0x16940] =	vst v4;
	v2 =	vmul.f32 v2, v8  }
0x70: {  	s25 =	sadd.s32 $0x1, s25;
	[tilespmem:s26+$0x16950] =	vst v3;
	v1 =	vmul.f32 v1, v63  }
0x71: {  	p0 =	sne.s32 s25, $0x50;
	[tilespmem:s26+$0x16960] =	vst v2  }
.Ltmp2:
0x72: {  	[tilespmem:s26+$0x16970] =	vst v1;
	(pc) =	sbr.rel @p0 .LBB2_4-.Ltmp2, $4  }
0x73: {  	[spmem:s4] =	stream.indirect.scatter.add.f32 [tilespmem:s20], [sflag:$0x2], $0x80, s22, s19, $0xb8;
	[tilespmem:$0x1D100] =	vst v63  }
0x74: {  	_ =	swait.ge [sflag:s17], $0x2800  }
0x75: {  	[sflag:s17] =	ssyncset.done $0x0  }
0x76: {  	[sflag:s17] =	ssyncadd.s32 $0xFFFFD800  }
0x77: {  	s5 =	sadd.s32 $0x1, s5  }
0x78: {  	s24 =	sshll.u32 s2, $0x6;
	[bflag:$0x0] =	sbarrier.arrive $0xFFFF;
	p0 =	sne.s32 s5, s15  }
.Ltmp3:
0x79: {  	s25 =	sshrl.u32 s8, $0x3;
	s24 =	sor.u32 $0x1C02, s24;
	(pc) =	sbr.rel @p0 .LBB2_1-.Ltmp3, $4  }
0x7a: {  	[hbm:s14], [sflag:s24] =	dma.local [spmem:s25], $0x2800  }
0x7b: {  	_ =	swait.ge [sflag:s17], $0x2800  }
0x7c: {  	[sflag:s17] =	ssyncset.done $0x0  }
0x7d: {  	[sflag:s17] =	ssyncadd.s32 $0xFFFFD800  }
0x7e: {  	_ =	sfence.sel $0x180000  }
0x7f: {  	[bflag:$0x0] =	sbarrier.arrive $0xFFFF  }
0x80: {  	p0 =	sne.s32 s2, $0x0;
	_ =	strace $0x90000047  }
0x81: {  	s0 =	sadd.s32 @!p0 $0x100000, s1;
	[bflag:$0x2] =	sbarrier.arrive $0xFFFF  }
0x82: {  	[sflag:s0] =	ssyncadd.tile.s32 @!p0 $0x1;
	_ =	shalt  }
.Lfunc_end2:
_tile_overlayer_lowered:
.L_overlay_start_2:
0x83: {  	(tag) =	ssettag $0x2  }
0x84: {  	s0 =	rddreg [dreg:$0x0];
	s2 =	stileid.u32  }
0x85: {  	s1 =	rddreg [dreg:$0x1];
	p0 =	sne.s32 s2, $0x0  }
0x86: {  	s3 =	rddreg [dreg:$0x2];
	[bflag:$0x3] =	sbarrier.arrive $0xFFFF;
	s2 =	simm.s32 @!p0 $0x1C02  }
0x87: {  	[timem:s3], [sflag:s2] =	dma.local @!p0 [hbm:s0], s1  }
0x88: {  	s0 =	simm.s32 @!p0 $0x2  }
0x89: {  	_ =	swait.ge @!p0 [sflag:s0], s1  }
0x8a: {  	s1 =	ssub.s32 @!p0 $0x0, s1;
	[sflag:s0] =	ssyncset.done @!p0 $0x0  }
0x8b: {  	[sflag:s0] =	ssyncadd.s32 @!p0 s1  }
0x8c: {  	[bflag:$0x3] =	sbarrier.arrive $0xFFFF  }
0x8d: {  	_ =	shalt  }

// kernel: kernel.19.cloned.1.call-start
scs
__scs_entry_jumppad:
0x0: {  	(pc) =	sbr.rel $0x88, $3  }
0x1: {  	(tag) =	ssettag $0x0;
	lr =	simm.s32 $0x1  }
0x2: {  	[smem:$0x3F97] =	sst lr;
	_ =	strace $0xD0000000  }
0x3: {  	_ = 	snop  }
0x4: {  	_ = 	snop  }
0x5: {  	_ = 	snop  }
0x6: {  	_ = 	snop  }
0x7: {  	_ = 	snop  }
__scs_overlays_trampoline_lowered:
0x8: {  	[smem:$0x3FA6] =	sst s0  }
0x9: {  	[smem:$0x3FA7] =	sst s1  }
0xa: {  	[smem:$0x3FA8] =	sst s2  }
0xb: {  	[smem:$0x3FA9] =	sst s3  }
0xc: {  	[smem:$0x3FAA] =	sst s4  }
0xd: {  	[smem:$0x3FAB] =	sst s5  }
0xe: {  	[smem:$0x3FAC] =	sst s6  }
0xf: {  	[smem:$0x3FAD] =	sst s7  }
0x10: {  	[smem:$0x3FAE] =	sst s8  }
0x11: {  	[smem:$0x3FAF] =	sst s9;
	s0 =	simm.s32 @!p0 $0x0  }
0x12: {  	s1 =	sld [smem:$0x3F95];
	s0 =	simm.s32 @p0 $0x1  }
0x13: {  	[smem:$0x3FB0] =	sst s0;
	s0 =	simm.s32 @!p1 $0x0  }
0x14: {  	s2 =	sld [smem:$0x3F94];
	s0 =	simm.s32 @p1 $0x1  }
0x15: {  	[smem:$0x3FB1] =	sst s0;
	s0 =	simm.s32 @!p2 $0x0  }
0x16: {  	s3 =	sld [smem:$0x3FDB];
	s0 =	simm.s32 @p2 $0x1  }
0x17: {  	s4 =	simm.s32 $0x1BF5;
	[smem:$0x3FB3] =	sst s0  }
0x18: {  	s0 =	sld [smem:$0x3F96];
	_ =	swait.ge [sflag:s4], $0x0  }
0x19: {  	s7 =	sld [smem:$0x3F97]  }
0x1a: {  	s8 =	sadd.s32 $0xFFFFE003, lr  }
0x1b: {  	s9 =	sadd.s32 $0xFFFFFEF7, lr;
	s5 =	simm.s32 $0xFFFFFFFF;
	p2 =	slt.u32 s8, $0xFFFFF086  }
0x1c: {  	p1 =	slt.u32 s9, $0xF7A;
	s5 =	simm.s32 @!p2 $0x0  }
0x1d: {  	s5 =	simm.s32 @p1 $0x1;
	p0 =	seq.s32 s7, s2  }
0x1e: {  	s7 =	smul.u32 @!p0 $0xF7A, s2;
	p2 =	seq.s32 @!p0 s5, $0x0  }
0x1f: {  	s9 =	smul.u32 $0xF7A, s1;
	s8 =	simm.s32 @!p0 $0x1BF5;
	p2 =	por !p2, p0  }
0x20: {  	[sflag:s8] =	ssyncset.s32 @!p0 $0xFFFFF086;
	s6 =	sadd.s32 @!p0 s3, s7;
	s7 =	simm.s32 @!p0 $0x108  }
0x21: {  	s3 =	sadd.s32 s3, s9;
	s6 =	sadd.s32 @!p0 $0x88, s6;
	s7 =	simm.s32 @p2 $0x1082  }
0x22: {  	[simem:s7], [sflag:s8] =	dma.local @!p0 [hbm:s6], $0xF7A  }
0x23: {  	s9 =	sor.u32 $0xD0000000, s2;
	s6 =	simm.s32 $0x108;
	_ =	swait.ge @!p0 [sflag:s8], $0x0  }
0x24: {  	s3 =	sadd.s32 $0x88, s3;
	s6 =	simm.s32 @!p1 $0x1082;
	[sflag:s4] =	ssyncset.s32 $0xFFFFF086  }
0x25: {  	[simem:s6], [sflag:s4] =	dma.local [hbm:s3], $0xF7A  }
0x26: {  	[smem:$0x3F97] =	sst s1;
	(tag) =	ssettag s2;
	_ =	strace s9  }
0x27: {  	s1 =	sld [smem:$0x3FA7]  }
0x28: {  	s2 =	sld [smem:$0x3FA8]  }
0x29: {  	s4 =	sld [smem:$0x3FAA]  }
0x2a: {  	p0 =	seq.s32 s5, $0x0;
	s5 =	sld [smem:$0x3FAB]  }
0x2b: {  	s6 =	sld [smem:$0x3FAC]  }
0x2c: {  	s7 =	sld [smem:$0x3FAD]  }
0x2d: {  	s3 =	simm.s32 $0x108;
	s8 =	sld [smem:$0x3FAE]  }
0x2e: {  	s3 =	simm.s32 @!p0 $0x1082;
	s9 =	sld [smem:$0x3FAF]  }
0x2f: {  	lr =	sadd.s32 s0, s3;
	s0 =	sld [smem:$0x3FA6]  }
0x30: {  	s3 =	sld [smem:$0x3FA9]  }
0x31: {  	[smem:$0x3FB2] =	sst s10  }
0x32: {  	s10 =	sld [smem:$0x3FB0];
	_ =	sdelay $0x3  }
0x33: {  	p0 =	seq.s32 s10, $0x1;
	s10 =	sld [smem:$0x3FB2];
	_ =	sdelay $0x3  }
0x34: {  	[smem:$0x3FB2] =	sst s10  }
0x35: {  	s10 =	sld [smem:$0x3FB1];
	_ =	sdelay $0x3  }
0x36: {  	p1 =	seq.s32 s10, $0x1;
	s10 =	sld [smem:$0x3FB2];
	_ =	sdelay $0x3  }
0x37: {  	[smem:$0x3FB2] =	sst s10  }
0x38: {  	s10 =	sld [smem:$0x3FB3]  }
0x39: {  	_ = 	snop;
	(pc) =	sbr.ind lr, $3  }
0x3a: {  	_ = 	snop  }
0x3b: {  	_ = 	snop  }
0x3c: {  	p2 =	seq.s32 s10, $0x1;
	s10 =	sld [smem:$0x3FB2]  }
0x3d: {  	_ =	shalt  }
0x3e: {  	_ =	shalt  }
0x3f: {  	_ =	shalt  }
0x40: {  	_ =	shalt  }
0x41: {  	_ =	shalt  }
0x42: {  	_ =	shalt  }
0x43: {  	_ =	shalt  }
0x44: {  	_ =	shalt  }
0x45: {  	_ =	shalt  }
0x46: {  	_ =	shalt  }
0x47: {  	_ =	shalt  }
0x48: {  	_ =	shalt  }
0x49: {  	_ =	shalt  }
0x4a: {  	_ =	shalt  }
0x4b: {  	_ =	shalt  }
0x4c: {  	_ =	shalt  }
0x4d: {  	_ =	shalt  }
0x4e: {  	_ =	shalt  }
0x4f: {  	_ =	shalt  }
0x50: {  	_ =	shalt  }
0x51: {  	_ =	shalt  }
0x52: {  	_ =	shalt  }
0x53: {  	_ =	shalt  }
0x54: {  	_ =	shalt  }
0x55: {  	_ =	shalt  }
0x56: {  	_ =	shalt  }
0x57: {  	_ =	shalt  }
0x58: {  	_ =	shalt  }
0x59: {  	_ =	shalt  }
0x5a: {  	_ =	shalt  }
0x5b: {  	_ =	shalt  }
0x5c: {  	_ =	shalt  }
0x5d: {  	_ =	shalt  }
0x5e: {  	_ =	shalt  }
0x5f: {  	_ =	shalt  }
0x60: {  	_ =	shalt  }
0x61: {  	_ =	shalt  }
0x62: {  	_ =	shalt  }
0x63: {  	_ =	shalt  }
0x64: {  	_ =	shalt  }
0x65: {  	_ =	shalt  }
0x66: {  	_ =	shalt  }
0x67: {  	_ =	shalt  }
0x68: {  	_ =	shalt  }
0x69: {  	_ =	shalt  }
0x6a: {  	_ =	shalt  }
0x6b: {  	_ =	shalt  }
0x6c: {  	_ =	shalt  }
0x6d: {  	_ =	shalt  }
0x6e: {  	_ =	shalt  }
0x6f: {  	_ =	shalt  }
0x70: {  	_ =	shalt  }
0x71: {  	_ =	shalt  }
0x72: {  	_ =	shalt  }
0x73: {  	_ =	shalt  }
0x74: {  	_ =	shalt  }
0x75: {  	_ =	shalt  }
0x76: {  	_ =	shalt  }
0x77: {  	_ =	shalt  }
0x78: {  	_ =	shalt  }
0x79: {  	_ =	shalt  }
0x7a: {  	_ =	shalt  }
0x7b: {  	_ =	shalt  }
0x7c: {  	_ =	shalt  }
0x7d: {  	_ =	shalt  }
0x7e: {  	_ =	shalt  }
0x7f: {  	_ =	shalt  }
0x80: {  	_ =	shalt  }
0x81: {  	_ =	shalt  }
0x82: {  	_ =	shalt  }
0x83: {  	_ =	shalt  }
0x84: {  	_ =	shalt  }
0x85: {  	_ =	shalt  }
0x86: {  	_ =	shalt  }
0x87: {  	_ =	shalt  }
.Lfunc_end0:
.L_simem_size_0:
called_computation.1_lowered:
.L_overlay_start_0:
0x88: {  	s2 =	sld [smem:$0x3FD9]  }
0x89: {  	s3 =	sld [smem:$0x3FFE];
	_ =	sdelay $0x1  }
0x8a: {  	s1 =	srdreg.scid  }
0x8b: {  	s0 =	sand.u32 $0x1, s1  }
0x8c: {  	s17 =	sshll.u32 s0, $0xA;
	s2 =	sadd.s32 s3, s2  }
0x8d: {  	s2 =	sadd.s32 s2, s17  }
0x8e: {  	[smem:$0x3FBE] =	sst s2  }
0x8f: {  	_ = 	snop  }
0x90: {  	s4 =	sld [smem:$0x3FC9]  }
0x91: {  	s18 =	sld [smem:$0x3FD0];
	(tm) =	ssettm $0x1  }
0x92: {  	s19 =	sld [smem:$0x3FFB];
	_ =	sdelay $0x3  }
0x93: {  	_ =	strace s19  }
0x94: {  	s2 =	sld [smem:$0x3FFC];
	_ =	sdelay $0x3  }
0x95: {  	_ =	strace s2  }
0x96: {  	s2 =	sld [smem:$0x3FFD];
	_ =	sdelay $0x3  }
0x97: {  	_ =	strace s2  }
0x98: {  	_ =	strace $0x8FFFFFFF  }
0x99: {  	s20 =	sld [smem:$0x3FDB];
	_ =	sdelay $0x1  }
0x9a: {  	s5 =	simm.s32 $_scs_section_size  }
0x9b: {  	s6 =	simm.s32 $_size__tile_overlayer_lowered;
	s7 =	simm.s32 $_tile_overlayer_lowered  }
0x9c: {  	s8 =	simm.s32 $0x1BFF;
	s21 =	sshll.u32 s7, $0x1;
	s5 =	sadd.s32 s5, s20  }
0x9d: {  	s22 =	simm.s32 $0x0;
	s6 =	sshll.u32 s6, $0x1;
	s7 =	sadd.s32 s21, s5  }
0x9e: {  	[timem:s22], [sflag:s8] =	dma.local [hbm:s7], s6  }
0x9f: {  	_ =	swait.ge [sflag:s8], s6  }
0xa0: {  	s6 =	ssub.s32 $0x0, s6;
	[sflag:s8] =	ssyncset.done $0x0  }
0xa1: {  	[sflag:s8] =	ssyncadd.s32 s6;
	_ =	sdelay $0x1  }
0xa2: {  	s23 =	simm.s32 $0x1B8B  }
0xa3: {  	_ =	swait.ge [sflag:s23], $0x1  }
0xa4: {  	[sflag:s23] =	ssyncset.done $0x0  }
0xa5: {  	[sflag:s23] =	ssyncadd.s32 $0xFFFFFFFF  }
0xa6: {  	s6 =	sld [smem:$0x0]  }
0xa7: {  	s7 =	sand.u32 $0xFFFFFFFE, s1  }
0xa8: {  	p0 =	sne.s32 s1, s7  }
0xa9: {  	s7 =	sshll.u32 @p0 s7, $0xE  }
0xaa: {  	s7 =	sadd.s32 @p0 $0x11B8D, s7;
	s8 =	sshll.u32 @p0 s6, $0x11  }
0xab: {  	s7 =	sor.u32 @p0 s8, s7  }
0xac: {  	[sflag:s7] =	ssyncadd.remote.s32 @p0 $0x1;
	_ =	sdelay $0x1  }
0xad: {  	s7 =	simm.s32 @p0 $0x1B8D  }
0xae: {  	_ =	swait.eq @p0 [sflag:s7], $0x1  }
0xaf: {  	[sflag:s7] =	ssyncadd.s32 @p0 $0xFFFFFFFF  }
0xb0: {  	s8 =	sshll.u32 @!p0 s1, $0xE  }
0xb1: {  	s8 =	sor.u32 @!p0 $0x4000, s8;
	s7 =	simm.s32 @!p0 $0x1B8D  }
0xb2: {  	s6 =	sshll.u32 @!p0 s6, $0x11;
	s8 =	sadd.s32 @!p0 $0x11B8D, s8;
	_ =	swait.eq @!p0 [sflag:s7], $0x1  }
0xb3: {  	s6 =	sor.u32 @!p0 s6, s8;
	[sflag:s7] =	ssyncadd.s32 @!p0 $0xFFFFFFFF  }
0xb4: {  	s25 =	simm.s32 $0x1B8E;
	s24 =	sld [smem:$0x3FFE];
	[sflag:s6] =	ssyncadd.remote.s32 @!p0 $0x1  }
0xb5: {  	s26 =	simm.s32 $execute0_lowered;
	[smem:$0x3FD2] =	sst s25  }
0xb6: {  	s7 =	sshll.u32 s26, $0x1;
	_ =	strace $0x80000049;
	[dreg:$0x1] =	wrdreg $0xFFFFFFFF  }
0xb7: {  	s28 =	simm.s32 $_size_execute0_lowered;
	s5 =	sadd.s32 s5, s7;
	[dreg:$0x0] =	wrdreg $0x0  }
0xb8: {  	s7 =	sshll.u32 s28, $0x1;
	[dreg:$0x2] =	wrdreg s5  }
0xb9: {  	[dreg:$0x3] =	wrdreg s7  }
0xba: {  	[dreg:$0x4] =	wrdreg $0xC0  }
0xbb: {  	_ =	task [dreg:s22], $0x5FFFF  }
0xbc: {  	[dreg:$0x1] =	wrdreg $0xFFFFFFFF  }
0xbd: {  	[dreg:$0x0] =	wrdreg $0x60  }
0xbe: {  	[dreg:$0x2] =	wrdreg s4  }
0xbf: {  	[dreg:$0x3] =	wrdreg s24  }
0xc0: {  	[dreg:$0x4] =	wrdreg s18  }
0xc1: {  	[dreg:$0x5] =	wrdreg $0x0  }
0xc2: {  	[dreg:$0x6] =	wrdreg $0xA  }
0xc3: {  	_ =	task.clear_ibuf [dreg:s22], $0x7FFFF;
	_ =	strace $0x90000049  }
0xc4: {  	s29 =	simm.s32 $0xA;
	_ =	strace $0x8000004B  }
0xc5: {  	_ =	swait.ge [sflag:s29], $0x1  }
0xc6: {  	[sflag:s29] =	ssyncadd.s32 $0xFFFFFFFF  }
0xc7: {  	_ =	strace $0x9000004B  }
0xc8: {  	_ =	sfence  }
0xc9: {  	s30 =	sld [smem:$0x0];
	_ =	sdelay $0x2  }
0xca: {  	s31 =	sshll.u32 s1, $0xD;
	s1 =	sshrl.u32 s1, $0x2  }
0xcb: {  	s4 =	sand.u32 $0x4000, s31;
	s1 =	sadd.s32 s1, s30  }
0xcc: {  	s0 =	sor.u32 s4, s0;
	s1 =	sshll.u32 s1, $0x11  }
0xcd: {  	s0 =	sor.u32 s1, s0  }
0xce: {  	s0 =	sadd.s32 $0x8F2B, s0  }
0xcf: {  	[sflag:s0] =	ssyncadd.remote.s32 $0x1  }
0xd0: {  	_ =	sfence.sel $0xFFFF  }
0xd1: {  	[dreg:$0x0] =	wrdreg $0xFFFFFFFF;
	(pc) =	sbr.abs _section_cstart, $3  }
0xd2: {  	[dreg:$0x1] =	wrdreg $0xFFFFFFFF  }
0xd3: {  	_ =	task.clear_ibuf [dreg:s22], $0x2FFFF;
	_ =	strace $0x9FFFFFFF  }
0xd4: {  	(tm) =	ssettm $0x7FFFFFFF  }
0xd5: {  	_ =	shalt  }
tec
execute0_lowered:
.L_overlay_start_1:
0x0: {  	(tag) =	ssettag $0x1  }
0x1: {  	s0 =	rddreg [dreg:$0x0]  }
0x2: {  	s8 =	rddreg [dreg:$0x1]  }
0x3: {  	s3 =	rddreg [dreg:$0x2]  }
0x4: {  	s1 =	srdreg.scid;
	s4 =	rddreg [dreg:$0x3]  }
0x5: {  	s2 =	stileid.u32;
	s5 =	simm.s32 $0x0;
	s16 =	simm.s32 $0x1B900  }
0x6: {  	s17 =	simm.s32 $0x2;
	s18 =	simm.s32 $0x14000;
	s19 =	simm.s32 $0x78  }
0x7: {  	s20 =	simm.s32 $0x17D00;
	s21 =	simm.s32 $0x14100;
	s22 =	simm.s32 $0x14080  }
0x8: {  	s9 =	sand.u32 $0x1, s1;
	s1 =	rddreg [dreg:$0x4];
	s7 =	smul.u32 $0x14000, s2  }
0x9: {  	s23 =	simm.s32 $0x1;
	[smem:$0x7FF] =	sst s5;
	s11 =	smul.u32 $0x50000, s2  }
0xa: {  	s6 =	smul.u32 $0x140000, s9;
	_ =	strace $0x8000004A;
	s30 =	ssub.s32 $0x2, s9  }
0xb: {  	s9 =	sshll.u32 s9, $0x4;
	s31 =	sshrl.u32 s30, $0x1;
	s11 =	sshrl.u32 s11, $0x2  }
0xc: {  	s13 =	sor.u32 s2, s9;
	s7 =	sadd.s32 s7, s6;
	s6 =	sadd.s32 $0x1E00, s8  }
0xd: {  	s15 =	ssub.s32 s30, s31;
	s13 =	smul.u32 $0xE10, s13;
	s10 =	sshrl.u32 s7, $0x3  }
0xe: {  	s7 =	sadd.s32 $0x37BC00, s8;
	s14 =	sadd.s32 s10, s8;
	s8 =	sadd.s32 s11, s4  }
0xf: {  	s15 =	smax.u32 s15, $0x1;
	s9 =	sadd.s32 $0x4000, s8;
	s10 =	sadd.s32 $0x8000, s8  }
0x10: {  	v0 =	vimm.f32 $0.0e+00;
	s11 =	sadd.s32 $0xC000, s8;
	s12 =	sadd.s32 $0x10000, s8;
	s14 =	sadd.s32 $0x53DC00, s14  }
.LBB2_1:
0x11: {  	s24 =	simm.s32 $0x0;
	s25 =	simm.s32 $0x200  }
.LBB2_2:
0x12: {  	p0 =	sne.s32 s25, $0xFE00;
	[tilespmem:s24+$0x1B970] =	vst v0  }
0x13: {  	[tilespmem:s24+$0x1B900] =	vst v0  }
0x14: {  	[tilespmem:s24+$0x1B910] =	vst v0  }
.Ltmp0:
0x15: {  	[tilespmem:s24+$0x1B920] =	vst v0;
	(pc) =	sbr.rel @p0 .LBB2_2-.Ltmp0, $4  }
0x16: {  	[tilespmem:s24+$0x1B930] =	vst v0  }
0x17: {  	[tilespmem:s24+$0x1B940] =	vst v0  }
0x18: {  	[tilespmem:s24+$0x1B950] =	vst v0  }
0x19: {  	[tilespmem:s24+$0x1B960] =	vst v0;
	s24 =	sshra.s32 s25, $0x2;
	s25 =	sadd.s32 $0x200, s25  }
0x1a: {  	[tilespmem:s24+$0x1B970] =	vst v0  }
0x1b: {  	[tilespmem:s24+$0x1B900] =	vst v0  }
0x1c: {  	[tilespmem:s24+$0x1B910] =	vst v0  }
0x1d: {  	[tilespmem:s24+$0x1B920] =	vst v0  }
0x1e: {  	[tilespmem:s24+$0x1B930] =	vst v0  }
0x1f: {  	[tilespmem:s24+$0x1B940] =	vst v0  }
0x20: {  	[tilespmem:s24+$0x1B950] =	vst v0  }
0x21: {  	[tilespmem:s24+$0x1B960] =	vst v0  }
0x22: {  	[spmem:s8] =	stream.linear.scatter [tilespmem:s16], [sflag:$0x2], $0x4000, $0x38;
	[tilespmem:$0x1F900] =	vst v63  }
0x23: {  	_ =	swait.ge [sflag:s17], $0x4000  }
0x24: {  	[sflag:s17] =	ssyncset.done $0x0  }
0x25: {  	[sflag:s17] =	ssyncadd.s32 $0xFFFFC000  }
0x26: {  	[spmem:s9] =	stream.linear.scatter [tilespmem:s16], [sflag:$0x2], $0x4000, $0x38;
	[tilespmem:$0x1F900] =	vst v63  }
0x27: {  	_ =	swait.ge [sflag:s17], $0x4000  }
0x28: {  	[sflag:s17] =	ssyncset.done $0x0  }
0x29: {  	[sflag:s17] =	ssyncadd.s32 $0xFFFFC000  }
0x2a: {  	[spmem:s10] =	stream.linear.scatter [tilespmem:s16], [sflag:$0x2], $0x4000, $0x38;
	[tilespmem:$0x1F900] =	vst v63  }
0x2b: {  	_ =	swait.ge [sflag:s17], $0x4000  }
0x2c: {  	[sflag:s17] =	ssyncset.done $0x0  }
0x2d: {  	[sflag:s17] =	ssyncadd.s32 $0xFFFFC000  }
0x2e: {  	[spmem:s11] =	stream.linear.scatter [tilespmem:s16], [sflag:$0x2], $0x4000, $0x38;
	[tilespmem:$0x1F900] =	vst v63  }
0x2f: {  	_ =	swait.ge [sflag:s17], $0x4000  }
0x30: {  	[sflag:s17] =	ssyncset.done $0x0  }
0x31: {  	[sflag:s17] =	ssyncadd.s32 $0xFFFFC000  }
0x32: {  	[spmem:s12] =	stream.linear.scatter [tilespmem:s16], [sflag:$0x2], $0x4000, $0x38;
	[tilespmem:$0x1F900] =	vst v63  }
0x33: {  	_ =	swait.ge [sflag:s17], $0x4000  }
0x34: {  	[sflag:s17] =	ssyncset.done $0x0  }
0x35: {  	[sflag:s17] =	ssyncadd.s32 $0xFFFFC000  }
0x36: {  	s24 =	simm.s32 $0x0;
	s25 =	simm.s32 $0x0;
	[bflag:$0x0] =	sbarrier.arrive $0xFFFF  }
.LBB2_4:
0x37: {  	s26 =	smul.u32 $0x78, s25;
	_ =	sdelay $0x1  }
0x38: {  	s26 =	sadd.s32 s13, s26  }
0x39: {  	s28 =	sshrl.u32 s26, $0x3  }
0x3a: {  	s28 =	sadd.s32 $0x6400, s28  }
0x3b: {  	s29 =	sadd.s32 s6, s28  }
0x3c: {  	[tilespmem:s18], [sflag:$0x2] =	stream.linear.gather [hbm4b:s29+s24], $0x78, $0x38;
	[tilespmem:$0x1F900] =	vst v63  }
0x3d: {  	_ =	swait.ge [sflag:s17], $0x78  }
0x3e: {  	[sflag:s17] =	ssyncset.done $0x0  }
0x3f: {  	s26 =	sshll.u32 s26, $0x4;
	[sflag:s17] =	ssyncadd.s32 $0xFFFFFF88  }
0x40: {  	[tilespmem:s20], [sflag:$0x1] =	stream.indirect.gather [hbm4b:s0+s19], $0x80, s18, s19, $0xb8;
	[tilespmem:$0x1F900] =	vst v63  }
0x41: {  	s26 =	sadd.s32 s7, s26  }
0x42: {  	[tilespmem:s21], [sflag:$0x2] =	stream.linear.gather [hbm4b:s26+s24], $0x3C00, $0x38;
	[tilespmem:$0x1F900] =	vst v63  }
0x43: {  	_ =	swait.ge [sflag:s17], $0x3C00  }
0x44: {  	[sflag:s17] =	ssyncset.done $0x0  }
0x45: {  	s31 =	sadd.s32 s3, s28;
	[sflag:s17] =	ssyncadd.s32 $0xFFFFC400  }
0x46: {  	[tilespmem:s22], [sflag:$0x2] =	stream.linear.gather [hbm4b:s31+s24], $0x78, $0x38;
	[tilespmem:$0x1F900] =	vst v63  }
0x47: {  	_ =	swait.ge [sflag:s17], $0x78  }
0x48: {  	[sflag:s17] =	ssyncset.done $0x0  }
0x49: {  	[sflag:s17] =	ssyncadd.s32 $0xFFFFFF88  }
0x4a: {  	_ =	swait.ge [sflag:s23], $0x3C00  }
0x4b: {  	[sflag:s23] =	ssyncset.done $0x0  }
0x4c: {  	s26 =	simm.s32 $0x0;
	[sflag:s23] =	ssyncadd.s32 $0xFFFFC400  }
0x4d: {  	v8 =	vld [tilespmem:s26+$0x14100]  }
0x4e: {  	v12 =	vld [tilespmem:s26+$0x14110]  }
0x4f: {  	v6 =	vld [tilespmem:s26+$0x14120]  }
0x50: {  	v5 =	vld [tilespmem:s26+$0x14130]  }
0x51: {  	v4 =	vld [tilespmem:s26+$0x14140]  }
0x52: {  	v3 =	vld [tilespmem:s26+$0x14150]  }
0x53: {  	v2 =	vld [tilespmem:s26+$0x14160]  }
0x54: {  	v1 =	vld [tilespmem:s26+$0x14170]  }
0x55: {  	v13 =	vld [tilespmem:s26+$0x17D00]  }
0x56: {  	v14 =	vld [tilespmem:s26+$0x17D10]  }
0x57: {  	v11 =	vld [tilespmem:s26+$0x17D20]  }
0x58: {  	v10 =	vld [tilespmem:s26+$0x17D30]  }
0x59: {  	v9 =	vld [tilespmem:s26+$0x17D40]  }
0x5a: {  	v7 =	vld [tilespmem:s26+$0x17D50];
	v13 =	vmul.f32 v8, v13  }
0x5b: {  	s28 =	simm.s32 $0x200;
	v12 =	vmul.f32 v12, v14;
	v8 =	vld [tilespmem:s26+$0x17D60]  }
.LBB2_5:
0x5c: {  	s29 =	sshra.s32 s28, $0x2;
	p0 =	sne.s32 s28, $0xEE00;
	[tilespmem:s26+$0x17D00] =	vst v13;
	v6 =	vmul.f32 v6, v11;
	v11 =	vld [tilespmem:s26+$0x17D70]  }
0x5d: {  	v13 =	vld [tilespmem:s29+$0x14100];
	[tilespmem:s26+$0x17D10] =	vst v12;
	v5 =	vmul.f32 v5, v10  }
0x5e: {  	v12 =	vld [tilespmem:s29+$0x14110];
	[tilespmem:s26+$0x17D20] =	vst v6;
	v4 =	vmul.f32 v4, v9  }
0x5f: {  	v6 =	vld [tilespmem:s29+$0x14120];
	[tilespmem:s26+$0x17D30] =	vst v5;
	v3 =	vmul.f32 v3, v7  }
0x60: {  	v5 =	vld [tilespmem:s29+$0x14130];
	[tilespmem:s26+$0x17D40] =	vst v4;
	v2 =	vmul.f32 v2, v8  }
0x61: {  	v4 =	vld [tilespmem:s29+$0x14140];
	[tilespmem:s26+$0x17D50] =	vst v3;
	v1 =	vmul.f32 v1, v11  }
0x62: {  	v3 =	vld [tilespmem:s29+$0x14150];
	[tilespmem:s26+$0x17D60] =	vst v2  }
0x63: {  	v2 =	vld [tilespmem:s29+$0x14160];
	[tilespmem:s26+$0x17D70] =	vst v1;
	s26 =	smov.u32 s29  }
0x64: {  	v1 =	vld [tilespmem:s26+$0x14170]  }
0x65: {  	v7 =	vld [tilespmem:s26+$0x17D00]  }
0x66: {  	v8 =	vld [tilespmem:s26+$0x17D10]  }
.Ltmp1:
0x67: {  	v11 =	vld [tilespmem:s26+$0x17D20];
	(pc) =	sbr.rel @p0 .LBB2_5-.Ltmp1, $4  }
0x68: {  	v10 =	vld [tilespmem:s26+$0x17D30]  }
0x69: {  	v9 =	vld [tilespmem:s26+$0x17D40]  }
0x6a: {  	v13 =	vmul.f32 v13, v7;
	v7 =	vld [tilespmem:s26+$0x17D50]  }
0x6b: {  	s28 =	sadd.s32 $0x200, s28;
	v12 =	vmul.f32 v12, v8;
	v8 =	vld [tilespmem:s26+$0x17D60]  }
0x6c: {  	[tilespmem:s26+$0x17D00] =	vst v13;
	v6 =	vmul.f32 v6, v11;
	v63 =	vld [tilespmem:s26+$0x17D70]  }
0x6d: {  	[tilespmem:s26+$0x17D10] =	vst v12;
	v5 =	vmul.f32 v5, v10  }
0x6e: {  	[tilespmem:s26+$0x17D20] =	vst v6;
	v4 =	vmul.f32 v4, v9  }
0x6f: {  	[tilespmem:s26+$0x17D30] =	vst v5;
	v3 =	vmul.f32 v3, v7  }
0x70: {  	[tilespmem:s26+$0x17D40] =	vst v4;
	v2 =	vmul.f32 v2, v8  }
0x71: {  	s25 =	sadd.s32 $0x1, s25;
	[tilespmem:s26+$0x17D50] =	vst v3;
	v1 =	vmul.f32 v1, v63  }
0x72: {  	p0 =	sne.s32 s25, $0x1E;
	[tilespmem:s26+$0x17D60] =	vst v2  }
.Ltmp2:
0x73: {  	[tilespmem:s26+$0x17D70] =	vst v1;
	(pc) =	sbr.rel @p0 .LBB2_4-.Ltmp2, $4  }
0x74: {  	[spmem:s4] =	stream.indirect.scatter.add.f32 [tilespmem:s20], [sflag:$0x2], $0x80, s22, s19, $0xb8;
	[tilespmem:$0x1F900] =	vst v63  }
0x75: {  	_ =	swait.ge [sflag:s17], $0x3C00  }
0x76: {  	[sflag:s17] =	ssyncset.done $0x0  }
0x77: {  	[sflag:s17] =	ssyncadd.s32 $0xFFFFC400  }
0x78: {  	s5 =	sadd.s32 $0x1, s5  }
0x79: {  	s24 =	sshll.u32 s2, $0x6;
	[bflag:$0x0] =	sbarrier.arrive $0xFFFF;
	p0 =	sne.s32 s5, s15  }
.Ltmp3:
0x7a: {  	s25 =	sshrl.u32 s8, $0x3;
	s24 =	sor.u32 $0x1C02, s24;
	(pc) =	sbr.rel @p0 .LBB2_1-.Ltmp3, $4  }
0x7b: {  	[hbm:s14], [sflag:s24] =	dma.local [spmem:s25], $0x2800  }
0x7c: {  	_ =	swait.ge [sflag:s17], $0x2800  }
0x7d: {  	[sflag:s17] =	ssyncset.done $0x0  }
0x7e: {  	[sflag:s17] =	ssyncadd.s32 $0xFFFFD800  }
0x7f: {  	_ =	sfence.sel $0x180000  }
0x80: {  	[bflag:$0x0] =	sbarrier.arrive $0xFFFF  }
0x81: {  	p0 =	sne.s32 s2, $0x0;
	_ =	strace $0x9000004A  }
0x82: {  	s0 =	sadd.s32 @!p0 $0x100000, s1;
	[bflag:$0x2] =	sbarrier.arrive $0xFFFF  }
0x83: {  	[sflag:s0] =	ssyncadd.tile.s32 @!p0 $0x1;
	_ =	shalt  }
.Lfunc_end2:
_tile_overlayer_lowered:
.L_overlay_start_2:
0x84: {  	(tag) =	ssettag $0x2  }
0x85: {  	s0 =	rddreg [dreg:$0x0];
	s2 =	stileid.u32  }
0x86: {  	s1 =	rddreg [dreg:$0x1];
	p0 =	sne.s32 s2, $0x0  }
0x87: {  	s3 =	rddreg [dreg:$0x2];
	[bflag:$0x3] =	sbarrier.arrive $0xFFFF;
	s2 =	simm.s32 @!p0 $0x1C02  }
0x88: {  	[timem:s3], [sflag:s2] =	dma.local @!p0 [hbm:s0], s1  }
0x89: {  	s0 =	simm.s32 @!p0 $0x2  }
0x8a: {  	_ =	swait.ge @!p0 [sflag:s0], s1  }
0x8b: {  	s1 =	ssub.s32 @!p0 $0x0, s1;
	[sflag:s0] =	ssyncset.done @!p0 $0x0  }
0x8c: {  	[sflag:s0] =	ssyncadd.s32 @!p0 s1  }
0x8d: {  	[bflag:$0x3] =	sbarrier.arrive $0xFFFF  }
0x8e: {  	_ =	shalt  }

// kernel: kernel.22.cloned.1.call-start
scs
__scs_entry_jumppad:
0x0: {  	(pc) =	sbr.rel $0x88, $3  }
0x1: {  	(tag) =	ssettag $0x0;
	lr =	simm.s32 $0x1  }
0x2: {  	[smem:$0x3F97] =	sst lr;
	_ =	strace $0xD0000000  }
0x3: {  	_ = 	snop  }
0x4: {  	_ = 	snop  }
0x5: {  	_ = 	snop  }
0x6: {  	_ = 	snop  }
0x7: {  	_ = 	snop  }
__scs_overlays_trampoline_lowered:
0x8: {  	[smem:$0x3FA6] =	sst s0  }
0x9: {  	[smem:$0x3FA7] =	sst s1  }
0xa: {  	[smem:$0x3FA8] =	sst s2  }
0xb: {  	[smem:$0x3FA9] =	sst s3  }
0xc: {  	[smem:$0x3FAA] =	sst s4  }
0xd: {  	[smem:$0x3FAB] =	sst s5  }
0xe: {  	[smem:$0x3FAC] =	sst s6  }
0xf: {  	[smem:$0x3FAD] =	sst s7  }
0x10: {  	[smem:$0x3FAE] =	sst s8  }
0x11: {  	[smem:$0x3FAF] =	sst s9;
	s0 =	simm.s32 @!p0 $0x0  }
0x12: {  	s1 =	sld [smem:$0x3F95];
	s0 =	simm.s32 @p0 $0x1  }
0x13: {  	[smem:$0x3FB0] =	sst s0;
	s0 =	simm.s32 @!p1 $0x0  }
0x14: {  	s2 =	sld [smem:$0x3F94];
	s0 =	simm.s32 @p1 $0x1  }
0x15: {  	[smem:$0x3FB1] =	sst s0;
	s0 =	simm.s32 @!p2 $0x0  }
0x16: {  	s3 =	sld [smem:$0x3FDB];
	s0 =	simm.s32 @p2 $0x1  }
0x17: {  	s4 =	simm.s32 $0x1BF5;
	[smem:$0x3FB3] =	sst s0  }
0x18: {  	s0 =	sld [smem:$0x3F96];
	_ =	swait.ge [sflag:s4], $0x0  }
0x19: {  	s7 =	sld [smem:$0x3F97]  }
0x1a: {  	s8 =	sadd.s32 $0xFFFFE003, lr  }
0x1b: {  	s9 =	sadd.s32 $0xFFFFFEF7, lr;
	s5 =	simm.s32 $0xFFFFFFFF;
	p2 =	slt.u32 s8, $0xFFFFF086  }
0x1c: {  	p1 =	slt.u32 s9, $0xF7A;
	s5 =	simm.s32 @!p2 $0x0  }
0x1d: {  	s5 =	simm.s32 @p1 $0x1;
	p0 =	seq.s32 s7, s2  }
0x1e: {  	s7 =	smul.u32 @!p0 $0xF7A, s2;
	p2 =	seq.s32 @!p0 s5, $0x0  }
0x1f: {  	s9 =	smul.u32 $0xF7A, s1;
	s8 =	simm.s32 @!p0 $0x1BF5;
	p2 =	por !p2, p0  }
0x20: {  	[sflag:s8] =	ssyncset.s32 @!p0 $0xFFFFF086;
	s6 =	sadd.s32 @!p0 s3, s7;
	s7 =	simm.s32 @!p0 $0x108  }
0x21: {  	s3 =	sadd.s32 s3, s9;
	s6 =	sadd.s32 @!p0 $0x88, s6;
	s7 =	simm.s32 @p2 $0x1082  }
0x22: {  	[simem:s7], [sflag:s8] =	dma.local @!p0 [hbm:s6], $0xF7A  }
0x23: {  	s9 =	sor.u32 $0xD0000000, s2;
	s6 =	simm.s32 $0x108;
	_ =	swait.ge @!p0 [sflag:s8], $0x0  }
0x24: {  	s3 =	sadd.s32 $0x88, s3;
	s6 =	simm.s32 @!p1 $0x1082;
	[sflag:s4] =	ssyncset.s32 $0xFFFFF086  }
0x25: {  	[simem:s6], [sflag:s4] =	dma.local [hbm:s3], $0xF7A  }
0x26: {  	[smem:$0x3F97] =	sst s1;
	(tag) =	ssettag s2;
	_ =	strace s9  }
0x27: {  	s1 =	sld [smem:$0x3FA7]  }
0x28: {  	s2 =	sld [smem:$0x3FA8]  }
0x29: {  	s4 =	sld [smem:$0x3FAA]  }
0x2a: {  	p0 =	seq.s32 s5, $0x0;
	s5 =	sld [smem:$0x3FAB]  }
0x2b: {  	s6 =	sld [smem:$0x3FAC]  }
0x2c: {  	s7 =	sld [smem:$0x3FAD]  }
0x2d: {  	s3 =	simm.s32 $0x108;
	s8 =	sld [smem:$0x3FAE]  }
0x2e: {  	s3 =	simm.s32 @!p0 $0x1082;
	s9 =	sld [smem:$0x3FAF]  }
0x2f: {  	lr =	sadd.s32 s0, s3;
	s0 =	sld [smem:$0x3FA6]  }
0x30: {  	s3 =	sld [smem:$0x3FA9]  }
0x31: {  	[smem:$0x3FB2] =	sst s10  }
0x32: {  	s10 =	sld [smem:$0x3FB0];
	_ =	sdelay $0x3  }
0x33: {  	p0 =	seq.s32 s10, $0x1;
	s10 =	sld [smem:$0x3FB2];
	_ =	sdelay $0x3  }
0x34: {  	[smem:$0x3FB2] =	sst s10  }
0x35: {  	s10 =	sld [smem:$0x3FB1];
	_ =	sdelay $0x3  }
0x36: {  	p1 =	seq.s32 s10, $0x1;
	s10 =	sld [smem:$0x3FB2];
	_ =	sdelay $0x3  }
0x37: {  	[smem:$0x3FB2] =	sst s10  }
0x38: {  	s10 =	sld [smem:$0x3FB3]  }
0x39: {  	_ = 	snop;
	(pc) =	sbr.ind lr, $3  }
0x3a: {  	_ = 	snop  }
0x3b: {  	_ = 	snop  }
0x3c: {  	p2 =	seq.s32 s10, $0x1;
	s10 =	sld [smem:$0x3FB2]  }
0x3d: {  	_ =	shalt  }
0x3e: {  	_ =	shalt  }
0x3f: {  	_ =	shalt  }
0x40: {  	_ =	shalt  }
0x41: {  	_ =	shalt  }
0x42: {  	_ =	shalt  }
0x43: {  	_ =	shalt  }
0x44: {  	_ =	shalt  }
0x45: {  	_ =	shalt  }
0x46: {  	_ =	shalt  }
0x47: {  	_ =	shalt  }
0x48: {  	_ =	shalt  }
0x49: {  	_ =	shalt  }
0x4a: {  	_ =	shalt  }
0x4b: {  	_ =	shalt  }
0x4c: {  	_ =	shalt  }
0x4d: {  	_ =	shalt  }
0x4e: {  	_ =	shalt  }
0x4f: {  	_ =	shalt  }
0x50: {  	_ =	shalt  }
0x51: {  	_ =	shalt  }
0x52: {  	_ =	shalt  }
0x53: {  	_ =	shalt  }
0x54: {  	_ =	shalt  }
0x55: {  	_ =	shalt  }
0x56: {  	_ =	shalt  }
0x57: {  	_ =	shalt  }
0x58: {  	_ =	shalt  }
0x59: {  	_ =	shalt  }
0x5a: {  	_ =	shalt  }
0x5b: {  	_ =	shalt  }
0x5c: {  	_ =	shalt  }
0x5d: {  	_ =	shalt  }
0x5e: {  	_ =	shalt  }
0x5f: {  	_ =	shalt  }
0x60: {  	_ =	shalt  }
0x61: {  	_ =	shalt  }
0x62: {  	_ =	shalt  }
0x63: {  	_ =	shalt  }
0x64: {  	_ =	shalt  }
0x65: {  	_ =	shalt  }
0x66: {  	_ =	shalt  }
0x67: {  	_ =	shalt  }
0x68: {  	_ =	shalt  }
0x69: {  	_ =	shalt  }
0x6a: {  	_ =	shalt  }
0x6b: {  	_ =	shalt  }
0x6c: {  	_ =	shalt  }
0x6d: {  	_ =	shalt  }
0x6e: {  	_ =	shalt  }
0x6f: {  	_ =	shalt  }
0x70: {  	_ =	shalt  }
0x71: {  	_ =	shalt  }
0x72: {  	_ =	shalt  }
0x73: {  	_ =	shalt  }
0x74: {  	_ =	shalt  }
0x75: {  	_ =	shalt  }
0x76: {  	_ =	shalt  }
0x77: {  	_ =	shalt  }
0x78: {  	_ =	shalt  }
0x79: {  	_ =	shalt  }
0x7a: {  	_ =	shalt  }
0x7b: {  	_ =	shalt  }
0x7c: {  	_ =	shalt  }
0x7d: {  	_ =	shalt  }
0x7e: {  	_ =	shalt  }
0x7f: {  	_ =	shalt  }
0x80: {  	_ =	shalt  }
0x81: {  	_ =	shalt  }
0x82: {  	_ =	shalt  }
0x83: {  	_ =	shalt  }
0x84: {  	_ =	shalt  }
0x85: {  	_ =	shalt  }
0x86: {  	_ =	shalt  }
0x87: {  	_ =	shalt  }
.Lfunc_end0:
.L_simem_size_0:
called_computation.2_lowered:
.L_overlay_start_0:
0x88: {  	s2 =	sld [smem:$0x3FD9]  }
0x89: {  	s3 =	sld [smem:$0x3FFE];
	_ =	sdelay $0x1  }
0x8a: {  	s1 =	srdreg.scid  }
0x8b: {  	s0 =	sand.u32 $0x1, s1  }
0x8c: {  	s17 =	sshll.u32 s0, $0xA;
	s2 =	sadd.s32 s3, s2  }
0x8d: {  	s2 =	sadd.s32 s2, s17  }
0x8e: {  	[smem:$0x3FBE] =	sst s2  }
0x8f: {  	_ = 	snop  }
0x90: {  	s2 =	sld [smem:$0x3FD0];
	(tm) =	ssettm $0x1  }
0x91: {  	s18 =	sld [smem:$0x3FFB];
	_ =	sdelay $0x3  }
0x92: {  	_ =	strace s18  }
0x93: {  	s3 =	sld [smem:$0x3FFC];
	_ =	sdelay $0x3  }
0x94: {  	_ =	strace s3  }
0x95: {  	s3 =	sld [smem:$0x3FFD];
	_ =	sdelay $0x3  }
0x96: {  	_ =	strace s3  }
0x97: {  	_ =	strace $0x8FFFFFFF  }
0x98: {  	s19 =	sld [smem:$0x3FDB];
	_ =	sdelay $0x1  }
0x99: {  	s4 =	simm.s32 $_scs_section_size  }
0x9a: {  	s5 =	simm.s32 $_size__tile_overlayer_lowered;
	s6 =	simm.s32 $_tile_overlayer_lowered  }
0x9b: {  	s22 =	simm.s32 $0x1BFF;
	s21 =	sshll.u32 s6, $0x1;
	s3 =	sadd.s32 s4, s19  }
0x9c: {  	s7 =	simm.s32 $0x0;
	s20 =	sshll.u32 s5, $0x1;
	s5 =	sadd.s32 s21, s3  }
0x9d: {  	[timem:s7], [sflag:s22] =	dma.local [hbm:s5], s20  }
0x9e: {  	_ =	swait.ge [sflag:s22], s20  }
0x9f: {  	s4 =	ssub.s32 $0x0, s20;
	[sflag:s22] =	ssyncset.done $0x0  }
0xa0: {  	[sflag:s22] =	ssyncadd.s32 s4;
	_ =	sdelay $0x1  }
0xa1: {  	s23 =	simm.s32 $0x1B8B  }
0xa2: {  	_ =	swait.ge [sflag:s23], $0x1  }
0xa3: {  	[sflag:s23] =	ssyncset.done $0x0  }
0xa4: {  	s25 =	simm.s32 $0x1B8E;
	s24 =	sld [smem:$0x3FFE];
	[sflag:s23] =	ssyncadd.s32 $0xFFFFFFFF  }
0xa5: {  	s26 =	simm.s32 $execute0_lowered;
	[smem:$0x3FD2] =	sst s25  }
0xa6: {  	s5 =	sshll.u32 s26, $0x1;
	_ =	strace $0x8000004C;
	[dreg:$0x1] =	wrdreg $0xFFFFFFFF  }
0xa7: {  	s28 =	simm.s32 $_size_execute0_lowered;
	s3 =	sadd.s32 s3, s5;
	[dreg:$0x0] =	wrdreg $0x0  }
0xa8: {  	s5 =	sshll.u32 s28, $0x1;
	[dreg:$0x2] =	wrdreg s3  }
0xa9: {  	[dreg:$0x3] =	wrdreg s5  }
0xaa: {  	[dreg:$0x4] =	wrdreg $0xC0  }
0xab: {  	_ =	task [dreg:s7], $0x5FFFF  }
0xac: {  	[dreg:$0x1] =	wrdreg $0xFFFFFFFF  }
0xad: {  	[dreg:$0x0] =	wrdreg $0x60  }
0xae: {  	[dreg:$0x2] =	wrdreg s24  }
0xaf: {  	[dreg:$0x3] =	wrdreg s2  }
0xb0: {  	[dreg:$0x4] =	wrdreg $0x0  }
0xb1: {  	[dreg:$0x5] =	wrdreg $0x9  }
0xb2: {  	_ =	task.clear_ibuf [dreg:s7], $0x6FFFF;
	_ =	strace $0x9000004C  }
0xb3: {  	s29 =	simm.s32 $0x9;
	_ =	strace $0x8000004E  }
0xb4: {  	_ =	swait.ge [sflag:s29], $0x1  }
0xb5: {  	[sflag:s29] =	ssyncadd.s32 $0xFFFFFFFF  }
0xb6: {  	_ =	strace $0x9000004E  }
0xb7: {  	_ =	sfence  }
0xb8: {  	s30 =	sld [smem:$0x0];
	_ =	sdelay $0x2  }
0xb9: {  	s31 =	sshll.u32 s1, $0xD;
	s1 =	sshrl.u32 s1, $0x2  }
0xba: {  	s3 =	sand.u32 $0x4000, s31;
	s1 =	sadd.s32 s1, s30  }
0xbb: {  	s0 =	sor.u32 s3, s0;
	s1 =	sshll.u32 s1, $0x11  }
0xbc: {  	s0 =	sor.u32 s1, s0  }
0xbd: {  	s0 =	sadd.s32 $0x8F2B, s0  }
0xbe: {  	[sflag:s0] =	ssyncadd.remote.s32 $0x1  }
0xbf: {  	_ =	sfence.sel $0xFFFF  }
0xc0: {  	[dreg:$0x0] =	wrdreg $0xFFFFFFFF;
	(pc) =	sbr.abs _section_cstart, $3  }
0xc1: {  	[dreg:$0x1] =	wrdreg $0xFFFFFFFF  }
0xc2: {  	_ =	task.clear_ibuf [dreg:s7], $0x2FFFF;
	_ =	strace $0x9FFFFFFF  }
0xc3: {  	(tm) =	ssettm $0x7FFFFFFF  }
tec
execute0_lowered:
.L_overlay_start_1:
0x0: {  	(tag) =	ssettag $0x1  }
0x1: {  	s8 =	rddreg [dreg:$0x0]  }
0x2: {  	s2 =	rddreg [dreg:$0x1];
	s0 =	srdreg.scid  }
0x3: {  	s3 =	rddreg [dreg:$0x2];
	s1 =	stileid.u32  }
0x4: {  	s4 =	simm.s32 $0x0;
	s16 =	simm.s32 $0x19100;
	s17 =	simm.s32 $0x2  }
0x5: {  	s18 =	simm.s32 $0x14000;
	s19 =	simm.s32 $0x50;
	s20 =	simm.s32 $0x16900  }
0x6: {  	s21 =	simm.s32 $0x14100;
	s22 =	simm.s32 $0x14080;
	s23 =	simm.s32 $0x1  }
0x7: {  	s9 =	sand.u32 $0x1, s0;
	s0 =	rddreg [dreg:$0x3];
	s7 =	smul.u32 $0x14000, s1  }
0x8: {  	[smem:$0x7FF] =	sst s4;
	s5 =	sadd.s32 $0xBC00, s8;
	s11 =	smul.u32 $0x50000, s1  }
0x9: {  	s6 =	smul.u32 $0x140000, s9;
	_ =	strace $0x8000004D;
	s30 =	ssub.s32 $0x2, s9  }
0xa: {  	s9 =	sshll.u32 s9, $0x4;
	s31 =	sshrl.u32 s30, $0x1;
	s11 =	sshrl.u32 s11, $0x2  }
0xb: {  	s13 =	sor.u32 s1, s9;
	s7 =	sadd.s32 s7, s6;
	s6 =	sadd.s32 $0x1E00, s8  }
0xc: {  	s15 =	ssub.s32 s30, s31;
	s13 =	smul.u32 $0xFA0, s13;
	s10 =	sshrl.u32 s7, $0x3  }
0xd: {  	s7 =	sadd.s32 $0x58DC00, s8;
	s14 =	sadd.s32 s10, s8;
	s8 =	sadd.s32 s11, s3  }
0xe: {  	s15 =	smax.u32 s15, $0x1;
	s9 =	sadd.s32 $0x4000, s8;
	s10 =	sadd.s32 $0x8000, s8  }
0xf: {  	v0 =	vimm.f32 $0.0e+00;
	s11 =	sadd.s32 $0xC000, s8;
	s12 =	sadd.s32 $0x10000, s8;
	s14 =	sadd.s32 $0x33C00, s14  }
.LBB2_1:
0x10: {  	s24 =	simm.s32 $0x0;
	s25 =	simm.s32 $0x200  }
.LBB2_2:
0x11: {  	p0 =	sne.s32 s25, $0xFE00;
	[tilespmem:s24+$0x19170] =	vst v0  }
0x12: {  	[tilespmem:s24+$0x19100] =	vst v0  }
0x13: {  	[tilespmem:s24+$0x19110] =	vst v0  }
.Ltmp0:
0x14: {  	[tilespmem:s24+$0x19120] =	vst v0;
	(pc) =	sbr.rel @p0 .LBB2_2-.Ltmp0, $4  }
0x15: {  	[tilespmem:s24+$0x19130] =	vst v0  }
0x16: {  	[tilespmem:s24+$0x19140] =	vst v0  }
0x17: {  	[tilespmem:s24+$0x19150] =	vst v0  }
0x18: {  	[tilespmem:s24+$0x19160] =	vst v0;
	s24 =	sshra.s32 s25, $0x2;
	s25 =	sadd.s32 $0x200, s25  }
0x19: {  	[tilespmem:s24+$0x19170] =	vst v0  }
0x1a: {  	[tilespmem:s24+$0x19100] =	vst v0  }
0x1b: {  	[tilespmem:s24+$0x19110] =	vst v0  }
0x1c: {  	[tilespmem:s24+$0x19120] =	vst v0  }
0x1d: {  	[tilespmem:s24+$0x19130] =	vst v0  }
0x1e: {  	[tilespmem:s24+$0x19140] =	vst v0  }
0x1f: {  	[tilespmem:s24+$0x19150] =	vst v0  }
0x20: {  	[tilespmem:s24+$0x19160] =	vst v0  }
0x21: {  	[spmem:s8] =	stream.linear.scatter [tilespmem:s16], [sflag:$0x2], $0x4000, $0x38;
	[tilespmem:$0x1D100] =	vst v63  }
0x22: {  	_ =	swait.ge [sflag:s17], $0x4000  }
0x23: {  	[sflag:s17] =	ssyncset.done $0x0  }
0x24: {  	[sflag:s17] =	ssyncadd.s32 $0xFFFFC000  }
0x25: {  	[spmem:s9] =	stream.linear.scatter [tilespmem:s16], [sflag:$0x2], $0x4000, $0x38;
	[tilespmem:$0x1D100] =	vst v63  }
0x26: {  	_ =	swait.ge [sflag:s17], $0x4000  }
0x27: {  	[sflag:s17] =	ssyncset.done $0x0  }
0x28: {  	[sflag:s17] =	ssyncadd.s32 $0xFFFFC000  }
0x29: {  	[spmem:s10] =	stream.linear.scatter [tilespmem:s16], [sflag:$0x2], $0x4000, $0x38;
	[tilespmem:$0x1D100] =	vst v63  }
0x2a: {  	_ =	swait.ge [sflag:s17], $0x4000  }
0x2b: {  	[sflag:s17] =	ssyncset.done $0x0  }
0x2c: {  	[sflag:s17] =	ssyncadd.s32 $0xFFFFC000  }
0x2d: {  	[spmem:s11] =	stream.linear.scatter [tilespmem:s16], [sflag:$0x2], $0x4000, $0x38;
	[tilespmem:$0x1D100] =	vst v63  }
0x2e: {  	_ =	swait.ge [sflag:s17], $0x4000  }
0x2f: {  	[sflag:s17] =	ssyncset.done $0x0  }
0x30: {  	[sflag:s17] =	ssyncadd.s32 $0xFFFFC000  }
0x31: {  	[spmem:s12] =	stream.linear.scatter [tilespmem:s16], [sflag:$0x2], $0x4000, $0x38;
	[tilespmem:$0x1D100] =	vst v63  }
0x32: {  	_ =	swait.ge [sflag:s17], $0x4000  }
0x33: {  	[sflag:s17] =	ssyncset.done $0x0  }
0x34: {  	[sflag:s17] =	ssyncadd.s32 $0xFFFFC000  }
0x35: {  	s24 =	simm.s32 $0x0;
	s25 =	simm.s32 $0x0;
	[bflag:$0x0] =	sbarrier.arrive $0xFFFF  }
.LBB2_4:
0x36: {  	s26 =	smul.u32 $0x50, s25;
	_ =	sdelay $0x1  }
0x37: {  	s26 =	sadd.s32 s13, s26  }
0x38: {  	s28 =	sshrl.u32 s26, $0x3  }
0x39: {  	s29 =	sadd.s32 s6, s28  }
0x3a: {  	[tilespmem:s18], [sflag:$0x2] =	stream.linear.gather [hbm4b:s29+s24], $0x50, $0x38;
	[tilespmem:$0x1D100] =	vst v63  }
0x3b: {  	_ =	swait.ge [sflag:s17], $0x50  }
0x3c: {  	[sflag:s17] =	ssyncset.done $0x0  }
0x3d: {  	s26 =	sshll.u32 s26, $0x4;
	[sflag:s17] =	ssyncadd.s32 $0xFFFFFFB0  }
0x3e: {  	[tilespmem:s20], [sflag:$0x1] =	stream.indirect.gather [hbm4b:s5+s19], $0x80, s18, s19, $0xb8;
	[tilespmem:$0x1D100] =	vst v63  }
0x3f: {  	s26 =	sadd.s32 s7, s26  }
0x40: {  	[tilespmem:s21], [sflag:$0x2] =	stream.linear.gather [hbm4b:s26+s24], $0x2800, $0x38;
	[tilespmem:$0x1D100] =	vst v63  }
0x41: {  	_ =	swait.ge [sflag:s17], $0x2800  }
0x42: {  	[sflag:s17] =	ssyncset.done $0x0  }
0x43: {  	s31 =	sadd.s32 s2, s28;
	[sflag:s17] =	ssyncadd.s32 $0xFFFFD800  }
0x44: {  	[tilespmem:s22], [sflag:$0x2] =	stream.linear.gather [hbm4b:s31+s24], $0x50, $0x38;
	[tilespmem:$0x1D100] =	vst v63  }
0x45: {  	_ =	swait.ge [sflag:s17], $0x50  }
0x46: {  	[sflag:s17] =	ssyncset.done $0x0  }
0x47: {  	[sflag:s17] =	ssyncadd.s32 $0xFFFFFFB0  }
0x48: {  	_ =	swait.ge [sflag:s23], $0x2800  }
0x49: {  	[sflag:s23] =	ssyncset.done $0x0  }
0x4a: {  	s26 =	simm.s32 $0x0;
	[sflag:s23] =	ssyncadd.s32 $0xFFFFD800  }
0x4b: {  	v8 =	vld [tilespmem:s26+$0x14100]  }
0x4c: {  	v12 =	vld [tilespmem:s26+$0x14110]  }
0x4d: {  	v6 =	vld [tilespmem:s26+$0x14120]  }
0x4e: {  	v5 =	vld [tilespmem:s26+$0x14130]  }
0x4f: {  	v4 =	vld [tilespmem:s26+$0x14140]  }
0x50: {  	v3 =	vld [tilespmem:s26+$0x14150]  }
0x51: {  	v2 =	vld [tilespmem:s26+$0x14160]  }
0x52: {  	v1 =	vld [tilespmem:s26+$0x14170]  }
0x53: {  	v13 =	vld [tilespmem:s26+$0x16900]  }
0x54: {  	v14 =	vld [tilespmem:s26+$0x16910]  }
0x55: {  	v11 =	vld [tilespmem:s26+$0x16920]  }
0x56: {  	v10 =	vld [tilespmem:s26+$0x16930]  }
0x57: {  	v9 =	vld [tilespmem:s26+$0x16940]  }
0x58: {  	v7 =	vld [tilespmem:s26+$0x16950];
	v13 =	vmul.f32 v8, v13  }
0x59: {  	s28 =	simm.s32 $0x200;
	v12 =	vmul.f32 v12, v14;
	v8 =	vld [tilespmem:s26+$0x16960]  }
.LBB2_5:
0x5a: {  	s29 =	sshra.s32 s28, $0x2;
	p0 =	sne.s32 s28, $0x9E00;
	[tilespmem:s26+$0x16900] =	vst v13;
	v6 =	vmul.f32 v6, v11;
	v11 =	vld [tilespmem:s26+$0x16970]  }
0x5b: {  	v13 =	vld [tilespmem:s29+$0x14100];
	[tilespmem:s26+$0x16910] =	vst v12;
	v5 =	vmul.f32 v5, v10  }
0x5c: {  	v12 =	vld [tilespmem:s29+$0x14110];
	[tilespmem:s26+$0x16920] =	vst v6;
	v4 =	vmul.f32 v4, v9  }
0x5d: {  	v6 =	vld [tilespmem:s29+$0x14120];
	[tilespmem:s26+$0x16930] =	vst v5;
	v3 =	vmul.f32 v3, v7  }
0x5e: {  	v5 =	vld [tilespmem:s29+$0x14130];
	[tilespmem:s26+$0x16940] =	vst v4;
	v2 =	vmul.f32 v2, v8  }
0x5f: {  	v4 =	vld [tilespmem:s29+$0x14140];
	[tilespmem:s26+$0x16950] =	vst v3;
	v1 =	vmul.f32 v1, v11  }
0x60: {  	v3 =	vld [tilespmem:s29+$0x14150];
	[tilespmem:s26+$0x16960] =	vst v2  }
0x61: {  	v2 =	vld [tilespmem:s29+$0x14160];
	[tilespmem:s26+$0x16970] =	vst v1;
	s26 =	smov.u32 s29  }
0x62: {  	v1 =	vld [tilespmem:s26+$0x14170]  }
0x63: {  	v7 =	vld [tilespmem:s26+$0x16900]  }
0x64: {  	v8 =	vld [tilespmem:s26+$0x16910]  }
.Ltmp1:
0x65: {  	v11 =	vld [tilespmem:s26+$0x16920];
	(pc) =	sbr.rel @p0 .LBB2_5-.Ltmp1, $4  }
0x66: {  	v10 =	vld [tilespmem:s26+$0x16930]  }
0x67: {  	v9 =	vld [tilespmem:s26+$0x16940]  }
0x68: {  	v13 =	vmul.f32 v13, v7;
	v7 =	vld [tilespmem:s26+$0x16950]  }
0x69: {  	s28 =	sadd.s32 $0x200, s28;
	v12 =	vmul.f32 v12, v8;
	v8 =	vld [tilespmem:s26+$0x16960]  }
0x6a: {  	[tilespmem:s26+$0x16900] =	vst v13;
	v6 =	vmul.f32 v6, v11;
	v63 =	vld [tilespmem:s26+$0x16970]  }
0x6b: {  	[tilespmem:s26+$0x16910] =	vst v12;
	v5 =	vmul.f32 v5, v10  }
0x6c: {  	[tilespmem:s26+$0x16920] =	vst v6;
	v4 =	vmul.f32 v4, v9  }
0x6d: {  	[tilespmem:s26+$0x16930] =	vst v5;
	v3 =	vmul.f32 v3, v7  }
0x6e: {  	[tilespmem:s26+$0x16940] =	vst v4;
	v2 =	vmul.f32 v2, v8  }
0x6f: {  	s25 =	sadd.s32 $0x1, s25;
	[tilespmem:s26+$0x16950] =	vst v3;
	v1 =	vmul.f32 v1, v63  }
0x70: {  	p0 =	sne.s32 s25, $0x32;
	[tilespmem:s26+$0x16960] =	vst v2  }
.Ltmp2:
0x71: {  	[tilespmem:s26+$0x16970] =	vst v1;
	(pc) =	sbr.rel @p0 .LBB2_4-.Ltmp2, $4  }
0x72: {  	[spmem:s3] =	stream.indirect.scatter.add.f32 [tilespmem:s20], [sflag:$0x2], $0x80, s22, s19, $0xb8;
	[tilespmem:$0x1D100] =	vst v63  }
0x73: {  	_ =	swait.ge [sflag:s17], $0x2800  }
0x74: {  	[sflag:s17] =	ssyncset.done $0x0  }
0x75: {  	[sflag:s17] =	ssyncadd.s32 $0xFFFFD800  }
0x76: {  	s4 =	sadd.s32 $0x1, s4  }
0x77: {  	s24 =	sshll.u32 s1, $0x6;
	[bflag:$0x0] =	sbarrier.arrive $0xFFFF;
	p0 =	sne.s32 s4, s15  }
.Ltmp3:
0x78: {  	s25 =	sshrl.u32 s8, $0x3;
	s24 =	sor.u32 $0x1C02, s24;
	(pc) =	sbr.rel @p0 .LBB2_1-.Ltmp3, $4  }
0x79: {  	[hbm:s14], [sflag:s24] =	dma.local [spmem:s25], $0x2800  }
0x7a: {  	_ =	swait.ge [sflag:s17], $0x2800  }
0x7b: {  	[sflag:s17] =	ssyncset.done $0x0  }
0x7c: {  	[sflag:s17] =	ssyncadd.s32 $0xFFFFD800  }
0x7d: {  	_ =	sfence.sel $0x180000  }
0x7e: {  	[bflag:$0x0] =	sbarrier.arrive $0xFFFF  }
0x7f: {  	p0 =	sne.s32 s1, $0x0;
	_ =	strace $0x9000004D  }
0x80: {  	s0 =	sadd.s32 @!p0 $0x100000, s0;
	[bflag:$0x2] =	sbarrier.arrive $0xFFFF  }
0x81: {  	[sflag:s0] =	ssyncadd.tile.s32 @!p0 $0x1;
	_ =	shalt  }
.Lfunc_end2:
_tile_overlayer_lowered:
.L_overlay_start_2:
0x82: {  	(tag) =	ssettag $0x2  }
0x83: {  	s0 =	rddreg [dreg:$0x0];
	s2 =	stileid.u32  }
0x84: {  	s1 =	rddreg [dreg:$0x1];
	p0 =	sne.s32 s2, $0x0  }
0x85: {  	s3 =	rddreg [dreg:$0x2];
	[bflag:$0x3] =	sbarrier.arrive $0xFFFF;
	s2 =	simm.s32 @!p0 $0x1C02  }
0x86: {  	[timem:s3], [sflag:s2] =	dma.local @!p0 [hbm:s0], s1  }
0x87: {  	s0 =	simm.s32 @!p0 $0x2  }
0x88: {  	_ =	swait.ge @!p0 [sflag:s0], s1  }
0x89: {  	s1 =	ssub.s32 @!p0 $0x0, s1;
	[sflag:s0] =	ssyncset.done @!p0 $0x0  }
0x8a: {  	[sflag:s0] =	ssyncadd.s32 @!p0 s1  }
0x8b: {  	[bflag:$0x3] =	sbarrier.arrive $0xFFFF  }
0x8c: {  	_ =	shalt  }

// kernel: kernel.25.cloned.1.call-start
scs
__scs_entry_jumppad:
0x0: {  	(pc) =	sbr.rel $0x88, $3  }
0x1: {  	(tag) =	ssettag $0x0;
	lr =	simm.s32 $0x1  }
0x2: {  	[smem:$0x3F97] =	sst lr;
	_ =	strace $0xD0000000  }
0x3: {  	_ = 	snop  }
0x4: {  	_ = 	snop  }
0x5: {  	_ = 	snop  }
0x6: {  	_ = 	snop  }
0x7: {  	_ = 	snop  }
__scs_overlays_trampoline_lowered:
0x8: {  	[smem:$0x3FA6] =	sst s0  }
0x9: {  	[smem:$0x3FA7] =	sst s1  }
0xa: {  	[smem:$0x3FA8] =	sst s2  }
0xb: {  	[smem:$0x3FA9] =	sst s3  }
0xc: {  	[smem:$0x3FAA] =	sst s4  }
0xd: {  	[smem:$0x3FAB] =	sst s5  }
0xe: {  	[smem:$0x3FAC] =	sst s6  }
0xf: {  	[smem:$0x3FAD] =	sst s7  }
0x10: {  	[smem:$0x3FAE] =	sst s8  }
0x11: {  	[smem:$0x3FAF] =	sst s9;
	s0 =	simm.s32 @!p0 $0x0  }
0x12: {  	s1 =	sld [smem:$0x3F95];
	s0 =	simm.s32 @p0 $0x1  }
0x13: {  	[smem:$0x3FB0] =	sst s0;
	s0 =	simm.s32 @!p1 $0x0  }
0x14: {  	s2 =	sld [smem:$0x3F94];
	s0 =	simm.s32 @p1 $0x1  }
0x15: {  	[smem:$0x3FB1] =	sst s0;
	s0 =	simm.s32 @!p2 $0x0  }
0x16: {  	s3 =	sld [smem:$0x3FDB];
	s0 =	simm.s32 @p2 $0x1  }
0x17: {  	s4 =	simm.s32 $0x1BF5;
	[smem:$0x3FB3] =	sst s0  }
0x18: {  	s0 =	sld [smem:$0x3F96];
	_ =	swait.ge [sflag:s4], $0x0  }
0x19: {  	s7 =	sld [smem:$0x3F97]  }
0x1a: {  	s8 =	sadd.s32 $0xFFFFE003, lr  }
0x1b: {  	s9 =	sadd.s32 $0xFFFFFEF7, lr;
	s5 =	simm.s32 $0xFFFFFFFF;
	p2 =	slt.u32 s8, $0xFFFFF086  }
0x1c: {  	p1 =	slt.u32 s9, $0xF7A;
	s5 =	simm.s32 @!p2 $0x0  }
0x1d: {  	s5 =	simm.s32 @p1 $0x1;
	p0 =	seq.s32 s7, s2  }
0x1e: {  	s7 =	smul.u32 @!p0 $0xF7A, s2;
	p2 =	seq.s32 @!p0 s5, $0x0  }
0x1f: {  	s9 =	smul.u32 $0xF7A, s1;
	s8 =	simm.s32 @!p0 $0x1BF5;
	p2 =	por !p2, p0  }
0x20: {  	[sflag:s8] =	ssyncset.s32 @!p0 $0xFFFFF086;
	s6 =	sadd.s32 @!p0 s3, s7;
	s7 =	simm.s32 @!p0 $0x108  }
0x21: {  	s3 =	sadd.s32 s3, s9;
	s6 =	sadd.s32 @!p0 $0x88, s6;
	s7 =	simm.s32 @p2 $0x1082  }
0x22: {  	[simem:s7], [sflag:s8] =	dma.local @!p0 [hbm:s6], $0xF7A  }
0x23: {  	s9 =	sor.u32 $0xD0000000, s2;
	s6 =	simm.s32 $0x108;
	_ =	swait.ge @!p0 [sflag:s8], $0x0  }
0x24: {  	s3 =	sadd.s32 $0x88, s3;
	s6 =	simm.s32 @!p1 $0x1082;
	[sflag:s4] =	ssyncset.s32 $0xFFFFF086  }
0x25: {  	[simem:s6], [sflag:s4] =	dma.local [hbm:s3], $0xF7A  }
0x26: {  	[smem:$0x3F97] =	sst s1;
	(tag) =	ssettag s2;
	_ =	strace s9  }
0x27: {  	s1 =	sld [smem:$0x3FA7]  }
0x28: {  	s2 =	sld [smem:$0x3FA8]  }
0x29: {  	s4 =	sld [smem:$0x3FAA]  }
0x2a: {  	p0 =	seq.s32 s5, $0x0;
	s5 =	sld [smem:$0x3FAB]  }
0x2b: {  	s6 =	sld [smem:$0x3FAC]  }
0x2c: {  	s7 =	sld [smem:$0x3FAD]  }
0x2d: {  	s3 =	simm.s32 $0x108;
	s8 =	sld [smem:$0x3FAE]  }
0x2e: {  	s3 =	simm.s32 @!p0 $0x1082;
	s9 =	sld [smem:$0x3FAF]  }
0x2f: {  	lr =	sadd.s32 s0, s3;
	s0 =	sld [smem:$0x3FA6]  }
0x30: {  	s3 =	sld [smem:$0x3FA9]  }
0x31: {  	[smem:$0x3FB2] =	sst s10  }
0x32: {  	s10 =	sld [smem:$0x3FB0];
	_ =	sdelay $0x3  }
0x33: {  	p0 =	seq.s32 s10, $0x1;
	s10 =	sld [smem:$0x3FB2];
	_ =	sdelay $0x3  }
0x34: {  	[smem:$0x3FB2] =	sst s10  }
0x35: {  	s10 =	sld [smem:$0x3FB1];
	_ =	sdelay $0x3  }
0x36: {  	p1 =	seq.s32 s10, $0x1;
	s10 =	sld [smem:$0x3FB2];
	_ =	sdelay $0x3  }
0x37: {  	[smem:$0x3FB2] =	sst s10  }
0x38: {  	s10 =	sld [smem:$0x3FB3]  }
0x39: {  	_ = 	snop;
	(pc) =	sbr.ind lr, $3  }
0x3a: {  	_ = 	snop  }
0x3b: {  	_ = 	snop  }
0x3c: {  	p2 =	seq.s32 s10, $0x1;
	s10 =	sld [smem:$0x3FB2]  }
0x3d: {  	_ =	shalt  }
0x3e: {  	_ =	shalt  }
0x3f: {  	_ =	shalt  }
0x40: {  	_ =	shalt  }
0x41: {  	_ =	shalt  }
0x42: {  	_ =	shalt  }
0x43: {  	_ =	shalt  }
0x44: {  	_ =	shalt  }
0x45: {  	_ =	shalt  }
0x46: {  	_ =	shalt  }
0x47: {  	_ =	shalt  }
0x48: {  	_ =	shalt  }
0x49: {  	_ =	shalt  }
0x4a: {  	_ =	shalt  }
0x4b: {  	_ =	shalt  }
0x4c: {  	_ =	shalt  }
0x4d: {  	_ =	shalt  }
0x4e: {  	_ =	shalt  }
0x4f: {  	_ =	shalt  }
0x50: {  	_ =	shalt  }
0x51: {  	_ =	shalt  }
0x52: {  	_ =	shalt  }
0x53: {  	_ =	shalt  }
0x54: {  	_ =	shalt  }
0x55: {  	_ =	shalt  }
0x56: {  	_ =	shalt  }
0x57: {  	_ =	shalt  }
0x58: {  	_ =	shalt  }
0x59: {  	_ =	shalt  }
0x5a: {  	_ =	shalt  }
0x5b: {  	_ =	shalt  }
0x5c: {  	_ =	shalt  }
0x5d: {  	_ =	shalt  }
0x5e: {  	_ =	shalt  }
0x5f: {  	_ =	shalt  }
0x60: {  	_ =	shalt  }
0x61: {  	_ =	shalt  }
0x62: {  	_ =	shalt  }
0x63: {  	_ =	shalt  }
0x64: {  	_ =	shalt  }
0x65: {  	_ =	shalt  }
0x66: {  	_ =	shalt  }
0x67: {  	_ =	shalt  }
0x68: {  	_ =	shalt  }
0x69: {  	_ =	shalt  }
0x6a: {  	_ =	shalt  }
0x6b: {  	_ =	shalt  }
0x6c: {  	_ =	shalt  }
0x6d: {  	_ =	shalt  }
0x6e: {  	_ =	shalt  }
0x6f: {  	_ =	shalt  }
0x70: {  	_ =	shalt  }
0x71: {  	_ =	shalt  }
0x72: {  	_ =	shalt  }
0x73: {  	_ =	shalt  }
0x74: {  	_ =	shalt  }
0x75: {  	_ =	shalt  }
0x76: {  	_ =	shalt  }
0x77: {  	_ =	shalt  }
0x78: {  	_ =	shalt  }
0x79: {  	_ =	shalt  }
0x7a: {  	_ =	shalt  }
0x7b: {  	_ =	shalt  }
0x7c: {  	_ =	shalt  }
0x7d: {  	_ =	shalt  }
0x7e: {  	_ =	shalt  }
0x7f: {  	_ =	shalt  }
0x80: {  	_ =	shalt  }
0x81: {  	_ =	shalt  }
0x82: {  	_ =	shalt  }
0x83: {  	_ =	shalt  }
0x84: {  	_ =	shalt  }
0x85: {  	_ =	shalt  }
0x86: {  	_ =	shalt  }
0x87: {  	_ =	shalt  }
.Lfunc_end0:
.L_simem_size_0:
called_computation.3_lowered:
.L_overlay_start_0:
0x88: {  	s2 =	sld [smem:$0x3FD9]  }
0x89: {  	s3 =	sld [smem:$0x3FFE];
	_ =	sdelay $0x1  }
0x8a: {  	s1 =	srdreg.scid  }
0x8b: {  	s0 =	sand.u32 $0x1, s1  }
0x8c: {  	s17 =	sshll.u32 s0, $0xA;
	s2 =	sadd.s32 s3, s2  }
0x8d: {  	s2 =	sadd.s32 s2, s17  }
0x8e: {  	[smem:$0x3FBE] =	sst s2  }
0x8f: {  	_ = 	snop  }
0x90: {  	s18 =	sld [smem:$0x3FD0];
	(tm) =	ssettm $0x1  }
0x91: {  	s19 =	sld [smem:$0x3FFB];
	_ =	sdelay $0x3  }
0x92: {  	_ =	strace s19  }
0x93: {  	s2 =	sld [smem:$0x3FFC];
	_ =	sdelay $0x3  }
0x94: {  	_ =	strace s2  }
0x95: {  	s2 =	sld [smem:$0x3FFD];
	_ =	sdelay $0x3  }
0x96: {  	_ =	strace s2  }
0x97: {  	_ =	strace $0x8FFFFFFF  }
0x98: {  	s20 =	sld [smem:$0x3FDB];
	_ =	sdelay $0x1  }
0x99: {  	s4 =	simm.s32 $_scs_section_size  }
0x9a: {  	s5 =	simm.s32 $_size__tile_overlayer_lowered;
	s6 =	simm.s32 $_tile_overlayer_lowered  }
0x9b: {  	s7 =	simm.s32 $0x1BFF;
	s21 =	sshll.u32 s6, $0x1;
	s4 =	sadd.s32 s4, s20  }
0x9c: {  	s22 =	simm.s32 $0x0;
	s5 =	sshll.u32 s5, $0x1;
	s6 =	sadd.s32 s21, s4  }
0x9d: {  	[timem:s22], [sflag:s7] =	dma.local [hbm:s6], s5  }
0x9e: {  	_ =	swait.ge [sflag:s7], s5  }
0x9f: {  	s5 =	ssub.s32 $0x0, s5;
	[sflag:s7] =	ssyncset.done $0x0  }
0xa0: {  	[sflag:s7] =	ssyncadd.s32 s5;
	_ =	sdelay $0x1  }
0xa1: {  	s23 =	simm.s32 $0x1B8B  }
0xa2: {  	_ =	swait.ge [sflag:s23], $0x1  }
0xa3: {  	[sflag:s23] =	ssyncset.done $0x0  }
0xa4: {  	[sflag:s23] =	ssyncadd.s32 $0xFFFFFFFF  }
0xa5: {  	s5 =	sld [smem:$0x0]  }
0xa6: {  	s6 =	sand.u32 $0xFFFFFFFE, s1  }
0xa7: {  	p0 =	sne.s32 s1, s6  }
0xa8: {  	s6 =	sshll.u32 @p0 s6, $0xE  }
0xa9: {  	s6 =	sadd.s32 @p0 $0x11B8D, s6;
	s7 =	sshll.u32 @p0 s5, $0x11  }
0xaa: {  	s6 =	sor.u32 @p0 s7, s6  }
0xab: {  	[sflag:s6] =	ssyncadd.remote.s32 @p0 $0x1;
	_ =	sdelay $0x1  }
0xac: {  	s6 =	simm.s32 @p0 $0x1B8D  }
0xad: {  	_ =	swait.eq @p0 [sflag:s6], $0x1  }
0xae: {  	[sflag:s6] =	ssyncadd.s32 @p0 $0xFFFFFFFF  }
0xaf: {  	s7 =	sshll.u32 @!p0 s1, $0xE  }
0xb0: {  	s7 =	sor.u32 @!p0 $0x4000, s7;
	s6 =	simm.s32 @!p0 $0x1B8D  }
0xb1: {  	s5 =	sshll.u32 @!p0 s5, $0x11;
	s7 =	sadd.s32 @!p0 $0x11B8D, s7;
	_ =	swait.eq @!p0 [sflag:s6], $0x1  }
0xb2: {  	s5 =	sor.u32 @!p0 s5, s7;
	[sflag:s6] =	ssyncadd.s32 @!p0 $0xFFFFFFFF  }
0xb3: {  	s25 =	simm.s32 $0x1B8E;
	s24 =	sld [smem:$0x3FFE];
	[sflag:s5] =	ssyncadd.remote.s32 @!p0 $0x1  }
0xb4: {  	s26 =	simm.s32 $execute0_lowered;
	[smem:$0x3FD2] =	sst s25  }
0xb5: {  	s6 =	sshll.u32 s26, $0x1;
	_ =	strace $0x8000004F;
	[dreg:$0x1] =	wrdreg $0xFFFFFFFF  }
0xb6: {  	s28 =	simm.s32 $_size_execute0_lowered;
	s4 =	sadd.s32 s4, s6;
	[dreg:$0x0] =	wrdreg $0x0  }
0xb7: {  	s6 =	sshll.u32 s28, $0x1;
	[dreg:$0x2] =	wrdreg s4  }
0xb8: {  	[dreg:$0x3] =	wrdreg s6  }
0xb9: {  	[dreg:$0x4] =	wrdreg $0xC0  }
0xba: {  	_ =	task [dreg:s22], $0x5FFFF  }
0xbb: {  	[dreg:$0x1] =	wrdreg $0xFFFFFFFF  }
0xbc: {  	[dreg:$0x0] =	wrdreg $0x60  }
0xbd: {  	[dreg:$0x2] =	wrdreg s24  }
0xbe: {  	[dreg:$0x3] =	wrdreg s18  }
0xbf: {  	[dreg:$0x4] =	wrdreg $0x0  }
0xc0: {  	[dreg:$0x5] =	wrdreg $0xA  }
0xc1: {  	_ =	task.clear_ibuf [dreg:s22], $0x6FFFF;
	_ =	strace $0x9000004F  }
0xc2: {  	s29 =	simm.s32 $0xA;
	_ =	strace $0x80000051  }
0xc3: {  	_ =	swait.ge [sflag:s29], $0x1  }
0xc4: {  	[sflag:s29] =	ssyncadd.s32 $0xFFFFFFFF  }
0xc5: {  	_ =	strace $0x90000051  }
0xc6: {  	_ =	sfence  }
0xc7: {  	s30 =	sld [smem:$0x0];
	_ =	sdelay $0x2  }
0xc8: {  	s31 =	sshll.u32 s1, $0xD;
	s1 =	sshrl.u32 s1, $0x2  }
0xc9: {  	s4 =	sand.u32 $0x4000, s31;
	s1 =	sadd.s32 s1, s30  }
0xca: {  	s0 =	sor.u32 s4, s0;
	s1 =	sshll.u32 s1, $0x11  }
0xcb: {  	s0 =	sor.u32 s1, s0  }
0xcc: {  	s0 =	sadd.s32 $0x8F2B, s0  }
0xcd: {  	[sflag:s0] =	ssyncadd.remote.s32 $0x1  }
0xce: {  	_ =	sfence.sel $0xFFFF  }
0xcf: {  	[dreg:$0x0] =	wrdreg $0xFFFFFFFF;
	(pc) =	sbr.abs _section_cstart, $3  }
0xd0: {  	[dreg:$0x1] =	wrdreg $0xFFFFFFFF  }
0xd1: {  	_ =	task.clear_ibuf [dreg:s22], $0x2FFFF;
	_ =	strace $0x9FFFFFFF  }
0xd2: {  	(tm) =	ssettm $0x7FFFFFFF  }
0xd3: {  	_ =	shalt  }
tec
execute0_lowered:
.L_overlay_start_1:
0x0: {  	(tag) =	ssettag $0x1  }
0x1: {  	s8 =	rddreg [dreg:$0x0]  }
0x2: {  	s2 =	rddreg [dreg:$0x1];
	s0 =	srdreg.scid  }
0x3: {  	s3 =	rddreg [dreg:$0x2];
	s1 =	stileid.u32  }
0x4: {  	s4 =	simm.s32 $0x0;
	s16 =	simm.s32 $0x19100;
	s17 =	simm.s32 $0x2  }
0x5: {  	s18 =	simm.s32 $0x14000;
	s19 =	simm.s32 $0x50;
	s20 =	simm.s32 $0x16900  }
0x6: {  	s21 =	simm.s32 $0x14100;
	s22 =	simm.s32 $0x14080;
	s23 =	simm.s32 $0x1  }
0x7: {  	s9 =	sand.u32 $0x1, s0;
	s0 =	rddreg [dreg:$0x3];
	s7 =	smul.u32 $0x14000, s1  }
0x8: {  	[smem:$0x7FF] =	sst s4;
	s5 =	sadd.s32 $0xBC00, s8;
	s11 =	smul.u32 $0x50000, s1  }
0x9: {  	s6 =	smul.u32 $0x140000, s9;
	_ =	strace $0x80000050;
	s30 =	ssub.s32 $0x2, s9  }
0xa: {  	s9 =	sshll.u32 s9, $0x4;
	s31 =	sshrl.u32 s30, $0x1;
	s11 =	sshrl.u32 s11, $0x2  }
0xb: {  	s13 =	sor.u32 s1, s9;
	s7 =	sadd.s32 s7, s6;
	s6 =	sadd.s32 $0x1E00, s8  }
0xc: {  	s15 =	ssub.s32 s30, s31;
	s13 =	smul.u32 $0xC80, s13;
	s10 =	sshrl.u32 s7, $0x3  }
0xd: {  	s7 =	sadd.s32 $0x83C00, s8;
	s14 =	sadd.s32 s10, s8;
	s8 =	sadd.s32 s11, s3  }
0xe: {  	s15 =	smax.u32 s15, $0x1;
	s9 =	sadd.s32 $0x4000, s8;
	s10 =	sadd.s32 $0x8000, s8  }
0xf: {  	v0 =	vimm.f32 $0.0e+00;
	s11 =	sadd.s32 $0xC000, s8;
	s12 =	sadd.s32 $0x10000, s8;
	s14 =	sadd.s32 $0x213C00, s14  }
.LBB2_1:
0x10: {  	s24 =	simm.s32 $0x0;
	s25 =	simm.s32 $0x200  }
.LBB2_2:
0x11: {  	p0 =	sne.s32 s25, $0xFE00;
	[tilespmem:s24+$0x19170] =	vst v0  }
0x12: {  	[tilespmem:s24+$0x19100] =	vst v0  }
0x13: {  	[tilespmem:s24+$0x19110] =	vst v0  }
.Ltmp0:
0x14: {  	[tilespmem:s24+$0x19120] =	vst v0;
	(pc) =	sbr.rel @p0 .LBB2_2-.Ltmp0, $4  }
0x15: {  	[tilespmem:s24+$0x19130] =	vst v0  }
0x16: {  	[tilespmem:s24+$0x19140] =	vst v0  }
0x17: {  	[tilespmem:s24+$0x19150] =	vst v0  }
0x18: {  	[tilespmem:s24+$0x19160] =	vst v0;
	s24 =	sshra.s32 s25, $0x2;
	s25 =	sadd.s32 $0x200, s25  }
0x19: {  	[tilespmem:s24+$0x19170] =	vst v0  }
0x1a: {  	[tilespmem:s24+$0x19100] =	vst v0  }
0x1b: {  	[tilespmem:s24+$0x19110] =	vst v0  }
0x1c: {  	[tilespmem:s24+$0x19120] =	vst v0  }
0x1d: {  	[tilespmem:s24+$0x19130] =	vst v0  }
0x1e: {  	[tilespmem:s24+$0x19140] =	vst v0  }
0x1f: {  	[tilespmem:s24+$0x19150] =	vst v0  }
0x20: {  	[tilespmem:s24+$0x19160] =	vst v0  }
0x21: {  	[spmem:s8] =	stream.linear.scatter [tilespmem:s16], [sflag:$0x2], $0x4000, $0x38;
	[tilespmem:$0x1D100] =	vst v63  }
0x22: {  	_ =	swait.ge [sflag:s17], $0x4000  }
0x23: {  	[sflag:s17] =	ssyncset.done $0x0  }
0x24: {  	[sflag:s17] =	ssyncadd.s32 $0xFFFFC000  }
0x25: {  	[spmem:s9] =	stream.linear.scatter [tilespmem:s16], [sflag:$0x2], $0x4000, $0x38;
	[tilespmem:$0x1D100] =	vst v63  }
0x26: {  	_ =	swait.ge [sflag:s17], $0x4000  }
0x27: {  	[sflag:s17] =	ssyncset.done $0x0  }
0x28: {  	[sflag:s17] =	ssyncadd.s32 $0xFFFFC000  }
0x29: {  	[spmem:s10] =	stream.linear.scatter [tilespmem:s16], [sflag:$0x2], $0x4000, $0x38;
	[tilespmem:$0x1D100] =	vst v63  }
0x2a: {  	_ =	swait.ge [sflag:s17], $0x4000  }
0x2b: {  	[sflag:s17] =	ssyncset.done $0x0  }
0x2c: {  	[sflag:s17] =	ssyncadd.s32 $0xFFFFC000  }
0x2d: {  	[spmem:s11] =	stream.linear.scatter [tilespmem:s16], [sflag:$0x2], $0x4000, $0x38;
	[tilespmem:$0x1D100] =	vst v63  }
0x2e: {  	_ =	swait.ge [sflag:s17], $0x4000  }
0x2f: {  	[sflag:s17] =	ssyncset.done $0x0  }
0x30: {  	[sflag:s17] =	ssyncadd.s32 $0xFFFFC000  }
0x31: {  	[spmem:s12] =	stream.linear.scatter [tilespmem:s16], [sflag:$0x2], $0x4000, $0x38;
	[tilespmem:$0x1D100] =	vst v63  }
0x32: {  	_ =	swait.ge [sflag:s17], $0x4000  }
0x33: {  	[sflag:s17] =	ssyncset.done $0x0  }
0x34: {  	[sflag:s17] =	ssyncadd.s32 $0xFFFFC000  }
0x35: {  	s24 =	simm.s32 $0x0;
	s25 =	simm.s32 $0x0;
	[bflag:$0x0] =	sbarrier.arrive $0xFFFF  }
.LBB2_4:
0x36: {  	s26 =	smul.u32 $0x50, s25;
	_ =	sdelay $0x1  }
0x37: {  	s26 =	sadd.s32 s13, s26  }
0x38: {  	s28 =	sshrl.u32 s26, $0x3  }
0x39: {  	s28 =	sadd.s32 $0x3E80, s28  }
0x3a: {  	s29 =	sadd.s32 s6, s28  }
0x3b: {  	[tilespmem:s18], [sflag:$0x2] =	stream.linear.gather [hbm4b:s29+s24], $0x50, $0x38;
	[tilespmem:$0x1D100] =	vst v63  }
0x3c: {  	_ =	swait.ge [sflag:s17], $0x50  }
0x3d: {  	[sflag:s17] =	ssyncset.done $0x0  }
0x3e: {  	s26 =	sshll.u32 s26, $0x4;
	[sflag:s17] =	ssyncadd.s32 $0xFFFFFFB0  }
0x3f: {  	[tilespmem:s20], [sflag:$0x1] =	stream.indirect.gather [hbm4b:s5+s19], $0x80, s18, s19, $0xb8;
	[tilespmem:$0x1D100] =	vst v63  }
0x40: {  	s26 =	sadd.s32 s7, s26  }
0x41: {  	[tilespmem:s21], [sflag:$0x2] =	stream.linear.gather [hbm4b:s26+s24], $0x2800, $0x38;
	[tilespmem:$0x1D100] =	vst v63  }
0x42: {  	_ =	swait.ge [sflag:s17], $0x2800  }
0x43: {  	[sflag:s17] =	ssyncset.done $0x0  }
0x44: {  	s31 =	sadd.s32 s2, s28;
	[sflag:s17] =	ssyncadd.s32 $0xFFFFD800  }
0x45: {  	[tilespmem:s22], [sflag:$0x2] =	stream.linear.gather [hbm4b:s31+s24], $0x50, $0x38;
	[tilespmem:$0x1D100] =	vst v63  }
0x46: {  	_ =	swait.ge [sflag:s17], $0x50  }
0x47: {  	[sflag:s17] =	ssyncset.done $0x0  }
0x48: {  	[sflag:s17] =	ssyncadd.s32 $0xFFFFFFB0  }
0x49: {  	_ =	swait.ge [sflag:s23], $0x2800  }
0x4a: {  	[sflag:s23] =	ssyncset.done $0x0  }
0x4b: {  	s26 =	simm.s32 $0x0;
	[sflag:s23] =	ssyncadd.s32 $0xFFFFD800  }
0x4c: {  	v8 =	vld [tilespmem:s26+$0x14100]  }
0x4d: {  	v12 =	vld [tilespmem:s26+$0x14110]  }
0x4e: {  	v6 =	vld [tilespmem:s26+$0x14120]  }
0x4f: {  	v5 =	vld [tilespmem:s26+$0x14130]  }
0x50: {  	v4 =	vld [tilespmem:s26+$0x14140]  }
0x51: {  	v3 =	vld [tilespmem:s26+$0x14150]  }
0x52: {  	v2 =	vld [tilespmem:s26+$0x14160]  }
0x53: {  	v1 =	vld [tilespmem:s26+$0x14170]  }
0x54: {  	v13 =	vld [tilespmem:s26+$0x16900]  }
0x55: {  	v14 =	vld [tilespmem:s26+$0x16910]  }
0x56: {  	v11 =	vld [tilespmem:s26+$0x16920]  }
0x57: {  	v10 =	vld [tilespmem:s26+$0x16930]  }
0x58: {  	v9 =	vld [tilespmem:s26+$0x16940]  }
0x59: {  	v7 =	vld [tilespmem:s26+$0x16950];
	v13 =	vmul.f32 v8, v13  }
0x5a: {  	s28 =	simm.s32 $0x200;
	v12 =	vmul.f32 v12, v14;
	v8 =	vld [tilespmem:s26+$0x16960]  }
.LBB2_5:
0x5b: {  	s29 =	sshra.s32 s28, $0x2;
	p0 =	sne.s32 s28, $0x9E00;
	[tilespmem:s26+$0x16900] =	vst v13;
	v6 =	vmul.f32 v6, v11;
	v11 =	vld [tilespmem:s26+$0x16970]  }
0x5c: {  	v13 =	vld [tilespmem:s29+$0x14100];
	[tilespmem:s26+$0x16910] =	vst v12;
	v5 =	vmul.f32 v5, v10  }
0x5d: {  	v12 =	vld [tilespmem:s29+$0x14110];
	[tilespmem:s26+$0x16920] =	vst v6;
	v4 =	vmul.f32 v4, v9  }
0x5e: {  	v6 =	vld [tilespmem:s29+$0x14120];
	[tilespmem:s26+$0x16930] =	vst v5;
	v3 =	vmul.f32 v3, v7  }
0x5f: {  	v5 =	vld [tilespmem:s29+$0x14130];
	[tilespmem:s26+$0x16940] =	vst v4;
	v2 =	vmul.f32 v2, v8  }
0x60: {  	v4 =	vld [tilespmem:s29+$0x14140];
	[tilespmem:s26+$0x16950] =	vst v3;
	v1 =	vmul.f32 v1, v11  }
0x61: {  	v3 =	vld [tilespmem:s29+$0x14150];
	[tilespmem:s26+$0x16960] =	vst v2  }
0x62: {  	v2 =	vld [tilespmem:s29+$0x14160];
	[tilespmem:s26+$0x16970] =	vst v1;
	s26 =	smov.u32 s29  }
0x63: {  	v1 =	vld [tilespmem:s26+$0x14170]  }
0x64: {  	v7 =	vld [tilespmem:s26+$0x16900]  }
0x65: {  	v8 =	vld [tilespmem:s26+$0x16910]  }
.Ltmp1:
0x66: {  	v11 =	vld [tilespmem:s26+$0x16920];
	(pc) =	sbr.rel @p0 .LBB2_5-.Ltmp1, $4  }
0x67: {  	v10 =	vld [tilespmem:s26+$0x16930]  }
0x68: {  	v9 =	vld [tilespmem:s26+$0x16940]  }
0x69: {  	v13 =	vmul.f32 v13, v7;
	v7 =	vld [tilespmem:s26+$0x16950]  }
0x6a: {  	s28 =	sadd.s32 $0x200, s28;
	v12 =	vmul.f32 v12, v8;
	v8 =	vld [tilespmem:s26+$0x16960]  }
0x6b: {  	[tilespmem:s26+$0x16900] =	vst v13;
	v6 =	vmul.f32 v6, v11;
	v63 =	vld [tilespmem:s26+$0x16970]  }
0x6c: {  	[tilespmem:s26+$0x16910] =	vst v12;
	v5 =	vmul.f32 v5, v10  }
0x6d: {  	[tilespmem:s26+$0x16920] =	vst v6;
	v4 =	vmul.f32 v4, v9  }
0x6e: {  	[tilespmem:s26+$0x16930] =	vst v5;
	v3 =	vmul.f32 v3, v7  }
0x6f: {  	[tilespmem:s26+$0x16940] =	vst v4;
	v2 =	vmul.f32 v2, v8  }
0x70: {  	s25 =	sadd.s32 $0x1, s25;
	[tilespmem:s26+$0x16950] =	vst v3;
	v1 =	vmul.f32 v1, v63  }
0x71: {  	p0 =	sne.s32 s25, $0x28;
	[tilespmem:s26+$0x16960] =	vst v2  }
.Ltmp2:
0x72: {  	[tilespmem:s26+$0x16970] =	vst v1;
	(pc) =	sbr.rel @p0 .LBB2_4-.Ltmp2, $4  }
0x73: {  	[spmem:s3] =	stream.indirect.scatter.add.f32 [tilespmem:s20], [sflag:$0x2], $0x80, s22, s19, $0xb8;
	[tilespmem:$0x1D100] =	vst v63  }
0x74: {  	_ =	swait.ge [sflag:s17], $0x2800  }
0x75: {  	[sflag:s17] =	ssyncset.done $0x0  }
0x76: {  	[sflag:s17] =	ssyncadd.s32 $0xFFFFD800  }
0x77: {  	s4 =	sadd.s32 $0x1, s4  }
0x78: {  	s24 =	sshll.u32 s1, $0x6;
	[bflag:$0x0] =	sbarrier.arrive $0xFFFF;
	p0 =	sne.s32 s4, s15  }
.Ltmp3:
0x79: {  	s25 =	sshrl.u32 s8, $0x3;
	s24 =	sor.u32 $0x1C02, s24;
	(pc) =	sbr.rel @p0 .LBB2_1-.Ltmp3, $4  }
0x7a: {  	[hbm:s14], [sflag:s24] =	dma.local [spmem:s25], $0x2800  }
0x7b: {  	_ =	swait.ge [sflag:s17], $0x2800  }
0x7c: {  	[sflag:s17] =	ssyncset.done $0x0  }
0x7d: {  	[sflag:s17] =	ssyncadd.s32 $0xFFFFD800  }
0x7e: {  	_ =	sfence.sel $0x180000  }
0x7f: {  	[bflag:$0x0] =	sbarrier.arrive $0xFFFF  }
0x80: {  	p0 =	sne.s32 s1, $0x0;
	_ =	strace $0x90000050  }
0x81: {  	s0 =	sadd.s32 @!p0 $0x100000, s0;
	[bflag:$0x2] =	sbarrier.arrive $0xFFFF  }
0x82: {  	[sflag:s0] =	ssyncadd.tile.s32 @!p0 $0x1;
	_ =	shalt  }
.Lfunc_end2:
_tile_overlayer_lowered:
.L_overlay_start_2:
0x83: {  	(tag) =	ssettag $0x2  }
0x84: {  	s0 =	rddreg [dreg:$0x0];
	s2 =	stileid.u32  }
0x85: {  	s1 =	rddreg [dreg:$0x1];
	p0 =	sne.s32 s2, $0x0  }
0x86: {  	s3 =	rddreg [dreg:$0x2];
	[bflag:$0x3] =	sbarrier.arrive $0xFFFF;
	s2 =	simm.s32 @!p0 $0x1C02  }
0x87: {  	[timem:s3], [sflag:s2] =	dma.local @!p0 [hbm:s0], s1  }
0x88: {  	s0 =	simm.s32 @!p0 $0x2  }
0x89: {  	_ =	swait.ge @!p0 [sflag:s0], s1  }
0x8a: {  	s1 =	ssub.s32 @!p0 $0x0, s1;
	[sflag:s0] =	ssyncset.done @!p0 $0x0  }
0x8b: {  	[sflag:s0] =	ssyncadd.s32 @!p0 s1  }
0x8c: {  	[bflag:$0x3] =	sbarrier.arrive $0xFFFF  }
0x8d: {  	_ =	shalt  }

// kernel: kernel.28.cloned.1.call-start
scs
__scs_entry_jumppad:
0x0: {  	(pc) =	sbr.rel $0x88, $3  }
0x1: {  	(tag) =	ssettag $0x0;
	lr =	simm.s32 $0x1  }
0x2: {  	[smem:$0x3F97] =	sst lr;
	_ =	strace $0xD0000000  }
0x3: {  	_ = 	snop  }
0x4: {  	_ = 	snop  }
0x5: {  	_ = 	snop  }
0x6: {  	_ = 	snop  }
0x7: {  	_ = 	snop  }
__scs_overlays_trampoline_lowered:
0x8: {  	[smem:$0x3FA6] =	sst s0  }
0x9: {  	[smem:$0x3FA7] =	sst s1  }
0xa: {  	[smem:$0x3FA8] =	sst s2  }
0xb: {  	[smem:$0x3FA9] =	sst s3  }
0xc: {  	[smem:$0x3FAA] =	sst s4  }
0xd: {  	[smem:$0x3FAB] =	sst s5  }
0xe: {  	[smem:$0x3FAC] =	sst s6  }
0xf: {  	[smem:$0x3FAD] =	sst s7  }
0x10: {  	[smem:$0x3FAE] =	sst s8  }
0x11: {  	[smem:$0x3FAF] =	sst s9;
	s0 =	simm.s32 @!p0 $0x0  }
0x12: {  	s1 =	sld [smem:$0x3F95];
	s0 =	simm.s32 @p0 $0x1  }
0x13: {  	[smem:$0x3FB0] =	sst s0;
	s0 =	simm.s32 @!p1 $0x0  }
0x14: {  	s2 =	sld [smem:$0x3F94];
	s0 =	simm.s32 @p1 $0x1  }
0x15: {  	[smem:$0x3FB1] =	sst s0;
	s0 =	simm.s32 @!p2 $0x0  }
0x16: {  	s3 =	sld [smem:$0x3FDB];
	s0 =	simm.s32 @p2 $0x1  }
0x17: {  	s4 =	simm.s32 $0x1BF5;
	[smem:$0x3FB3] =	sst s0  }
0x18: {  	s0 =	sld [smem:$0x3F96];
	_ =	swait.ge [sflag:s4], $0x0  }
0x19: {  	s7 =	sld [smem:$0x3F97]  }
0x1a: {  	s8 =	sadd.s32 $0xFFFFE003, lr  }
0x1b: {  	s9 =	sadd.s32 $0xFFFFFEF7, lr;
	s5 =	simm.s32 $0xFFFFFFFF;
	p2 =	slt.u32 s8, $0xFFFFF086  }
0x1c: {  	p1 =	slt.u32 s9, $0xF7A;
	s5 =	simm.s32 @!p2 $0x0  }
0x1d: {  	s5 =	simm.s32 @p1 $0x1;
	p0 =	seq.s32 s7, s2  }
0x1e: {  	s7 =	smul.u32 @!p0 $0xF7A, s2;
	p2 =	seq.s32 @!p0 s5, $0x0  }
0x1f: {  	s9 =	smul.u32 $0xF7A, s1;
	s8 =	simm.s32 @!p0 $0x1BF5;
	p2 =	por !p2, p0  }
0x20: {  	[sflag:s8] =	ssyncset.s32 @!p0 $0xFFFFF086;
	s6 =	sadd.s32 @!p0 s3, s7;
	s7 =	simm.s32 @!p0 $0x108  }
0x21: {  	s3 =	sadd.s32 s3, s9;
	s6 =	sadd.s32 @!p0 $0x88, s6;
	s7 =	simm.s32 @p2 $0x1082  }
0x22: {  	[simem:s7], [sflag:s8] =	dma.local @!p0 [hbm:s6], $0xF7A  }
0x23: {  	s9 =	sor.u32 $0xD0000000, s2;
	s6 =	simm.s32 $0x108;
	_ =	swait.ge @!p0 [sflag:s8], $0x0  }
0x24: {  	s3 =	sadd.s32 $0x88, s3;
	s6 =	simm.s32 @!p1 $0x1082;
	[sflag:s4] =	ssyncset.s32 $0xFFFFF086  }
0x25: {  	[simem:s6], [sflag:s4] =	dma.local [hbm:s3], $0xF7A  }
0x26: {  	[smem:$0x3F97] =	sst s1;
	(tag) =	ssettag s2;
	_ =	strace s9  }
0x27: {  	s1 =	sld [smem:$0x3FA7]  }
0x28: {  	s2 =	sld [smem:$0x3FA8]  }
0x29: {  	s4 =	sld [smem:$0x3FAA]  }
0x2a: {  	p0 =	seq.s32 s5, $0x0;
	s5 =	sld [smem:$0x3FAB]  }
0x2b: {  	s6 =	sld [smem:$0x3FAC]  }
0x2c: {  	s7 =	sld [smem:$0x3FAD]  }
0x2d: {  	s3 =	simm.s32 $0x108;
	s8 =	sld [smem:$0x3FAE]  }
0x2e: {  	s3 =	simm.s32 @!p0 $0x1082;
	s9 =	sld [smem:$0x3FAF]  }
0x2f: {  	lr =	sadd.s32 s0, s3;
	s0 =	sld [smem:$0x3FA6]  }
0x30: {  	s3 =	sld [smem:$0x3FA9]  }
0x31: {  	[smem:$0x3FB2] =	sst s10  }
0x32: {  	s10 =	sld [smem:$0x3FB0];
	_ =	sdelay $0x3  }
0x33: {  	p0 =	seq.s32 s10, $0x1;
	s10 =	sld [smem:$0x3FB2];
	_ =	sdelay $0x3  }
0x34: {  	[smem:$0x3FB2] =	sst s10  }
0x35: {  	s10 =	sld [smem:$0x3FB1];
	_ =	sdelay $0x3  }
0x36: {  	p1 =	seq.s32 s10, $0x1;
	s10 =	sld [smem:$0x3FB2];
	_ =	sdelay $0x3  }
0x37: {  	[smem:$0x3FB2] =	sst s10  }
0x38: {  	s10 =	sld [smem:$0x3FB3]  }
0x39: {  	_ = 	snop;
	(pc) =	sbr.ind lr, $3  }
0x3a: {  	_ = 	snop  }
0x3b: {  	_ = 	snop  }
0x3c: {  	p2 =	seq.s32 s10, $0x1;
	s10 =	sld [smem:$0x3FB2]  }
0x3d: {  	_ =	shalt  }
0x3e: {  	_ =	shalt  }
0x3f: {  	_ =	shalt  }
0x40: {  	_ =	shalt  }
0x41: {  	_ =	shalt  }
0x42: {  	_ =	shalt  }
0x43: {  	_ =	shalt  }
0x44: {  	_ =	shalt  }
0x45: {  	_ =	shalt  }
0x46: {  	_ =	shalt  }
0x47: {  	_ =	shalt  }
0x48: {  	_ =	shalt  }
0x49: {  	_ =	shalt  }
0x4a: {  	_ =	shalt  }
0x4b: {  	_ =	shalt  }
0x4c: {  	_ =	shalt  }
0x4d: {  	_ =	shalt  }
0x4e: {  	_ =	shalt  }
0x4f: {  	_ =	shalt  }
0x50: {  	_ =	shalt  }
0x51: {  	_ =	shalt  }
0x52: {  	_ =	shalt  }
0x53: {  	_ =	shalt  }
0x54: {  	_ =	shalt  }
0x55: {  	_ =	shalt  }
0x56: {  	_ =	shalt  }
0x57: {  	_ =	shalt  }
0x58: {  	_ =	shalt  }
0x59: {  	_ =	shalt  }
0x5a: {  	_ =	shalt  }
0x5b: {  	_ =	shalt  }
0x5c: {  	_ =	shalt  }
0x5d: {  	_ =	shalt  }
0x5e: {  	_ =	shalt  }
0x5f: {  	_ =	shalt  }
0x60: {  	_ =	shalt  }
0x61: {  	_ =	shalt  }
0x62: {  	_ =	shalt  }
0x63: {  	_ =	shalt  }
0x64: {  	_ =	shalt  }
0x65: {  	_ =	shalt  }
0x66: {  	_ =	shalt  }
0x67: {  	_ =	shalt  }
0x68: {  	_ =	shalt  }
0x69: {  	_ =	shalt  }
0x6a: {  	_ =	shalt  }
0x6b: {  	_ =	shalt  }
0x6c: {  	_ =	shalt  }
0x6d: {  	_ =	shalt  }
0x6e: {  	_ =	shalt  }
0x6f: {  	_ =	shalt  }
0x70: {  	_ =	shalt  }
0x71: {  	_ =	shalt  }
0x72: {  	_ =	shalt  }
0x73: {  	_ =	shalt  }
0x74: {  	_ =	shalt  }
0x75: {  	_ =	shalt  }
0x76: {  	_ =	shalt  }
0x77: {  	_ =	shalt  }
0x78: {  	_ =	shalt  }
0x79: {  	_ =	shalt  }
0x7a: {  	_ =	shalt  }
0x7b: {  	_ =	shalt  }
0x7c: {  	_ =	shalt  }
0x7d: {  	_ =	shalt  }
0x7e: {  	_ =	shalt  }
0x7f: {  	_ =	shalt  }
0x80: {  	_ =	shalt  }
0x81: {  	_ =	shalt  }
0x82: {  	_ =	shalt  }
0x83: {  	_ =	shalt  }
0x84: {  	_ =	shalt  }
0x85: {  	_ =	shalt  }
0x86: {  	_ =	shalt  }
0x87: {  	_ =	shalt  }
.Lfunc_end0:
.L_simem_size_0:
called_computation.4_lowered:
.L_overlay_start_0:
0x88: {  	s2 =	sld [smem:$0x3FD9]  }
0x89: {  	s3 =	sld [smem:$0x3FFE];
	_ =	sdelay $0x1  }
0x8a: {  	s1 =	srdreg.scid  }
0x8b: {  	s0 =	sand.u32 $0x1, s1  }
0x8c: {  	s17 =	sshll.u32 s0, $0xA;
	s2 =	sadd.s32 s3, s2  }
0x8d: {  	s2 =	sadd.s32 s2, s17  }
0x8e: {  	[smem:$0x3FBE] =	sst s2  }
0x8f: {  	_ = 	snop  }
0x90: {  	s18 =	sld [smem:$0x3FD0];
	(tm) =	ssettm $0x1  }
0x91: {  	s19 =	sld [smem:$0x3FFB];
	_ =	sdelay $0x3  }
0x92: {  	_ =	strace s19  }
0x93: {  	s2 =	sld [smem:$0x3FFC];
	_ =	sdelay $0x3  }
0x94: {  	_ =	strace s2  }
0x95: {  	s2 =	sld [smem:$0x3FFD];
	_ =	sdelay $0x3  }
0x96: {  	_ =	strace s2  }
0x97: {  	_ =	strace $0x8FFFFFFF  }
0x98: {  	s20 =	sld [smem:$0x3FDB];
	_ =	sdelay $0x1  }
0x99: {  	s4 =	simm.s32 $_scs_section_size  }
0x9a: {  	s5 =	simm.s32 $_size__tile_overlayer_lowered;
	s6 =	simm.s32 $_tile_overlayer_lowered  }
0x9b: {  	s7 =	simm.s32 $0x1BFF;
	s21 =	sshll.u32 s6, $0x1;
	s4 =	sadd.s32 s4, s20  }
0x9c: {  	s22 =	simm.s32 $0x0;
	s5 =	sshll.u32 s5, $0x1;
	s6 =	sadd.s32 s21, s4  }
0x9d: {  	[timem:s22], [sflag:s7] =	dma.local [hbm:s6], s5  }
0x9e: {  	_ =	swait.ge [sflag:s7], s5  }
0x9f: {  	s5 =	ssub.s32 $0x0, s5;
	[sflag:s7] =	ssyncset.done $0x0  }
0xa0: {  	[sflag:s7] =	ssyncadd.s32 s5;
	_ =	sdelay $0x1  }
0xa1: {  	s23 =	simm.s32 $0x1B8B  }
0xa2: {  	_ =	swait.ge [sflag:s23], $0x1  }
0xa3: {  	[sflag:s23] =	ssyncset.done $0x0  }
0xa4: {  	[sflag:s23] =	ssyncadd.s32 $0xFFFFFFFF  }
0xa5: {  	s5 =	sld [smem:$0x0]  }
0xa6: {  	s6 =	sand.u32 $0xFFFFFFFE, s1  }
0xa7: {  	p0 =	sne.s32 s1, s6  }
0xa8: {  	s6 =	sshll.u32 @p0 s6, $0xE  }
0xa9: {  	s6 =	sadd.s32 @p0 $0x11B8D, s6;
	s7 =	sshll.u32 @p0 s5, $0x11  }
0xaa: {  	s6 =	sor.u32 @p0 s7, s6  }
0xab: {  	[sflag:s6] =	ssyncadd.remote.s32 @p0 $0x1;
	_ =	sdelay $0x1  }
0xac: {  	s6 =	simm.s32 @p0 $0x1B8D  }
0xad: {  	_ =	swait.eq @p0 [sflag:s6], $0x1  }
0xae: {  	[sflag:s6] =	ssyncadd.s32 @p0 $0xFFFFFFFF  }
0xaf: {  	s7 =	sshll.u32 @!p0 s1, $0xE  }
0xb0: {  	s7 =	sor.u32 @!p0 $0x4000, s7;
	s6 =	simm.s32 @!p0 $0x1B8D  }
0xb1: {  	s5 =	sshll.u32 @!p0 s5, $0x11;
	s7 =	sadd.s32 @!p0 $0x11B8D, s7;
	_ =	swait.eq @!p0 [sflag:s6], $0x1  }
0xb2: {  	s5 =	sor.u32 @!p0 s5, s7;
	[sflag:s6] =	ssyncadd.s32 @!p0 $0xFFFFFFFF  }
0xb3: {  	s25 =	simm.s32 $0x1B8E;
	s24 =	sld [smem:$0x3FFE];
	[sflag:s5] =	ssyncadd.remote.s32 @!p0 $0x1  }
0xb4: {  	s26 =	simm.s32 $execute0_lowered;
	[smem:$0x3FD2] =	sst s25  }
0xb5: {  	s6 =	sshll.u32 s26, $0x1;
	_ =	strace $0x80000052;
	[dreg:$0x1] =	wrdreg $0xFFFFFFFF  }
0xb6: {  	s28 =	simm.s32 $_size_execute0_lowered;
	s4 =	sadd.s32 s4, s6;
	[dreg:$0x0] =	wrdreg $0x0  }
0xb7: {  	s6 =	sshll.u32 s28, $0x1;
	[dreg:$0x2] =	wrdreg s4  }
0xb8: {  	[dreg:$0x3] =	wrdreg s6  }
0xb9: {  	[dreg:$0x4] =	wrdreg $0xC0  }
0xba: {  	_ =	task [dreg:s22], $0x5FFFF  }
0xbb: {  	[dreg:$0x1] =	wrdreg $0xFFFFFFFF  }
0xbc: {  	[dreg:$0x0] =	wrdreg $0x60  }
0xbd: {  	[dreg:$0x2] =	wrdreg s24  }
0xbe: {  	[dreg:$0x3] =	wrdreg s18  }
0xbf: {  	[dreg:$0x4] =	wrdreg $0x0  }
0xc0: {  	[dreg:$0x5] =	wrdreg $0xB  }
0xc1: {  	_ =	task.clear_ibuf [dreg:s22], $0x6FFFF;
	_ =	strace $0x90000052  }
0xc2: {  	s29 =	simm.s32 $0xB;
	_ =	strace $0x80000054  }
0xc3: {  	_ =	swait.ge [sflag:s29], $0x1  }
0xc4: {  	[sflag:s29] =	ssyncadd.s32 $0xFFFFFFFF  }
0xc5: {  	_ =	strace $0x90000054  }
0xc6: {  	_ =	sfence  }
0xc7: {  	s30 =	sld [smem:$0x0];
	_ =	sdelay $0x2  }
0xc8: {  	s31 =	sshll.u32 s1, $0xD;
	s1 =	sshrl.u32 s1, $0x2  }
0xc9: {  	s4 =	sand.u32 $0x4000, s31;
	s1 =	sadd.s32 s1, s30  }
0xca: {  	s0 =	sor.u32 s4, s0;
	s1 =	sshll.u32 s1, $0x11  }
0xcb: {  	s0 =	sor.u32 s1, s0  }
0xcc: {  	s0 =	sadd.s32 $0x8F2B, s0  }
0xcd: {  	[sflag:s0] =	ssyncadd.remote.s32 $0x1  }
0xce: {  	_ =	sfence.sel $0xFFFF  }
0xcf: {  	[dreg:$0x0] =	wrdreg $0xFFFFFFFF;
	(pc) =	sbr.abs _section_cstart, $3  }
0xd0: {  	[dreg:$0x1] =	wrdreg $0xFFFFFFFF  }
0xd1: {  	_ =	task.clear_ibuf [dreg:s22], $0x2FFFF;
	_ =	strace $0x9FFFFFFF  }
0xd2: {  	(tm) =	ssettm $0x7FFFFFFF  }
0xd3: {  	_ =	shalt  }
tec
execute0_lowered:
.L_overlay_start_1:
0x0: {  	(tag) =	ssettag $0x1  }
0x1: {  	s8 =	rddreg [dreg:$0x0]  }
0x2: {  	s2 =	rddreg [dreg:$0x1];
	s0 =	srdreg.scid  }
0x3: {  	s3 =	rddreg [dreg:$0x2];
	s1 =	stileid.u32  }
0x4: {  	s4 =	simm.s32 $0x0;
	s16 =	simm.s32 $0x19100;
	s17 =	simm.s32 $0x2  }
0x5: {  	s18 =	simm.s32 $0x14000;
	s19 =	simm.s32 $0x50;
	s20 =	simm.s32 $0x16900  }
0x6: {  	s21 =	simm.s32 $0x14100;
	s22 =	simm.s32 $0x14080;
	s23 =	simm.s32 $0x1  }
0x7: {  	s9 =	sand.u32 $0x1, s0;
	s0 =	rddreg [dreg:$0x3];
	s7 =	smul.u32 $0x14000, s1  }
0x8: {  	[smem:$0x7FF] =	sst s4;
	s5 =	sadd.s32 $0xBC00, s8;
	s11 =	smul.u32 $0x50000, s1  }
0x9: {  	s6 =	smul.u32 $0x140000, s9;
	_ =	strace $0x80000053;
	s30 =	ssub.s32 $0x2, s9  }
0xa: {  	s9 =	sshll.u32 s9, $0x4;
	s31 =	sshrl.u32 s30, $0x1;
	s11 =	sshrl.u32 s11, $0x2  }
0xb: {  	s13 =	sor.u32 s1, s9;
	s7 =	sadd.s32 s7, s6;
	s6 =	sadd.s32 $0x1E00, s8  }
0xc: {  	s15 =	ssub.s32 s30, s31;
	s13 =	smul.u32 $0x7D0, s13;
	s10 =	sshrl.u32 s7, $0x3  }
0xd: {  	s7 =	sadd.s32 $0x263C00, s8;
	s14 =	sadd.s32 s10, s8;
	s8 =	sadd.s32 s11, s3  }
0xe: {  	s15 =	smax.u32 s15, $0x1;
	s9 =	sadd.s32 $0x4000, s8;
	s10 =	sadd.s32 $0x8000, s8  }
0xf: {  	v0 =	vimm.f32 $0.0e+00;
	s11 =	sadd.s32 $0xC000, s8;
	s12 =	sadd.s32 $0x10000, s8;
	s14 =	sadd.s32 $0x35DC00, s14  }
.LBB2_1:
0x10: {  	s24 =	simm.s32 $0x0;
	s25 =	simm.s32 $0x200  }
.LBB2_2:
0x11: {  	p0 =	sne.s32 s25, $0xFE00;
	[tilespmem:s24+$0x19170] =	vst v0  }
0x12: {  	[tilespmem:s24+$0x19100] =	vst v0  }
0x13: {  	[tilespmem:s24+$0x19110] =	vst v0  }
.Ltmp0:
0x14: {  	[tilespmem:s24+$0x19120] =	vst v0;
	(pc) =	sbr.rel @p0 .LBB2_2-.Ltmp0, $4  }
0x15: {  	[tilespmem:s24+$0x19130] =	vst v0  }
0x16: {  	[tilespmem:s24+$0x19140] =	vst v0  }
0x17: {  	[tilespmem:s24+$0x19150] =	vst v0  }
0x18: {  	[tilespmem:s24+$0x19160] =	vst v0;
	s24 =	sshra.s32 s25, $0x2;
	s25 =	sadd.s32 $0x200, s25  }
0x19: {  	[tilespmem:s24+$0x19170] =	vst v0  }
0x1a: {  	[tilespmem:s24+$0x19100] =	vst v0  }
0x1b: {  	[tilespmem:s24+$0x19110] =	vst v0  }
0x1c: {  	[tilespmem:s24+$0x19120] =	vst v0  }
0x1d: {  	[tilespmem:s24+$0x19130] =	vst v0  }
0x1e: {  	[tilespmem:s24+$0x19140] =	vst v0  }
0x1f: {  	[tilespmem:s24+$0x19150] =	vst v0  }
0x20: {  	[tilespmem:s24+$0x19160] =	vst v0  }
0x21: {  	[spmem:s8] =	stream.linear.scatter [tilespmem:s16], [sflag:$0x2], $0x4000, $0x38;
	[tilespmem:$0x1D100] =	vst v63  }
0x22: {  	_ =	swait.ge [sflag:s17], $0x4000  }
0x23: {  	[sflag:s17] =	ssyncset.done $0x0  }
0x24: {  	[sflag:s17] =	ssyncadd.s32 $0xFFFFC000  }
0x25: {  	[spmem:s9] =	stream.linear.scatter [tilespmem:s16], [sflag:$0x2], $0x4000, $0x38;
	[tilespmem:$0x1D100] =	vst v63  }
0x26: {  	_ =	swait.ge [sflag:s17], $0x4000  }
0x27: {  	[sflag:s17] =	ssyncset.done $0x0  }
0x28: {  	[sflag:s17] =	ssyncadd.s32 $0xFFFFC000  }
0x29: {  	[spmem:s10] =	stream.linear.scatter [tilespmem:s16], [sflag:$0x2], $0x4000, $0x38;
	[tilespmem:$0x1D100] =	vst v63  }
0x2a: {  	_ =	swait.ge [sflag:s17], $0x4000  }
0x2b: {  	[sflag:s17] =	ssyncset.done $0x0  }
0x2c: {  	[sflag:s17] =	ssyncadd.s32 $0xFFFFC000  }
0x2d: {  	[spmem:s11] =	stream.linear.scatter [tilespmem:s16], [sflag:$0x2], $0x4000, $0x38;
	[tilespmem:$0x1D100] =	vst v63  }
0x2e: {  	_ =	swait.ge [sflag:s17], $0x4000  }
0x2f: {  	[sflag:s17] =	ssyncset.done $0x0  }
0x30: {  	[sflag:s17] =	ssyncadd.s32 $0xFFFFC000  }
0x31: {  	[spmem:s12] =	stream.linear.scatter [tilespmem:s16], [sflag:$0x2], $0x4000, $0x38;
	[tilespmem:$0x1D100] =	vst v63  }
0x32: {  	_ =	swait.ge [sflag:s17], $0x4000  }
0x33: {  	[sflag:s17] =	ssyncset.done $0x0  }
0x34: {  	[sflag:s17] =	ssyncadd.s32 $0xFFFFC000  }
0x35: {  	s24 =	simm.s32 $0x0;
	s25 =	simm.s32 $0x0;
	[bflag:$0x0] =	sbarrier.arrive $0xFFFF  }
.LBB2_4:
0x36: {  	s26 =	smul.u32 $0x50, s25;
	_ =	sdelay $0x1  }
0x37: {  	s26 =	sadd.s32 s13, s26  }
0x38: {  	s28 =	sshrl.u32 s26, $0x3  }
0x39: {  	s28 =	sadd.s32 $0x7080, s28  }
0x3a: {  	s29 =	sadd.s32 s6, s28  }
0x3b: {  	[tilespmem:s18], [sflag:$0x2] =	stream.linear.gather [hbm4b:s29+s24], $0x50, $0x38;
	[tilespmem:$0x1D100] =	vst v63  }
0x3c: {  	_ =	swait.ge [sflag:s17], $0x50  }
0x3d: {  	[sflag:s17] =	ssyncset.done $0x0  }
0x3e: {  	s26 =	sshll.u32 s26, $0x4;
	[sflag:s17] =	ssyncadd.s32 $0xFFFFFFB0  }
0x3f: {  	[tilespmem:s20], [sflag:$0x1] =	stream.indirect.gather [hbm4b:s5+s19], $0x80, s18, s19, $0xb8;
	[tilespmem:$0x1D100] =	vst v63  }
0x40: {  	s26 =	sadd.s32 s7, s26  }
0x41: {  	[tilespmem:s21], [sflag:$0x2] =	stream.linear.gather [hbm4b:s26+s24], $0x2800, $0x38;
	[tilespmem:$0x1D100] =	vst v63  }
0x42: {  	_ =	swait.ge [sflag:s17], $0x2800  }
0x43: {  	[sflag:s17] =	ssyncset.done $0x0  }
0x44: {  	s31 =	sadd.s32 s2, s28;
	[sflag:s17] =	ssyncadd.s32 $0xFFFFD800  }
0x45: {  	[tilespmem:s22], [sflag:$0x2] =	stream.linear.gather [hbm4b:s31+s24], $0x50, $0x38;
	[tilespmem:$0x1D100] =	vst v63  }
0x46: {  	_ =	swait.ge [sflag:s17], $0x50  }
0x47: {  	[sflag:s17] =	ssyncset.done $0x0  }
0x48: {  	[sflag:s17] =	ssyncadd.s32 $0xFFFFFFB0  }
0x49: {  	_ =	swait.ge [sflag:s23], $0x2800  }
0x4a: {  	[sflag:s23] =	ssyncset.done $0x0  }
0x4b: {  	s26 =	simm.s32 $0x0;
	[sflag:s23] =	ssyncadd.s32 $0xFFFFD800  }
0x4c: {  	v8 =	vld [tilespmem:s26+$0x14100]  }
0x4d: {  	v12 =	vld [tilespmem:s26+$0x14110]  }
0x4e: {  	v6 =	vld [tilespmem:s26+$0x14120]  }
0x4f: {  	v5 =	vld [tilespmem:s26+$0x14130]  }
0x50: {  	v4 =	vld [tilespmem:s26+$0x14140]  }
0x51: {  	v3 =	vld [tilespmem:s26+$0x14150]  }
0x52: {  	v2 =	vld [tilespmem:s26+$0x14160]  }
0x53: {  	v1 =	vld [tilespmem:s26+$0x14170]  }
0x54: {  	v13 =	vld [tilespmem:s26+$0x16900]  }
0x55: {  	v14 =	vld [tilespmem:s26+$0x16910]  }
0x56: {  	v11 =	vld [tilespmem:s26+$0x16920]  }
0x57: {  	v10 =	vld [tilespmem:s26+$0x16930]  }
0x58: {  	v9 =	vld [tilespmem:s26+$0x16940]  }
0x59: {  	v7 =	vld [tilespmem:s26+$0x16950];
	v13 =	vmul.f32 v8, v13  }
0x5a: {  	s28 =	simm.s32 $0x200;
	v12 =	vmul.f32 v12, v14;
	v8 =	vld [tilespmem:s26+$0x16960]  }
.LBB2_5:
0x5b: {  	s29 =	sshra.s32 s28, $0x2;
	p0 =	sne.s32 s28, $0x9E00;
	[tilespmem:s26+$0x16900] =	vst v13;
	v6 =	vmul.f32 v6, v11;
	v11 =	vld [tilespmem:s26+$0x16970]  }
0x5c: {  	v13 =	vld [tilespmem:s29+$0x14100];
	[tilespmem:s26+$0x16910] =	vst v12;
	v5 =	vmul.f32 v5, v10  }
0x5d: {  	v12 =	vld [tilespmem:s29+$0x14110];
	[tilespmem:s26+$0x16920] =	vst v6;
	v4 =	vmul.f32 v4, v9  }
0x5e: {  	v6 =	vld [tilespmem:s29+$0x14120];
	[tilespmem:s26+$0x16930] =	vst v5;
	v3 =	vmul.f32 v3, v7  }
0x5f: {  	v5 =	vld [tilespmem:s29+$0x14130];
	[tilespmem:s26+$0x16940] =	vst v4;
	v2 =	vmul.f32 v2, v8  }
0x60: {  	v4 =	vld [tilespmem:s29+$0x14140];
	[tilespmem:s26+$0x16950] =	vst v3;
	v1 =	vmul.f32 v1, v11  }
0x61: {  	v3 =	vld [tilespmem:s29+$0x14150];
	[tilespmem:s26+$0x16960] =	vst v2  }
0x62: {  	v2 =	vld [tilespmem:s29+$0x14160];
	[tilespmem:s26+$0x16970] =	vst v1;
	s26 =	smov.u32 s29  }
0x63: {  	v1 =	vld [tilespmem:s26+$0x14170]  }
0x64: {  	v7 =	vld [tilespmem:s26+$0x16900]  }
0x65: {  	v8 =	vld [tilespmem:s26+$0x16910]  }
.Ltmp1:
0x66: {  	v11 =	vld [tilespmem:s26+$0x16920];
	(pc) =	sbr.rel @p0 .LBB2_5-.Ltmp1, $4  }
0x67: {  	v10 =	vld [tilespmem:s26+$0x16930]  }
0x68: {  	v9 =	vld [tilespmem:s26+$0x16940]  }
0x69: {  	v13 =	vmul.f32 v13, v7;
	v7 =	vld [tilespmem:s26+$0x16950]  }
0x6a: {  	s28 =	sadd.s32 $0x200, s28;
	v12 =	vmul.f32 v12, v8;
	v8 =	vld [tilespmem:s26+$0x16960]  }
0x6b: {  	[tilespmem:s26+$0x16900] =	vst v13;
	v6 =	vmul.f32 v6, v11;
	v63 =	vld [tilespmem:s26+$0x16970]  }
0x6c: {  	[tilespmem:s26+$0x16910] =	vst v12;
	v5 =	vmul.f32 v5, v10  }
0x6d: {  	[tilespmem:s26+$0x16920] =	vst v6;
	v4 =	vmul.f32 v4, v9  }
0x6e: {  	[tilespmem:s26+$0x16930] =	vst v5;
	v3 =	vmul.f32 v3, v7  }
0x6f: {  	[tilespmem:s26+$0x16940] =	vst v4;
	v2 =	vmul.f32 v2, v8  }
0x70: {  	s25 =	sadd.s32 $0x1, s25;
	[tilespmem:s26+$0x16950] =	vst v3;
	v1 =	vmul.f32 v1, v63  }
0x71: {  	p0 =	sne.s32 s25, $0x19;
	[tilespmem:s26+$0x16960] =	vst v2  }
.Ltmp2:
0x72: {  	[tilespmem:s26+$0x16970] =	vst v1;
	(pc) =	sbr.rel @p0 .LBB2_4-.Ltmp2, $4  }
0x73: {  	[spmem:s3] =	stream.indirect.scatter.add.f32 [tilespmem:s20], [sflag:$0x2], $0x80, s22, s19, $0xb8;
	[tilespmem:$0x1D100] =	vst v63  }
0x74: {  	_ =	swait.ge [sflag:s17], $0x2800  }
0x75: {  	[sflag:s17] =	ssyncset.done $0x0  }
0x76: {  	[sflag:s17] =	ssyncadd.s32 $0xFFFFD800  }
0x77: {  	s4 =	sadd.s32 $0x1, s4  }
0x78: {  	s24 =	sshll.u32 s1, $0x6;
	[bflag:$0x0] =	sbarrier.arrive $0xFFFF;
	p0 =	sne.s32 s4, s15  }
.Ltmp3:
0x79: {  	s25 =	sshrl.u32 s8, $0x3;
	s24 =	sor.u32 $0x1C02, s24;
	(pc) =	sbr.rel @p0 .LBB2_1-.Ltmp3, $4  }
0x7a: {  	[hbm:s14], [sflag:s24] =	dma.local [spmem:s25], $0x2800  }
0x7b: {  	_ =	swait.ge [sflag:s17], $0x2800  }
0x7c: {  	[sflag:s17] =	ssyncset.done $0x0  }
0x7d: {  	[sflag:s17] =	ssyncadd.s32 $0xFFFFD800  }
0x7e: {  	_ =	sfence.sel $0x180000  }
0x7f: {  	[bflag:$0x0] =	sbarrier.arrive $0xFFFF  }
0x80: {  	p0 =	sne.s32 s1, $0x0;
	_ =	strace $0x90000053  }
0x81: {  	s0 =	sadd.s32 @!p0 $0x100000, s0;
	[bflag:$0x2] =	sbarrier.arrive $0xFFFF  }
0x82: {  	[sflag:s0] =	ssyncadd.tile.s32 @!p0 $0x1;
	_ =	shalt  }
.Lfunc_end2:
_tile_overlayer_lowered:
.L_overlay_start_2:
0x83: {  	(tag) =	ssettag $0x2  }
0x84: {  	s0 =	rddreg [dreg:$0x0];
	s2 =	stileid.u32  }
0x85: {  	s1 =	rddreg [dreg:$0x1];
	p0 =	sne.s32 s2, $0x0  }
0x86: {  	s3 =	rddreg [dreg:$0x2];
	[bflag:$0x3] =	sbarrier.arrive $0xFFFF;
	s2 =	simm.s32 @!p0 $0x1C02  }
0x87: {  	[timem:s3], [sflag:s2] =	dma.local @!p0 [hbm:s0], s1  }
0x88: {  	s0 =	simm.s32 @!p0 $0x2  }
0x89: {  	_ =	swait.ge @!p0 [sflag:s0], s1  }
0x8a: {  	s1 =	ssub.s32 @!p0 $0x0, s1;
	[sflag:s0] =	ssyncset.done @!p0 $0x0  }
0x8b: {  	[sflag:s0] =	ssyncadd.s32 @!p0 s1  }
0x8c: {  	[bflag:$0x3] =	sbarrier.arrive $0xFFFF  }
0x8d: {  	_ =	shalt  }

// kernel: kernel.31.cloned.1.call-start
scs
__scs_entry_jumppad:
0x0: {  	(pc) =	sbr.rel $0x88, $3  }
0x1: {  	(tag) =	ssettag $0x0;
	lr =	simm.s32 $0x1  }
0x2: {  	[smem:$0x3F97] =	sst lr;
	_ =	strace $0xD0000000  }
0x3: {  	_ = 	snop  }
0x4: {  	_ = 	snop  }
0x5: {  	_ = 	snop  }
0x6: {  	_ = 	snop  }
0x7: {  	_ = 	snop  }
__scs_overlays_trampoline_lowered:
0x8: {  	[smem:$0x3FA6] =	sst s0  }
0x9: {  	[smem:$0x3FA7] =	sst s1  }
0xa: {  	[smem:$0x3FA8] =	sst s2  }
0xb: {  	[smem:$0x3FA9] =	sst s3  }
0xc: {  	[smem:$0x3FAA] =	sst s4  }
0xd: {  	[smem:$0x3FAB] =	sst s5  }
0xe: {  	[smem:$0x3FAC] =	sst s6  }
0xf: {  	[smem:$0x3FAD] =	sst s7  }
0x10: {  	[smem:$0x3FAE] =	sst s8  }
0x11: {  	[smem:$0x3FAF] =	sst s9;
	s0 =	simm.s32 @!p0 $0x0  }
0x12: {  	s1 =	sld [smem:$0x3F95];
	s0 =	simm.s32 @p0 $0x1  }
0x13: {  	[smem:$0x3FB0] =	sst s0;
	s0 =	simm.s32 @!p1 $0x0  }
0x14: {  	s2 =	sld [smem:$0x3F94];
	s0 =	simm.s32 @p1 $0x1  }
0x15: {  	[smem:$0x3FB1] =	sst s0;
	s0 =	simm.s32 @!p2 $0x0  }
0x16: {  	s3 =	sld [smem:$0x3FDB];
	s0 =	simm.s32 @p2 $0x1  }
0x17: {  	s4 =	simm.s32 $0x1BF5;
	[smem:$0x3FB3] =	sst s0  }
0x18: {  	s0 =	sld [smem:$0x3F96];
	_ =	swait.ge [sflag:s4], $0x0  }
0x19: {  	s7 =	sld [smem:$0x3F97]  }
0x1a: {  	s8 =	sadd.s32 $0xFFFFE003, lr  }
0x1b: {  	s9 =	sadd.s32 $0xFFFFFEF7, lr;
	s5 =	simm.s32 $0xFFFFFFFF;
	p2 =	slt.u32 s8, $0xFFFFF086  }
0x1c: {  	p1 =	slt.u32 s9, $0xF7A;
	s5 =	simm.s32 @!p2 $0x0  }
0x1d: {  	s5 =	simm.s32 @p1 $0x1;
	p0 =	seq.s32 s7, s2  }
0x1e: {  	s7 =	smul.u32 @!p0 $0xF7A, s2;
	p2 =	seq.s32 @!p0 s5, $0x0  }
0x1f: {  	s9 =	smul.u32 $0xF7A, s1;
	s8 =	simm.s32 @!p0 $0x1BF5;
	p2 =	por !p2, p0  }
0x20: {  	[sflag:s8] =	ssyncset.s32 @!p0 $0xFFFFF086;
	s6 =	sadd.s32 @!p0 s3, s7;
	s7 =	simm.s32 @!p0 $0x108  }
0x21: {  	s3 =	sadd.s32 s3, s9;
	s6 =	sadd.s32 @!p0 $0x88, s6;
	s7 =	simm.s32 @p2 $0x1082  }
0x22: {  	[simem:s7], [sflag:s8] =	dma.local @!p0 [hbm:s6], $0xF7A  }
0x23: {  	s9 =	sor.u32 $0xD0000000, s2;
	s6 =	simm.s32 $0x108;
	_ =	swait.ge @!p0 [sflag:s8], $0x0  }
0x24: {  	s3 =	sadd.s32 $0x88, s3;
	s6 =	simm.s32 @!p1 $0x1082;
	[sflag:s4] =	ssyncset.s32 $0xFFFFF086  }
0x25: {  	[simem:s6], [sflag:s4] =	dma.local [hbm:s3], $0xF7A  }
0x26: {  	[smem:$0x3F97] =	sst s1;
	(tag) =	ssettag s2;
	_ =	strace s9  }
0x27: {  	s1 =	sld [smem:$0x3FA7]  }
0x28: {  	s2 =	sld [smem:$0x3FA8]  }
0x29: {  	s4 =	sld [smem:$0x3FAA]  }
0x2a: {  	p0 =	seq.s32 s5, $0x0;
	s5 =	sld [smem:$0x3FAB]  }
0x2b: {  	s6 =	sld [smem:$0x3FAC]  }
0x2c: {  	s7 =	sld [smem:$0x3FAD]  }
0x2d: {  	s3 =	simm.s32 $0x108;
	s8 =	sld [smem:$0x3FAE]  }
0x2e: {  	s3 =	simm.s32 @!p0 $0x1082;
	s9 =	sld [smem:$0x3FAF]  }
0x2f: {  	lr =	sadd.s32 s0, s3;
	s0 =	sld [smem:$0x3FA6]  }
0x30: {  	s3 =	sld [smem:$0x3FA9]  }
0x31: {  	[smem:$0x3FB2] =	sst s10  }
0x32: {  	s10 =	sld [smem:$0x3FB0];
	_ =	sdelay $0x3  }
0x33: {  	p0 =	seq.s32 s10, $0x1;
	s10 =	sld [smem:$0x3FB2];
	_ =	sdelay $0x3  }
0x34: {  	[smem:$0x3FB2] =	sst s10  }
0x35: {  	s10 =	sld [smem:$0x3FB1];
	_ =	sdelay $0x3  }
0x36: {  	p1 =	seq.s32 s10, $0x1;
	s10 =	sld [smem:$0x3FB2];
	_ =	sdelay $0x3  }
0x37: {  	[smem:$0x3FB2] =	sst s10  }
0x38: {  	s10 =	sld [smem:$0x3FB3]  }
0x39: {  	_ = 	snop;
	(pc) =	sbr.ind lr, $3  }
0x3a: {  	_ = 	snop  }
0x3b: {  	_ = 	snop  }
0x3c: {  	p2 =	seq.s32 s10, $0x1;
	s10 =	sld [smem:$0x3FB2]  }
0x3d: {  	_ =	shalt  }
0x3e: {  	_ =	shalt  }
0x3f: {  	_ =	shalt  }
0x40: {  	_ =	shalt  }
0x41: {  	_ =	shalt  }
0x42: {  	_ =	shalt  }
0x43: {  	_ =	shalt  }
0x44: {  	_ =	shalt  }
0x45: {  	_ =	shalt  }
0x46: {  	_ =	shalt  }
0x47: {  	_ =	shalt  }
0x48: {  	_ =	shalt  }
0x49: {  	_ =	shalt  }
0x4a: {  	_ =	shalt  }
0x4b: {  	_ =	shalt  }
0x4c: {  	_ =	shalt  }
0x4d: {  	_ =	shalt  }
0x4e: {  	_ =	shalt  }
0x4f: {  	_ =	shalt  }
0x50: {  	_ =	shalt  }
0x51: {  	_ =	shalt  }
0x52: {  	_ =	shalt  }
0x53: {  	_ =	shalt  }
0x54: {  	_ =	shalt  }
0x55: {  	_ =	shalt  }
0x56: {  	_ =	shalt  }
0x57: {  	_ =	shalt  }
0x58: {  	_ =	shalt  }
0x59: {  	_ =	shalt  }
0x5a: {  	_ =	shalt  }
0x5b: {  	_ =	shalt  }
0x5c: {  	_ =	shalt  }
0x5d: {  	_ =	shalt  }
0x5e: {  	_ =	shalt  }
0x5f: {  	_ =	shalt  }
0x60: {  	_ =	shalt  }
0x61: {  	_ =	shalt  }
0x62: {  	_ =	shalt  }
0x63: {  	_ =	shalt  }
0x64: {  	_ =	shalt  }
0x65: {  	_ =	shalt  }
0x66: {  	_ =	shalt  }
0x67: {  	_ =	shalt  }
0x68: {  	_ =	shalt  }
0x69: {  	_ =	shalt  }
0x6a: {  	_ =	shalt  }
0x6b: {  	_ =	shalt  }
0x6c: {  	_ =	shalt  }
0x6d: {  	_ =	shalt  }
0x6e: {  	_ =	shalt  }
0x6f: {  	_ =	shalt  }
0x70: {  	_ =	shalt  }
0x71: {  	_ =	shalt  }
0x72: {  	_ =	shalt  }
0x73: {  	_ =	shalt  }
0x74: {  	_ =	shalt  }
0x75: {  	_ =	shalt  }
0x76: {  	_ =	shalt  }
0x77: {  	_ =	shalt  }
0x78: {  	_ =	shalt  }
0x79: {  	_ =	shalt  }
0x7a: {  	_ =	shalt  }
0x7b: {  	_ =	shalt  }
0x7c: {  	_ =	shalt  }
0x7d: {  	_ =	shalt  }
0x7e: {  	_ =	shalt  }
0x7f: {  	_ =	shalt  }
0x80: {  	_ =	shalt  }
0x81: {  	_ =	shalt  }
0x82: {  	_ =	shalt  }
0x83: {  	_ =	shalt  }
0x84: {  	_ =	shalt  }
0x85: {  	_ =	shalt  }
0x86: {  	_ =	shalt  }
0x87: {  	_ =	shalt  }
.Lfunc_end0:
.L_simem_size_0:
called_computation.5_lowered:
.L_overlay_start_0:
0x88: {  	s2 =	sld [smem:$0x3FD9]  }
0x89: {  	s3 =	sld [smem:$0x3FFE];
	_ =	sdelay $0x1  }
0x8a: {  	s1 =	srdreg.scid  }
0x8b: {  	s0 =	sand.u32 $0x1, s1  }
0x8c: {  	s17 =	sshll.u32 s0, $0xA;
	s2 =	sadd.s32 s3, s2  }
0x8d: {  	s2 =	sadd.s32 s2, s17  }
0x8e: {  	[smem:$0x3FBE] =	sst s2  }
0x8f: {  	_ = 	snop  }
0x90: {  	s18 =	sld [smem:$0x3FD0];
	(tm) =	ssettm $0x1  }
0x91: {  	s19 =	sld [smem:$0x3FFB];
	_ =	sdelay $0x3  }
0x92: {  	_ =	strace s19  }
0x93: {  	s2 =	sld [smem:$0x3FFC];
	_ =	sdelay $0x3  }
0x94: {  	_ =	strace s2  }
0x95: {  	s2 =	sld [smem:$0x3FFD];
	_ =	sdelay $0x3  }
0x96: {  	_ =	strace s2  }
0x97: {  	_ =	strace $0x8FFFFFFF  }
0x98: {  	s20 =	sld [smem:$0x3FDB];
	_ =	sdelay $0x1  }
0x99: {  	s4 =	simm.s32 $_scs_section_size  }
0x9a: {  	s5 =	simm.s32 $_size__tile_overlayer_lowered;
	s6 =	simm.s32 $_tile_overlayer_lowered  }
0x9b: {  	s7 =	simm.s32 $0x1BFF;
	s21 =	sshll.u32 s6, $0x1;
	s4 =	sadd.s32 s4, s20  }
0x9c: {  	s22 =	simm.s32 $0x0;
	s5 =	sshll.u32 s5, $0x1;
	s6 =	sadd.s32 s21, s4  }
0x9d: {  	[timem:s22], [sflag:s7] =	dma.local [hbm:s6], s5  }
0x9e: {  	_ =	swait.ge [sflag:s7], s5  }
0x9f: {  	s5 =	ssub.s32 $0x0, s5;
	[sflag:s7] =	ssyncset.done $0x0  }
0xa0: {  	[sflag:s7] =	ssyncadd.s32 s5;
	_ =	sdelay $0x1  }
0xa1: {  	s23 =	simm.s32 $0x1B8B  }
0xa2: {  	_ =	swait.ge [sflag:s23], $0x1  }
0xa3: {  	[sflag:s23] =	ssyncset.done $0x0  }
0xa4: {  	[sflag:s23] =	ssyncadd.s32 $0xFFFFFFFF  }
0xa5: {  	s5 =	sld [smem:$0x0]  }
0xa6: {  	s6 =	sand.u32 $0xFFFFFFFE, s1  }
0xa7: {  	p0 =	sne.s32 s1, s6  }
0xa8: {  	s6 =	sshll.u32 @p0 s6, $0xE  }
0xa9: {  	s6 =	sadd.s32 @p0 $0x11B8D, s6;
	s7 =	sshll.u32 @p0 s5, $0x11  }
0xaa: {  	s6 =	sor.u32 @p0 s7, s6  }
0xab: {  	[sflag:s6] =	ssyncadd.remote.s32 @p0 $0x1;
	_ =	sdelay $0x1  }
0xac: {  	s6 =	simm.s32 @p0 $0x1B8D  }
0xad: {  	_ =	swait.eq @p0 [sflag:s6], $0x1  }
0xae: {  	[sflag:s6] =	ssyncadd.s32 @p0 $0xFFFFFFFF  }
0xaf: {  	s7 =	sshll.u32 @!p0 s1, $0xE  }
0xb0: {  	s7 =	sor.u32 @!p0 $0x4000, s7;
	s6 =	simm.s32 @!p0 $0x1B8D  }
0xb1: {  	s5 =	sshll.u32 @!p0 s5, $0x11;
	s7 =	sadd.s32 @!p0 $0x11B8D, s7;
	_ =	swait.eq @!p0 [sflag:s6], $0x1  }
0xb2: {  	s5 =	sor.u32 @!p0 s5, s7;
	[sflag:s6] =	ssyncadd.s32 @!p0 $0xFFFFFFFF  }
0xb3: {  	s25 =	simm.s32 $0x1B8E;
	s24 =	sld [smem:$0x3FFE];
	[sflag:s5] =	ssyncadd.remote.s32 @!p0 $0x1  }
0xb4: {  	s26 =	simm.s32 $execute0_lowered;
	[smem:$0x3FD2] =	sst s25  }
0xb5: {  	s6 =	sshll.u32 s26, $0x1;
	_ =	strace $0x80000055;
	[dreg:$0x1] =	wrdreg $0xFFFFFFFF  }
0xb6: {  	s28 =	simm.s32 $_size_execute0_lowered;
	s4 =	sadd.s32 s4, s6;
	[dreg:$0x0] =	wrdreg $0x0  }
0xb7: {  	s6 =	sshll.u32 s28, $0x1;
	[dreg:$0x2] =	wrdreg s4  }
0xb8: {  	[dreg:$0x3] =	wrdreg s6  }
0xb9: {  	[dreg:$0x4] =	wrdreg $0xC0  }
0xba: {  	_ =	task [dreg:s22], $0x5FFFF  }
0xbb: {  	[dreg:$0x1] =	wrdreg $0xFFFFFFFF  }
0xbc: {  	[dreg:$0x0] =	wrdreg $0x60  }
0xbd: {  	[dreg:$0x2] =	wrdreg s24  }
0xbe: {  	[dreg:$0x3] =	wrdreg s18  }
0xbf: {  	[dreg:$0x4] =	wrdreg $0x0  }
0xc0: {  	[dreg:$0x5] =	wrdreg $0xC  }
0xc1: {  	_ =	task.clear_ibuf [dreg:s22], $0x6FFFF;
	_ =	strace $0x90000055  }
0xc2: {  	s29 =	simm.s32 $0xC;
	_ =	strace $0x80000057  }
0xc3: {  	_ =	swait.ge [sflag:s29], $0x1  }
0xc4: {  	[sflag:s29] =	ssyncadd.s32 $0xFFFFFFFF  }
0xc5: {  	_ =	strace $0x90000057  }
0xc6: {  	_ =	sfence  }
0xc7: {  	s30 =	sld [smem:$0x0];
	_ =	sdelay $0x2  }
0xc8: {  	s31 =	sshll.u32 s1, $0xD;
	s1 =	sshrl.u32 s1, $0x2  }
0xc9: {  	s4 =	sand.u32 $0x4000, s31;
	s1 =	sadd.s32 s1, s30  }
0xca: {  	s0 =	sor.u32 s4, s0;
	s1 =	sshll.u32 s1, $0x11  }
0xcb: {  	s0 =	sor.u32 s1, s0  }
0xcc: {  	s0 =	sadd.s32 $0x8F2B, s0  }
0xcd: {  	[sflag:s0] =	ssyncadd.remote.s32 $0x1  }
0xce: {  	_ =	sfence.sel $0xFFFF  }
0xcf: {  	[dreg:$0x0] =	wrdreg $0xFFFFFFFF;
	(pc) =	sbr.abs _section_cstart, $3  }
0xd0: {  	[dreg:$0x1] =	wrdreg $0xFFFFFFFF  }
0xd1: {  	_ =	task.clear_ibuf [dreg:s22], $0x2FFFF;
	_ =	strace $0x9FFFFFFF  }
0xd2: {  	(tm) =	ssettm $0x7FFFFFFF  }
0xd3: {  	_ =	shalt  }
tec
execute0_lowered:
.L_overlay_start_1:
0x0: {  	(tag) =	ssettag $0x1  }
0x1: {  	s8 =	rddreg [dreg:$0x0]  }
0x2: {  	s2 =	rddreg [dreg:$0x1];
	s0 =	srdreg.scid  }
0x3: {  	s3 =	rddreg [dreg:$0x2];
	s1 =	stileid.u32  }
0x4: {  	s4 =	simm.s32 $0x0;
	s16 =	simm.s32 $0x19100;
	s17 =	simm.s32 $0x2  }
0x5: {  	s18 =	simm.s32 $0x14000;
	s19 =	simm.s32 $0x50;
	s20 =	simm.s32 $0x16900  }
0x6: {  	s21 =	simm.s32 $0x14100;
	s22 =	simm.s32 $0x14080;
	s23 =	simm.s32 $0x1  }
0x7: {  	s9 =	sand.u32 $0x1, s0;
	s0 =	rddreg [dreg:$0x3];
	s7 =	smul.u32 $0x14000, s1  }
0x8: {  	[smem:$0x7FF] =	sst s4;
	s5 =	sadd.s32 $0xBC00, s8;
	s11 =	smul.u32 $0x50000, s1  }
0x9: {  	s6 =	smul.u32 $0x140000, s9;
	_ =	strace $0x80000056;
	s30 =	ssub.s32 $0x2, s9  }
0xa: {  	s9 =	sshll.u32 s9, $0x4;
	s31 =	sshrl.u32 s30, $0x1;
	s11 =	sshrl.u32 s11, $0x2  }
0xb: {  	s13 =	sor.u32 s1, s9;
	s7 =	sadd.s32 s7, s6;
	s6 =	sadd.s32 $0x1E00, s8  }
0xc: {  	s15 =	ssub.s32 s30, s31;
	s13 =	smul.u32 $0x320, s13;
	s10 =	sshrl.u32 s7, $0x3  }
0xd: {  	s7 =	sadd.s32 $0x3ADC00, s8;
	s14 =	sadd.s32 s10, s8;
	s8 =	sadd.s32 s11, s3  }
0xe: {  	s15 =	smax.u32 s15, $0x1;
	s9 =	sadd.s32 $0x4000, s8;
	s10 =	sadd.s32 $0x8000, s8  }
0xf: {  	v0 =	vimm.f32 $0.0e+00;
	s11 =	sadd.s32 $0xC000, s8;
	s12 =	sadd.s32 $0x10000, s8;
	s14 =	sadd.s32 $0x411C00, s14  }
.LBB2_1:
0x10: {  	s24 =	simm.s32 $0x0;
	s25 =	simm.s32 $0x200  }
.LBB2_2:
0x11: {  	p0 =	sne.s32 s25, $0xFE00;
	[tilespmem:s24+$0x19170] =	vst v0  }
0x12: {  	[tilespmem:s24+$0x19100] =	vst v0  }
0x13: {  	[tilespmem:s24+$0x19110] =	vst v0  }
.Ltmp0:
0x14: {  	[tilespmem:s24+$0x19120] =	vst v0;
	(pc) =	sbr.rel @p0 .LBB2_2-.Ltmp0, $4  }
0x15: {  	[tilespmem:s24+$0x19130] =	vst v0  }
0x16: {  	[tilespmem:s24+$0x19140] =	vst v0  }
0x17: {  	[tilespmem:s24+$0x19150] =	vst v0  }
0x18: {  	[tilespmem:s24+$0x19160] =	vst v0;
	s24 =	sshra.s32 s25, $0x2;
	s25 =	sadd.s32 $0x200, s25  }
0x19: {  	[tilespmem:s24+$0x19170] =	vst v0  }
0x1a: {  	[tilespmem:s24+$0x19100] =	vst v0  }
0x1b: {  	[tilespmem:s24+$0x19110] =	vst v0  }
0x1c: {  	[tilespmem:s24+$0x19120] =	vst v0  }
0x1d: {  	[tilespmem:s24+$0x19130] =	vst v0  }
0x1e: {  	[tilespmem:s24+$0x19140] =	vst v0  }
0x1f: {  	[tilespmem:s24+$0x19150] =	vst v0  }
0x20: {  	[tilespmem:s24+$0x19160] =	vst v0  }
0x21: {  	[spmem:s8] =	stream.linear.scatter [tilespmem:s16], [sflag:$0x2], $0x4000, $0x38;
	[tilespmem:$0x1D100] =	vst v63  }
0x22: {  	_ =	swait.ge [sflag:s17], $0x4000  }
0x23: {  	[sflag:s17] =	ssyncset.done $0x0  }
0x24: {  	[sflag:s17] =	ssyncadd.s32 $0xFFFFC000  }
0x25: {  	[spmem:s9] =	stream.linear.scatter [tilespmem:s16], [sflag:$0x2], $0x4000, $0x38;
	[tilespmem:$0x1D100] =	vst v63  }
0x26: {  	_ =	swait.ge [sflag:s17], $0x4000  }
0x27: {  	[sflag:s17] =	ssyncset.done $0x0  }
0x28: {  	[sflag:s17] =	ssyncadd.s32 $0xFFFFC000  }
0x29: {  	[spmem:s10] =	stream.linear.scatter [tilespmem:s16], [sflag:$0x2], $0x4000, $0x38;
	[tilespmem:$0x1D100] =	vst v63  }
0x2a: {  	_ =	swait.ge [sflag:s17], $0x4000  }
0x2b: {  	[sflag:s17] =	ssyncset.done $0x0  }
0x2c: {  	[sflag:s17] =	ssyncadd.s32 $0xFFFFC000  }
0x2d: {  	[spmem:s11] =	stream.linear.scatter [tilespmem:s16], [sflag:$0x2], $0x4000, $0x38;
	[tilespmem:$0x1D100] =	vst v63  }
0x2e: {  	_ =	swait.ge [sflag:s17], $0x4000  }
0x2f: {  	[sflag:s17] =	ssyncset.done $0x0  }
0x30: {  	[sflag:s17] =	ssyncadd.s32 $0xFFFFC000  }
0x31: {  	[spmem:s12] =	stream.linear.scatter [tilespmem:s16], [sflag:$0x2], $0x4000, $0x38;
	[tilespmem:$0x1D100] =	vst v63  }
0x32: {  	_ =	swait.ge [sflag:s17], $0x4000  }
0x33: {  	[sflag:s17] =	ssyncset.done $0x0  }
0x34: {  	[sflag:s17] =	ssyncadd.s32 $0xFFFFC000  }
0x35: {  	s24 =	simm.s32 $0x0;
	s25 =	simm.s32 $0x0;
	[bflag:$0x0] =	sbarrier.arrive $0xFFFF  }
.LBB2_4:
0x36: {  	s26 =	smul.u32 $0x50, s25;
	_ =	sdelay $0x1  }
0x37: {  	s26 =	sadd.s32 s13, s26  }
0x38: {  	s28 =	sshrl.u32 s26, $0x3  }
0x39: {  	s28 =	sadd.s32 $0x8FC0, s28  }
0x3a: {  	s29 =	sadd.s32 s6, s28  }
0x3b: {  	[tilespmem:s18], [sflag:$0x2] =	stream.linear.gather [hbm4b:s29+s24], $0x50, $0x38;
	[tilespmem:$0x1D100] =	vst v63  }
0x3c: {  	_ =	swait.ge [sflag:s17], $0x50  }
0x3d: {  	[sflag:s17] =	ssyncset.done $0x0  }
0x3e: {  	s26 =	sshll.u32 s26, $0x4;
	[sflag:s17] =	ssyncadd.s32 $0xFFFFFFB0  }
0x3f: {  	[tilespmem:s20], [sflag:$0x1] =	stream.indirect.gather [hbm4b:s5+s19], $0x80, s18, s19, $0xb8;
	[tilespmem:$0x1D100] =	vst v63  }
0x40: {  	s26 =	sadd.s32 s7, s26  }
0x41: {  	[tilespmem:s21], [sflag:$0x2] =	stream.linear.gather [hbm4b:s26+s24], $0x2800, $0x38;
	[tilespmem:$0x1D100] =	vst v63  }
0x42: {  	_ =	swait.ge [sflag:s17], $0x2800  }
0x43: {  	[sflag:s17] =	ssyncset.done $0x0  }
0x44: {  	s31 =	sadd.s32 s2, s28;
	[sflag:s17] =	ssyncadd.s32 $0xFFFFD800  }
0x45: {  	[tilespmem:s22], [sflag:$0x2] =	stream.linear.gather [hbm4b:s31+s24], $0x50, $0x38;
	[tilespmem:$0x1D100] =	vst v63  }
0x46: {  	_ =	swait.ge [sflag:s17], $0x50  }
0x47: {  	[sflag:s17] =	ssyncset.done $0x0  }
0x48: {  	[sflag:s17] =	ssyncadd.s32 $0xFFFFFFB0  }
0x49: {  	_ =	swait.ge [sflag:s23], $0x2800  }
0x4a: {  	[sflag:s23] =	ssyncset.done $0x0  }
0x4b: {  	s26 =	simm.s32 $0x0;
	[sflag:s23] =	ssyncadd.s32 $0xFFFFD800  }
0x4c: {  	v8 =	vld [tilespmem:s26+$0x14100]  }
0x4d: {  	v12 =	vld [tilespmem:s26+$0x14110]  }
0x4e: {  	v6 =	vld [tilespmem:s26+$0x14120]  }
0x4f: {  	v5 =	vld [tilespmem:s26+$0x14130]  }
0x50: {  	v4 =	vld [tilespmem:s26+$0x14140]  }
0x51: {  	v3 =	vld [tilespmem:s26+$0x14150]  }
0x52: {  	v2 =	vld [tilespmem:s26+$0x14160]  }
0x53: {  	v1 =	vld [tilespmem:s26+$0x14170]  }
0x54: {  	v13 =	vld [tilespmem:s26+$0x16900]  }
0x55: {  	v14 =	vld [tilespmem:s26+$0x16910]  }
0x56: {  	v11 =	vld [tilespmem:s26+$0x16920]  }
0x57: {  	v10 =	vld [tilespmem:s26+$0x16930]  }
0x58: {  	v9 =	vld [tilespmem:s26+$0x16940]  }
0x59: {  	v7 =	vld [tilespmem:s26+$0x16950];
	v13 =	vmul.f32 v8, v13  }
0x5a: {  	s28 =	simm.s32 $0x200;
	v12 =	vmul.f32 v12, v14;
	v8 =	vld [tilespmem:s26+$0x16960]  }
.LBB2_5:
0x5b: {  	s29 =	sshra.s32 s28, $0x2;
	p0 =	sne.s32 s28, $0x9E00;
	[tilespmem:s26+$0x16900] =	vst v13;
	v6 =	vmul.f32 v6, v11;
	v11 =	vld [tilespmem:s26+$0x16970]  }
0x5c: {  	v13 =	vld [tilespmem:s29+$0x14100];
	[tilespmem:s26+$0x16910] =	vst v12;
	v5 =	vmul.f32 v5, v10  }
0x5d: {  	v12 =	vld [tilespmem:s29+$0x14110];
	[tilespmem:s26+$0x16920] =	vst v6;
	v4 =	vmul.f32 v4, v9  }
0x5e: {  	v6 =	vld [tilespmem:s29+$0x14120];
	[tilespmem:s26+$0x16930] =	vst v5;
	v3 =	vmul.f32 v3, v7  }
0x5f: {  	v5 =	vld [tilespmem:s29+$0x14130];
	[tilespmem:s26+$0x16940] =	vst v4;
	v2 =	vmul.f32 v2, v8  }
0x60: {  	v4 =	vld [tilespmem:s29+$0x14140];
	[tilespmem:s26+$0x16950] =	vst v3;
	v1 =	vmul.f32 v1, v11  }
0x61: {  	v3 =	vld [tilespmem:s29+$0x14150];
	[tilespmem:s26+$0x16960] =	vst v2  }
0x62: {  	v2 =	vld [tilespmem:s29+$0x14160];
	[tilespmem:s26+$0x16970] =	vst v1;
	s26 =	smov.u32 s29  }
0x63: {  	v1 =	vld [tilespmem:s26+$0x14170]  }
0x64: {  	v7 =	vld [tilespmem:s26+$0x16900]  }
0x65: {  	v8 =	vld [tilespmem:s26+$0x16910]  }
.Ltmp1:
0x66: {  	v11 =	vld [tilespmem:s26+$0x16920];
	(pc) =	sbr.rel @p0 .LBB2_5-.Ltmp1, $4  }
0x67: {  	v10 =	vld [tilespmem:s26+$0x16930]  }
0x68: {  	v9 =	vld [tilespmem:s26+$0x16940]  }
0x69: {  	v13 =	vmul.f32 v13, v7;
	v7 =	vld [tilespmem:s26+$0x16950]  }
0x6a: {  	s28 =	sadd.s32 $0x200, s28;
	v12 =	vmul.f32 v12, v8;
	v8 =	vld [tilespmem:s26+$0x16960]  }
0x6b: {  	[tilespmem:s26+$0x16900] =	vst v13;
	v6 =	vmul.f32 v6, v11;
	v63 =	vld [tilespmem:s26+$0x16970]  }
0x6c: {  	[tilespmem:s26+$0x16910] =	vst v12;
	v5 =	vmul.f32 v5, v10  }
0x6d: {  	[tilespmem:s26+$0x16920] =	vst v6;
	v4 =	vmul.f32 v4, v9  }
0x6e: {  	[tilespmem:s26+$0x16930] =	vst v5;
	v3 =	vmul.f32 v3, v7  }
0x6f: {  	[tilespmem:s26+$0x16940] =	vst v4;
	v2 =	vmul.f32 v2, v8  }
0x70: {  	s25 =	sadd.s32 $0x1, s25;
	[tilespmem:s26+$0x16950] =	vst v3;
	v1 =	vmul.f32 v1, v63  }
0x71: {  	p0 =	sne.s32 s25, $0xA;
	[tilespmem:s26+$0x16960] =	vst v2  }
.Ltmp2:
0x72: {  	[tilespmem:s26+$0x16970] =	vst v1;
	(pc) =	sbr.rel @p0 .LBB2_4-.Ltmp2, $4  }
0x73: {  	[spmem:s3] =	stream.indirect.scatter.add.f32 [tilespmem:s20], [sflag:$0x2], $0x80, s22, s19, $0xb8;
	[tilespmem:$0x1D100] =	vst v63  }
0x74: {  	_ =	swait.ge [sflag:s17], $0x2800  }
0x75: {  	[sflag:s17] =	ssyncset.done $0x0  }
0x76: {  	[sflag:s17] =	ssyncadd.s32 $0xFFFFD800  }
0x77: {  	s4 =	sadd.s32 $0x1, s4  }
0x78: {  	s24 =	sshll.u32 s1, $0x6;
	[bflag:$0x0] =	sbarrier.arrive $0xFFFF;
	p0 =	sne.s32 s4, s15  }
.Ltmp3:
0x79: {  	s25 =	sshrl.u32 s8, $0x3;
	s24 =	sor.u32 $0x1C02, s24;
	(pc) =	sbr.rel @p0 .LBB2_1-.Ltmp3, $4  }
0x7a: {  	[hbm:s14], [sflag:s24] =	dma.local [spmem:s25], $0x2800  }
0x7b: {  	_ =	swait.ge [sflag:s17], $0x2800  }
0x7c: {  	[sflag:s17] =	ssyncset.done $0x0  }
0x7d: {  	[sflag:s17] =	ssyncadd.s32 $0xFFFFD800  }
0x7e: {  	_ =	sfence.sel $0x180000  }
0x7f: {  	[bflag:$0x0] =	sbarrier.arrive $0xFFFF  }
0x80: {  	p0 =	sne.s32 s1, $0x0;
	_ =	strace $0x90000056  }
0x81: {  	s0 =	sadd.s32 @!p0 $0x100000, s0;
	[bflag:$0x2] =	sbarrier.arrive $0xFFFF  }
0x82: {  	[sflag:s0] =	ssyncadd.tile.s32 @!p0 $0x1;
	_ =	shalt  }
.Lfunc_end2:
_tile_overlayer_lowered:
.L_overlay_start_2:
0x83: {  	(tag) =	ssettag $0x2  }
0x84: {  	s0 =	rddreg [dreg:$0x0];
	s2 =	stileid.u32  }
0x85: {  	s1 =	rddreg [dreg:$0x1];
	p0 =	sne.s32 s2, $0x0  }
0x86: {  	s3 =	rddreg [dreg:$0x2];
	[bflag:$0x3] =	sbarrier.arrive $0xFFFF;
	s2 =	simm.s32 @!p0 $0x1C02  }
0x87: {  	[timem:s3], [sflag:s2] =	dma.local @!p0 [hbm:s0], s1  }
0x88: {  	s0 =	simm.s32 @!p0 $0x2  }
0x89: {  	_ =	swait.ge @!p0 [sflag:s0], s1  }
0x8a: {  	s1 =	ssub.s32 @!p0 $0x0, s1;
	[sflag:s0] =	ssyncset.done @!p0 $0x0  }
0x8b: {  	[sflag:s0] =	ssyncadd.s32 @!p0 s1  }
0x8c: {  	[bflag:$0x3] =	sbarrier.arrive $0xFFFF  }
0x8d: {  	_ =	shalt  }

</sc_bundles>
